<compile_context>
chip_gen: v7x
topology: tpu7x:2x2x1
jax: 0.10.2.dev20260603
libtpu: 0.0.44.dev20260713+nightly
codegen_flags: <defaults>
</compile_context>

<pallas_src>
import functools

import jax
import jax.numpy as jnp
from jax import lax
from jax.experimental import pallas as pl
from jax.experimental.pallas import tpu as pltpu
from jax.experimental.pallas import tpu_sc as plsc

N = 10000
E = 320000
D = 128
H = 64
C = 10
G = 64

NCORES = 2
NSUB = 16
NW = NCORES * NSUB
PER_W = E // NW
CH = 125
NCH = PER_W // CH
NB = 8
NPAD = 10240
ROWS_PER_TILE = NPAD // NSUB
RB = 80
NRB = ROWS_PER_TILE // RB

_mesh = plsc.VectorSubcoreMesh(core_axis_name="core", subcore_axis_name="subcore")

_sc_params = pltpu.CompilerParams(use_tc_tiling_on_sc=False)

_f32 = jnp.float32


def _deg_body(ei3, out, idx_v, obuf, zbuf, deg_sh, ssem):
    cid = lax.axis_index("core")
    sid = lax.axis_index("subcore")
    wid = cid * NSUB + sid

    @pl.loop(0, CH // 16 + 1)
    def _(i):
        obuf[pl.ds(i * 16, 16)] = jnp.ones((16,), _f32)

    @pl.loop(0, ROWS_PER_TILE // 16)
    def _(i):
        zbuf[pl.ds(i * 16, 16)] = jnp.zeros((16,), _f32)

    row0 = sid * ROWS_PER_TILE
    tile_sl = pl.ds(row0, ROWS_PER_TILE)
    pltpu.sync_copy(zbuf, deg_sh.at[tile_sl])
    plsc.subcore_barrier()

    pltpu.sync_copy(ei3.at[1, wid], idx_v)

    @pl.loop(0, NCH)
    def _(c):
        pltpu.async_copy(obuf.at[pl.ds(0, CH)], deg_sh.at[idx_v.at[c]], ssem,
                         add=True)

    @pl.loop(0, NCH)
    def _(c):
        pltpu.make_async_copy(obuf.at[pl.ds(0, CH)], deg_sh.at[idx_v.at[c]],
                              ssem).wait()

    plsc.subcore_barrier()
    pltpu.sync_copy(deg_sh.at[tile_sl], zbuf)
    pltpu.sync_copy(zbuf, out.at[cid, tile_sl])


_deg_call = pl.kernel(
    _deg_body,
    out_type=jax.ShapeDtypeStruct((NCORES, NPAD), _f32),
    mesh=_mesh,
    scratch_types=[
        pltpu.VMEM((NCH, CH), jnp.int32),
        pltpu.VMEM((CH + 3,), _f32),
        pltpu.VMEM((ROWS_PER_TILE,), _f32),
        pltpu.VMEM_SHARED((NPAD,), _f32),
        pltpu.SemaphoreType.DMA,
    ],
)


def _agg_body(ei3, hs, out, src_v, dst_v, *bufs_and_sems):
    cid = lax.axis_index("core")
    sid = lax.axis_index("subcore")
    wid = cid * NSUB + sid
    rbufs = list(bufs_and_sems[:NB])
    acc_sh = bufs_and_sems[NB]
    gsems = list(bufs_and_sems[NB + 1:2 * NB + 1])
    ssems = list(bufs_and_sems[2 * NB + 1:])

    rb0 = rbufs[0]
    g0 = gsems[0]

    @pl.loop(0, CH)
    def _(i):
        for j in range(H // 16):
            rb0[i, pl.ds(j * 16, 16)] = jnp.zeros((16,), _f32)

    row0 = sid * ROWS_PER_TILE
    for k in range(NRB):
        pltpu.async_copy(rb0.at[pl.ds(0, RB)],
                         acc_sh.at[pl.ds(row0 + k * RB, RB)], g0)
    for k in range(NRB):
        pltpu.make_async_copy(rb0.at[pl.ds(0, RB)],
                              acc_sh.at[pl.ds(row0 + k * RB, RB)], g0).wait()
    plsc.subcore_barrier()

    pltpu.sync_copy(ei3.at[0, wid], src_v)
    pltpu.sync_copy(ei3.at[1, wid], dst_v)

    def gather(c, b):
        pltpu.async_copy(hs.at[src_v.at[c]], rbufs[b], gsems[b])

    def gather_wait(c, b):
        pltpu.make_async_copy(hs.at[src_v.at[c]], rbufs[b], gsems[b]).wait()

    def scat(c, b):
        pltpu.async_copy(rbufs[b], acc_sh.at[dst_v.at[c]], ssems[b], add=True)

    def scat_wait(c, b):
        pltpu.make_async_copy(rbufs[b], acc_sh.at[dst_v.at[c]], ssems[b]).wait()

    for b in range(NB):
        gather(b, b)

    @pl.loop(0, NCH - NB, step=NB)
    def _(g):
        for b in range(NB):
            gather_wait(g + b, b)
            scat(g + b, b)
        for b in range(NB):
            scat_wait(g + b, b)
            gather(g + NB + b, b)

    for b in range(NB):
        c = NCH - NB + b
        gather_wait(c, b)
        scat(c, b)
    for b in range(NB):
        scat_wait(NCH - NB + b, b)

    plsc.subcore_barrier()

    def rd(k, b):
        sl = pl.ds(row0 + k * RB, RB)
        return (acc_sh.at[sl], rbufs[b].at[pl.ds(0, RB)], gsems[b])

    def wr(k, b):
        sl = pl.ds(row0 + k * RB, RB)
        return (rbufs[b].at[pl.ds(0, RB)], out.at[cid, sl], ssems[b])

    for k in range(NB):
        pltpu.async_copy(*rd(k, k))
    for k in range(NRB):
        b = k % NB
        pltpu.make_async_copy(*rd(k, b)).wait()
        pltpu.async_copy(*wr(k, b))
        if k + NB < NRB:
            pltpu.make_async_copy(*wr(k, b)).wait()
            pltpu.async_copy(*rd(k + NB, b))
    for k in range(NRB - NB, NRB):
        pltpu.make_async_copy(*wr(k, k % NB)).wait()


_agg_call = pl.kernel(
    _agg_body,
    out_type=jax.ShapeDtypeStruct((NCORES, NPAD, H), _f32),
    mesh=_mesh,
    scratch_types=[
        pltpu.VMEM((NCH, CH), jnp.int32),
        pltpu.VMEM((NCH, CH), jnp.int32),
    ] + [pltpu.VMEM((CH, H), _f32)] * NB + [
        pltpu.VMEM_SHARED((NPAD, H), _f32),
    ] + [pltpu.SemaphoreType.DMA] * (2 * NB),
    compiler_params=_sc_params,
)


def _scale_body(x_ref, w1_ref, degp_ref, o_hs, o_dis):
    deg = degp_ref[0, :N, 0:1] + degp_ref[1, :N, 0:1] + 1.0
    dis = lax.rsqrt(deg)
    o_dis[...] = dis
    h = jnp.dot(x_ref[...], w1_ref[...], preferred_element_type=_f32)
    o_hs[...] = h * dis


def _mid_body(accp_ref, hs1_ref, dis_ref, b1_ref, w2_ref, o_ref):
    acc = accp_ref[0, :N, :] + accp_ref[1, :N, :] + hs1_ref[...]
    out1 = acc * dis_ref[...] + b1_ref[...]
    r = jnp.maximum(out1, 0.0)
    o_ref[...] = jnp.dot(r, w2_ref[...], preferred_element_type=_f32) * dis_ref[...]


def _final_body(accp_ref, hs2_ref, dis_ref, b2_ref, batch_ref, wl_ref, bl_ref, o_ref):
    acc = accp_ref[0, :N, :] + accp_ref[1, :N, :] + hs2_ref[...]
    out2 = acc * dis_ref[...] + b2_ref[...]
    onehot = (batch_ref[...] == lax.broadcasted_iota(jnp.int32, (1, G), 1)).astype(_f32)
    dn = (((0,), (0,)), ((), ()))
    sums = lax.dot_general(onehot, out2, dn, preferred_element_type=_f32)
    counts = lax.dot_general(onehot, jnp.ones((N, 1), _f32), dn,
                             preferred_element_type=_f32)
    g = sums / jnp.maximum(counts, 1.0)
    logits = jnp.dot(g, wl_ref[...], preferred_element_type=_f32) + bl_ref[...]
    m = jnp.max(logits, axis=1, keepdims=True)
    s = logits - m
    o_ref[...] = s - jnp.log(jnp.sum(jnp.exp(s), axis=1, keepdims=True))


def kernel(x, edge_index, batch, W1, b1, W2, b2, Wl, bl):
    ei3 = edge_index.astype(jnp.int32).reshape(2, NW, NCH, CH)
    batch2 = batch.astype(jnp.int32).reshape(N, 1)

    degp = _deg_call(ei3).reshape(NCORES, NPAD, 1)
    hs1, dis = pl.pallas_call(
        _scale_body,
        out_shape=[jax.ShapeDtypeStruct((N, H), _f32),
                   jax.ShapeDtypeStruct((N, 1), _f32)])(x, W1, degp)
    accp1 = _agg_call(ei3, hs1)
    hs2 = pl.pallas_call(
        _mid_body, out_shape=jax.ShapeDtypeStruct((N, H), _f32))(
            accp1, hs1, dis, b1.reshape(1, H), W2)
    accp2 = _agg_call(ei3, hs2)
    out = pl.pallas_call(
        _final_body, out_shape=jax.ShapeDtypeStruct((G, C), _f32))(
            accp2, hs2, dis, b2.reshape(1, H), batch2, Wl, bl.reshape(1, C))
    return (out, 1000)

# --- scband reference (transcript-rebuilt; emitter-appended) ---
"""Pipeline reference for scband-gcn-8856222564838 (READ-ONLY COPY).

The authoritative reference and input builder live on the scoring server;
editing this copy changes nothing except your own understanding.
"""

import jax, jax.numpy as jnp
import numpy as np

N = 10000   # nodes
E = 320000  # edges
D = 128     # num_features
H = 64      # hidden_channels
C = 10      # num_classes
G = 64      # graphs in batch


def setup_inputs(seed: int = 0) -> dict:
    key = jax.random.key(seed)
    ks = jax.random.split(key, 12)
    x = jax.random.normal(ks[0], (N, D), dtype=jnp.float32)
    edge_index = jax.random.randint(ks[1], (2, E), 0, N)
    batch = jnp.sort(jax.random.randint(ks[2], (N,), 0, G))
    # GCNConv1: D -> H
    W1 = jax.random.normal(ks[3], (D, H), dtype=jnp.float32) * 0.05
    b1 = jnp.zeros((H,), dtype=jnp.float32)
    # GCNConv2: H -> H
    W2 = jax.random.normal(ks[4], (H, H), dtype=jnp.float32) * 0.05
    b2 = jnp.zeros((H,), dtype=jnp.float32)
    # final linear: H -> C
    Wl = jax.random.normal(ks[5], (H, C), dtype=jnp.float32) * 0.05
    bl = jnp.zeros((C,), dtype=jnp.float32)
    return {"x": x, "edge_index": edge_index, "batch": batch,
            "W1": W1, "b1": b1, "W2": W2, "b2": b2, "Wl": Wl, "bl": bl}


def gcn_conv(x, edge_index, W, b):
    # Faithful PyG GCNConv: x' = D^{-1/2} (A + I) D^{-1/2} X W + b
    n = x.shape[0]
    h = x @ W
    loop = jnp.arange(n, dtype=edge_index.dtype)
    src = jnp.concatenate([edge_index[0], loop])
    dst = jnp.concatenate([edge_index[1], loop])
    deg = jnp.zeros((n,), dtype=h.dtype).at[dst].add(1.0)
    deg_inv_sqrt = jnp.where(deg > 0, jax.lax.rsqrt(deg), 0.0)
    norm = deg_inv_sqrt[src] * deg_inv_sqrt[dst]
    msg = h[src] * norm[:, None]
    out = jnp.zeros_like(h).at[dst].add(msg)
    return out + b


def global_mean_pool(x, batch, num_graphs):
    sums = jax.ops.segment_sum(x, batch, num_segments=num_graphs)
    counts = jax.ops.segment_sum(jnp.ones((x.shape[0],), dtype=x.dtype), batch, num_segments=num_graphs)
    return sums / jnp.maximum(counts, 1.0)[:, None]


def reference(x, edge_index, batch, W1, b1, W2, b2, Wl, bl):
    # forward(data, train=False) path, exactly as invoked in the training loop
    output_noise = 1000
    h = gcn_conv(x, edge_index, W1, b1)
    h = jax.nn.relu(h)
    h = gcn_conv(h, edge_index, W2, b2)
    g = global_mean_pool(h, batch, G)
    logits = g @ Wl + bl
    out = jax.nn.log_softmax(logits, axis=1)
    return (out, output_noise)

if __name__ == "__main__":
    import jax
    _d = setup_inputs()
    print(jax.jit(kernel)(*tuple(_d.values())))

</pallas_src>

<mosaic_0001>
#map = affine_map<(d0, d1) -> (0, 0, 0, 0)>
#map1 = affine_map<(d0, d1) -> (0, 0)>
module attributes {stable_mosaic.version = 14 : i64} {
  func.func @_deg_body(%arg0: i32, %arg1: i32, %arg2: memref<2x32x80x125xi32, #tpu.memory_space<hbm>>, %arg3: memref<2x10240xf32, #tpu.memory_space<hbm>>, %arg4: memref<80x125xi32, #tpu.memory_space<vmem>>, %arg5: memref<128xf32, #tpu.memory_space<vmem>>, %arg6: memref<640xf32, #tpu.memory_space<vmem>>, %arg7: memref<10240xf32, #tpu.memory_space<vmem_shared>>, %arg8: memref<!tpu.dma_semaphore, #tpu.memory_space<semaphore_mem>>) attributes {dimension_semantics = [#tpu.dimension_semantics<core_parallel>, #tpu.dimension_semantics<subcore_parallel>], iteration_bounds = array<i64: 2, 16>, scalar_prefetch = 0 : i64, scratch_operands = 5 : i64, tpu.core_type = #tpu.core_type<sc_vector_subcore>, window_params = [{transform_indices = #map}, {transform_indices = #map1}]} {
    %mul3A = arith.constant 16 : i32
    %mul3A_0 = arith.muli %arg0, %mul3A : i32
    %add3A = arith.addi %mul3A_0, %arg1 : i32
    %scan3A = arith.constant 0 : i32
    %scan3A_1 = arith.constant 8 : i32
    %scan3A_2 = arith.addi %scan3A, %scan3A_1 : i32
    %scan3A_3 = arith.constant 1 : i32
    scf.for %scan3A_23 = %scan3A to %scan3A_2 step %scan3A_3  : i32 {
      %mul3A_24 = arith.constant 1 : i32
      %mul3A_25 = arith.muli %scan3A_23, %mul3A_24 : i32
      %add3A_26 = arith.constant 0 : i32
      %add3A_27 = arith.addi %add3A_26, %mul3A_25 : i32
      %broadcast_in_dim3A = arith.constant 1.000000e+00 : f32
      %broadcast_in_dim3A_28 = vector.broadcast %broadcast_in_dim3A : f32 to vector<16xf32>
      %mul3A_29 = arith.constant 16 : i32
      %mul3A_30 = arith.muli %add3A_27, %mul3A_29 : i32
      %swap3A = arith.index_cast %mul3A_30 : i32 to index
      %swap3A_31 = tpu.vector_load %arg5[%swap3A] {strides = array<i32>} : memref<128xf32, #tpu.memory_space<vmem>>, vector<16xf32>,
      %swap3A_32 = vector.shape_cast %swap3A_31 : vector<16xf32> to vector<16xf32>
      %swap3A_33 = vector.shape_cast %broadcast_in_dim3A_28 : vector<16xf32> to vector<16xf32>
      tpu.vector_store %arg5[%swap3A], %swap3A_33 {strides = array<i32>} : memref<128xf32, #tpu.memory_space<vmem>>, vector<16xf32>,
    }
    %scan3A_4 = arith.constant 8 : i32
    %scan3A_5 = arith.constant 0 : i32
    %scan3A_6 = arith.constant 40 : i32
    %scan3A_7 = arith.addi %scan3A_5, %scan3A_6 : i32
    %scan3A_8 = arith.constant 1 : i32
    scf.for %scan3A_23 = %scan3A_5 to %scan3A_7 step %scan3A_8  : i32 {
      %mul3A_24 = arith.constant 1 : i32
      %mul3A_25 = arith.muli %scan3A_23, %mul3A_24 : i32
      %add3A_26 = arith.constant 0 : i32
      %add3A_27 = arith.addi %add3A_26, %mul3A_25 : i32
      %broadcast_in_dim3A = arith.constant 0.000000e+00 : f32
      %broadcast_in_dim3A_28 = vector.broadcast %broadcast_in_dim3A : f32 to vector<16xf32>
      %mul3A_29 = arith.constant 16 : i32
      %mul3A_30 = arith.muli %add3A_27, %mul3A_29 : i32
      %swap3A = arith.index_cast %mul3A_30 : i32 to index
      %swap3A_31 = tpu.vector_load %arg6[%swap3A] {strides = array<i32>} : memref<640xf32, #tpu.memory_space<vmem>>, vector<16xf32>,
      %swap3A_32 = vector.shape_cast %swap3A_31 : vector<16xf32> to vector<16xf32>
      %swap3A_33 = vector.shape_cast %broadcast_in_dim3A_28 : vector<16xf32> to vector<16xf32>
      tpu.vector_store %arg6[%swap3A], %swap3A_33 {strides = array<i32>} : memref<640xf32, #tpu.memory_space<vmem>>, vector<16xf32>,
    }
    %scan3A_9 = arith.constant 40 : i32
    %mul3A_10 = arith.constant 640 : i32
    %mul3A_11 = arith.muli %arg1, %mul3A_10 : i32
    "tpu.region"() ({
      %run_scoped3A_23 = tpu.sem_alloc : memref<!tpu.dma_semaphore, #tpu.memory_space<semaphore_mem>>
      %dma_start3A = tpu.memref_slice %arg7[%mul3A_11] : memref<10240xf32, #tpu.memory_space<vmem_shared>> -> memref<640xf32, #tpu.memory_space<vmem_shared>>
      %dma_start3A_24 = tpu.memref_slice %arg7[%mul3A_11] : memref<10240xf32, #tpu.memory_space<vmem_shared>> -> memref<640xf32, #tpu.memory_space<vmem_shared>>
      tpu.enqueue_dma source(%arg6 : memref<640xf32, #tpu.memory_space<vmem>>) target(%dma_start3A_24 : memref<640xf32, #tpu.memory_space<vmem_shared>>) target_semaphore(%run_scoped3A_23 : memref<!tpu.dma_semaphore, #tpu.memory_space<semaphore_mem>>)
      %dma_wait3A = tpu.memref_slice %arg7[%mul3A_11] : memref<10240xf32, #tpu.memory_space<vmem_shared>> -> memref<640xf32, #tpu.memory_space<vmem_shared>>
      %dma_wait3A_25 = tpu.memref_slice %arg7[%mul3A_11] : memref<10240xf32, #tpu.memory_space<vmem_shared>> -> memref<640xf32, #tpu.memory_space<vmem_shared>>
      tpu.wait_dma2 semaphore(%run_scoped3A_23 : memref<!tpu.dma_semaphore, #tpu.memory_space<semaphore_mem>>) src(%arg6 : memref<640xf32, #tpu.memory_space<vmem>>) dst(%dma_wait3A_25 : memref<640xf32, #tpu.memory_space<vmem_shared>>)
      tpu.yield
    }) : () -> ()
    %barrier3A = arith.constant 0 : index
    tpu.barrier barrier_id(%barrier3A)
    %run_scoped3A = arith.constant 1 : i32
    "tpu.region"() ({
      %run_scoped3A_23 = tpu.sem_alloc : memref<!tpu.dma_semaphore, #tpu.memory_space<semaphore_mem>>
      %dma_start3A = arith.constant 0 : i32
      %dma_start3A_24 = arith.constant 0 : i32
      %dma_start3A_25 = tpu.memref_slice %arg2[%run_scoped3A, %add3A, %dma_start3A, %dma_start3A_24] : memref<2x32x80x125xi32, #tpu.memory_space<hbm>> -> memref<1x1x80x125xi32, #tpu.memory_space<hbm>>
      %dma_start3A_26 = tpu.memref_squeeze %dma_start3A_25 : memref<1x1x80x125xi32, #tpu.memory_space<hbm>> -> memref<80x125xi32, #tpu.memory_space<hbm>>
      %dma_start3A_27 = arith.constant 0 : i32
      %dma_start3A_28 = arith.constant 0 : i32
      %dma_start3A_29 = tpu.memref_slice %arg2[%run_scoped3A, %add3A, %dma_start3A_27, %dma_start3A_28] : memref<2x32x80x125xi32, #tpu.memory_space<hbm>> -> memref<1x1x80x125xi32, #tpu.memory_space<hbm>>
      %dma_start3A_30 = tpu.memref_squeeze %dma_start3A_29 : memref<1x1x80x125xi32, #tpu.memory_space<hbm>> -> memref<80x125xi32, #tpu.memory_space<hbm>>
      tpu.enqueue_dma source(%dma_start3A_30 : memref<80x125xi32, #tpu.memory_space<hbm>>) target(%arg4 : memref<80x125xi32, #tpu.memory_space<vmem>>) target_semaphore(%run_scoped3A_23 : memref<!tpu.dma_semaphore, #tpu.memory_space<semaphore_mem>>)
      %dma_wait3A = arith.constant 0 : i32
      %dma_wait3A_31 = arith.constant 0 : i32
      %dma_wait3A_32 = tpu.memref_slice %arg2[%run_scoped3A, %add3A, %dma_wait3A, %dma_wait3A_31] : memref<2x32x80x125xi32, #tpu.memory_space<hbm>> -> memref<1x1x80x125xi32, #tpu.memory_space<hbm>>
      %dma_wait3A_33 = tpu.memref_squeeze %dma_wait3A_32 : memref<1x1x80x125xi32, #tpu.memory_space<hbm>> -> memref<80x125xi32, #tpu.memory_space<hbm>>
      %dma_wait3A_34 = arith.constant 0 : i32
      %dma_wait3A_35 = arith.constant 0 : i32
      %dma_wait3A_36 = tpu.memref_slice %arg2[%run_scoped3A, %add3A, %dma_wait3A_34, %dma_wait3A_35] : memref<2x32x80x125xi32, #tpu.memory_space<hbm>> -> memref<1x1x80x125xi32, #tpu.memory_space<hbm>>
      %dma_wait3A_37 = tpu.memref_squeeze %dma_wait3A_36 : memref<1x1x80x125xi32, #tpu.memory_space<hbm>> -> memref<80x125xi32, #tpu.memory_space<hbm>>
      tpu.wait_dma2 semaphore(%run_scoped3A_23 : memref<!tpu.dma_semaphore, #tpu.memory_space<semaphore_mem>>) src(%dma_wait3A_37 : memref<80x125xi32, #tpu.memory_space<hbm>>) dst(%arg4 : memref<80x125xi32, #tpu.memory_space<vmem>>)
      tpu.yield
    }) : () -> ()
    %scan3A_12 = arith.constant 0 : i32
    %scan3A_13 = arith.constant 80 : i32
    %scan3A_14 = arith.addi %scan3A_12, %scan3A_13 : i32
    %scan3A_15 = arith.constant 1 : i32
    scf.for %scan3A_23 = %scan3A_12 to %scan3A_14 step %scan3A_15  : i32 {
      %mul3A_24 = arith.constant 1 : i32
      %mul3A_25 = arith.muli %scan3A_23, %mul3A_24 : i32
      %add3A_26 = arith.constant 0 : i32
      %add3A_27 = arith.addi %add3A_26, %mul3A_25 : i32
      %dma_start3A = arith.constant 0 : i32
      %dma_start3A_28 = tpu.memref_slice %arg5[%dma_start3A] : memref<128xf32, #tpu.memory_space<vmem>> -> memref<125xf32, #tpu.memory_space<vmem>>
      %dma_start3A_29 = arith.constant 0 : i32
      %dma_start3A_30 = tpu.memref_slice %arg4[%add3A_27, %dma_start3A_29] : memref<80x125xi32, #tpu.memory_space<vmem>> -> memref<1x125xi32, #tpu.memory_space<vmem>>
      %dma_start3A_31 = tpu.memref_squeeze %dma_start3A_30 : memref<1x125xi32, #tpu.memory_space<vmem>> -> memref<125xi32, #tpu.memory_space<vmem>>
      %dma_start3A_32 = arith.constant 0 : i32
      %dma_start3A_33 = tpu.memref_slice %arg7[%dma_start3A_32] : memref<10240xf32, #tpu.memory_space<vmem_shared>> -> memref<10240xf32, #tpu.memory_space<vmem_shared>>
      tpu.enqueue_indirect_dma source(%dma_start3A_28 : memref<125xf32, #tpu.memory_space<vmem>>) target(%dma_start3A_33 : memref<10240xf32, #tpu.memory_space<vmem_shared>>) offsets(%dma_start3A_31 : memref<125xi32, #tpu.memory_space<vmem>>) semaphore(%arg8 : memref<!tpu.dma_semaphore, #tpu.memory_space<semaphore_mem>>) {add = true}
    }
    %scan3A_16 = arith.constant 80 : i32
    %scan3A_17 = arith.constant 0 : i32
    %scan3A_18 = arith.constant 80 : i32
    %scan3A_19 = arith.addi %scan3A_17, %scan3A_18 : i32
    %scan3A_20 = arith.constant 1 : i32
    scf.for %scan3A_23 = %scan3A_17 to %scan3A_19 step %scan3A_20  : i32 {
      %mul3A_24 = arith.constant 1 : i32
      %mul3A_25 = arith.muli %scan3A_23, %mul3A_24 : i32
      %add3A_26 = arith.constant 0 : i32
      %add3A_27 = arith.addi %add3A_26, %mul3A_25 : i32
      %dma_wait3A = arith.constant 0 : i32
      %dma_wait3A_28 = tpu.memref_slice %arg5[%dma_wait3A] : memref<128xf32, #tpu.memory_space<vmem>> -> memref<125xf32, #tpu.memory_space<vmem>>
      %dma_wait3A_29 = arith.constant 0 : i32
      %dma_wait3A_30 = tpu.memref_slice %arg4[%add3A_27, %dma_wait3A_29] : memref<80x125xi32, #tpu.memory_space<vmem>> -> memref<1x125xi32, #tpu.memory_space<vmem>>
      %dma_wait3A_31 = tpu.memref_squeeze %dma_wait3A_30 : memref<1x125xi32, #tpu.memory_space<vmem>> -> memref<125xi32, #tpu.memory_space<vmem>>
      %dma_wait3A_32 = arith.constant 0 : i32
      %dma_wait3A_33 = tpu.memref_slice %arg7[%dma_wait3A_32] : memref<10240xf32, #tpu.memory_space<vmem_shared>> -> memref<10240xf32, #tpu.memory_space<vmem_shared>>
      tpu.wait_indirect_dma semaphore(%arg8 : memref<!tpu.dma_semaphore, #tpu.memory_space<semaphore_mem>>) src(%dma_wait3A_28 : memref<125xf32, #tpu.memory_space<vmem>>) dst(%dma_wait3A_33 : memref<10240xf32, #tpu.memory_space<vmem_shared>>)
    }
    %scan3A_21 = arith.constant 80 : i32
    %barrier3A_22 = arith.constant 0 : index
    tpu.barrier barrier_id(%barrier3A_22)
    "tpu.region"() ({
      %run_scoped3A_23 = tpu.sem_alloc : memref<!tpu.dma_semaphore, #tpu.memory_space<semaphore_mem>>
      %dma_start3A = tpu.memref_slice %arg7[%mul3A_11] : memref<10240xf32, #tpu.memory_space<vmem_shared>> -> memref<640xf32, #tpu.memory_space<vmem_shared>>
      %dma_start3A_24 = tpu.memref_slice %arg7[%mul3A_11] : memref<10240xf32, #tpu.memory_space<vmem_shared>> -> memref<640xf32, #tpu.memory_space<vmem_shared>>
      tpu.enqueue_dma source(%dma_start3A_24 : memref<640xf32, #tpu.memory_space<vmem_shared>>) target(%arg6 : memref<640xf32, #tpu.memory_space<vmem>>) target_semaphore(%run_scoped3A_23 : memref<!tpu.dma_semaphore, #tpu.memory_space<semaphore_mem>>)
      %dma_wait3A = tpu.memref_slice %arg7[%mul3A_11] : memref<10240xf32, #tpu.memory_space<vmem_shared>> -> memref<640xf32, #tpu.memory_space<vmem_shared>>
      %dma_wait3A_25 = tpu.memref_slice %arg7[%mul3A_11] : memref<10240xf32, #tpu.memory_space<vmem_shared>> -> memref<640xf32, #tpu.memory_space<vmem_shared>>
      tpu.wait_dma2 semaphore(%run_scoped3A_23 : memref<!tpu.dma_semaphore, #tpu.memory_space<semaphore_mem>>) src(%dma_wait3A_25 : memref<640xf32, #tpu.memory_space<vmem_shared>>) dst(%arg6 : memref<640xf32, #tpu.memory_space<vmem>>)
      tpu.yield
    }) : () -> ()
    "tpu.region"() ({
      %run_scoped3A_23 = tpu.sem_alloc : memref<!tpu.dma_semaphore, #tpu.memory_space<semaphore_mem>>
      %dma_start3A = tpu.memref_slice %arg3[%arg0, %mul3A_11] : memref<2x10240xf32, #tpu.memory_space<hbm>> -> memref<1x640xf32, #tpu.memory_space<hbm>>
      %dma_start3A_24 = tpu.memref_squeeze %dma_start3A : memref<1x640xf32, #tpu.memory_space<hbm>> -> memref<640xf32, #tpu.memory_space<hbm>>
      %dma_start3A_25 = tpu.memref_slice %arg3[%arg0, %mul3A_11] : memref<2x10240xf32, #tpu.memory_space<hbm>> -> memref<1x640xf32, #tpu.memory_space<hbm>>
      %dma_start3A_26 = tpu.memref_squeeze %dma_start3A_25 : memref<1x640xf32, #tpu.memory_space<hbm>> -> memref<640xf32, #tpu.memory_space<hbm>>
      tpu.enqueue_dma source(%arg6 : memref<640xf32, #tpu.memory_space<vmem>>) target(%dma_start3A_26 : memref<640xf32, #tpu.memory_space<hbm>>) target_semaphore(%run_scoped3A_23 : memref<!tpu.dma_semaphore, #tpu.memory_space<semaphore_mem>>)
      %dma_wait3A = tpu.memref_slice %arg3[%arg0, %mul3A_11] : memref<2x10240xf32, #tpu.memory_space<hbm>> -> memref<1x640xf32, #tpu.memory_space<hbm>>
      %dma_wait3A_27 = tpu.memref_squeeze %dma_wait3A : memref<1x640xf32, #tpu.memory_space<hbm>> -> memref<640xf32, #tpu.memory_space<hbm>>
      %dma_wait3A_28 = tpu.memref_slice %arg3[%arg0, %mul3A_11] : memref<2x10240xf32, #tpu.memory_space<hbm>> -> memref<1x640xf32, #tpu.memory_space<hbm>>
      %dma_wait3A_29 = tpu.memref_squeeze %dma_wait3A_28 : memref<1x640xf32, #tpu.memory_space<hbm>> -> memref<640xf32, #tpu.memory_space<hbm>>
      tpu.wait_dma2 semaphore(%run_scoped3A_23 : memref<!tpu.dma_semaphore, #tpu.memory_space<semaphore_mem>>) src(%arg6 : memref<640xf32, #tpu.memory_space<vmem>>) dst(%dma_wait3A_29 : memref<640xf32, #tpu.memory_space<hbm>>)
      tpu.yield
    }) : () -> ()
    return
  }
}

#map = affine_map<(d0, d1) -> (0, 0, 0, 0)>
#map1 = affine_map<(d0, d1) -> (0, 0)>
#map2 = affine_map<(d0, d1) -> (0, 0, 0)>
module attributes {stable_mosaic.version = 14 : i64} {
  func.func @_agg_body(%arg0: i32, %arg1: i32, %arg2: memref<2x32x80x125xi32, #tpu.memory_space<hbm>>, %arg3: memref<10000x64xf32, #tpu.memory_space<hbm>>, %arg4: memref<2x10240x64xf32, #tpu.memory_space<hbm>>, %arg5: memref<80x125xi32, #tpu.memory_space<vmem>>, %arg6: memref<80x125xi32, #tpu.memory_space<vmem>>, %arg7: memref<125x64xf32, #tpu.memory_space<vmem>>, %arg8: memref<125x64xf32, #tpu.memory_space<vmem>>, %arg9: memref<125x64xf32, #tpu.memory_space<vmem>>, %arg10: memref<125x64xf32, #tpu.memory_space<vmem>>, %arg11: memref<125x64xf32, #tpu.memory_space<vmem>>, %arg12: memref<125x64xf32, #tpu.memory_space<vmem>>, %arg13: memref<125x64xf32, #tpu.memory_space<vmem>>, %arg14: memref<125x64xf32, #tpu.memory_space<vmem>>, %arg15: memref<10240x64xf32, #tpu.memory_space<vmem_shared>>, %arg16: memref<!tpu.dma_semaphore, #tpu.memory_space<semaphore_mem>>, %arg17: memref<!tpu.dma_semaphore, #tpu.memory_space<semaphore_mem>>, %arg18: memref<!tpu.dma_semaphore, #tpu.memory_space<semaphore_mem>>, %arg19: memref<!tpu.dma_semaphore, #tpu.memory_space<semaphore_mem>>, %arg20: memref<!tpu.dma_semaphore, #tpu.memory_space<semaphore_mem>>, %arg21: memref<!tpu.dma_semaphore, #tpu.memory_space<semaphore_mem>>, %arg22: memref<!tpu.dma_semaphore, #tpu.memory_space<semaphore_mem>>, %arg23: memref<!tpu.dma_semaphore, #tpu.memory_space<semaphore_mem>>, %arg24: memref<!tpu.dma_semaphore, #tpu.memory_space<semaphore_mem>>, %arg25: memref<!tpu.dma_semaphore, #tpu.memory_space<semaphore_mem>>, %arg26: memref<!tpu.dma_semaphore, #tpu.memory_space<semaphore_mem>>, %arg27: memref<!tpu.dma_semaphore, #tpu.memory_space<semaphore_mem>>, %arg28: memref<!tpu.dma_semaphore, #tpu.memory_space<semaphore_mem>>, %arg29: memref<!tpu.dma_semaphore, #tpu.memory_space<semaphore_mem>>, %arg30: memref<!tpu.dma_semaphore, #tpu.memory_space<semaphore_mem>>, %arg31: memref<!tpu.dma_semaphore, #tpu.memory_space<semaphore_mem>>) attributes {dimension_semantics = [#tpu.dimension_semantics<core_parallel>, #tpu.dimension_semantics<subcore_parallel>], iteration_bounds = array<i64: 2, 16>, scalar_prefetch = 0 : i64, scratch_operands = 27 : i64, tpu.core_type = #tpu.core_type<sc_vector_subcore>, window_params = [{transform_indices = #map}, {transform_indices = #map1}, {transform_indices = #map2}]} {
    %mul3A = arith.constant 16 : i32
    %mul3A_0 = arith.muli %arg0, %mul3A : i32
    %add3A = arith.addi %mul3A_0, %arg1 : i32
    %scan3A = arith.constant 0 : i32
    %scan3A_1 = arith.constant 125 : i32
    %scan3A_2 = arith.addi %scan3A, %scan3A_1 : i32
    %scan3A_3 = arith.constant 1 : i32
    scf.for %scan3A_844 = %scan3A to %scan3A_2 step %scan3A_3  : i32 {
      %mul3A_845 = arith.constant 1 : i32
      %mul3A_846 = arith.muli %scan3A_844, %mul3A_845 : i32
      %add3A_847 = arith.constant 0 : i32
      %add3A_848 = arith.addi %add3A_847, %mul3A_846 : i32
      %broadcast_in_dim3A = arith.constant 0.000000e+00 : f32
      %broadcast_in_dim3A_849 = vector.broadcast %broadcast_in_dim3A : f32 to vector<16xf32>
      %swap3A = arith.index_cast %add3A_848 : i32 to index
      %swap3A_850 = arith.constant 0 : index
      %swap3A_851 = tpu.vector_load %arg7[%swap3A, %swap3A_850] {strides = array<i32>} : memref<125x64xf32, #tpu.memory_space<vmem>>, vector<1x16xf32>,
      %swap3A_852 = vector.shape_cast %swap3A_851 : vector<1x16xf32> to vector<16xf32>
      %swap3A_853 = vector.shape_cast %broadcast_in_dim3A_849 : vector<16xf32> to vector<1x16xf32>
      tpu.vector_store %arg7[%swap3A, %swap3A_850], %swap3A_853 {strides = array<i32>} : memref<125x64xf32, #tpu.memory_space<vmem>>, vector<1x16xf32>,
      %broadcast_in_dim3A_854 = arith.constant 0.000000e+00 : f32
      %broadcast_in_dim3A_855 = vector.broadcast %broadcast_in_dim3A_854 : f32 to vector<16xf32>
      %swap3A_856 = arith.index_cast %add3A_848 : i32 to index
      %swap3A_857 = arith.constant 16 : index
      %swap3A_858 = tpu.vector_load %arg7[%swap3A_856, %swap3A_857] {strides = array<i32>} : memref<125x64xf32, #tpu.memory_space<vmem>>, vector<1x16xf32>,
      %swap3A_859 = vector.shape_cast %swap3A_858 : vector<1x16xf32> to vector<16xf32>
      %swap3A_860 = vector.shape_cast %broadcast_in_dim3A_855 : vector<16xf32> to vector<1x16xf32>
      tpu.vector_store %arg7[%swap3A_856, %swap3A_857], %swap3A_860 {strides = array<i32>} : memref<125x64xf32, #tpu.memory_space<vmem>>, vector<1x16xf32>,
      %broadcast_in_dim3A_861 = arith.constant 0.000000e+00 : f32
      %broadcast_in_dim3A_862 = vector.broadcast %broadcast_in_dim3A_861 : f32 to vector<16xf32>
      %swap3A_863 = arith.index_cast %add3A_848 : i32 to index
      %swap3A_864 = arith.constant 32 : index
      %swap3A_865 = tpu.vector_load %arg7[%swap3A_863, %swap3A_864] {strides = array<i32>} : memref<125x64xf32, #tpu.memory_space<vmem>>, vector<1x16xf32>,
      %swap3A_866 = vector.shape_cast %swap3A_865 : vector<1x16xf32> to vector<16xf32>
      %swap3A_867 = vector.shape_cast %broadcast_in_dim3A_862 : vector<16xf32> to vector<1x16xf32>
      tpu.vector_store %arg7[%swap3A_863, %swap3A_864], %swap3A_867 {strides = array<i32>} : memref<125x64xf32, #tpu.memory_space<vmem>>, vector<1x16xf32>,
      %broadcast_in_dim3A_868 = arith.constant 0.000000e+00 : f32
      %broadcast_in_dim3A_869 = vector.broadcast %broadcast_in_dim3A_868 : f32 to vector<16xf32>
      %swap3A_870 = arith.index_cast %add3A_848 : i32 to index
      %swap3A_871 = arith.constant 48 : index
      %swap3A_872 = tpu.vector_load %arg7[%swap3A_870, %swap3A_871] {strides = array<i32>} : memref<125x64xf32, #tpu.memory_space<vmem>>, vector<1x16xf32>,
      %swap3A_873 = vector.shape_cast %swap3A_872 : vector<1x16xf32> to vector<16xf32>
      %swap3A_874 = vector.shape_cast %broadcast_in_dim3A_869 : vector<16xf32> to vector<1x16xf32>
      tpu.vector_store %arg7[%swap3A_870, %swap3A_871], %swap3A_874 {strides = array<i32>} : memref<125x64xf32, #tpu.memory_space<vmem>>, vector<1x16xf32>,
    }
    %scan3A_4 = arith.constant 125 : i32
    %mul3A_5 = arith.constant 640 : i32
    %mul3A_6 = arith.muli %arg1, %mul3A_5 : i32
    %add3A_7 = arith.constant 0 : i32
    %add3A_8 = arith.addi %mul3A_6, %add3A_7 : i32
    %dma_start3A = arith.constant 0 : i32
    %dma_start3A_9 = arith.constant 0 : i32
    %dma_start3A_10 = tpu.memref_slice %arg7[%dma_start3A, %dma_start3A_9] : memref<125x64xf32, #tpu.memory_space<vmem>> -> memref<80x64xf32, #tpu.memory_space<vmem>>
    %dma_start3A_11 = arith.constant 0 : i32
    %dma_start3A_12 = tpu.memref_slice %arg15[%add3A_8, %dma_start3A_11] : memref<10240x64xf32, #tpu.memory_space<vmem_shared>> -> memref<80x64xf32, #tpu.memory_space<vmem_shared>>
    %dma_start3A_13 = arith.constant 0 : i32
    %dma_start3A_14 = tpu.memref_slice %arg15[%add3A_8, %dma_start3A_13] : memref<10240x64xf32, #tpu.memory_space<vmem_shared>> -> memref<80x64xf32, #tpu.memory_space<vmem_shared>>
    %dma_start3A_15 = arith.constant 0 : i32
    %dma_start3A_16 = arith.constant 0 : i32
    %dma_start3A_17 = tpu.memref_slice %arg7[%dma_start3A_15, %dma_start3A_16] : memref<125x64xf32, #tpu.memory_space<vmem>> -> memref<80x64xf32, #tpu.memory_space<vmem>>
    tpu.enqueue_dma source(%dma_start3A_17 : memref<80x64xf32, #tpu.memory_space<vmem>>) target(%dma_start3A_14 : memref<80x64xf32, #tpu.memory_space<vmem_shared>>) target_semaphore(%arg16 : memref<!tpu.dma_semaphore, #tpu.memory_space<semaphore_mem>>)
    %add3A_18 = arith.constant 80 : i32
    %add3A_19 = arith.addi %mul3A_6, %add3A_18 : i32
    %dma_start3A_20 = arith.constant 0 : i32
    %dma_start3A_21 = arith.constant 0 : i32
    %dma_start3A_22 = tpu.memref_slice %arg7[%dma_start3A_20, %dma_start3A_21] : memref<125x64xf32, #tpu.memory_space<vmem>> -> memref<80x64xf32, #tpu.memory_space<vmem>>
    %dma_start3A_23 = arith.constant 0 : i32
    %dma_start3A_24 = tpu.memref_slice %arg15[%add3A_19, %dma_start3A_23] : memref<10240x64xf32, #tpu.memory_space<vmem_shared>> -> memref<80x64xf32, #tpu.memory_space<vmem_shared>>
    %dma_start3A_25 = arith.constant 0 : i32
    %dma_start3A_26 = tpu.memref_slice %arg15[%add3A_19, %dma_start3A_25] : memref<10240x64xf32, #tpu.memory_space<vmem_shared>> -> memref<80x64xf32, #tpu.memory_space<vmem_shared>>
    %dma_start3A_27 = arith.constant 0 : i32
    %dma_start3A_28 = arith.constant 0 : i32
    %dma_start3A_29 = tpu.memref_slice %arg7[%dma_start3A_27, %dma_start3A_28] : memref<125x64xf32, #tpu.memory_space<vmem>> -> memref<80x64xf32, #tpu.memory_space<vmem>>
    tpu.enqueue_dma source(%dma_start3A_29 : memref<80x64xf32, #tpu.memory_space<vmem>>) target(%dma_start3A_26 : memref<80x64xf32, #tpu.memory_space<vmem_shared>>) target_semaphore(%arg16 : memref<!tpu.dma_semaphore, #tpu.memory_space<semaphore_mem>>)
    %add3A_30 = arith.constant 160 : i32
    %add3A_31 = arith.addi %mul3A_6, %add3A_30 : i32
    %dma_start3A_32 = arith.constant 0 : i32
    %dma_start3A_33 = arith.constant 0 : i32
    %dma_start3A_34 = tpu.memref_slice %arg7[%dma_start3A_32, %dma_start3A_33] : memref<125x64xf32, #tpu.memory_space<vmem>> -> memref<80x64xf32, #tpu.memory_space<vmem>>
    %dma_start3A_35 = arith.constant 0 : i32
    %dma_start3A_36 = tpu.memref_slice %arg15[%add3A_31, %dma_start3A_35] : memref<10240x64xf32, #tpu.memory_space<vmem_shared>> -> memref<80x64xf32, #tpu.memory_space<vmem_shared>>
    %dma_start3A_37 = arith.constant 0 : i32
    %dma_start3A_38 = tpu.memref_slice %arg15[%add3A_31, %dma_start3A_37] : memref<10240x64xf32, #tpu.memory_space<vmem_shared>> -> memref<80x64xf32, #tpu.memory_space<vmem_shared>>
    %dma_start3A_39 = arith.constant 0 : i32
    %dma_start3A_40 = arith.constant 0 : i32
    %dma_start3A_41 = tpu.memref_slice %arg7[%dma_start3A_39, %dma_start3A_40] : memref<125x64xf32, #tpu.memory_space<vmem>> -> memref<80x64xf32, #tpu.memory_space<vmem>>
    tpu.enqueue_dma source(%dma_start3A_41 : memref<80x64xf32, #tpu.memory_space<vmem>>) target(%dma_start3A_38 : memref<80x64xf32, #tpu.memory_space<vmem_shared>>) target_semaphore(%arg16 : memref<!tpu.dma_semaphore, #tpu.memory_space<semaphore_mem>>)
    %add3A_42 = arith.constant 240 : i32
    %add3A_43 = arith.addi %mul3A_6, %add3A_42 : i32
    %dma_start3A_44 = arith.constant 0 : i32
    %dma_start3A_45 = arith.constant 0 : i32
    %dma_start3A_46 = tpu.memref_slice %arg7[%dma_start3A_44, %dma_start3A_45] : memref<125x64xf32, #tpu.memory_space<vmem>> -> memref<80x64xf32, #tpu.memory_space<vmem>>
    %dma_start3A_47 = arith.constant 0 : i32
    %dma_start3A_48 = tpu.memref_slice %arg15[%add3A_43, %dma_start3A_47] : memref<10240x64xf32, #tpu.memory_space<vmem_shared>> -> memref<80x64xf32, #tpu.memory_space<vmem_shared>>
    %dma_start3A_49 = arith.constant 0 : i32
    %dma_start3A_50 = tpu.memref_slice %arg15[%add3A_43, %dma_start3A_49] : memref<10240x64xf32, #tpu.memory_space<vmem_shared>> -> memref<80x64xf32, #tpu.memory_space<vmem_shared>>
    %dma_start3A_51 = arith.constant 0 : i32
    %dma_start3A_52 = arith.constant 0 : i32
    %dma_start3A_53 = tpu.memref_slice %arg7[%dma_start3A_51, %dma_start3A_52] : memref<125x64xf32, #tpu.memory_space<vmem>> -> memref<80x64xf32, #tpu.memory_space<vmem>>
    tpu.enqueue_dma source(%dma_start3A_53 : memref<80x64xf32, #tpu.memory_space<vmem>>) target(%dma_start3A_50 : memref<80x64xf32, #tpu.memory_space<vmem_shared>>) target_semaphore(%arg16 : memref<!tpu.dma_semaphore, #tpu.memory_space<semaphore_mem>>)
    %add3A_54 = arith.constant 320 : i32
    %add3A_55 = arith.addi %mul3A_6, %add3A_54 : i32
    %dma_start3A_56 = arith.constant 0 : i32
    %dma_start3A_57 = arith.constant 0 : i32
    %dma_start3A_58 = tpu.memref_slice %arg7[%dma_start3A_56, %dma_start3A_57] : memref<125x64xf32, #tpu.memory_space<vmem>> -> memref<80x64xf32, #tpu.memory_space<vmem>>
    %dma_start3A_59 = arith.constant 0 : i32
    %dma_start3A_60 = tpu.memref_slice %arg15[%add3A_55, %dma_start3A_59] : memref<10240x64xf32, #tpu.memory_space<vmem_shared>> -> memref<80x64xf32, #tpu.memory_space<vmem_shared>>
    %dma_start3A_61 = arith.constant 0 : i32
    %dma_start3A_62 = tpu.memref_slice %arg15[%add3A_55, %dma_start3A_61] : memref<10240x64xf32, #tpu.memory_space<vmem_shared>> -> memref<80x64xf32, #tpu.memory_space<vmem_shared>>
    %dma_start3A_63 = arith.constant 0 : i32
    %dma_start3A_64 = arith.constant 0 : i32
    %dma_start3A_65 = tpu.memref_slice %arg7[%dma_start3A_63, %dma_start3A_64] : memref<125x64xf32, #tpu.memory_space<vmem>> -> memref<80x64xf32, #tpu.memory_space<vmem>>
    tpu.enqueue_dma source(%dma_start3A_65 : memref<80x64xf32, #tpu.memory_space<vmem>>) target(%dma_start3A_62 : memref<80x64xf32, #tpu.memory_space<vmem_shared>>) target_semaphore(%arg16 : memref<!tpu.dma_semaphore, #tpu.memory_space<semaphore_mem>>)
    %add3A_66 = arith.constant 400 : i32
    %add3A_67 = arith.addi %mul3A_6, %add3A_66 : i32
    %dma_start3A_68 = arith.constant 0 : i32
    %dma_start3A_69 = arith.constant 0 : i32
    %dma_start3A_70 = tpu.memref_slice %arg7[%dma_start3A_68, %dma_start3A_69] : memref<125x64xf32, #tpu.memory_space<vmem>> -> memref<80x64xf32, #tpu.memory_space<vmem>>
    %dma_start3A_71 = arith.constant 0 : i32
    %dma_start3A_72 = tpu.memref_slice %arg15[%add3A_67, %dma_start3A_71] : memref<10240x64xf32, #tpu.memory_space<vmem_shared>> -> memref<80x64xf32, #tpu.memory_space<vmem_shared>>
    %dma_start3A_73 = arith.constant 0 : i32
    %dma_start3A_74 = tpu.memref_slice %arg15[%add3A_67, %dma_start3A_73] : memref<10240x64xf32, #tpu.memory_space<vmem_shared>> -> memref<80x64xf32, #tpu.memory_space<vmem_shared>>
    %dma_start3A_75 = arith.constant 0 : i32
    %dma_start3A_76 = arith.constant 0 : i32
    %dma_start3A_77 = tpu.memref_slice %arg7[%dma_start3A_75, %dma_start3A_76] : memref<125x64xf32, #tpu.memory_space<vmem>> -> memref<80x64xf32, #tpu.memory_space<vmem>>
    tpu.enqueue_dma source(%dma_start3A_77 : memref<80x64xf32, #tpu.memory_space<vmem>>) target(%dma_start3A_74 : memref<80x64xf32, #tpu.memory_space<vmem_shared>>) target_semaphore(%arg16 : memref<!tpu.dma_semaphore, #tpu.memory_space<semaphore_mem>>)
    %add3A_78 = arith.constant 480 : i32
    %add3A_79 = arith.addi %mul3A_6, %add3A_78 : i32
    %dma_start3A_80 = arith.constant 0 : i32
    %dma_start3A_81 = arith.constant 0 : i32
    %dma_start3A_82 = tpu.memref_slice %arg7[%dma_start3A_80, %dma_start3A_81] : memref<125x64xf32, #tpu.memory_space<vmem>> -> memref<80x64xf32, #tpu.memory_space<vmem>>
    %dma_start3A_83 = arith.constant 0 : i32
    %dma_start3A_84 = tpu.memref_slice %arg15[%add3A_79, %dma_start3A_83] : memref<10240x64xf32, #tpu.memory_space<vmem_shared>> -> memref<80x64xf32, #tpu.memory_space<vmem_shared>>
    %dma_start3A_85 = arith.constant 0 : i32
    %dma_start3A_86 = tpu.memref_slice %arg15[%add3A_79, %dma_start3A_85] : memref<10240x64xf32, #tpu.memory_space<vmem_shared>> -> memref<80x64xf32, #tpu.memory_space<vmem_shared>>
    %dma_start3A_87 = arith.constant 0 : i32
    %dma_start3A_88 = arith.constant 0 : i32
    %dma_start3A_89 = tpu.memref_slice %arg7[%dma_start3A_87, %dma_start3A_88] : memref<125x64xf32, #tpu.memory_space<vmem>> -> memref<80x64xf32, #tpu.memory_space<vmem>>
    tpu.enqueue_dma source(%dma_start3A_89 : memref<80x64xf32, #tpu.memory_space<vmem>>) target(%dma_start3A_86 : memref<80x64xf32, #tpu.memory_space<vmem_shared>>) target_semaphore(%arg16 : memref<!tpu.dma_semaphore, #tpu.memory_space<semaphore_mem>>)
    %add3A_90 = arith.constant 560 : i32
    %add3A_91 = arith.addi %mul3A_6, %add3A_90 : i32
    %dma_start3A_92 = arith.constant 0 : i32
    %dma_start3A_93 = arith.constant 0 : i32
    %dma_start3A_94 = tpu.memref_slice %arg7[%dma_start3A_92, %dma_start3A_93] : memref<125x64xf32, #tpu.memory_space<vmem>> -> memref<80x64xf32, #tpu.memory_space<vmem>>
    %dma_start3A_95 = arith.constant 0 : i32
    %dma_start3A_96 = tpu.memref_slice %arg15[%add3A_91, %dma_start3A_95] : memref<10240x64xf32, #tpu.memory_space<vmem_shared>> -> memref<80x64xf32, #tpu.memory_space<vmem_shared>>
    %dma_start3A_97 = arith.constant 0 : i32
    %dma_start3A_98 = tpu.memref_slice %arg15[%add3A_91, %dma_start3A_97] : memref<10240x64xf32, #tpu.memory_space<vmem_shared>> -> memref<80x64xf32, #tpu.memory_space<vmem_shared>>
    %dma_start3A_99 = arith.constant 0 : i32
    %dma_start3A_100 = arith.constant 0 : i32
    %dma_start3A_101 = tpu.memref_slice %arg7[%dma_start3A_99, %dma_start3A_100] : memref<125x64xf32, #tpu.memory_space<vmem>> -> memref<80x64xf32, #tpu.memory_space<vmem>>
    tpu.enqueue_dma source(%dma_start3A_101 : memref<80x64xf32, #tpu.memory_space<vmem>>) target(%dma_start3A_98 : memref<80x64xf32, #tpu.memory_space<vmem_shared>>) target_semaphore(%arg16 : memref<!tpu.dma_semaphore, #tpu.memory_space<semaphore_mem>>)
    %add3A_102 = arith.constant 0 : i32
    %add3A_103 = arith.addi %mul3A_6, %add3A_102 : i32
    %dma_wait3A = arith.constant 0 : i32
    %dma_wait3A_104 = arith.constant 0 : i32
    %dma_wait3A_105 = tpu.memref_slice %arg7[%dma_wait3A, %dma_wait3A_104] : memref<125x64xf32, #tpu.memory_space<vmem>> -> memref<80x64xf32, #tpu.memory_space<vmem>>
    %dma_wait3A_106 = arith.constant 0 : i32
    %dma_wait3A_107 = tpu.memref_slice %arg15[%add3A_103, %dma_wait3A_106] : memref<10240x64xf32, #tpu.memory_space<vmem_shared>> -> memref<80x64xf32, #tpu.memory_space<vmem_shared>>
    %dma_wait3A_108 = arith.constant 0 : i32
    %dma_wait3A_109 = tpu.memref_slice %arg15[%add3A_103, %dma_wait3A_108] : memref<10240x64xf32, #tpu.memory_space<vmem_shared>> -> memref<80x64xf32, #tpu.memory_space<vmem_shared>>
    %dma_wait3A_110 = arith.constant 0 : i32
    %dma_wait3A_111 = arith.constant 0 : i32
    %dma_wait3A_112 = tpu.memref_slice %arg7[%dma_wait3A_110, %dma_wait3A_111] : memref<125x64xf32, #tpu.memory_space<vmem>> -> memref<80x64xf32, #tpu.memory_space<vmem>>
    tpu.wait_dma2 semaphore(%arg16 : memref<!tpu.dma_semaphore, #tpu.memory_space<semaphore_mem>>) src(%dma_wait3A_112 : memref<80x64xf32, #tpu.memory_space<vmem>>) dst(%dma_wait3A_109 : memref<80x64xf32, #tpu.memory_space<vmem_shared>>)
    %add3A_113 = arith.constant 80 : i32
    %add3A_114 = arith.addi %mul3A_6, %add3A_113 : i32
    %dma_wait3A_115 = arith.constant 0 : i32
    %dma_wait3A_116 = arith.constant 0 : i32
    %dma_wait3A_117 = tpu.memref_slice %arg7[%dma_wait3A_115, %dma_wait3A_116] : memref<125x64xf32, #tpu.memory_space<vmem>> -> memref<80x64xf32, #tpu.memory_space<vmem>>
    %dma_wait3A_118 = arith.constant 0 : i32
    %dma_wait3A_119 = tpu.memref_slice %arg15[%add3A_114, %dma_wait3A_118] : memref<10240x64xf32, #tpu.memory_space<vmem_shared>> -> memref<80x64xf32, #tpu.memory_space<vmem_shared>>
    %dma_wait3A_120 = arith.constant 0 : i32
    %dma_wait3A_121 = tpu.memref_slice %arg15[%add3A_114, %dma_wait3A_120] : memref<10240x64xf32, #tpu.memory_space<vmem_shared>> -> memref<80x64xf32, #tpu.memory_space<vmem_shared>>
    %dma_wait3A_122 = arith.constant 0 : i32
    %dma_wait3A_123 = arith.constant 0 : i32
    %dma_wait3A_124 = tpu.memref_slice %arg7[%dma_wait3A_122, %dma_wait3A_123] : memref<125x64xf32, #tpu.memory_space<vmem>> -> memref<80x64xf32, #tpu.memory_space<vmem>>
    tpu.wait_dma2 semaphore(%arg16 : memref<!tpu.dma_semaphore, #tpu.memory_space<semaphore_mem>>) src(%dma_wait3A_124 : memref<80x64xf32, #tpu.memory_space<vmem>>) dst(%dma_wait3A_121 : memref<80x64xf32, #tpu.memory_space<vmem_shared>>)
    %add3A_125 = arith.constant 160 : i32
    %add3A_126 = arith.addi %mul3A_6, %add3A_125 : i32
    %dma_wait3A_127 = arith.constant 0 : i32
    %dma_wait3A_128 = arith.constant 0 : i32
    %dma_wait3A_129 = tpu.memref_slice %arg7[%dma_wait3A_127, %dma_wait3A_128] : memref<125x64xf32, #tpu.memory_space<vmem>> -> memref<80x64xf32, #tpu.memory_space<vmem>>
    %dma_wait3A_130 = arith.constant 0 : i32
    %dma_wait3A_131 = tpu.memref_slice %arg15[%add3A_126, %dma_wait3A_130] : memref<10240x64xf32, #tpu.memory_space<vmem_shared>> -> memref<80x64xf32, #tpu.memory_space<vmem_shared>>
    %dma_wait3A_132 = arith.constant 0 : i32
    %dma_wait3A_133 = tpu.memref_slice %arg15[%add3A_126, %dma_wait3A_132] : memref<10240x64xf32, #tpu.memory_space<vmem_shared>> -> memref<80x64xf32, #tpu.memory_space<vmem_shared>>
    %dma_wait3A_134 = arith.constant 0 : i32
    %dma_wait3A_135 = arith.constant 0 : i32
    %dma_wait3A_136 = tpu.memref_slice %arg7[%dma_wait3A_134, %dma_wait3A_135] : memref<125x64xf32, #tpu.memory_space<vmem>> -> memref<80x64xf32, #tpu.memory_space<vmem>>
    tpu.wait_dma2 semaphore(%arg16 : memref<!tpu.dma_semaphore, #tpu.memory_space<semaphore_mem>>) src(%dma_wait3A_136 : memref<80x64xf32, #tpu.memory_space<vmem>>) dst(%dma_wait3A_133 : memref<80x64xf32, #tpu.memory_space<vmem_shared>>)
    %add3A_137 = arith.constant 240 : i32
    %add3A_138 = arith.addi %mul3A_6, %add3A_137 : i32
    %dma_wait3A_139 = arith.constant 0 : i32
    %dma_wait3A_140 = arith.constant 0 : i32
    %dma_wait3A_141 = tpu.memref_slice %arg7[%dma_wait3A_139, %dma_wait3A_140] : memref<125x64xf32, #tpu.memory_space<vmem>> -> memref<80x64xf32, #tpu.memory_space<vmem>>
    %dma_wait3A_142 = arith.constant 0 : i32
    %dma_wait3A_143 = tpu.memref_slice %arg15[%add3A_138, %dma_wait3A_142] : memref<10240x64xf32, #tpu.memory_space<vmem_shared>> -> memref<80x64xf32, #tpu.memory_space<vmem_shared>>
    %dma_wait3A_144 = arith.constant 0 : i32
    %dma_wait3A_145 = tpu.memref_slice %arg15[%add3A_138, %dma_wait3A_144] : memref<10240x64xf32, #tpu.memory_space<vmem_shared>> -> memref<80x64xf32, #tpu.memory_space<vmem_shared>>
    %dma_wait3A_146 = arith.constant 0 : i32
    %dma_wait3A_147 = arith.constant 0 : i32
    %dma_wait3A_148 = tpu.memref_slice %arg7[%dma_wait3A_146, %dma_wait3A_147] : memref<125x64xf32, #tpu.memory_space<vmem>> -> memref<80x64xf32, #tpu.memory_space<vmem>>
    tpu.wait_dma2 semaphore(%arg16 : memref<!tpu.dma_semaphore, #tpu.memory_space<semaphore_mem>>) src(%dma_wait3A_148 : memref<80x64xf32, #tpu.memory_space<vmem>>) dst(%dma_wait3A_145 : memref<80x64xf32, #tpu.memory_space<vmem_shared>>)
    %add3A_149 = arith.constant 320 : i32
    %add3A_150 = arith.addi %mul3A_6, %add3A_149 : i32
    %dma_wait3A_151 = arith.constant 0 : i32
    %dma_wait3A_152 = arith.constant 0 : i32
    %dma_wait3A_153 = tpu.memref_slice %arg7[%dma_wait3A_151, %dma_wait3A_152] : memref<125x64xf32, #tpu.memory_space<vmem>> -> memref<80x64xf32, #tpu.memory_space<vmem>>
    %dma_wait3A_154 = arith.constant 0 : i32
    %dma_wait3A_155 = tpu.memref_slice %arg15[%add3A_150, %dma_wait3A_154] : memref<10240x64xf32, #tpu.memory_space<vmem_shared>> -> memref<80x64xf32, #tpu.memory_space<vmem_shared>>
    %dma_wait3A_156 = arith.constant 0 : i32
    %dma_wait3A_157 = tpu.memref_slice %arg15[%add3A_150, %dma_wait3A_156] : memref<10240x64xf32, #tpu.memory_space<vmem_shared>> -> memref<80x64xf32, #tpu.memory_space<vmem_shared>>
    %dma_wait3A_158 = arith.constant 0 : i32
    %dma_wait3A_159 = arith.constant 0 : i32
    %dma_wait3A_160 = tpu.memref_slice %arg7[%dma_wait3A_158, %dma_wait3A_159] : memref<125x64xf32, #tpu.memory_space<vmem>> -> memref<80x64xf32, #tpu.memory_space<vmem>>
    tpu.wait_dma2 semaphore(%arg16 : memref<!tpu.dma_semaphore, #tpu.memory_space<semaphore_mem>>) src(%dma_wait3A_160 : memref<80x64xf32, #tpu.memory_space<vmem>>) dst(%dma_wait3A_157 : memref<80x64xf32, #tpu.memory_space<vmem_shared>>)
    %add3A_161 = arith.constant 400 : i32
    %add3A_162 = arith.addi %mul3A_6, %add3A_161 : i32
    %dma_wait3A_163 = arith.constant 0 : i32
    %dma_wait3A_164 = arith.constant 0 : i32
    %dma_wait3A_165 = tpu.memref_slice %arg7[%dma_wait3A_163, %dma_wait3A_164] : memref<125x64xf32, #tpu.memory_space<vmem>> -> memref<80x64xf32, #tpu.memory_space<vmem>>
    %dma_wait3A_166 = arith.constant 0 : i32
    %dma_wait3A_167 = tpu.memref_slice %arg15[%add3A_162, %dma_wait3A_166] : memref<10240x64xf32, #tpu.memory_space<vmem_shared>> -> memref<80x64xf32, #tpu.memory_space<vmem_shared>>
    %dma_wait3A_168 = arith.constant 0 : i32
    %dma_wait3A_169 = tpu.memref_slice %arg15[%add3A_162, %dma_wait3A_168] : memref<10240x64xf32, #tpu.memory_space<vmem_shared>> -> memref<80x64xf32, #tpu.memory_space<vmem_shared>>
    %dma_wait3A_170 = arith.constant 0 : i32
    %dma_wait3A_171 = arith.constant 0 : i32
    %dma_wait3A_172 = tpu.memref_slice %arg7[%dma_wait3A_170, %dma_wait3A_171] : memref<125x64xf32, #tpu.memory_space<vmem>> -> memref<80x64xf32, #tpu.memory_space<vmem>>
    tpu.wait_dma2 semaphore(%arg16 : memref<!tpu.dma_semaphore, #tpu.memory_space<semaphore_mem>>) src(%dma_wait3A_172 : memref<80x64xf32, #tpu.memory_space<vmem>>) dst(%dma_wait3A_169 : memref<80x64xf32, #tpu.memory_space<vmem_shared>>)
    %add3A_173 = arith.constant 480 : i32
    %add3A_174 = arith.addi %mul3A_6, %add3A_173 : i32
    %dma_wait3A_175 = arith.constant 0 : i32
    %dma_wait3A_176 = arith.constant 0 : i32
    %dma_wait3A_177 = tpu.memref_slice %arg7[%dma_wait3A_175, %dma_wait3A_176] : memref<125x64xf32, #tpu.memory_space<vmem>> -> memref<80x64xf32, #tpu.memory_space<vmem>>
    %dma_wait3A_178 = arith.constant 0 : i32
    %dma_wait3A_179 = tpu.memref_slice %arg15[%add3A_174, %dma_wait3A_178] : memref<10240x64xf32, #tpu.memory_space<vmem_shared>> -> memref<80x64xf32, #tpu.memory_space<vmem_shared>>
    %dma_wait3A_180 = arith.constant 0 : i32
    %dma_wait3A_181 = tpu.memref_slice %arg15[%add3A_174, %dma_wait3A_180] : memref<10240x64xf32, #tpu.memory_space<vmem_shared>> -> memref<80x64xf32, #tpu.memory_space<vmem_shared>>
    %dma_wait3A_182 = arith.constant 0 : i32
    %dma_wait3A_183 = arith.constant 0 : i32
    %dma_wait3A_184 = tpu.memref_slice %arg7[%dma_wait3A_182, %dma_wait3A_183] : memref<125x64xf32, #tpu.memory_space<vmem>> -> memref<80x64xf32, #tpu.memory_space<vmem>>
    tpu.wait_dma2 semaphore(%arg16 : memref<!tpu.dma_semaphore, #tpu.memory_space<semaphore_mem>>) src(%dma_wait3A_184 : memref<80x64xf32, #tpu.memory_space<vmem>>) dst(%dma_wait3A_181 : memref<80x64xf32, #tpu.memory_space<vmem_shared>>)
    %add3A_185 = arith.constant 560 : i32
    %add3A_186 = arith.addi %mul3A_6, %add3A_185 : i32
    %dma_wait3A_187 = arith.constant 0 : i32
    %dma_wait3A_188 = arith.constant 0 : i32
    %dma_wait3A_189 = tpu.memref_slice %arg7[%dma_wait3A_187, %dma_wait3A_188] : memref<125x64xf32, #tpu.memory_space<vmem>> -> memref<80x64xf32, #tpu.memory_space<vmem>>
    %dma_wait3A_190 = arith.constant 0 : i32
    %dma_wait3A_191 = tpu.memref_slice %arg15[%add3A_186, %dma_wait3A_190] : memref<10240x64xf32, #tpu.memory_space<vmem_shared>> -> memref<80x64xf32, #tpu.memory_space<vmem_shared>>
    %dma_wait3A_192 = arith.constant 0 : i32
    %dma_wait3A_193 = tpu.memref_slice %arg15[%add3A_186, %dma_wait3A_192] : memref<10240x64xf32, #tpu.memory_space<vmem_shared>> -> memref<80x64xf32, #tpu.memory_space<vmem_shared>>
    %dma_wait3A_194 = arith.constant 0 : i32
    %dma_wait3A_195 = arith.constant 0 : i32
    %dma_wait3A_196 = tpu.memref_slice %arg7[%dma_wait3A_194, %dma_wait3A_195] : memref<125x64xf32, #tpu.memory_space<vmem>> -> memref<80x64xf32, #tpu.memory_space<vmem>>
    tpu.wait_dma2 semaphore(%arg16 : memref<!tpu.dma_semaphore, #tpu.memory_space<semaphore_mem>>) src(%dma_wait3A_196 : memref<80x64xf32, #tpu.memory_space<vmem>>) dst(%dma_wait3A_193 : memref<80x64xf32, #tpu.memory_space<vmem_shared>>)
    %barrier3A = arith.constant 0 : index
    tpu.barrier barrier_id(%barrier3A)
    %run_scoped3A = arith.constant 0 : i32
    "tpu.region"() ({
      %run_scoped3A_844 = tpu.sem_alloc : memref<!tpu.dma_semaphore, #tpu.memory_space<semaphore_mem>>
      %dma_start3A_845 = arith.constant 0 : i32
      %dma_start3A_846 = arith.constant 0 : i32
      %dma_start3A_847 = tpu.memref_slice %arg2[%run_scoped3A, %add3A, %dma_start3A_845, %dma_start3A_846] : memref<2x32x80x125xi32, #tpu.memory_space<hbm>> -> memref<1x1x80x125xi32, #tpu.memory_space<hbm>>
      %dma_start3A_848 = tpu.memref_squeeze %dma_start3A_847 : memref<1x1x80x125xi32, #tpu.memory_space<hbm>> -> memref<80x125xi32, #tpu.memory_space<hbm>>
      %dma_start3A_849 = arith.constant 0 : i32
      %dma_start3A_850 = arith.constant 0 : i32
      %dma_start3A_851 = tpu.memref_slice %arg2[%run_scoped3A, %add3A, %dma_start3A_849, %dma_start3A_850] : memref<2x32x80x125xi32, #tpu.memory_space<hbm>> -> memref<1x1x80x125xi32, #tpu.memory_space<hbm>>
      %dma_start3A_852 = tpu.memref_squeeze %dma_start3A_851 : memref<1x1x80x125xi32, #tpu.memory_space<hbm>> -> memref<80x125xi32, #tpu.memory_space<hbm>>
      tpu.enqueue_dma source(%dma_start3A_852 : memref<80x125xi32, #tpu.memory_space<hbm>>) target(%arg5 : memref<80x125xi32, #tpu.memory_space<vmem>>) target_semaphore(%run_scoped3A_844 : memref<!tpu.dma_semaphore, #tpu.memory_space<semaphore_mem>>)
      %dma_wait3A_853 = arith.constant 0 : i32
      %dma_wait3A_854 = arith.constant 0 : i32
      %dma_wait3A_855 = tpu.memref_slice %arg2[%run_scoped3A, %add3A, %dma_wait3A_853, %dma_wait3A_854] : memref<2x32x80x125xi32, #tpu.memory_space<hbm>> -> memref<1x1x80x125xi32, #tpu.memory_space<hbm>>
      %dma_wait3A_856 = tpu.memref_squeeze %dma_wait3A_855 : memref<1x1x80x125xi32, #tpu.memory_space<hbm>> -> memref<80x125xi32, #tpu.memory_space<hbm>>
      %dma_wait3A_857 = arith.constant 0 : i32
      %dma_wait3A_858 = arith.constant 0 : i32
      %dma_wait3A_859 = tpu.memref_slice %arg2[%run_scoped3A, %add3A, %dma_wait3A_857, %dma_wait3A_858] : memref<2x32x80x125xi32, #tpu.memory_space<hbm>> -> memref<1x1x80x125xi32, #tpu.memory_space<hbm>>
      %dma_wait3A_860 = tpu.memref_squeeze %dma_wait3A_859 : memref<1x1x80x125xi32, #tpu.memory_space<hbm>> -> memref<80x125xi32, #tpu.memory_space<hbm>>
      tpu.wait_dma2 semaphore(%run_scoped3A_844 : memref<!tpu.dma_semaphore, #tpu.memory_space<semaphore_mem>>) src(%dma_wait3A_860 : memref<80x125xi32, #tpu.memory_space<hbm>>) dst(%arg5 : memref<80x125xi32, #tpu.memory_space<vmem>>)
      tpu.yield
    }) : () -> ()
    %run_scoped3A_197 = arith.constant 1 : i32
    "tpu.region"() ({
      %run_scoped3A_844 = tpu.sem_alloc : memref<!tpu.dma_semaphore, #tpu.memory_space<semaphore_mem>>
      %dma_start3A_845 = arith.constant 0 : i32
      %dma_start3A_846 = arith.constant 0 : i32
      %dma_start3A_847 = tpu.memref_slice %arg2[%run_scoped3A_197, %add3A, %dma_start3A_845, %dma_start3A_846] : memref<2x32x80x125xi32, #tpu.memory_space<hbm>> -> memref<1x1x80x125xi32, #tpu.memory_space<hbm>>
      %dma_start3A_848 = tpu.memref_squeeze %dma_start3A_847 : memref<1x1x80x125xi32, #tpu.memory_space<hbm>> -> memref<80x125xi32, #tpu.memory_space<hbm>>
      %dma_start3A_849 = arith.constant 0 : i32
      %dma_start3A_850 = arith.constant 0 : i32
      %dma_start3A_851 = tpu.memref_slice %arg2[%run_scoped3A_197, %add3A, %dma_start3A_849, %dma_start3A_850] : memref<2x32x80x125xi32, #tpu.memory_space<hbm>> -> memref<1x1x80x125xi32, #tpu.memory_space<hbm>>
      %dma_start3A_852 = tpu.memref_squeeze %dma_start3A_851 : memref<1x1x80x125xi32, #tpu.memory_space<hbm>> -> memref<80x125xi32, #tpu.memory_space<hbm>>
      tpu.enqueue_dma source(%dma_start3A_852 : memref<80x125xi32, #tpu.memory_space<hbm>>) target(%arg6 : memref<80x125xi32, #tpu.memory_space<vmem>>) target_semaphore(%run_scoped3A_844 : memref<!tpu.dma_semaphore, #tpu.memory_space<semaphore_mem>>)
      %dma_wait3A_853 = arith.constant 0 : i32
      %dma_wait3A_854 = arith.constant 0 : i32
      %dma_wait3A_855 = tpu.memref_slice %arg2[%run_scoped3A_197, %add3A, %dma_wait3A_853, %dma_wait3A_854] : memref<2x32x80x125xi32, #tpu.memory_space<hbm>> -> memref<1x1x80x125xi32, #tpu.memory_space<hbm>>
      %dma_wait3A_856 = tpu.memref_squeeze %dma_wait3A_855 : memref<1x1x80x125xi32, #tpu.memory_space<hbm>> -> memref<80x125xi32, #tpu.memory_space<hbm>>
      %dma_wait3A_857 = arith.constant 0 : i32
      %dma_wait3A_858 = arith.constant 0 : i32
      %dma_wait3A_859 = tpu.memref_slice %arg2[%run_scoped3A_197, %add3A, %dma_wait3A_857, %dma_wait3A_858] : memref<2x32x80x125xi32, #tpu.memory_space<hbm>> -> memref<1x1x80x125xi32, #tpu.memory_space<hbm>>
      %dma_wait3A_860 = tpu.memref_squeeze %dma_wait3A_859 : memref<1x1x80x125xi32, #tpu.memory_space<hbm>> -> memref<80x125xi32, #tpu.memory_space<hbm>>
      tpu.wait_dma2 semaphore(%run_scoped3A_844 : memref<!tpu.dma_semaphore, #tpu.memory_space<semaphore_mem>>) src(%dma_wait3A_860 : memref<80x125xi32, #tpu.memory_space<hbm>>) dst(%arg6 : memref<80x125xi32, #tpu.memory_space<vmem>>)
      tpu.yield
    }) : () -> ()
    %dma_start3A_198 = arith.constant 0 : i32
    %dma_start3A_199 = arith.constant 0 : i32
    %dma_start3A_200 = tpu.memref_slice %arg5[%dma_start3A_198, %dma_start3A_199] : memref<80x125xi32, #tpu.memory_space<vmem>> -> memref<1x125xi32, #tpu.memory_space<vmem>>
    %dma_start3A_201 = tpu.memref_squeeze %dma_start3A_200 : memref<1x125xi32, #tpu.memory_space<vmem>> -> memref<125xi32, #tpu.memory_space<vmem>>
    %dma_start3A_202 = arith.constant 0 : i32
    %dma_start3A_203 = arith.constant 0 : i32
    %dma_start3A_204 = tpu.memref_slice %arg3[%dma_start3A_202, %dma_start3A_203] : memref<10000x64xf32, #tpu.memory_space<hbm>> -> memref<10000x64xf32, #tpu.memory_space<hbm>>
    tpu.enqueue_indirect_dma source(%dma_start3A_204 : memref<10000x64xf32, #tpu.memory_space<hbm>>) target(%arg7 : memref<125x64xf32, #tpu.memory_space<vmem>>) offsets(%dma_start3A_201 : memref<125xi32, #tpu.memory_space<vmem>>) semaphore(%arg16 : memref<!tpu.dma_semaphore, #tpu.memory_space<semaphore_mem>>)
    %dma_start3A_205 = arith.constant 1 : i32
    %dma_start3A_206 = arith.constant 0 : i32
    %dma_start3A_207 = tpu.memref_slice %arg5[%dma_start3A_205, %dma_start3A_206] : memref<80x125xi32, #tpu.memory_space<vmem>> -> memref<1x125xi32, #tpu.memory_space<vmem>>
    %dma_start3A_208 = tpu.memref_squeeze %dma_start3A_207 : memref<1x125xi32, #tpu.memory_space<vmem>> -> memref<125xi32, #tpu.memory_space<vmem>>
    %dma_start3A_209 = arith.constant 0 : i32
    %dma_start3A_210 = arith.constant 0 : i32
    %dma_start3A_211 = tpu.memref_slice %arg3[%dma_start3A_209, %dma_start3A_210] : memref<10000x64xf32, #tpu.memory_space<hbm>> -> memref<10000x64xf32, #tpu.memory_space<hbm>>
    tpu.enqueue_indirect_dma source(%dma_start3A_211 : memref<10000x64xf32, #tpu.memory_space<hbm>>) target(%arg8 : memref<125x64xf32, #tpu.memory_space<vmem>>) offsets(%dma_start3A_208 : memref<125xi32, #tpu.memory_space<vmem>>) semaphore(%arg17 : memref<!tpu.dma_semaphore, #tpu.memory_space<semaphore_mem>>)
    %dma_start3A_212 = arith.constant 2 : i32
    %dma_start3A_213 = arith.constant 0 : i32
    %dma_start3A_214 = tpu.memref_slice %arg5[%dma_start3A_212, %dma_start3A_213] : memref<80x125xi32, #tpu.memory_space<vmem>> -> memref<1x125xi32, #tpu.memory_space<vmem>>
    %dma_start3A_215 = tpu.memref_squeeze %dma_start3A_214 : memref<1x125xi32, #tpu.memory_space<vmem>> -> memref<125xi32, #tpu.memory_space<vmem>>
    %dma_start3A_216 = arith.constant 0 : i32
    %dma_start3A_217 = arith.constant 0 : i32
    %dma_start3A_218 = tpu.memref_slice %arg3[%dma_start3A_216, %dma_start3A_217] : memref<10000x64xf32, #tpu.memory_space<hbm>> -> memref<10000x64xf32, #tpu.memory_space<hbm>>
    tpu.enqueue_indirect_dma source(%dma_start3A_218 : memref<10000x64xf32, #tpu.memory_space<hbm>>) target(%arg9 : memref<125x64xf32, #tpu.memory_space<vmem>>) offsets(%dma_start3A_215 : memref<125xi32, #tpu.memory_space<vmem>>) semaphore(%arg18 : memref<!tpu.dma_semaphore, #tpu.memory_space<semaphore_mem>>)
    %dma_start3A_219 = arith.constant 3 : i32
    %dma_start3A_220 = arith.constant 0 : i32
    %dma_start3A_221 = tpu.memref_slice %arg5[%dma_start3A_219, %dma_start3A_220] : memref<80x125xi32, #tpu.memory_space<vmem>> -> memref<1x125xi32, #tpu.memory_space<vmem>>
    %dma_start3A_222 = tpu.memref_squeeze %dma_start3A_221 : memref<1x125xi32, #tpu.memory_space<vmem>> -> memref<125xi32, #tpu.memory_space<vmem>>
    %dma_start3A_223 = arith.constant 0 : i32
    %dma_start3A_224 = arith.constant 0 : i32
    %dma_start3A_225 = tpu.memref_slice %arg3[%dma_start3A_223, %dma_start3A_224] : memref<10000x64xf32, #tpu.memory_space<hbm>> -> memref<10000x64xf32, #tpu.memory_space<hbm>>
    tpu.enqueue_indirect_dma source(%dma_start3A_225 : memref<10000x64xf32, #tpu.memory_space<hbm>>) target(%arg10 : memref<125x64xf32, #tpu.memory_space<vmem>>) offsets(%dma_start3A_222 : memref<125xi32, #tpu.memory_space<vmem>>) semaphore(%arg19 : memref<!tpu.dma_semaphore, #tpu.memory_space<semaphore_mem>>)
    %dma_start3A_226 = arith.constant 4 : i32
    %dma_start3A_227 = arith.constant 0 : i32
    %dma_start3A_228 = tpu.memref_slice %arg5[%dma_start3A_226, %dma_start3A_227] : memref<80x125xi32, #tpu.memory_space<vmem>> -> memref<1x125xi32, #tpu.memory_space<vmem>>
    %dma_start3A_229 = tpu.memref_squeeze %dma_start3A_228 : memref<1x125xi32, #tpu.memory_space<vmem>> -> memref<125xi32, #tpu.memory_space<vmem>>
    %dma_start3A_230 = arith.constant 0 : i32
    %dma_start3A_231 = arith.constant 0 : i32
    %dma_start3A_232 = tpu.memref_slice %arg3[%dma_start3A_230, %dma_start3A_231] : memref<10000x64xf32, #tpu.memory_space<hbm>> -> memref<10000x64xf32, #tpu.memory_space<hbm>>
    tpu.enqueue_indirect_dma source(%dma_start3A_232 : memref<10000x64xf32, #tpu.memory_space<hbm>>) target(%arg11 : memref<125x64xf32, #tpu.memory_space<vmem>>) offsets(%dma_start3A_229 : memref<125xi32, #tpu.memory_space<vmem>>) semaphore(%arg20 : memref<!tpu.dma_semaphore, #tpu.memory_space<semaphore_mem>>)
    %dma_start3A_233 = arith.constant 5 : i32
    %dma_start3A_234 = arith.constant 0 : i32
    %dma_start3A_235 = tpu.memref_slice %arg5[%dma_start3A_233, %dma_start3A_234] : memref<80x125xi32, #tpu.memory_space<vmem>> -> memref<1x125xi32, #tpu.memory_space<vmem>>
    %dma_start3A_236 = tpu.memref_squeeze %dma_start3A_235 : memref<1x125xi32, #tpu.memory_space<vmem>> -> memref<125xi32, #tpu.memory_space<vmem>>
    %dma_start3A_237 = arith.constant 0 : i32
    %dma_start3A_238 = arith.constant 0 : i32
    %dma_start3A_239 = tpu.memref_slice %arg3[%dma_start3A_237, %dma_start3A_238] : memref<10000x64xf32, #tpu.memory_space<hbm>> -> memref<10000x64xf32, #tpu.memory_space<hbm>>
    tpu.enqueue_indirect_dma source(%dma_start3A_239 : memref<10000x64xf32, #tpu.memory_space<hbm>>) target(%arg12 : memref<125x64xf32, #tpu.memory_space<vmem>>) offsets(%dma_start3A_236 : memref<125xi32, #tpu.memory_space<vmem>>) semaphore(%arg21 : memref<!tpu.dma_semaphore, #tpu.memory_space<semaphore_mem>>)
    %dma_start3A_240 = arith.constant 6 : i32
    %dma_start3A_241 = arith.constant 0 : i32
    %dma_start3A_242 = tpu.memref_slice %arg5[%dma_start3A_240, %dma_start3A_241] : memref<80x125xi32, #tpu.memory_space<vmem>> -> memref<1x125xi32, #tpu.memory_space<vmem>>
    %dma_start3A_243 = tpu.memref_squeeze %dma_start3A_242 : memref<1x125xi32, #tpu.memory_space<vmem>> -> memref<125xi32, #tpu.memory_space<vmem>>
    %dma_start3A_244 = arith.constant 0 : i32
    %dma_start3A_245 = arith.constant 0 : i32
    %dma_start3A_246 = tpu.memref_slice %arg3[%dma_start3A_244, %dma_start3A_245] : memref<10000x64xf32, #tpu.memory_space<hbm>> -> memref<10000x64xf32, #tpu.memory_space<hbm>>
    tpu.enqueue_indirect_dma source(%dma_start3A_246 : memref<10000x64xf32, #tpu.memory_space<hbm>>) target(%arg13 : memref<125x64xf32, #tpu.memory_space<vmem>>) offsets(%dma_start3A_243 : memref<125xi32, #tpu.memory_space<vmem>>) semaphore(%arg22 : memref<!tpu.dma_semaphore, #tpu.memory_space<semaphore_mem>>)
    %dma_start3A_247 = arith.constant 7 : i32
    %dma_start3A_248 = arith.constant 0 : i32
    %dma_start3A_249 = tpu.memref_slice %arg5[%dma_start3A_247, %dma_start3A_248] : memref<80x125xi32, #tpu.memory_space<vmem>> -> memref<1x125xi32, #tpu.memory_space<vmem>>
    %dma_start3A_250 = tpu.memref_squeeze %dma_start3A_249 : memref<1x125xi32, #tpu.memory_space<vmem>> -> memref<125xi32, #tpu.memory_space<vmem>>
    %dma_start3A_251 = arith.constant 0 : i32
    %dma_start3A_252 = arith.constant 0 : i32
    %dma_start3A_253 = tpu.memref_slice %arg3[%dma_start3A_251, %dma_start3A_252] : memref<10000x64xf32, #tpu.memory_space<hbm>> -> memref<10000x64xf32, #tpu.memory_space<hbm>>
    tpu.enqueue_indirect_dma source(%dma_start3A_253 : memref<10000x64xf32, #tpu.memory_space<hbm>>) target(%arg14 : memref<125x64xf32, #tpu.memory_space<vmem>>) offsets(%dma_start3A_250 : memref<125xi32, #tpu.memory_space<vmem>>) semaphore(%arg23 : memref<!tpu.dma_semaphore, #tpu.memory_space<semaphore_mem>>)
    %scan3A_254 = arith.constant 0 : i32
    %scan3A_255 = arith.constant 9 : i32
    %scan3A_256 = arith.addi %scan3A_254, %scan3A_255 : i32
    %scan3A_257 = arith.constant 1 : i32
    scf.for %scan3A_844 = %scan3A_254 to %scan3A_256 step %scan3A_257  : i32 {
      %mul3A_845 = arith.constant 8 : i32
      %mul3A_846 = arith.muli %scan3A_844, %mul3A_845 : i32
      %add3A_847 = arith.constant 0 : i32
      %add3A_848 = arith.addi %add3A_847, %mul3A_846 : i32
      %add3A_849 = arith.constant 0 : i32
      %add3A_850 = arith.addi %add3A_848, %add3A_849 : i32
      %dma_wait3A_851 = arith.constant 0 : i32
      %dma_wait3A_852 = tpu.memref_slice %arg5[%add3A_850, %dma_wait3A_851] : memref<80x125xi32, #tpu.memory_space<vmem>> -> memref<1x125xi32, #tpu.memory_space<vmem>>
      %dma_wait3A_853 = tpu.memref_squeeze %dma_wait3A_852 : memref<1x125xi32, #tpu.memory_space<vmem>> -> memref<125xi32, #tpu.memory_space<vmem>>
      %dma_wait3A_854 = arith.constant 0 : i32
      %dma_wait3A_855 = arith.constant 0 : i32
      %dma_wait3A_856 = tpu.memref_slice %arg3[%dma_wait3A_854, %dma_wait3A_855] : memref<10000x64xf32, #tpu.memory_space<hbm>> -> memref<10000x64xf32, #tpu.memory_space<hbm>>
      tpu.wait_indirect_dma semaphore(%arg16 : memref<!tpu.dma_semaphore, #tpu.memory_space<semaphore_mem>>) src(%dma_wait3A_856 : memref<10000x64xf32, #tpu.memory_space<hbm>>) dst(%arg7 : memref<125x64xf32, #tpu.memory_space<vmem>>)
      %add3A_857 = arith.constant 0 : i32
      %add3A_858 = arith.addi %add3A_848, %add3A_857 : i32
      %dma_start3A_859 = arith.constant 0 : i32
      %dma_start3A_860 = tpu.memref_slice %arg6[%add3A_858, %dma_start3A_859] : memref<80x125xi32, #tpu.memory_space<vmem>> -> memref<1x125xi32, #tpu.memory_space<vmem>>
      %dma_start3A_861 = tpu.memref_squeeze %dma_start3A_860 : memref<1x125xi32, #tpu.memory_space<vmem>> -> memref<125xi32, #tpu.memory_space<vmem>>
      %dma_start3A_862 = arith.constant 0 : i32
      %dma_start3A_863 = arith.constant 0 : i32
      %dma_start3A_864 = tpu.memref_slice %arg15[%dma_start3A_862, %dma_start3A_863] : memref<10240x64xf32, #tpu.memory_space<vmem_shared>> -> memref<10240x64xf32, #tpu.memory_space<vmem_shared>>
      tpu.enqueue_indirect_dma source(%arg7 : memref<125x64xf32, #tpu.memory_space<vmem>>) target(%dma_start3A_864 : memref<10240x64xf32, #tpu.memory_space<vmem_shared>>) offsets(%dma_start3A_861 : memref<125xi32, #tpu.memory_space<vmem>>) semaphore(%arg24 : memref<!tpu.dma_semaphore, #tpu.memory_space<semaphore_mem>>) {add = true}
      %add3A_865 = arith.constant 1 : i32
      %add3A_866 = arith.addi %add3A_848, %add3A_865 : i32
      %dma_wait3A_867 = arith.constant 0 : i32
      %dma_wait3A_868 = tpu.memref_slice %arg5[%add3A_866, %dma_wait3A_867] : memref<80x125xi32, #tpu.memory_space<vmem>> -> memref<1x125xi32, #tpu.memory_space<vmem>>
      %dma_wait3A_869 = tpu.memref_squeeze %dma_wait3A_868 : memref<1x125xi32, #tpu.memory_space<vmem>> -> memref<125xi32, #tpu.memory_space<vmem>>
      %dma_wait3A_870 = arith.constant 0 : i32
      %dma_wait3A_871 = arith.constant 0 : i32
      %dma_wait3A_872 = tpu.memref_slice %arg3[%dma_wait3A_870, %dma_wait3A_871] : memref<10000x64xf32, #tpu.memory_space<hbm>> -> memref<10000x64xf32, #tpu.memory_space<hbm>>
      tpu.wait_indirect_dma semaphore(%arg17 : memref<!tpu.dma_semaphore, #tpu.memory_space<semaphore_mem>>) src(%dma_wait3A_872 : memref<10000x64xf32, #tpu.memory_space<hbm>>) dst(%arg8 : memref<125x64xf32, #tpu.memory_space<vmem>>)
      %add3A_873 = arith.constant 1 : i32
      %add3A_874 = arith.addi %add3A_848, %add3A_873 : i32
      %dma_start3A_875 = arith.constant 0 : i32
      %dma_start3A_876 = tpu.memref_slice %arg6[%add3A_874, %dma_start3A_875] : memref<80x125xi32, #tpu.memory_space<vmem>> -> memref<1x125xi32, #tpu.memory_space<vmem>>
      %dma_start3A_877 = tpu.memref_squeeze %dma_start3A_876 : memref<1x125xi32, #tpu.memory_space<vmem>> -> memref<125xi32, #tpu.memory_space<vmem>>
      %dma_start3A_878 = arith.constant 0 : i32
      %dma_start3A_879 = arith.constant 0 : i32
      %dma_start3A_880 = tpu.memref_slice %arg15[%dma_start3A_878, %dma_start3A_879] : memref<10240x64xf32, #tpu.memory_space<vmem_shared>> -> memref<10240x64xf32, #tpu.memory_space<vmem_shared>>
      tpu.enqueue_indirect_dma source(%arg8 : memref<125x64xf32, #tpu.memory_space<vmem>>) target(%dma_start3A_880 : memref<10240x64xf32, #tpu.memory_space<vmem_shared>>) offsets(%dma_start3A_877 : memref<125xi32, #tpu.memory_space<vmem>>) semaphore(%arg25 : memref<!tpu.dma_semaphore, #tpu.memory_space<semaphore_mem>>) {add = true}
      %add3A_881 = arith.constant 2 : i32
      %add3A_882 = arith.addi %add3A_848, %add3A_881 : i32
      %dma_wait3A_883 = arith.constant 0 : i32
      %dma_wait3A_884 = tpu.memref_slice %arg5[%add3A_882, %dma_wait3A_883] : memref<80x125xi32, #tpu.memory_space<vmem>> -> memref<1x125xi32, #tpu.memory_space<vmem>>
      %dma_wait3A_885 = tpu.memref_squeeze %dma_wait3A_884 : memref<1x125xi32, #tpu.memory_space<vmem>> -> memref<125xi32, #tpu.memory_space<vmem>>
      %dma_wait3A_886 = arith.constant 0 : i32
      %dma_wait3A_887 = arith.constant 0 : i32
      %dma_wait3A_888 = tpu.memref_slice %arg3[%dma_wait3A_886, %dma_wait3A_887] : memref<10000x64xf32, #tpu.memory_space<hbm>> -> memref<10000x64xf32, #tpu.memory_space<hbm>>
      tpu.wait_indirect_dma semaphore(%arg18 : memref<!tpu.dma_semaphore, #tpu.memory_space<semaphore_mem>>) src(%dma_wait3A_888 : memref<10000x64xf32, #tpu.memory_space<hbm>>) dst(%arg9 : memref<125x64xf32, #tpu.memory_space<vmem>>)
      %add3A_889 = arith.constant 2 : i32
      %add3A_890 = arith.addi %add3A_848, %add3A_889 : i32
      %dma_start3A_891 = arith.constant 0 : i32
      %dma_start3A_892 = tpu.memref_slice %arg6[%add3A_890, %dma_start3A_891] : memref<80x125xi32, #tpu.memory_space<vmem>> -> memref<1x125xi32, #tpu.memory_space<vmem>>
      %dma_start3A_893 = tpu.memref_squeeze %dma_start3A_892 : memref<1x125xi32, #tpu.memory_space<vmem>> -> memref<125xi32, #tpu.memory_space<vmem>>
      %dma_start3A_894 = arith.constant 0 : i32
      %dma_start3A_895 = arith.constant 0 : i32
      %dma_start3A_896 = tpu.memref_slice %arg15[%dma_start3A_894, %dma_start3A_895] : memref<10240x64xf32, #tpu.memory_space<vmem_shared>> -> memref<10240x64xf32, #tpu.memory_space<vmem_shared>>
      tpu.enqueue_indirect_dma source(%arg9 : memref<125x64xf32, #tpu.memory_space<vmem>>) target(%dma_start3A_896 : memref<10240x64xf32, #tpu.memory_space<vmem_shared>>) offsets(%dma_start3A_893 : memref<125xi32, #tpu.memory_space<vmem>>) semaphore(%arg26 : memref<!tpu.dma_semaphore, #tpu.memory_space<semaphore_mem>>) {add = true}
      %add3A_897 = arith.constant 3 : i32
      %add3A_898 = arith.addi %add3A_848, %add3A_897 : i32
      %dma_wait3A_899 = arith.constant 0 : i32
      %dma_wait3A_900 = tpu.memref_slice %arg5[%add3A_898, %dma_wait3A_899] : memref<80x125xi32, #tpu.memory_space<vmem>> -> memref<1x125xi32, #tpu.memory_space<vmem>>
      %dma_wait3A_901 = tpu.memref_squeeze %dma_wait3A_900 : memref<1x125xi32, #tpu.memory_space<vmem>> -> memref<125xi32, #tpu.memory_space<vmem>>
      %dma_wait3A_902 = arith.constant 0 : i32
      %dma_wait3A_903 = arith.constant 0 : i32
      %dma_wait3A_904 = tpu.memref_slice %arg3[%dma_wait3A_902, %dma_wait3A_903] : memref<10000x64xf32, #tpu.memory_space<hbm>> -> memref<10000x64xf32, #tpu.memory_space<hbm>>
      tpu.wait_indirect_dma semaphore(%arg19 : memref<!tpu.dma_semaphore, #tpu.memory_space<semaphore_mem>>) src(%dma_wait3A_904 : memref<10000x64xf32, #tpu.memory_space<hbm>>) dst(%arg10 : memref<125x64xf32, #tpu.memory_space<vmem>>)
      %add3A_905 = arith.constant 3 : i32
      %add3A_906 = arith.addi %add3A_848, %add3A_905 : i32
      %dma_start3A_907 = arith.constant 0 : i32
      %dma_start3A_908 = tpu.memref_slice %arg6[%add3A_906, %dma_start3A_907] : memref<80x125xi32, #tpu.memory_space<vmem>> -> memref<1x125xi32, #tpu.memory_space<vmem>>
      %dma_start3A_909 = tpu.memref_squeeze %dma_start3A_908 : memref<1x125xi32, #tpu.memory_space<vmem>> -> memref<125xi32, #tpu.memory_space<vmem>>
      %dma_start3A_910 = arith.constant 0 : i32
      %dma_start3A_911 = arith.constant 0 : i32
      %dma_start3A_912 = tpu.memref_slice %arg15[%dma_start3A_910, %dma_start3A_911] : memref<10240x64xf32, #tpu.memory_space<vmem_shared>> -> memref<10240x64xf32, #tpu.memory_space<vmem_shared>>
      tpu.enqueue_indirect_dma source(%arg10 : memref<125x64xf32, #tpu.memory_space<vmem>>) target(%dma_start3A_912 : memref<10240x64xf32, #tpu.memory_space<vmem_shared>>) offsets(%dma_start3A_909 : memref<125xi32, #tpu.memory_space<vmem>>) semaphore(%arg27 : memref<!tpu.dma_semaphore, #tpu.memory_space<semaphore_mem>>) {add = true}
      %add3A_913 = arith.constant 4 : i32
      %add3A_914 = arith.addi %add3A_848, %add3A_913 : i32
      %dma_wait3A_915 = arith.constant 0 : i32
      %dma_wait3A_916 = tpu.memref_slice %arg5[%add3A_914, %dma_wait3A_915] : memref<80x125xi32, #tpu.memory_space<vmem>> -> memref<1x125xi32, #tpu.memory_space<vmem>>
      %dma_wait3A_917 = tpu.memref_squeeze %dma_wait3A_916 : memref<1x125xi32, #tpu.memory_space<vmem>> -> memref<125xi32, #tpu.memory_space<vmem>>
      %dma_wait3A_918 = arith.constant 0 : i32
      %dma_wait3A_919 = arith.constant 0 : i32
      %dma_wait3A_920 = tpu.memref_slice %arg3[%dma_wait3A_918, %dma_wait3A_919] : memref<10000x64xf32, #tpu.memory_space<hbm>> -> memref<10000x64xf32, #tpu.memory_space<hbm>>
      tpu.wait_indirect_dma semaphore(%arg20 : memref<!tpu.dma_semaphore, #tpu.memory_space<semaphore_mem>>) src(%dma_wait3A_920 : memref<10000x64xf32, #tpu.memory_space<hbm>>) dst(%arg11 : memref<125x64xf32, #tpu.memory_space<vmem>>)
      %add3A_921 = arith.constant 4 : i32
      %add3A_922 = arith.addi %add3A_848, %add3A_921 : i32
      %dma_start3A_923 = arith.constant 0 : i32
      %dma_start3A_924 = tpu.memref_slice %arg6[%add3A_922, %dma_start3A_923] : memref<80x125xi32, #tpu.memory_space<vmem>> -> memref<1x125xi32, #tpu.memory_space<vmem>>
      %dma_start3A_925 = tpu.memref_squeeze %dma_start3A_924 : memref<1x125xi32, #tpu.memory_space<vmem>> -> memref<125xi32, #tpu.memory_space<vmem>>
      %dma_start3A_926 = arith.constant 0 : i32
      %dma_start3A_927 = arith.constant 0 : i32
      %dma_start3A_928 = tpu.memref_slice %arg15[%dma_start3A_926, %dma_start3A_927] : memref<10240x64xf32, #tpu.memory_space<vmem_shared>> -> memref<10240x64xf32, #tpu.memory_space<vmem_shared>>
      tpu.enqueue_indirect_dma source(%arg11 : memref<125x64xf32, #tpu.memory_space<vmem>>) target(%dma_start3A_928 : memref<10240x64xf32, #tpu.memory_space<vmem_shared>>) offsets(%dma_start3A_925 : memref<125xi32, #tpu.memory_space<vmem>>) semaphore(%arg28 : memref<!tpu.dma_semaphore, #tpu.memory_space<semaphore_mem>>) {add = true}
      %add3A_929 = arith.constant 5 : i32
      %add3A_930 = arith.addi %add3A_848, %add3A_929 : i32
      %dma_wait3A_931 = arith.constant 0 : i32
      %dma_wait3A_932 = tpu.memref_slice %arg5[%add3A_930, %dma_wait3A_931] : memref<80x125xi32, #tpu.memory_space<vmem>> -> memref<1x125xi32, #tpu.memory_space<vmem>>
      %dma_wait3A_933 = tpu.memref_squeeze %dma_wait3A_932 : memref<1x125xi32, #tpu.memory_space<vmem>> -> memref<125xi32, #tpu.memory_space<vmem>>
      %dma_wait3A_934 = arith.constant 0 : i32
      %dma_wait3A_935 = arith.constant 0 : i32
      %dma_wait3A_936 = tpu.memref_slice %arg3[%dma_wait3A_934, %dma_wait3A_935] : memref<10000x64xf32, #tpu.memory_space<hbm>> -> memref<10000x64xf32, #tpu.memory_space<hbm>>
      tpu.wait_indirect_dma semaphore(%arg21 : memref<!tpu.dma_semaphore, #tpu.memory_space<semaphore_mem>>) src(%dma_wait3A_936 : memref<10000x64xf32, #tpu.memory_space<hbm>>) dst(%arg12 : memref<125x64xf32, #tpu.memory_space<vmem>>)
      %add3A_937 = arith.constant 5 : i32
      %add3A_938 = arith.addi %add3A_848, %add3A_937 : i32
      %dma_start3A_939 = arith.constant 0 : i32
      %dma_start3A_940 = tpu.memref_slice %arg6[%add3A_938, %dma_start3A_939] : memref<80x125xi32, #tpu.memory_space<vmem>> -> memref<1x125xi32, #tpu.memory_space<vmem>>
      %dma_start3A_941 = tpu.memref_squeeze %dma_start3A_940 : memref<1x125xi32, #tpu.memory_space<vmem>> -> memref<125xi32, #tpu.memory_space<vmem>>
      %dma_start3A_942 = arith.constant 0 : i32
      %dma_start3A_943 = arith.constant 0 : i32
      %dma_start3A_944 = tpu.memref_slice %arg15[%dma_start3A_942, %dma_start3A_943] : memref<10240x64xf32, #tpu.memory_space<vmem_shared>> -> memref<10240x64xf32, #tpu.memory_space<vmem_shared>>
      tpu.enqueue_indirect_dma source(%arg12 : memref<125x64xf32, #tpu.memory_space<vmem>>) target(%dma_start3A_944 : memref<10240x64xf32, #tpu.memory_space<vmem_shared>>) offsets(%dma_start3A_941 : memref<125xi32, #tpu.memory_space<vmem>>) semaphore(%arg29 : memref<!tpu.dma_semaphore, #tpu.memory_space<semaphore_mem>>) {add = true}
      %add3A_945 = arith.constant 6 : i32
      %add3A_946 = arith.addi %add3A_848, %add3A_945 : i32
      %dma_wait3A_947 = arith.constant 0 : i32
      %dma_wait3A_948 = tpu.memref_slice %arg5[%add3A_946, %dma_wait3A_947] : memref<80x125xi32, #tpu.memory_space<vmem>> -> memref<1x125xi32, #tpu.memory_space<vmem>>
      %dma_wait3A_949 = tpu.memref_squeeze %dma_wait3A_948 : memref<1x125xi32, #tpu.memory_space<vmem>> -> memref<125xi32, #tpu.memory_space<vmem>>
      %dma_wait3A_950 = arith.constant 0 : i32
      %dma_wait3A_951 = arith.constant 0 : i32
      %dma_wait3A_952 = tpu.memref_slice %arg3[%dma_wait3A_950, %dma_wait3A_951] : memref<10000x64xf32, #tpu.memory_space<hbm>> -> memref<10000x64xf32, #tpu.memory_space<hbm>>
      tpu.wait_indirect_dma semaphore(%arg22 : memref<!tpu.dma_semaphore, #tpu.memory_space<semaphore_mem>>) src(%dma_wait3A_952 : memref<10000x64xf32, #tpu.memory_space<hbm>>) dst(%arg13 : memref<125x64xf32, #tpu.memory_space<vmem>>)
      %add3A_953 = arith.constant 6 : i32
      %add3A_954 = arith.addi %add3A_848, %add3A_953 : i32
      %dma_start3A_955 = arith.constant 0 : i32
      %dma_start3A_956 = tpu.memref_slice %arg6[%add3A_954, %dma_start3A_955] : memref<80x125xi32, #tpu.memory_space<vmem>> -> memref<1x125xi32, #tpu.memory_space<vmem>>
      %dma_start3A_957 = tpu.memref_squeeze %dma_start3A_956 : memref<1x125xi32, #tpu.memory_space<vmem>> -> memref<125xi32, #tpu.memory_space<vmem>>
      %dma_start3A_958 = arith.constant 0 : i32
      %dma_start3A_959 = arith.constant 0 : i32
      %dma_start3A_960 = tpu.memref_slice %arg15[%dma_start3A_958, %dma_start3A_959] : memref<10240x64xf32, #tpu.memory_space<vmem_shared>> -> memref<10240x64xf32, #tpu.memory_space<vmem_shared>>
      tpu.enqueue_indirect_dma source(%arg13 : memref<125x64xf32, #tpu.memory_space<vmem>>) target(%dma_start3A_960 : memref<10240x64xf32, #tpu.memory_space<vmem_shared>>) offsets(%dma_start3A_957 : memref<125xi32, #tpu.memory_space<vmem>>) semaphore(%arg30 : memref<!tpu.dma_semaphore, #tpu.memory_space<semaphore_mem>>) {add = true}
      %add3A_961 = arith.constant 7 : i32
      %add3A_962 = arith.addi %add3A_848, %add3A_961 : i32
      %dma_wait3A_963 = arith.constant 0 : i32
      %dma_wait3A_964 = tpu.memref_slice %arg5[%add3A_962, %dma_wait3A_963] : memref<80x125xi32, #tpu.memory_space<vmem>> -> memref<1x125xi32, #tpu.memory_space<vmem>>
      %dma_wait3A_965 = tpu.memref_squeeze %dma_wait3A_964 : memref<1x125xi32, #tpu.memory_space<vmem>> -> memref<125xi32, #tpu.memory_space<vmem>>
      %dma_wait3A_966 = arith.constant 0 : i32
      %dma_wait3A_967 = arith.constant 0 : i32
      %dma_wait3A_968 = tpu.memref_slice %arg3[%dma_wait3A_966, %dma_wait3A_967] : memref<10000x64xf32, #tpu.memory_space<hbm>> -> memref<10000x64xf32, #tpu.memory_space<hbm>>
      tpu.wait_indirect_dma semaphore(%arg23 : memref<!tpu.dma_semaphore, #tpu.memory_space<semaphore_mem>>) src(%dma_wait3A_968 : memref<10000x64xf32, #tpu.memory_space<hbm>>) dst(%arg14 : memref<125x64xf32, #tpu.memory_space<vmem>>)
      %add3A_969 = arith.constant 7 : i32
      %add3A_970 = arith.addi %add3A_848, %add3A_969 : i32
      %dma_start3A_971 = arith.constant 0 : i32
      %dma_start3A_972 = tpu.memref_slice %arg6[%add3A_970, %dma_start3A_971] : memref<80x125xi32, #tpu.memory_space<vmem>> -> memref<1x125xi32, #tpu.memory_space<vmem>>
      %dma_start3A_973 = tpu.memref_squeeze %dma_start3A_972 : memref<1x125xi32, #tpu.memory_space<vmem>> -> memref<125xi32, #tpu.memory_space<vmem>>
      %dma_start3A_974 = arith.constant 0 : i32
      %dma_start3A_975 = arith.constant 0 : i32
      %dma_start3A_976 = tpu.memref_slice %arg15[%dma_start3A_974, %dma_start3A_975] : memref<10240x64xf32, #tpu.memory_space<vmem_shared>> -> memref<10240x64xf32, #tpu.memory_space<vmem_shared>>
      tpu.enqueue_indirect_dma source(%arg14 : memref<125x64xf32, #tpu.memory_space<vmem>>) target(%dma_start3A_976 : memref<10240x64xf32, #tpu.memory_space<vmem_shared>>) offsets(%dma_start3A_973 : memref<125xi32, #tpu.memory_space<vmem>>) semaphore(%arg31 : memref<!tpu.dma_semaphore, #tpu.memory_space<semaphore_mem>>) {add = true}
      %add3A_977 = arith.constant 0 : i32
      %add3A_978 = arith.addi %add3A_848, %add3A_977 : i32
      %dma_wait3A_979 = arith.constant 0 : i32
      %dma_wait3A_980 = tpu.memref_slice %arg6[%add3A_978, %dma_wait3A_979] : memref<80x125xi32, #tpu.memory_space<vmem>> -> memref<1x125xi32, #tpu.memory_space<vmem>>
      %dma_wait3A_981 = tpu.memref_squeeze %dma_wait3A_980 : memref<1x125xi32, #tpu.memory_space<vmem>> -> memref<125xi32, #tpu.memory_space<vmem>>
      %dma_wait3A_982 = arith.constant 0 : i32
      %dma_wait3A_983 = arith.constant 0 : i32
      %dma_wait3A_984 = tpu.memref_slice %arg15[%dma_wait3A_982, %dma_wait3A_983] : memref<10240x64xf32, #tpu.memory_space<vmem_shared>> -> memref<10240x64xf32, #tpu.memory_space<vmem_shared>>
      tpu.wait_indirect_dma semaphore(%arg24 : memref<!tpu.dma_semaphore, #tpu.memory_space<semaphore_mem>>) src(%arg7 : memref<125x64xf32, #tpu.memory_space<vmem>>) dst(%dma_wait3A_984 : memref<10240x64xf32, #tpu.memory_space<vmem_shared>>)
      %add3A_985 = arith.constant 8 : i32
      %add3A_986 = arith.addi %add3A_848, %add3A_985 : i32
      %add3A_987 = arith.constant 0 : i32
      %add3A_988 = arith.addi %add3A_986, %add3A_987 : i32
      %dma_start3A_989 = arith.constant 0 : i32
      %dma_start3A_990 = tpu.memref_slice %arg5[%add3A_988, %dma_start3A_989] : memref<80x125xi32, #tpu.memory_space<vmem>> -> memref<1x125xi32, #tpu.memory_space<vmem>>
      %dma_start3A_991 = tpu.memref_squeeze %dma_start3A_990 : memref<1x125xi32, #tpu.memory_space<vmem>> -> memref<125xi32, #tpu.memory_space<vmem>>
      %dma_start3A_992 = arith.constant 0 : i32
      %dma_start3A_993 = arith.constant 0 : i32
      %dma_start3A_994 = tpu.memref_slice %arg3[%dma_start3A_992, %dma_start3A_993] : memref<10000x64xf32, #tpu.memory_space<hbm>> -> memref<10000x64xf32, #tpu.memory_space<hbm>>
      tpu.enqueue_indirect_dma source(%dma_start3A_994 : memref<10000x64xf32, #tpu.memory_space<hbm>>) target(%arg7 : memref<125x64xf32, #tpu.memory_space<vmem>>) offsets(%dma_start3A_991 : memref<125xi32, #tpu.memory_space<vmem>>) semaphore(%arg16 : memref<!tpu.dma_semaphore, #tpu.memory_space<semaphore_mem>>)
      %add3A_995 = arith.constant 1 : i32
      %add3A_996 = arith.addi %add3A_848, %add3A_995 : i32
      %dma_wait3A_997 = arith.constant 0 : i32
      %dma_wait3A_998 = tpu.memref_slice %arg6[%add3A_996, %dma_wait3A_997] : memref<80x125xi32, #tpu.memory_space<vmem>> -> memref<1x125xi32, #tpu.memory_space<vmem>>
      %dma_wait3A_999 = tpu.memref_squeeze %dma_wait3A_998 : memref<1x125xi32, #tpu.memory_space<vmem>> -> memref<125xi32, #tpu.memory_space<vmem>>
      %dma_wait3A_1000 = arith.constant 0 : i32
      %dma_wait3A_1001 = arith.constant 0 : i32
      %dma_wait3A_1002 = tpu.memref_slice %arg15[%dma_wait3A_1000, %dma_wait3A_1001] : memref<10240x64xf32, #tpu.memory_space<vmem_shared>> -> memref<10240x64xf32, #tpu.memory_space<vmem_shared>>
      tpu.wait_indirect_dma semaphore(%arg25 : memref<!tpu.dma_semaphore, #tpu.memory_space<semaphore_mem>>) src(%arg8 : memref<125x64xf32, #tpu.memory_space<vmem>>) dst(%dma_wait3A_1002 : memref<10240x64xf32, #tpu.memory_space<vmem_shared>>)
      %add3A_1003 = arith.constant 8 : i32
      %add3A_1004 = arith.addi %add3A_848, %add3A_1003 : i32
      %add3A_1005 = arith.constant 1 : i32
      %add3A_1006 = arith.addi %add3A_1004, %add3A_1005 : i32
      %dma_start3A_1007 = arith.constant 0 : i32
      %dma_start3A_1008 = tpu.memref_slice %arg5[%add3A_1006, %dma_start3A_1007] : memref<80x125xi32, #tpu.memory_space<vmem>> -> memref<1x125xi32, #tpu.memory_space<vmem>>
      %dma_start3A_1009 = tpu.memref_squeeze %dma_start3A_1008 : memref<1x125xi32, #tpu.memory_space<vmem>> -> memref<125xi32, #tpu.memory_space<vmem>>
      %dma_start3A_1010 = arith.constant 0 : i32
      %dma_start3A_1011 = arith.constant 0 : i32
      %dma_start3A_1012 = tpu.memref_slice %arg3[%dma_start3A_1010, %dma_start3A_1011] : memref<10000x64xf32, #tpu.memory_space<hbm>> -> memref<10000x64xf32, #tpu.memory_space<hbm>>
      tpu.enqueue_indirect_dma source(%dma_start3A_1012 : memref<10000x64xf32, #tpu.memory_space<hbm>>) target(%arg8 : memref<125x64xf32, #tpu.memory_space<vmem>>) offsets(%dma_start3A_1009 : memref<125xi32, #tpu.memory_space<vmem>>) semaphore(%arg17 : memref<!tpu.dma_semaphore, #tpu.memory_space<semaphore_mem>>)
      %add3A_1013 = arith.constant 2 : i32
      %add3A_1014 = arith.addi %add3A_848, %add3A_1013 : i32
      %dma_wait3A_1015 = arith.constant 0 : i32
      %dma_wait3A_1016 = tpu.memref_slice %arg6[%add3A_1014, %dma_wait3A_1015] : memref<80x125xi32, #tpu.memory_space<vmem>> -> memref<1x125xi32, #tpu.memory_space<vmem>>
      %dma_wait3A_1017 = tpu.memref_squeeze %dma_wait3A_1016 : memref<1x125xi32, #tpu.memory_space<vmem>> -> memref<125xi32, #tpu.memory_space<vmem>>
      %dma_wait3A_1018 = arith.constant 0 : i32
      %dma_wait3A_1019 = arith.constant 0 : i32
      %dma_wait3A_1020 = tpu.memref_slice %arg15[%dma_wait3A_1018, %dma_wait3A_1019] : memref<10240x64xf32, #tpu.memory_space<vmem_shared>> -> memref<10240x64xf32, #tpu.memory_space<vmem_shared>>
      tpu.wait_indirect_dma semaphore(%arg26 : memref<!tpu.dma_semaphore, #tpu.memory_space<semaphore_mem>>) src(%arg9 : memref<125x64xf32, #tpu.memory_space<vmem>>) dst(%dma_wait3A_1020 : memref<10240x64xf32, #tpu.memory_space<vmem_shared>>)
      %add3A_1021 = arith.constant 8 : i32
      %add3A_1022 = arith.addi %add3A_848, %add3A_1021 : i32
      %add3A_1023 = arith.constant 2 : i32
      %add3A_1024 = arith.addi %add3A_1022, %add3A_1023 : i32
      %dma_start3A_1025 = arith.constant 0 : i32
      %dma_start3A_1026 = tpu.memref_slice %arg5[%add3A_1024, %dma_start3A_1025] : memref<80x125xi32, #tpu.memory_space<vmem>> -> memref<1x125xi32, #tpu.memory_space<vmem>>
      %dma_start3A_1027 = tpu.memref_squeeze %dma_start3A_1026 : memref<1x125xi32, #tpu.memory_space<vmem>> -> memref<125xi32, #tpu.memory_space<vmem>>
      %dma_start3A_1028 = arith.constant 0 : i32
      %dma_start3A_1029 = arith.constant 0 : i32
      %dma_start3A_1030 = tpu.memref_slice %arg3[%dma_start3A_1028, %dma_start3A_1029] : memref<10000x64xf32, #tpu.memory_space<hbm>> -> memref<10000x64xf32, #tpu.memory_space<hbm>>
      tpu.enqueue_indirect_dma source(%dma_start3A_1030 : memref<10000x64xf32, #tpu.memory_space<hbm>>) target(%arg9 : memref<125x64xf32, #tpu.memory_space<vmem>>) offsets(%dma_start3A_1027 : memref<125xi32, #tpu.memory_space<vmem>>) semaphore(%arg18 : memref<!tpu.dma_semaphore, #tpu.memory_space<semaphore_mem>>)
      %add3A_1031 = arith.constant 3 : i32
      %add3A_1032 = arith.addi %add3A_848, %add3A_1031 : i32
      %dma_wait3A_1033 = arith.constant 0 : i32
      %dma_wait3A_1034 = tpu.memref_slice %arg6[%add3A_1032, %dma_wait3A_1033] : memref<80x125xi32, #tpu.memory_space<vmem>> -> memref<1x125xi32, #tpu.memory_space<vmem>>
      %dma_wait3A_1035 = tpu.memref_squeeze %dma_wait3A_1034 : memref<1x125xi32, #tpu.memory_space<vmem>> -> memref<125xi32, #tpu.memory_space<vmem>>
      %dma_wait3A_1036 = arith.constant 0 : i32
      %dma_wait3A_1037 = arith.constant 0 : i32
      %dma_wait3A_1038 = tpu.memref_slice %arg15[%dma_wait3A_1036, %dma_wait3A_1037] : memref<10240x64xf32, #tpu.memory_space<vmem_shared>> -> memref<10240x64xf32, #tpu.memory_space<vmem_shared>>
      tpu.wait_indirect_dma semaphore(%arg27 : memref<!tpu.dma_semaphore, #tpu.memory_space<semaphore_mem>>) src(%arg10 : memref<125x64xf32, #tpu.memory_space<vmem>>) dst(%dma_wait3A_1038 : memref<10240x64xf32, #tpu.memory_space<vmem_shared>>)
      %add3A_1039 = arith.constant 8 : i32
      %add3A_1040 = arith.addi %add3A_848, %add3A_1039 : i32
      %add3A_1041 = arith.constant 3 : i32
      %add3A_1042 = arith.addi %add3A_1040, %add3A_1041 : i32
      %dma_start3A_1043 = arith.constant 0 : i32
      %dma_start3A_1044 = tpu.memref_slice %arg5[%add3A_1042, %dma_start3A_1043] : memref<80x125xi32, #tpu.memory_space<vmem>> -> memref<1x125xi32, #tpu.memory_space<vmem>>
      %dma_start3A_1045 = tpu.memref_squeeze %dma_start3A_1044 : memref<1x125xi32, #tpu.memory_space<vmem>> -> memref<125xi32, #tpu.memory_space<vmem>>
      %dma_start3A_1046 = arith.constant 0 : i32
      %dma_start3A_1047 = arith.constant 0 : i32
      %dma_start3A_1048 = tpu.memref_slice %arg3[%dma_start3A_1046, %dma_start3A_1047] : memref<10000x64xf32, #tpu.memory_space<hbm>> -> memref<10000x64xf32, #tpu.memory_space<hbm>>
      tpu.enqueue_indirect_dma source(%dma_start3A_1048 : memref<10000x64xf32, #tpu.memory_space<hbm>>) target(%arg10 : memref<125x64xf32, #tpu.memory_space<vmem>>) offsets(%dma_start3A_1045 : memref<125xi32, #tpu.memory_space<vmem>>) semaphore(%arg19 : memref<!tpu.dma_semaphore, #tpu.memory_space<semaphore_mem>>)
      %add3A_1049 = arith.constant 4 : i32
      %add3A_1050 = arith.addi %add3A_848, %add3A_1049 : i32
      %dma_wait3A_1051 = arith.constant 0 : i32
      %dma_wait3A_1052 = tpu.memref_slice %arg6[%add3A_1050, %dma_wait3A_1051] : memref<80x125xi32, #tpu.memory_space<vmem>> -> memref<1x125xi32, #tpu.memory_space<vmem>>
      %dma_wait3A_1053 = tpu.memref_squeeze %dma_wait3A_1052 : memref<1x125xi32, #tpu.memory_space<vmem>> -> memref<125xi32, #tpu.memory_space<vmem>>
      %dma_wait3A_1054 = arith.constant 0 : i32
      %dma_wait3A_1055 = arith.constant 0 : i32
      %dma_wait3A_1056 = tpu.memref_slice %arg15[%dma_wait3A_1054, %dma_wait3A_1055] : memref<10240x64xf32, #tpu.memory_space<vmem_shared>> -> memref<10240x64xf32, #tpu.memory_space<vmem_shared>>
      tpu.wait_indirect_dma semaphore(%arg28 : memref<!tpu.dma_semaphore, #tpu.memory_space<semaphore_mem>>) src(%arg11 : memref<125x64xf32, #tpu.memory_space<vmem>>) dst(%dma_wait3A_1056 : memref<10240x64xf32, #tpu.memory_space<vmem_shared>>)
      %add3A_1057 = arith.constant 8 : i32
      %add3A_1058 = arith.addi %add3A_848, %add3A_1057 : i32
      %add3A_1059 = arith.constant 4 : i32
      %add3A_1060 = arith.addi %add3A_1058, %add3A_1059 : i32
      %dma_start3A_1061 = arith.constant 0 : i32
      %dma_start3A_1062 = tpu.memref_slice %arg5[%add3A_1060, %dma_start3A_1061] : memref<80x125xi32, #tpu.memory_space<vmem>> -> memref<1x125xi32, #tpu.memory_space<vmem>>
      %dma_start3A_1063 = tpu.memref_squeeze %dma_start3A_1062 : memref<1x125xi32, #tpu.memory_space<vmem>> -> memref<125xi32, #tpu.memory_space<vmem>>
      %dma_start3A_1064 = arith.constant 0 : i32
      %dma_start3A_1065 = arith.constant 0 : i32
      %dma_start3A_1066 = tpu.memref_slice %arg3[%dma_start3A_1064, %dma_start3A_1065] : memref<10000x64xf32, #tpu.memory_space<hbm>> -> memref<10000x64xf32, #tpu.memory_space<hbm>>
      tpu.enqueue_indirect_dma source(%dma_start3A_1066 : memref<10000x64xf32, #tpu.memory_space<hbm>>) target(%arg11 : memref<125x64xf32, #tpu.memory_space<vmem>>) offsets(%dma_start3A_1063 : memref<125xi32, #tpu.memory_space<vmem>>) semaphore(%arg20 : memref<!tpu.dma_semaphore, #tpu.memory_space<semaphore_mem>>)
      %add3A_1067 = arith.constant 5 : i32
      %add3A_1068 = arith.addi %add3A_848, %add3A_1067 : i32
      %dma_wait3A_1069 = arith.constant 0 : i32
      %dma_wait3A_1070 = tpu.memref_slice %arg6[%add3A_1068, %dma_wait3A_1069] : memref<80x125xi32, #tpu.memory_space<vmem>> -> memref<1x125xi32, #tpu.memory_space<vmem>>
      %dma_wait3A_1071 = tpu.memref_squeeze %dma_wait3A_1070 : memref<1x125xi32, #tpu.memory_space<vmem>> -> memref<125xi32, #tpu.memory_space<vmem>>
      %dma_wait3A_1072 = arith.constant 0 : i32
      %dma_wait3A_1073 = arith.constant 0 : i32
      %dma_wait3A_1074 = tpu.memref_slice %arg15[%dma_wait3A_1072, %dma_wait3A_1073] : memref<10240x64xf32, #tpu.memory_space<vmem_shared>> -> memref<10240x64xf32, #tpu.memory_space<vmem_shared>>
      tpu.wait_indirect_dma semaphore(%arg29 : memref<!tpu.dma_semaphore, #tpu.memory_space<semaphore_mem>>) src(%arg12 : memref<125x64xf32, #tpu.memory_space<vmem>>) dst(%dma_wait3A_1074 : memref<10240x64xf32, #tpu.memory_space<vmem_shared>>)
      %add3A_1075 = arith.constant 8 : i32
      %add3A_1076 = arith.addi %add3A_848, %add3A_1075 : i32
      %add3A_1077 = arith.constant 5 : i32
      %add3A_1078 = arith.addi %add3A_1076, %add3A_1077 : i32
      %dma_start3A_1079 = arith.constant 0 : i32
      %dma_start3A_1080 = tpu.memref_slice %arg5[%add3A_1078, %dma_start3A_1079] : memref<80x125xi32, #tpu.memory_space<vmem>> -> memref<1x125xi32, #tpu.memory_space<vmem>>
      %dma_start3A_1081 = tpu.memref_squeeze %dma_start3A_1080 : memref<1x125xi32, #tpu.memory_space<vmem>> -> memref<125xi32, #tpu.memory_space<vmem>>
      %dma_start3A_1082 = arith.constant 0 : i32
      %dma_start3A_1083 = arith.constant 0 : i32
      %dma_start3A_1084 = tpu.memref_slice %arg3[%dma_start3A_1082, %dma_start3A_1083] : memref<10000x64xf32, #tpu.memory_space<hbm>> -> memref<10000x64xf32, #tpu.memory_space<hbm>>
      tpu.enqueue_indirect_dma source(%dma_start3A_1084 : memref<10000x64xf32, #tpu.memory_space<hbm>>) target(%arg12 : memref<125x64xf32, #tpu.memory_space<vmem>>) offsets(%dma_start3A_1081 : memref<125xi32, #tpu.memory_space<vmem>>) semaphore(%arg21 : memref<!tpu.dma_semaphore, #tpu.memory_space<semaphore_mem>>)
      %add3A_1085 = arith.constant 6 : i32
      %add3A_1086 = arith.addi %add3A_848, %add3A_1085 : i32
      %dma_wait3A_1087 = arith.constant 0 : i32
      %dma_wait3A_1088 = tpu.memref_slice %arg6[%add3A_1086, %dma_wait3A_1087] : memref<80x125xi32, #tpu.memory_space<vmem>> -> memref<1x125xi32, #tpu.memory_space<vmem>>
      %dma_wait3A_1089 = tpu.memref_squeeze %dma_wait3A_1088 : memref<1x125xi32, #tpu.memory_space<vmem>> -> memref<125xi32, #tpu.memory_space<vmem>>
      %dma_wait3A_1090 = arith.constant 0 : i32
      %dma_wait3A_1091 = arith.constant 0 : i32
      %dma_wait3A_1092 = tpu.memref_slice %arg15[%dma_wait3A_1090, %dma_wait3A_1091] : memref<10240x64xf32, #tpu.memory_space<vmem_shared>> -> memref<10240x64xf32, #tpu.memory_space<vmem_shared>>
      tpu.wait_indirect_dma semaphore(%arg30 : memref<!tpu.dma_semaphore, #tpu.memory_space<semaphore_mem>>) src(%arg13 : memref<125x64xf32, #tpu.memory_space<vmem>>) dst(%dma_wait3A_1092 : memref<10240x64xf32, #tpu.memory_space<vmem_shared>>)
      %add3A_1093 = arith.constant 8 : i32
      %add3A_1094 = arith.addi %add3A_848, %add3A_1093 : i32
      %add3A_1095 = arith.constant 6 : i32
      %add3A_1096 = arith.addi %add3A_1094, %add3A_1095 : i32
      %dma_start3A_1097 = arith.constant 0 : i32
      %dma_start3A_1098 = tpu.memref_slice %arg5[%add3A_1096, %dma_start3A_1097] : memref<80x125xi32, #tpu.memory_space<vmem>> -> memref<1x125xi32, #tpu.memory_space<vmem>>
      %dma_start3A_1099 = tpu.memref_squeeze %dma_start3A_1098 : memref<1x125xi32, #tpu.memory_space<vmem>> -> memref<125xi32, #tpu.memory_space<vmem>>
      %dma_start3A_1100 = arith.constant 0 : i32
      %dma_start3A_1101 = arith.constant 0 : i32
      %dma_start3A_1102 = tpu.memref_slice %arg3[%dma_start3A_1100, %dma_start3A_1101] : memref<10000x64xf32, #tpu.memory_space<hbm>> -> memref<10000x64xf32, #tpu.memory_space<hbm>>
      tpu.enqueue_indirect_dma source(%dma_start3A_1102 : memref<10000x64xf32, #tpu.memory_space<hbm>>) target(%arg13 : memref<125x64xf32, #tpu.memory_space<vmem>>) offsets(%dma_start3A_1099 : memref<125xi32, #tpu.memory_space<vmem>>) semaphore(%arg22 : memref<!tpu.dma_semaphore, #tpu.memory_space<semaphore_mem>>)
      %add3A_1103 = arith.constant 7 : i32
      %add3A_1104 = arith.addi %add3A_848, %add3A_1103 : i32
      %dma_wait3A_1105 = arith.constant 0 : i32
      %dma_wait3A_1106 = tpu.memref_slice %arg6[%add3A_1104, %dma_wait3A_1105] : memref<80x125xi32, #tpu.memory_space<vmem>> -> memref<1x125xi32, #tpu.memory_space<vmem>>
      %dma_wait3A_1107 = tpu.memref_squeeze %dma_wait3A_1106 : memref<1x125xi32, #tpu.memory_space<vmem>> -> memref<125xi32, #tpu.memory_space<vmem>>
      %dma_wait3A_1108 = arith.constant 0 : i32
      %dma_wait3A_1109 = arith.constant 0 : i32
      %dma_wait3A_1110 = tpu.memref_slice %arg15[%dma_wait3A_1108, %dma_wait3A_1109] : memref<10240x64xf32, #tpu.memory_space<vmem_shared>> -> memref<10240x64xf32, #tpu.memory_space<vmem_shared>>
      tpu.wait_indirect_dma semaphore(%arg31 : memref<!tpu.dma_semaphore, #tpu.memory_space<semaphore_mem>>) src(%arg14 : memref<125x64xf32, #tpu.memory_space<vmem>>) dst(%dma_wait3A_1110 : memref<10240x64xf32, #tpu.memory_space<vmem_shared>>)
      %add3A_1111 = arith.constant 8 : i32
      %add3A_1112 = arith.addi %add3A_848, %add3A_1111 : i32
      %add3A_1113 = arith.constant 7 : i32
      %add3A_1114 = arith.addi %add3A_1112, %add3A_1113 : i32
      %dma_start3A_1115 = arith.constant 0 : i32
      %dma_start3A_1116 = tpu.memref_slice %arg5[%add3A_1114, %dma_start3A_1115] : memref<80x125xi32, #tpu.memory_space<vmem>> -> memref<1x125xi32, #tpu.memory_space<vmem>>
      %dma_start3A_1117 = tpu.memref_squeeze %dma_start3A_1116 : memref<1x125xi32, #tpu.memory_space<vmem>> -> memref<125xi32, #tpu.memory_space<vmem>>
      %dma_start3A_1118 = arith.constant 0 : i32
      %dma_start3A_1119 = arith.constant 0 : i32
      %dma_start3A_1120 = tpu.memref_slice %arg3[%dma_start3A_1118, %dma_start3A_1119] : memref<10000x64xf32, #tpu.memory_space<hbm>> -> memref<10000x64xf32, #tpu.memory_space<hbm>>
      tpu.enqueue_indirect_dma source(%dma_start3A_1120 : memref<10000x64xf32, #tpu.memory_space<hbm>>) target(%arg14 : memref<125x64xf32, #tpu.memory_space<vmem>>) offsets(%dma_start3A_1117 : memref<125xi32, #tpu.memory_space<vmem>>) semaphore(%arg23 : memref<!tpu.dma_semaphore, #tpu.memory_space<semaphore_mem>>)
    }
    %scan3A_258 = arith.constant 9 : i32
    %dma_wait3A_259 = arith.constant 72 : i32
    %dma_wait3A_260 = arith.constant 0 : i32
    %dma_wait3A_261 = tpu.memref_slice %arg5[%dma_wait3A_259, %dma_wait3A_260] : memref<80x125xi32, #tpu.memory_space<vmem>> -> memref<1x125xi32, #tpu.memory_space<vmem>>
    %dma_wait3A_262 = tpu.memref_squeeze %dma_wait3A_261 : memref<1x125xi32, #tpu.memory_space<vmem>> -> memref<125xi32, #tpu.memory_space<vmem>>
    %dma_wait3A_263 = arith.constant 0 : i32
    %dma_wait3A_264 = arith.constant 0 : i32
    %dma_wait3A_265 = tpu.memref_slice %arg3[%dma_wait3A_263, %dma_wait3A_264] : memref<10000x64xf32, #tpu.memory_space<hbm>> -> memref<10000x64xf32, #tpu.memory_space<hbm>>
    tpu.wait_indirect_dma semaphore(%arg16 : memref<!tpu.dma_semaphore, #tpu.memory_space<semaphore_mem>>) src(%dma_wait3A_265 : memref<10000x64xf32, #tpu.memory_space<hbm>>) dst(%arg7 : memref<125x64xf32, #tpu.memory_space<vmem>>)
    %dma_start3A_266 = arith.constant 72 : i32
    %dma_start3A_267 = arith.constant 0 : i32
    %dma_start3A_268 = tpu.memref_slice %arg6[%dma_start3A_266, %dma_start3A_267] : memref<80x125xi32, #tpu.memory_space<vmem>> -> memref<1x125xi32, #tpu.memory_space<vmem>>
    %dma_start3A_269 = tpu.memref_squeeze %dma_start3A_268 : memref<1x125xi32, #tpu.memory_space<vmem>> -> memref<125xi32, #tpu.memory_space<vmem>>
    %dma_start3A_270 = arith.constant 0 : i32
    %dma_start3A_271 = arith.constant 0 : i32
    %dma_start3A_272 = tpu.memref_slice %arg15[%dma_start3A_270, %dma_start3A_271] : memref<10240x64xf32, #tpu.memory_space<vmem_shared>> -> memref<10240x64xf32, #tpu.memory_space<vmem_shared>>
    tpu.enqueue_indirect_dma source(%arg7 : memref<125x64xf32, #tpu.memory_space<vmem>>) target(%dma_start3A_272 : memref<10240x64xf32, #tpu.memory_space<vmem_shared>>) offsets(%dma_start3A_269 : memref<125xi32, #tpu.memory_space<vmem>>) semaphore(%arg24 : memref<!tpu.dma_semaphore, #tpu.memory_space<semaphore_mem>>) {add = true}
    %dma_wait3A_273 = arith.constant 73 : i32
    %dma_wait3A_274 = arith.constant 0 : i32
    %dma_wait3A_275 = tpu.memref_slice %arg5[%dma_wait3A_273, %dma_wait3A_274] : memref<80x125xi32, #tpu.memory_space<vmem>> -> memref<1x125xi32, #tpu.memory_space<vmem>>
    %dma_wait3A_276 = tpu.memref_squeeze %dma_wait3A_275 : memref<1x125xi32, #tpu.memory_space<vmem>> -> memref<125xi32, #tpu.memory_space<vmem>>
    %dma_wait3A_277 = arith.constant 0 : i32
    %dma_wait3A_278 = arith.constant 0 : i32
    %dma_wait3A_279 = tpu.memref_slice %arg3[%dma_wait3A_277, %dma_wait3A_278] : memref<10000x64xf32, #tpu.memory_space<hbm>> -> memref<10000x64xf32, #tpu.memory_space<hbm>>
    tpu.wait_indirect_dma semaphore(%arg17 : memref<!tpu.dma_semaphore, #tpu.memory_space<semaphore_mem>>) src(%dma_wait3A_279 : memref<10000x64xf32, #tpu.memory_space<hbm>>) dst(%arg8 : memref<125x64xf32, #tpu.memory_space<vmem>>)
    %dma_start3A_280 = arith.constant 73 : i32
    %dma_start3A_281 = arith.constant 0 : i32
    %dma_start3A_282 = tpu.memref_slice %arg6[%dma_start3A_280, %dma_start3A_281] : memref<80x125xi32, #tpu.memory_space<vmem>> -> memref<1x125xi32, #tpu.memory_space<vmem>>
    %dma_start3A_283 = tpu.memref_squeeze %dma_start3A_282 : memref<1x125xi32, #tpu.memory_space<vmem>> -> memref<125xi32, #tpu.memory_space<vmem>>
    %dma_start3A_284 = arith.constant 0 : i32
    %dma_start3A_285 = arith.constant 0 : i32
    %dma_start3A_286 = tpu.memref_slice %arg15[%dma_start3A_284, %dma_start3A_285] : memref<10240x64xf32, #tpu.memory_space<vmem_shared>> -> memref<10240x64xf32, #tpu.memory_space<vmem_shared>>
    tpu.enqueue_indirect_dma source(%arg8 : memref<125x64xf32, #tpu.memory_space<vmem>>) target(%dma_start3A_286 : memref<10240x64xf32, #tpu.memory_space<vmem_shared>>) offsets(%dma_start3A_283 : memref<125xi32, #tpu.memory_space<vmem>>) semaphore(%arg25 : memref<!tpu.dma_semaphore, #tpu.memory_space<semaphore_mem>>) {add = true}
    %dma_wait3A_287 = arith.constant 74 : i32
    %dma_wait3A_288 = arith.constant 0 : i32
    %dma_wait3A_289 = tpu.memref_slice %arg5[%dma_wait3A_287, %dma_wait3A_288] : memref<80x125xi32, #tpu.memory_space<vmem>> -> memref<1x125xi32, #tpu.memory_space<vmem>>
    %dma_wait3A_290 = tpu.memref_squeeze %dma_wait3A_289 : memref<1x125xi32, #tpu.memory_space<vmem>> -> memref<125xi32, #tpu.memory_space<vmem>>
    %dma_wait3A_291 = arith.constant 0 : i32
    %dma_wait3A_292 = arith.constant 0 : i32
    %dma_wait3A_293 = tpu.memref_slice %arg3[%dma_wait3A_291, %dma_wait3A_292] : memref<10000x64xf32, #tpu.memory_space<hbm>> -> memref<10000x64xf32, #tpu.memory_space<hbm>>
    tpu.wait_indirect_dma semaphore(%arg18 : memref<!tpu.dma_semaphore, #tpu.memory_space<semaphore_mem>>) src(%dma_wait3A_293 : memref<10000x64xf32, #tpu.memory_space<hbm>>) dst(%arg9 : memref<125x64xf32, #tpu.memory_space<vmem>>)
    %dma_start3A_294 = arith.constant 74 : i32
    %dma_start3A_295 = arith.constant 0 : i32
    %dma_start3A_296 = tpu.memref_slice %arg6[%dma_start3A_294, %dma_start3A_295] : memref<80x125xi32, #tpu.memory_space<vmem>> -> memref<1x125xi32, #tpu.memory_space<vmem>>
    %dma_start3A_297 = tpu.memref_squeeze %dma_start3A_296 : memref<1x125xi32, #tpu.memory_space<vmem>> -> memref<125xi32, #tpu.memory_space<vmem>>
    %dma_start3A_298 = arith.constant 0 : i32
    %dma_start3A_299 = arith.constant 0 : i32
    %dma_start3A_300 = tpu.memref_slice %arg15[%dma_start3A_298, %dma_start3A_299] : memref<10240x64xf32, #tpu.memory_space<vmem_shared>> -> memref<10240x64xf32, #tpu.memory_space<vmem_shared>>
    tpu.enqueue_indirect_dma source(%arg9 : memref<125x64xf32, #tpu.memory_space<vmem>>) target(%dma_start3A_300 : memref<10240x64xf32, #tpu.memory_space<vmem_shared>>) offsets(%dma_start3A_297 : memref<125xi32, #tpu.memory_space<vmem>>) semaphore(%arg26 : memref<!tpu.dma_semaphore, #tpu.memory_space<semaphore_mem>>) {add = true}
    %dma_wait3A_301 = arith.constant 75 : i32
    %dma_wait3A_302 = arith.constant 0 : i32
    %dma_wait3A_303 = tpu.memref_slice %arg5[%dma_wait3A_301, %dma_wait3A_302] : memref<80x125xi32, #tpu.memory_space<vmem>> -> memref<1x125xi32, #tpu.memory_space<vmem>>
    %dma_wait3A_304 = tpu.memref_squeeze %dma_wait3A_303 : memref<1x125xi32, #tpu.memory_space<vmem>> -> memref<125xi32, #tpu.memory_space<vmem>>
    %dma_wait3A_305 = arith.constant 0 : i32
    %dma_wait3A_306 = arith.constant 0 : i32
    %dma_wait3A_307 = tpu.memref_slice %arg3[%dma_wait3A_305, %dma_wait3A_306] : memref<10000x64xf32, #tpu.memory_space<hbm>> -> memref<10000x64xf32, #tpu.memory_space<hbm>>
    tpu.wait_indirect_dma semaphore(%arg19 : memref<!tpu.dma_semaphore, #tpu.memory_space<semaphore_mem>>) src(%dma_wait3A_307 : memref<10000x64xf32, #tpu.memory_space<hbm>>) dst(%arg10 : memref<125x64xf32, #tpu.memory_space<vmem>>)
    %dma_start3A_308 = arith.constant 75 : i32
    %dma_start3A_309 = arith.constant 0 : i32
    %dma_start3A_310 = tpu.memref_slice %arg6[%dma_start3A_308, %dma_start3A_309] : memref<80x125xi32, #tpu.memory_space<vmem>> -> memref<1x125xi32, #tpu.memory_space<vmem>>
    %dma_start3A_311 = tpu.memref_squeeze %dma_start3A_310 : memref<1x125xi32, #tpu.memory_space<vmem>> -> memref<125xi32, #tpu.memory_space<vmem>>
    %dma_start3A_312 = arith.constant 0 : i32
    %dma_start3A_313 = arith.constant 0 : i32
    %dma_start3A_314 = tpu.memref_slice %arg15[%dma_start3A_312, %dma_start3A_313] : memref<10240x64xf32, #tpu.memory_space<vmem_shared>> -> memref<10240x64xf32, #tpu.memory_space<vmem_shared>>
    tpu.enqueue_indirect_dma source(%arg10 : memref<125x64xf32, #tpu.memory_space<vmem>>) target(%dma_start3A_314 : memref<10240x64xf32, #tpu.memory_space<vmem_shared>>) offsets(%dma_start3A_311 : memref<125xi32, #tpu.memory_space<vmem>>) semaphore(%arg27 : memref<!tpu.dma_semaphore, #tpu.memory_space<semaphore_mem>>) {add = true}
    %dma_wait3A_315 = arith.constant 76 : i32
    %dma_wait3A_316 = arith.constant 0 : i32
    %dma_wait3A_317 = tpu.memref_slice %arg5[%dma_wait3A_315, %dma_wait3A_316] : memref<80x125xi32, #tpu.memory_space<vmem>> -> memref<1x125xi32, #tpu.memory_space<vmem>>
    %dma_wait3A_318 = tpu.memref_squeeze %dma_wait3A_317 : memref<1x125xi32, #tpu.memory_space<vmem>> -> memref<125xi32, #tpu.memory_space<vmem>>
    %dma_wait3A_319 = arith.constant 0 : i32
    %dma_wait3A_320 = arith.constant 0 : i32
    %dma_wait3A_321 = tpu.memref_slice %arg3[%dma_wait3A_319, %dma_wait3A_320] : memref<10000x64xf32, #tpu.memory_space<hbm>> -> memref<10000x64xf32, #tpu.memory_space<hbm>>
    tpu.wait_indirect_dma semaphore(%arg20 : memref<!tpu.dma_semaphore, #tpu.memory_space<semaphore_mem>>) src(%dma_wait3A_321 : memref<10000x64xf32, #tpu.memory_space<hbm>>) dst(%arg11 : memref<125x64xf32, #tpu.memory_space<vmem>>)
    %dma_start3A_322 = arith.constant 76 : i32
    %dma_start3A_323 = arith.constant 0 : i32
    %dma_start3A_324 = tpu.memref_slice %arg6[%dma_start3A_322, %dma_start3A_323] : memref<80x125xi32, #tpu.memory_space<vmem>> -> memref<1x125xi32, #tpu.memory_space<vmem>>
    %dma_start3A_325 = tpu.memref_squeeze %dma_start3A_324 : memref<1x125xi32, #tpu.memory_space<vmem>> -> memref<125xi32, #tpu.memory_space<vmem>>
    %dma_start3A_326 = arith.constant 0 : i32
    %dma_start3A_327 = arith.constant 0 : i32
    %dma_start3A_328 = tpu.memref_slice %arg15[%dma_start3A_326, %dma_start3A_327] : memref<10240x64xf32, #tpu.memory_space<vmem_shared>> -> memref<10240x64xf32, #tpu.memory_space<vmem_shared>>
    tpu.enqueue_indirect_dma source(%arg11 : memref<125x64xf32, #tpu.memory_space<vmem>>) target(%dma_start3A_328 : memref<10240x64xf32, #tpu.memory_space<vmem_shared>>) offsets(%dma_start3A_325 : memref<125xi32, #tpu.memory_space<vmem>>) semaphore(%arg28 : memref<!tpu.dma_semaphore, #tpu.memory_space<semaphore_mem>>) {add = true}
    %dma_wait3A_329 = arith.constant 77 : i32
    %dma_wait3A_330 = arith.constant 0 : i32
    %dma_wait3A_331 = tpu.memref_slice %arg5[%dma_wait3A_329, %dma_wait3A_330] : memref<80x125xi32, #tpu.memory_space<vmem>> -> memref<1x125xi32, #tpu.memory_space<vmem>>
    %dma_wait3A_332 = tpu.memref_squeeze %dma_wait3A_331 : memref<1x125xi32, #tpu.memory_space<vmem>> -> memref<125xi32, #tpu.memory_space<vmem>>
    %dma_wait3A_333 = arith.constant 0 : i32
    %dma_wait3A_334 = arith.constant 0 : i32
    %dma_wait3A_335 = tpu.memref_slice %arg3[%dma_wait3A_333, %dma_wait3A_334] : memref<10000x64xf32, #tpu.memory_space<hbm>> -> memref<10000x64xf32, #tpu.memory_space<hbm>>
    tpu.wait_indirect_dma semaphore(%arg21 : memref<!tpu.dma_semaphore, #tpu.memory_space<semaphore_mem>>) src(%dma_wait3A_335 : memref<10000x64xf32, #tpu.memory_space<hbm>>) dst(%arg12 : memref<125x64xf32, #tpu.memory_space<vmem>>)
    %dma_start3A_336 = arith.constant 77 : i32
    %dma_start3A_337 = arith.constant 0 : i32
    %dma_start3A_338 = tpu.memref_slice %arg6[%dma_start3A_336, %dma_start3A_337] : memref<80x125xi32, #tpu.memory_space<vmem>> -> memref<1x125xi32, #tpu.memory_space<vmem>>
    %dma_start3A_339 = tpu.memref_squeeze %dma_start3A_338 : memref<1x125xi32, #tpu.memory_space<vmem>> -> memref<125xi32, #tpu.memory_space<vmem>>
    %dma_start3A_340 = arith.constant 0 : i32
    %dma_start3A_341 = arith.constant 0 : i32
    %dma_start3A_342 = tpu.memref_slice %arg15[%dma_start3A_340, %dma_start3A_341] : memref<10240x64xf32, #tpu.memory_space<vmem_shared>> -> memref<10240x64xf32, #tpu.memory_space<vmem_shared>>
    tpu.enqueue_indirect_dma source(%arg12 : memref<125x64xf32, #tpu.memory_space<vmem>>) target(%dma_start3A_342 : memref<10240x64xf32, #tpu.memory_space<vmem_shared>>) offsets(%dma_start3A_339 : memref<125xi32, #tpu.memory_space<vmem>>) semaphore(%arg29 : memref<!tpu.dma_semaphore, #tpu.memory_space<semaphore_mem>>) {add = true}
    %dma_wait3A_343 = arith.constant 78 : i32
    %dma_wait3A_344 = arith.constant 0 : i32
    %dma_wait3A_345 = tpu.memref_slice %arg5[%dma_wait3A_343, %dma_wait3A_344] : memref<80x125xi32, #tpu.memory_space<vmem>> -> memref<1x125xi32, #tpu.memory_space<vmem>>
    %dma_wait3A_346 = tpu.memref_squeeze %dma_wait3A_345 : memref<1x125xi32, #tpu.memory_space<vmem>> -> memref<125xi32, #tpu.memory_space<vmem>>
    %dma_wait3A_347 = arith.constant 0 : i32
    %dma_wait3A_348 = arith.constant 0 : i32
    %dma_wait3A_349 = tpu.memref_slice %arg3[%dma_wait3A_347, %dma_wait3A_348] : memref<10000x64xf32, #tpu.memory_space<hbm>> -> memref<10000x64xf32, #tpu.memory_space<hbm>>
    tpu.wait_indirect_dma semaphore(%arg22 : memref<!tpu.dma_semaphore, #tpu.memory_space<semaphore_mem>>) src(%dma_wait3A_349 : memref<10000x64xf32, #tpu.memory_space<hbm>>) dst(%arg13 : memref<125x64xf32, #tpu.memory_space<vmem>>)
    %dma_start3A_350 = arith.constant 78 : i32
    %dma_start3A_351 = arith.constant 0 : i32
    %dma_start3A_352 = tpu.memref_slice %arg6[%dma_start3A_350, %dma_start3A_351] : memref<80x125xi32, #tpu.memory_space<vmem>> -> memref<1x125xi32, #tpu.memory_space<vmem>>
    %dma_start3A_353 = tpu.memref_squeeze %dma_start3A_352 : memref<1x125xi32, #tpu.memory_space<vmem>> -> memref<125xi32, #tpu.memory_space<vmem>>
    %dma_start3A_354 = arith.constant 0 : i32
    %dma_start3A_355 = arith.constant 0 : i32
    %dma_start3A_356 = tpu.memref_slice %arg15[%dma_start3A_354, %dma_start3A_355] : memref<10240x64xf32, #tpu.memory_space<vmem_shared>> -> memref<10240x64xf32, #tpu.memory_space<vmem_shared>>
    tpu.enqueue_indirect_dma source(%arg13 : memref<125x64xf32, #tpu.memory_space<vmem>>) target(%dma_start3A_356 : memref<10240x64xf32, #tpu.memory_space<vmem_shared>>) offsets(%dma_start3A_353 : memref<125xi32, #tpu.memory_space<vmem>>) semaphore(%arg30 : memref<!tpu.dma_semaphore, #tpu.memory_space<semaphore_mem>>) {add = true}
    %dma_wait3A_357 = arith.constant 79 : i32
    %dma_wait3A_358 = arith.constant 0 : i32
    %dma_wait3A_359 = tpu.memref_slice %arg5[%dma_wait3A_357, %dma_wait3A_358] : memref<80x125xi32, #tpu.memory_space<vmem>> -> memref<1x125xi32, #tpu.memory_space<vmem>>
    %dma_wait3A_360 = tpu.memref_squeeze %dma_wait3A_359 : memref<1x125xi32, #tpu.memory_space<vmem>> -> memref<125xi32, #tpu.memory_space<vmem>>
    %dma_wait3A_361 = arith.constant 0 : i32
    %dma_wait3A_362 = arith.constant 0 : i32
    %dma_wait3A_363 = tpu.memref_slice %arg3[%dma_wait3A_361, %dma_wait3A_362] : memref<10000x64xf32, #tpu.memory_space<hbm>> -> memref<10000x64xf32, #tpu.memory_space<hbm>>
    tpu.wait_indirect_dma semaphore(%arg23 : memref<!tpu.dma_semaphore, #tpu.memory_space<semaphore_mem>>) src(%dma_wait3A_363 : memref<10000x64xf32, #tpu.memory_space<hbm>>) dst(%arg14 : memref<125x64xf32, #tpu.memory_space<vmem>>)
    %dma_start3A_364 = arith.constant 79 : i32
    %dma_start3A_365 = arith.constant 0 : i32
    %dma_start3A_366 = tpu.memref_slice %arg6[%dma_start3A_364, %dma_start3A_365] : memref<80x125xi32, #tpu.memory_space<vmem>> -> memref<1x125xi32, #tpu.memory_space<vmem>>
    %dma_start3A_367 = tpu.memref_squeeze %dma_start3A_366 : memref<1x125xi32, #tpu.memory_space<vmem>> -> memref<125xi32, #tpu.memory_space<vmem>>
    %dma_start3A_368 = arith.constant 0 : i32
    %dma_start3A_369 = arith.constant 0 : i32
    %dma_start3A_370 = tpu.memref_slice %arg15[%dma_start3A_368, %dma_start3A_369] : memref<10240x64xf32, #tpu.memory_space<vmem_shared>> -> memref<10240x64xf32, #tpu.memory_space<vmem_shared>>
    tpu.enqueue_indirect_dma source(%arg14 : memref<125x64xf32, #tpu.memory_space<vmem>>) target(%dma_start3A_370 : memref<10240x64xf32, #tpu.memory_space<vmem_shared>>) offsets(%dma_start3A_367 : memref<125xi32, #tpu.memory_space<vmem>>) semaphore(%arg31 : memref<!tpu.dma_semaphore, #tpu.memory_space<semaphore_mem>>) {add = true}
    %dma_wait3A_371 = arith.constant 72 : i32
    %dma_wait3A_372 = arith.constant 0 : i32
    %dma_wait3A_373 = tpu.memref_slice %arg6[%dma_wait3A_371, %dma_wait3A_372] : memref<80x125xi32, #tpu.memory_space<vmem>> -> memref<1x125xi32, #tpu.memory_space<vmem>>
    %dma_wait3A_374 = tpu.memref_squeeze %dma_wait3A_373 : memref<1x125xi32, #tpu.memory_space<vmem>> -> memref<125xi32, #tpu.memory_space<vmem>>
    %dma_wait3A_375 = arith.constant 0 : i32
    %dma_wait3A_376 = arith.constant 0 : i32
    %dma_wait3A_377 = tpu.memref_slice %arg15[%dma_wait3A_375, %dma_wait3A_376] : memref<10240x64xf32, #tpu.memory_space<vmem_shared>> -> memref<10240x64xf32, #tpu.memory_space<vmem_shared>>
    tpu.wait_indirect_dma semaphore(%arg24 : memref<!tpu.dma_semaphore, #tpu.memory_space<semaphore_mem>>) src(%arg7 : memref<125x64xf32, #tpu.memory_space<vmem>>) dst(%dma_wait3A_377 : memref<10240x64xf32, #tpu.memory_space<vmem_shared>>)
    %dma_wait3A_378 = arith.constant 73 : i32
    %dma_wait3A_379 = arith.constant 0 : i32
    %dma_wait3A_380 = tpu.memref_slice %arg6[%dma_wait3A_378, %dma_wait3A_379] : memref<80x125xi32, #tpu.memory_space<vmem>> -> memref<1x125xi32, #tpu.memory_space<vmem>>
    %dma_wait3A_381 = tpu.memref_squeeze %dma_wait3A_380 : memref<1x125xi32, #tpu.memory_space<vmem>> -> memref<125xi32, #tpu.memory_space<vmem>>
    %dma_wait3A_382 = arith.constant 0 : i32
    %dma_wait3A_383 = arith.constant 0 : i32
    %dma_wait3A_384 = tpu.memref_slice %arg15[%dma_wait3A_382, %dma_wait3A_383] : memref<10240x64xf32, #tpu.memory_space<vmem_shared>> -> memref<10240x64xf32, #tpu.memory_space<vmem_shared>>
    tpu.wait_indirect_dma semaphore(%arg25 : memref<!tpu.dma_semaphore, #tpu.memory_space<semaphore_mem>>) src(%arg8 : memref<125x64xf32, #tpu.memory_space<vmem>>) dst(%dma_wait3A_384 : memref<10240x64xf32, #tpu.memory_space<vmem_shared>>)
    %dma_wait3A_385 = arith.constant 74 : i32
    %dma_wait3A_386 = arith.constant 0 : i32
    %dma_wait3A_387 = tpu.memref_slice %arg6[%dma_wait3A_385, %dma_wait3A_386] : memref<80x125xi32, #tpu.memory_space<vmem>> -> memref<1x125xi32, #tpu.memory_space<vmem>>
    %dma_wait3A_388 = tpu.memref_squeeze %dma_wait3A_387 : memref<1x125xi32, #tpu.memory_space<vmem>> -> memref<125xi32, #tpu.memory_space<vmem>>
    %dma_wait3A_389 = arith.constant 0 : i32
    %dma_wait3A_390 = arith.constant 0 : i32
    %dma_wait3A_391 = tpu.memref_slice %arg15[%dma_wait3A_389, %dma_wait3A_390] : memref<10240x64xf32, #tpu.memory_space<vmem_shared>> -> memref<10240x64xf32, #tpu.memory_space<vmem_shared>>
    tpu.wait_indirect_dma semaphore(%arg26 : memref<!tpu.dma_semaphore, #tpu.memory_space<semaphore_mem>>) src(%arg9 : memref<125x64xf32, #tpu.memory_space<vmem>>) dst(%dma_wait3A_391 : memref<10240x64xf32, #tpu.memory_space<vmem_shared>>)
    %dma_wait3A_392 = arith.constant 75 : i32
    %dma_wait3A_393 = arith.constant 0 : i32
    %dma_wait3A_394 = tpu.memref_slice %arg6[%dma_wait3A_392, %dma_wait3A_393] : memref<80x125xi32, #tpu.memory_space<vmem>> -> memref<1x125xi32, #tpu.memory_space<vmem>>
    %dma_wait3A_395 = tpu.memref_squeeze %dma_wait3A_394 : memref<1x125xi32, #tpu.memory_space<vmem>> -> memref<125xi32, #tpu.memory_space<vmem>>
    %dma_wait3A_396 = arith.constant 0 : i32
    %dma_wait3A_397 = arith.constant 0 : i32
    %dma_wait3A_398 = tpu.memref_slice %arg15[%dma_wait3A_396, %dma_wait3A_397] : memref<10240x64xf32, #tpu.memory_space<vmem_shared>> -> memref<10240x64xf32, #tpu.memory_space<vmem_shared>>
    tpu.wait_indirect_dma semaphore(%arg27 : memref<!tpu.dma_semaphore, #tpu.memory_space<semaphore_mem>>) src(%arg10 : memref<125x64xf32, #tpu.memory_space<vmem>>) dst(%dma_wait3A_398 : memref<10240x64xf32, #tpu.memory_space<vmem_shared>>)
    %dma_wait3A_399 = arith.constant 76 : i32
    %dma_wait3A_400 = arith.constant 0 : i32
    %dma_wait3A_401 = tpu.memref_slice %arg6[%dma_wait3A_399, %dma_wait3A_400] : memref<80x125xi32, #tpu.memory_space<vmem>> -> memref<1x125xi32, #tpu.memory_space<vmem>>
    %dma_wait3A_402 = tpu.memref_squeeze %dma_wait3A_401 : memref<1x125xi32, #tpu.memory_space<vmem>> -> memref<125xi32, #tpu.memory_space<vmem>>
    %dma_wait3A_403 = arith.constant 0 : i32
    %dma_wait3A_404 = arith.constant 0 : i32
    %dma_wait3A_405 = tpu.memref_slice %arg15[%dma_wait3A_403, %dma_wait3A_404] : memref<10240x64xf32, #tpu.memory_space<vmem_shared>> -> memref<10240x64xf32, #tpu.memory_space<vmem_shared>>
    tpu.wait_indirect_dma semaphore(%arg28 : memref<!tpu.dma_semaphore, #tpu.memory_space<semaphore_mem>>) src(%arg11 : memref<125x64xf32, #tpu.memory_space<vmem>>) dst(%dma_wait3A_405 : memref<10240x64xf32, #tpu.memory_space<vmem_shared>>)
    %dma_wait3A_406 = arith.constant 77 : i32
    %dma_wait3A_407 = arith.constant 0 : i32
    %dma_wait3A_408 = tpu.memref_slice %arg6[%dma_wait3A_406, %dma_wait3A_407] : memref<80x125xi32, #tpu.memory_space<vmem>> -> memref<1x125xi32, #tpu.memory_space<vmem>>
    %dma_wait3A_409 = tpu.memref_squeeze %dma_wait3A_408 : memref<1x125xi32, #tpu.memory_space<vmem>> -> memref<125xi32, #tpu.memory_space<vmem>>
    %dma_wait3A_410 = arith.constant 0 : i32
    %dma_wait3A_411 = arith.constant 0 : i32
    %dma_wait3A_412 = tpu.memref_slice %arg15[%dma_wait3A_410, %dma_wait3A_411] : memref<10240x64xf32, #tpu.memory_space<vmem_shared>> -> memref<10240x64xf32, #tpu.memory_space<vmem_shared>>
    tpu.wait_indirect_dma semaphore(%arg29 : memref<!tpu.dma_semaphore, #tpu.memory_space<semaphore_mem>>) src(%arg12 : memref<125x64xf32, #tpu.memory_space<vmem>>) dst(%dma_wait3A_412 : memref<10240x64xf32, #tpu.memory_space<vmem_shared>>)
    %dma_wait3A_413 = arith.constant 78 : i32
    %dma_wait3A_414 = arith.constant 0 : i32
    %dma_wait3A_415 = tpu.memref_slice %arg6[%dma_wait3A_413, %dma_wait3A_414] : memref<80x125xi32, #tpu.memory_space<vmem>> -> memref<1x125xi32, #tpu.memory_space<vmem>>
    %dma_wait3A_416 = tpu.memref_squeeze %dma_wait3A_415 : memref<1x125xi32, #tpu.memory_space<vmem>> -> memref<125xi32, #tpu.memory_space<vmem>>
    %dma_wait3A_417 = arith.constant 0 : i32
    %dma_wait3A_418 = arith.constant 0 : i32
    %dma_wait3A_419 = tpu.memref_slice %arg15[%dma_wait3A_417, %dma_wait3A_418] : memref<10240x64xf32, #tpu.memory_space<vmem_shared>> -> memref<10240x64xf32, #tpu.memory_space<vmem_shared>>
    tpu.wait_indirect_dma semaphore(%arg30 : memref<!tpu.dma_semaphore, #tpu.memory_space<semaphore_mem>>) src(%arg13 : memref<125x64xf32, #tpu.memory_space<vmem>>) dst(%dma_wait3A_419 : memref<10240x64xf32, #tpu.memory_space<vmem_shared>>)
    %dma_wait3A_420 = arith.constant 79 : i32
    %dma_wait3A_421 = arith.constant 0 : i32
    %dma_wait3A_422 = tpu.memref_slice %arg6[%dma_wait3A_420, %dma_wait3A_421] : memref<80x125xi32, #tpu.memory_space<vmem>> -> memref<1x125xi32, #tpu.memory_space<vmem>>
    %dma_wait3A_423 = tpu.memref_squeeze %dma_wait3A_422 : memref<1x125xi32, #tpu.memory_space<vmem>> -> memref<125xi32, #tpu.memory_space<vmem>>
    %dma_wait3A_424 = arith.constant 0 : i32
    %dma_wait3A_425 = arith.constant 0 : i32
    %dma_wait3A_426 = tpu.memref_slice %arg15[%dma_wait3A_424, %dma_wait3A_425] : memref<10240x64xf32, #tpu.memory_space<vmem_shared>> -> memref<10240x64xf32, #tpu.memory_space<vmem_shared>>
    tpu.wait_indirect_dma semaphore(%arg31 : memref<!tpu.dma_semaphore, #tpu.memory_space<semaphore_mem>>) src(%arg14 : memref<125x64xf32, #tpu.memory_space<vmem>>) dst(%dma_wait3A_426 : memref<10240x64xf32, #tpu.memory_space<vmem_shared>>)
    %barrier3A_427 = arith.constant 0 : index
    tpu.barrier barrier_id(%barrier3A_427)
    %add3A_428 = arith.constant 0 : i32
    %add3A_429 = arith.addi %mul3A_6, %add3A_428 : i32
    %dma_start3A_430 = arith.constant 0 : i32
    %dma_start3A_431 = arith.constant 0 : i32
    %dma_start3A_432 = tpu.memref_slice %arg7[%dma_start3A_430, %dma_start3A_431] : memref<125x64xf32, #tpu.memory_space<vmem>> -> memref<80x64xf32, #tpu.memory_space<vmem>>
    %dma_start3A_433 = arith.constant 0 : i32
    %dma_start3A_434 = tpu.memref_slice %arg15[%add3A_429, %dma_start3A_433] : memref<10240x64xf32, #tpu.memory_space<vmem_shared>> -> memref<80x64xf32, #tpu.memory_space<vmem_shared>>
    %dma_start3A_435 = arith.constant 0 : i32
    %dma_start3A_436 = arith.constant 0 : i32
    %dma_start3A_437 = tpu.memref_slice %arg7[%dma_start3A_435, %dma_start3A_436] : memref<125x64xf32, #tpu.memory_space<vmem>> -> memref<80x64xf32, #tpu.memory_space<vmem>>
    %dma_start3A_438 = arith.constant 0 : i32
    %dma_start3A_439 = tpu.memref_slice %arg15[%add3A_429, %dma_start3A_438] : memref<10240x64xf32, #tpu.memory_space<vmem_shared>> -> memref<80x64xf32, #tpu.memory_space<vmem_shared>>
    tpu.enqueue_dma source(%dma_start3A_439 : memref<80x64xf32, #tpu.memory_space<vmem_shared>>) target(%dma_start3A_437 : memref<80x64xf32, #tpu.memory_space<vmem>>) target_semaphore(%arg16 : memref<!tpu.dma_semaphore, #tpu.memory_space<semaphore_mem>>)
    %add3A_440 = arith.constant 80 : i32
    %add3A_441 = arith.addi %mul3A_6, %add3A_440 : i32
    %dma_start3A_442 = arith.constant 0 : i32
    %dma_start3A_443 = arith.constant 0 : i32
    %dma_start3A_444 = tpu.memref_slice %arg8[%dma_start3A_442, %dma_start3A_443] : memref<125x64xf32, #tpu.memory_space<vmem>> -> memref<80x64xf32, #tpu.memory_space<vmem>>
    %dma_start3A_445 = arith.constant 0 : i32
    %dma_start3A_446 = tpu.memref_slice %arg15[%add3A_441, %dma_start3A_445] : memref<10240x64xf32, #tpu.memory_space<vmem_shared>> -> memref<80x64xf32, #tpu.memory_space<vmem_shared>>
    %dma_start3A_447 = arith.constant 0 : i32
    %dma_start3A_448 = arith.constant 0 : i32
    %dma_start3A_449 = tpu.memref_slice %arg8[%dma_start3A_447, %dma_start3A_448] : memref<125x64xf32, #tpu.memory_space<vmem>> -> memref<80x64xf32, #tpu.memory_space<vmem>>
    %dma_start3A_450 = arith.constant 0 : i32
    %dma_start3A_451 = tpu.memref_slice %arg15[%add3A_441, %dma_start3A_450] : memref<10240x64xf32, #tpu.memory_space<vmem_shared>> -> memref<80x64xf32, #tpu.memory_space<vmem_shared>>
    tpu.enqueue_dma source(%dma_start3A_451 : memref<80x64xf32, #tpu.memory_space<vmem_shared>>) target(%dma_start3A_449 : memref<80x64xf32, #tpu.memory_space<vmem>>) target_semaphore(%arg17 : memref<!tpu.dma_semaphore, #tpu.memory_space<semaphore_mem>>)
    %add3A_452 = arith.constant 160 : i32
    %add3A_453 = arith.addi %mul3A_6, %add3A_452 : i32
    %dma_start3A_454 = arith.constant 0 : i32
    %dma_start3A_455 = arith.constant 0 : i32
    %dma_start3A_456 = tpu.memref_slice %arg9[%dma_start3A_454, %dma_start3A_455] : memref<125x64xf32, #tpu.memory_space<vmem>> -> memref<80x64xf32, #tpu.memory_space<vmem>>
    %dma_start3A_457 = arith.constant 0 : i32
    %dma_start3A_458 = tpu.memref_slice %arg15[%add3A_453, %dma_start3A_457] : memref<10240x64xf32, #tpu.memory_space<vmem_shared>> -> memref<80x64xf32, #tpu.memory_space<vmem_shared>>
    %dma_start3A_459 = arith.constant 0 : i32
    %dma_start3A_460 = arith.constant 0 : i32
    %dma_start3A_461 = tpu.memref_slice %arg9[%dma_start3A_459, %dma_start3A_460] : memref<125x64xf32, #tpu.memory_space<vmem>> -> memref<80x64xf32, #tpu.memory_space<vmem>>
    %dma_start3A_462 = arith.constant 0 : i32
    %dma_start3A_463 = tpu.memref_slice %arg15[%add3A_453, %dma_start3A_462] : memref<10240x64xf32, #tpu.memory_space<vmem_shared>> -> memref<80x64xf32, #tpu.memory_space<vmem_shared>>
    tpu.enqueue_dma source(%dma_start3A_463 : memref<80x64xf32, #tpu.memory_space<vmem_shared>>) target(%dma_start3A_461 : memref<80x64xf32, #tpu.memory_space<vmem>>) target_semaphore(%arg18 : memref<!tpu.dma_semaphore, #tpu.memory_space<semaphore_mem>>)
    %add3A_464 = arith.constant 240 : i32
    %add3A_465 = arith.addi %mul3A_6, %add3A_464 : i32
    %dma_start3A_466 = arith.constant 0 : i32
    %dma_start3A_467 = arith.constant 0 : i32
    %dma_start3A_468 = tpu.memref_slice %arg10[%dma_start3A_466, %dma_start3A_467] : memref<125x64xf32, #tpu.memory_space<vmem>> -> memref<80x64xf32, #tpu.memory_space<vmem>>
    %dma_start3A_469 = arith.constant 0 : i32
    %dma_start3A_470 = tpu.memref_slice %arg15[%add3A_465, %dma_start3A_469] : memref<10240x64xf32, #tpu.memory_space<vmem_shared>> -> memref<80x64xf32, #tpu.memory_space<vmem_shared>>
    %dma_start3A_471 = arith.constant 0 : i32
    %dma_start3A_472 = arith.constant 0 : i32
    %dma_start3A_473 = tpu.memref_slice %arg10[%dma_start3A_471, %dma_start3A_472] : memref<125x64xf32, #tpu.memory_space<vmem>> -> memref<80x64xf32, #tpu.memory_space<vmem>>
    %dma_start3A_474 = arith.constant 0 : i32
    %dma_start3A_475 = tpu.memref_slice %arg15[%add3A_465, %dma_start3A_474] : memref<10240x64xf32, #tpu.memory_space<vmem_shared>> -> memref<80x64xf32, #tpu.memory_space<vmem_shared>>
    tpu.enqueue_dma source(%dma_start3A_475 : memref<80x64xf32, #tpu.memory_space<vmem_shared>>) target(%dma_start3A_473 : memref<80x64xf32, #tpu.memory_space<vmem>>) target_semaphore(%arg19 : memref<!tpu.dma_semaphore, #tpu.memory_space<semaphore_mem>>)
    %add3A_476 = arith.constant 320 : i32
    %add3A_477 = arith.addi %mul3A_6, %add3A_476 : i32
    %dma_start3A_478 = arith.constant 0 : i32
    %dma_start3A_479 = arith.constant 0 : i32
    %dma_start3A_480 = tpu.memref_slice %arg11[%dma_start3A_478, %dma_start3A_479] : memref<125x64xf32, #tpu.memory_space<vmem>> -> memref<80x64xf32, #tpu.memory_space<vmem>>
    %dma_start3A_481 = arith.constant 0 : i32
    %dma_start3A_482 = tpu.memref_slice %arg15[%add3A_477, %dma_start3A_481] : memref<10240x64xf32, #tpu.memory_space<vmem_shared>> -> memref<80x64xf32, #tpu.memory_space<vmem_shared>>
    %dma_start3A_483 = arith.constant 0 : i32
    %dma_start3A_484 = arith.constant 0 : i32
    %dma_start3A_485 = tpu.memref_slice %arg11[%dma_start3A_483, %dma_start3A_484] : memref<125x64xf32, #tpu.memory_space<vmem>> -> memref<80x64xf32, #tpu.memory_space<vmem>>
    %dma_start3A_486 = arith.constant 0 : i32
    %dma_start3A_487 = tpu.memref_slice %arg15[%add3A_477, %dma_start3A_486] : memref<10240x64xf32, #tpu.memory_space<vmem_shared>> -> memref<80x64xf32, #tpu.memory_space<vmem_shared>>
    tpu.enqueue_dma source(%dma_start3A_487 : memref<80x64xf32, #tpu.memory_space<vmem_shared>>) target(%dma_start3A_485 : memref<80x64xf32, #tpu.memory_space<vmem>>) target_semaphore(%arg20 : memref<!tpu.dma_semaphore, #tpu.memory_space<semaphore_mem>>)
    %add3A_488 = arith.constant 400 : i32
    %add3A_489 = arith.addi %mul3A_6, %add3A_488 : i32
    %dma_start3A_490 = arith.constant 0 : i32
    %dma_start3A_491 = arith.constant 0 : i32
    %dma_start3A_492 = tpu.memref_slice %arg12[%dma_start3A_490, %dma_start3A_491] : memref<125x64xf32, #tpu.memory_space<vmem>> -> memref<80x64xf32, #tpu.memory_space<vmem>>
    %dma_start3A_493 = arith.constant 0 : i32
    %dma_start3A_494 = tpu.memref_slice %arg15[%add3A_489, %dma_start3A_493] : memref<10240x64xf32, #tpu.memory_space<vmem_shared>> -> memref<80x64xf32, #tpu.memory_space<vmem_shared>>
    %dma_start3A_495 = arith.constant 0 : i32
    %dma_start3A_496 = arith.constant 0 : i32
    %dma_start3A_497 = tpu.memref_slice %arg12[%dma_start3A_495, %dma_start3A_496] : memref<125x64xf32, #tpu.memory_space<vmem>> -> memref<80x64xf32, #tpu.memory_space<vmem>>
    %dma_start3A_498 = arith.constant 0 : i32
    %dma_start3A_499 = tpu.memref_slice %arg15[%add3A_489, %dma_start3A_498] : memref<10240x64xf32, #tpu.memory_space<vmem_shared>> -> memref<80x64xf32, #tpu.memory_space<vmem_shared>>
    tpu.enqueue_dma source(%dma_start3A_499 : memref<80x64xf32, #tpu.memory_space<vmem_shared>>) target(%dma_start3A_497 : memref<80x64xf32, #tpu.memory_space<vmem>>) target_semaphore(%arg21 : memref<!tpu.dma_semaphore, #tpu.memory_space<semaphore_mem>>)
    %add3A_500 = arith.constant 480 : i32
    %add3A_501 = arith.addi %mul3A_6, %add3A_500 : i32
    %dma_start3A_502 = arith.constant 0 : i32
    %dma_start3A_503 = arith.constant 0 : i32
    %dma_start3A_504 = tpu.memref_slice %arg13[%dma_start3A_502, %dma_start3A_503] : memref<125x64xf32, #tpu.memory_space<vmem>> -> memref<80x64xf32, #tpu.memory_space<vmem>>
    %dma_start3A_505 = arith.constant 0 : i32
    %dma_start3A_506 = tpu.memref_slice %arg15[%add3A_501, %dma_start3A_505] : memref<10240x64xf32, #tpu.memory_space<vmem_shared>> -> memref<80x64xf32, #tpu.memory_space<vmem_shared>>
    %dma_start3A_507 = arith.constant 0 : i32
    %dma_start3A_508 = arith.constant 0 : i32
    %dma_start3A_509 = tpu.memref_slice %arg13[%dma_start3A_507, %dma_start3A_508] : memref<125x64xf32, #tpu.memory_space<vmem>> -> memref<80x64xf32, #tpu.memory_space<vmem>>
    %dma_start3A_510 = arith.constant 0 : i32
    %dma_start3A_511 = tpu.memref_slice %arg15[%add3A_501, %dma_start3A_510] : memref<10240x64xf32, #tpu.memory_space<vmem_shared>> -> memref<80x64xf32, #tpu.memory_space<vmem_shared>>
    tpu.enqueue_dma source(%dma_start3A_511 : memref<80x64xf32, #tpu.memory_space<vmem_shared>>) target(%dma_start3A_509 : memref<80x64xf32, #tpu.memory_space<vmem>>) target_semaphore(%arg22 : memref<!tpu.dma_semaphore, #tpu.memory_space<semaphore_mem>>)
    %add3A_512 = arith.constant 560 : i32
    %add3A_513 = arith.addi %mul3A_6, %add3A_512 : i32
    %dma_start3A_514 = arith.constant 0 : i32
    %dma_start3A_515 = arith.constant 0 : i32
    %dma_start3A_516 = tpu.memref_slice %arg14[%dma_start3A_514, %dma_start3A_515] : memref<125x64xf32, #tpu.memory_space<vmem>> -> memref<80x64xf32, #tpu.memory_space<vmem>>
    %dma_start3A_517 = arith.constant 0 : i32
    %dma_start3A_518 = tpu.memref_slice %arg15[%add3A_513, %dma_start3A_517] : memref<10240x64xf32, #tpu.memory_space<vmem_shared>> -> memref<80x64xf32, #tpu.memory_space<vmem_shared>>
    %dma_start3A_519 = arith.constant 0 : i32
    %dma_start3A_520 = arith.constant 0 : i32
    %dma_start3A_521 = tpu.memref_slice %arg14[%dma_start3A_519, %dma_start3A_520] : memref<125x64xf32, #tpu.memory_space<vmem>> -> memref<80x64xf32, #tpu.memory_space<vmem>>
    %dma_start3A_522 = arith.constant 0 : i32
    %dma_start3A_523 = tpu.memref_slice %arg15[%add3A_513, %dma_start3A_522] : memref<10240x64xf32, #tpu.memory_space<vmem_shared>> -> memref<80x64xf32, #tpu.memory_space<vmem_shared>>
    tpu.enqueue_dma source(%dma_start3A_523 : memref<80x64xf32, #tpu.memory_space<vmem_shared>>) target(%dma_start3A_521 : memref<80x64xf32, #tpu.memory_space<vmem>>) target_semaphore(%arg23 : memref<!tpu.dma_semaphore, #tpu.memory_space<semaphore_mem>>)
    %add3A_524 = arith.constant 0 : i32
    %add3A_525 = arith.addi %mul3A_6, %add3A_524 : i32
    %dma_wait3A_526 = arith.constant 0 : i32
    %dma_wait3A_527 = arith.constant 0 : i32
    %dma_wait3A_528 = tpu.memref_slice %arg7[%dma_wait3A_526, %dma_wait3A_527] : memref<125x64xf32, #tpu.memory_space<vmem>> -> memref<80x64xf32, #tpu.memory_space<vmem>>
    %dma_wait3A_529 = arith.constant 0 : i32
    %dma_wait3A_530 = tpu.memref_slice %arg15[%add3A_525, %dma_wait3A_529] : memref<10240x64xf32, #tpu.memory_space<vmem_shared>> -> memref<80x64xf32, #tpu.memory_space<vmem_shared>>
    %dma_wait3A_531 = arith.constant 0 : i32
    %dma_wait3A_532 = arith.constant 0 : i32
    %dma_wait3A_533 = tpu.memref_slice %arg7[%dma_wait3A_531, %dma_wait3A_532] : memref<125x64xf32, #tpu.memory_space<vmem>> -> memref<80x64xf32, #tpu.memory_space<vmem>>
    %dma_wait3A_534 = arith.constant 0 : i32
    %dma_wait3A_535 = tpu.memref_slice %arg15[%add3A_525, %dma_wait3A_534] : memref<10240x64xf32, #tpu.memory_space<vmem_shared>> -> memref<80x64xf32, #tpu.memory_space<vmem_shared>>
    tpu.wait_dma2 semaphore(%arg16 : memref<!tpu.dma_semaphore, #tpu.memory_space<semaphore_mem>>) src(%dma_wait3A_535 : memref<80x64xf32, #tpu.memory_space<vmem_shared>>) dst(%dma_wait3A_533 : memref<80x64xf32, #tpu.memory_space<vmem>>)
    %add3A_536 = arith.constant 0 : i32
    %add3A_537 = arith.addi %mul3A_6, %add3A_536 : i32
    %dma_start3A_538 = arith.constant 0 : i32
    %dma_start3A_539 = arith.constant 0 : i32
    %dma_start3A_540 = tpu.memref_slice %arg7[%dma_start3A_538, %dma_start3A_539] : memref<125x64xf32, #tpu.memory_space<vmem>> -> memref<80x64xf32, #tpu.memory_space<vmem>>
    %dma_start3A_541 = arith.constant 0 : i32
    %dma_start3A_542 = tpu.memref_slice %arg4[%arg0, %add3A_537, %dma_start3A_541] : memref<2x10240x64xf32, #tpu.memory_space<hbm>> -> memref<1x80x64xf32, #tpu.memory_space<hbm>>
    %dma_start3A_543 = tpu.memref_squeeze %dma_start3A_542 : memref<1x80x64xf32, #tpu.memory_space<hbm>> -> memref<80x64xf32, #tpu.memory_space<hbm>>
    %dma_start3A_544 = arith.constant 0 : i32
    %dma_start3A_545 = tpu.memref_slice %arg4[%arg0, %add3A_537, %dma_start3A_544] : memref<2x10240x64xf32, #tpu.memory_space<hbm>> -> memref<1x80x64xf32, #tpu.memory_space<hbm>>
    %dma_start3A_546 = tpu.memref_squeeze %dma_start3A_545 : memref<1x80x64xf32, #tpu.memory_space<hbm>> -> memref<80x64xf32, #tpu.memory_space<hbm>>
    %dma_start3A_547 = arith.constant 0 : i32
    %dma_start3A_548 = arith.constant 0 : i32
    %dma_start3A_549 = tpu.memref_slice %arg7[%dma_start3A_547, %dma_start3A_548] : memref<125x64xf32, #tpu.memory_space<vmem>> -> memref<80x64xf32, #tpu.memory_space<vmem>>
    tpu.enqueue_dma source(%dma_start3A_549 : memref<80x64xf32, #tpu.memory_space<vmem>>) target(%dma_start3A_546 : memref<80x64xf32, #tpu.memory_space<hbm>>) target_semaphore(%arg24 : memref<!tpu.dma_semaphore, #tpu.memory_space<semaphore_mem>>)
    %add3A_550 = arith.constant 80 : i32
    %add3A_551 = arith.addi %mul3A_6, %add3A_550 : i32
    %dma_wait3A_552 = arith.constant 0 : i32
    %dma_wait3A_553 = arith.constant 0 : i32
    %dma_wait3A_554 = tpu.memref_slice %arg8[%dma_wait3A_552, %dma_wait3A_553] : memref<125x64xf32, #tpu.memory_space<vmem>> -> memref<80x64xf32, #tpu.memory_space<vmem>>
    %dma_wait3A_555 = arith.constant 0 : i32
    %dma_wait3A_556 = tpu.memref_slice %arg15[%add3A_551, %dma_wait3A_555] : memref<10240x64xf32, #tpu.memory_space<vmem_shared>> -> memref<80x64xf32, #tpu.memory_space<vmem_shared>>
    %dma_wait3A_557 = arith.constant 0 : i32
    %dma_wait3A_558 = arith.constant 0 : i32
    %dma_wait3A_559 = tpu.memref_slice %arg8[%dma_wait3A_557, %dma_wait3A_558] : memref<125x64xf32, #tpu.memory_space<vmem>> -> memref<80x64xf32, #tpu.memory_space<vmem>>
    %dma_wait3A_560 = arith.constant 0 : i32
    %dma_wait3A_561 = tpu.memref_slice %arg15[%add3A_551, %dma_wait3A_560] : memref<10240x64xf32, #tpu.memory_space<vmem_shared>> -> memref<80x64xf32, #tpu.memory_space<vmem_shared>>
    tpu.wait_dma2 semaphore(%arg17 : memref<!tpu.dma_semaphore, #tpu.memory_space<semaphore_mem>>) src(%dma_wait3A_561 : memref<80x64xf32, #tpu.memory_space<vmem_shared>>) dst(%dma_wait3A_559 : memref<80x64xf32, #tpu.memory_space<vmem>>)
    %add3A_562 = arith.constant 80 : i32
    %add3A_563 = arith.addi %mul3A_6, %add3A_562 : i32
    %dma_start3A_564 = arith.constant 0 : i32
    %dma_start3A_565 = arith.constant 0 : i32
    %dma_start3A_566 = tpu.memref_slice %arg8[%dma_start3A_564, %dma_start3A_565] : memref<125x64xf32, #tpu.memory_space<vmem>> -> memref<80x64xf32, #tpu.memory_space<vmem>>
    %dma_start3A_567 = arith.constant 0 : i32
    %dma_start3A_568 = tpu.memref_slice %arg4[%arg0, %add3A_563, %dma_start3A_567] : memref<2x10240x64xf32, #tpu.memory_space<hbm>> -> memref<1x80x64xf32, #tpu.memory_space<hbm>>
    %dma_start3A_569 = tpu.memref_squeeze %dma_start3A_568 : memref<1x80x64xf32, #tpu.memory_space<hbm>> -> memref<80x64xf32, #tpu.memory_space<hbm>>
    %dma_start3A_570 = arith.constant 0 : i32
    %dma_start3A_571 = tpu.memref_slice %arg4[%arg0, %add3A_563, %dma_start3A_570] : memref<2x10240x64xf32, #tpu.memory_space<hbm>> -> memref<1x80x64xf32, #tpu.memory_space<hbm>>
    %dma_start3A_572 = tpu.memref_squeeze %dma_start3A_571 : memref<1x80x64xf32, #tpu.memory_space<hbm>> -> memref<80x64xf32, #tpu.memory_space<hbm>>
    %dma_start3A_573 = arith.constant 0 : i32
    %dma_start3A_574 = arith.constant 0 : i32
    %dma_start3A_575 = tpu.memref_slice %arg8[%dma_start3A_573, %dma_start3A_574] : memref<125x64xf32, #tpu.memory_space<vmem>> -> memref<80x64xf32, #tpu.memory_space<vmem>>
    tpu.enqueue_dma source(%dma_start3A_575 : memref<80x64xf32, #tpu.memory_space<vmem>>) target(%dma_start3A_572 : memref<80x64xf32, #tpu.memory_space<hbm>>) target_semaphore(%arg25 : memref<!tpu.dma_semaphore, #tpu.memory_space<semaphore_mem>>)
    %add3A_576 = arith.constant 160 : i32
    %add3A_577 = arith.addi %mul3A_6, %add3A_576 : i32
    %dma_wait3A_578 = arith.constant 0 : i32
    %dma_wait3A_579 = arith.constant 0 : i32
    %dma_wait3A_580 = tpu.memref_slice %arg9[%dma_wait3A_578, %dma_wait3A_579] : memref<125x64xf32, #tpu.memory_space<vmem>> -> memref<80x64xf32, #tpu.memory_space<vmem>>
    %dma_wait3A_581 = arith.constant 0 : i32
    %dma_wait3A_582 = tpu.memref_slice %arg15[%add3A_577, %dma_wait3A_581] : memref<10240x64xf32, #tpu.memory_space<vmem_shared>> -> memref<80x64xf32, #tpu.memory_space<vmem_shared>>
    %dma_wait3A_583 = arith.constant 0 : i32
    %dma_wait3A_584 = arith.constant 0 : i32
    %dma_wait3A_585 = tpu.memref_slice %arg9[%dma_wait3A_583, %dma_wait3A_584] : memref<125x64xf32, #tpu.memory_space<vmem>> -> memref<80x64xf32, #tpu.memory_space<vmem>>
    %dma_wait3A_586 = arith.constant 0 : i32
    %dma_wait3A_587 = tpu.memref_slice %arg15[%add3A_577, %dma_wait3A_586] : memref<10240x64xf32, #tpu.memory_space<vmem_shared>> -> memref<80x64xf32, #tpu.memory_space<vmem_shared>>
    tpu.wait_dma2 semaphore(%arg18 : memref<!tpu.dma_semaphore, #tpu.memory_space<semaphore_mem>>) src(%dma_wait3A_587 : memref<80x64xf32, #tpu.memory_space<vmem_shared>>) dst(%dma_wait3A_585 : memref<80x64xf32, #tpu.memory_space<vmem>>)
    %add3A_588 = arith.constant 160 : i32
    %add3A_589 = arith.addi %mul3A_6, %add3A_588 : i32
    %dma_start3A_590 = arith.constant 0 : i32
    %dma_start3A_591 = arith.constant 0 : i32
    %dma_start3A_592 = tpu.memref_slice %arg9[%dma_start3A_590, %dma_start3A_591] : memref<125x64xf32, #tpu.memory_space<vmem>> -> memref<80x64xf32, #tpu.memory_space<vmem>>
    %dma_start3A_593 = arith.constant 0 : i32
    %dma_start3A_594 = tpu.memref_slice %arg4[%arg0, %add3A_589, %dma_start3A_593] : memref<2x10240x64xf32, #tpu.memory_space<hbm>> -> memref<1x80x64xf32, #tpu.memory_space<hbm>>
    %dma_start3A_595 = tpu.memref_squeeze %dma_start3A_594 : memref<1x80x64xf32, #tpu.memory_space<hbm>> -> memref<80x64xf32, #tpu.memory_space<hbm>>
    %dma_start3A_596 = arith.constant 0 : i32
    %dma_start3A_597 = tpu.memref_slice %arg4[%arg0, %add3A_589, %dma_start3A_596] : memref<2x10240x64xf32, #tpu.memory_space<hbm>> -> memref<1x80x64xf32, #tpu.memory_space<hbm>>
    %dma_start3A_598 = tpu.memref_squeeze %dma_start3A_597 : memref<1x80x64xf32, #tpu.memory_space<hbm>> -> memref<80x64xf32, #tpu.memory_space<hbm>>
    %dma_start3A_599 = arith.constant 0 : i32
    %dma_start3A_600 = arith.constant 0 : i32
    %dma_start3A_601 = tpu.memref_slice %arg9[%dma_start3A_599, %dma_start3A_600] : memref<125x64xf32, #tpu.memory_space<vmem>> -> memref<80x64xf32, #tpu.memory_space<vmem>>
    tpu.enqueue_dma source(%dma_start3A_601 : memref<80x64xf32, #tpu.memory_space<vmem>>) target(%dma_start3A_598 : memref<80x64xf32, #tpu.memory_space<hbm>>) target_semaphore(%arg26 : memref<!tpu.dma_semaphore, #tpu.memory_space<semaphore_mem>>)
    %add3A_602 = arith.constant 240 : i32
    %add3A_603 = arith.addi %mul3A_6, %add3A_602 : i32
    %dma_wait3A_604 = arith.constant 0 : i32
    %dma_wait3A_605 = arith.constant 0 : i32
    %dma_wait3A_606 = tpu.memref_slice %arg10[%dma_wait3A_604, %dma_wait3A_605] : memref<125x64xf32, #tpu.memory_space<vmem>> -> memref<80x64xf32, #tpu.memory_space<vmem>>
    %dma_wait3A_607 = arith.constant 0 : i32
    %dma_wait3A_608 = tpu.memref_slice %arg15[%add3A_603, %dma_wait3A_607] : memref<10240x64xf32, #tpu.memory_space<vmem_shared>> -> memref<80x64xf32, #tpu.memory_space<vmem_shared>>
    %dma_wait3A_609 = arith.constant 0 : i32
    %dma_wait3A_610 = arith.constant 0 : i32
    %dma_wait3A_611 = tpu.memref_slice %arg10[%dma_wait3A_609, %dma_wait3A_610] : memref<125x64xf32, #tpu.memory_space<vmem>> -> memref<80x64xf32, #tpu.memory_space<vmem>>
    %dma_wait3A_612 = arith.constant 0 : i32
    %dma_wait3A_613 = tpu.memref_slice %arg15[%add3A_603, %dma_wait3A_612] : memref<10240x64xf32, #tpu.memory_space<vmem_shared>> -> memref<80x64xf32, #tpu.memory_space<vmem_shared>>
    tpu.wait_dma2 semaphore(%arg19 : memref<!tpu.dma_semaphore, #tpu.memory_space<semaphore_mem>>) src(%dma_wait3A_613 : memref<80x64xf32, #tpu.memory_space<vmem_shared>>) dst(%dma_wait3A_611 : memref<80x64xf32, #tpu.memory_space<vmem>>)
    %add3A_614 = arith.constant 240 : i32
    %add3A_615 = arith.addi %mul3A_6, %add3A_614 : i32
    %dma_start3A_616 = arith.constant 0 : i32
    %dma_start3A_617 = arith.constant 0 : i32
    %dma_start3A_618 = tpu.memref_slice %arg10[%dma_start3A_616, %dma_start3A_617] : memref<125x64xf32, #tpu.memory_space<vmem>> -> memref<80x64xf32, #tpu.memory_space<vmem>>
    %dma_start3A_619 = arith.constant 0 : i32
    %dma_start3A_620 = tpu.memref_slice %arg4[%arg0, %add3A_615, %dma_start3A_619] : memref<2x10240x64xf32, #tpu.memory_space<hbm>> -> memref<1x80x64xf32, #tpu.memory_space<hbm>>
    %dma_start3A_621 = tpu.memref_squeeze %dma_start3A_620 : memref<1x80x64xf32, #tpu.memory_space<hbm>> -> memref<80x64xf32, #tpu.memory_space<hbm>>
    %dma_start3A_622 = arith.constant 0 : i32
    %dma_start3A_623 = tpu.memref_slice %arg4[%arg0, %add3A_615, %dma_start3A_622] : memref<2x10240x64xf32, #tpu.memory_space<hbm>> -> memref<1x80x64xf32, #tpu.memory_space<hbm>>
    %dma_start3A_624 = tpu.memref_squeeze %dma_start3A_623 : memref<1x80x64xf32, #tpu.memory_space<hbm>> -> memref<80x64xf32, #tpu.memory_space<hbm>>
    %dma_start3A_625 = arith.constant 0 : i32
    %dma_start3A_626 = arith.constant 0 : i32
    %dma_start3A_627 = tpu.memref_slice %arg10[%dma_start3A_625, %dma_start3A_626] : memref<125x64xf32, #tpu.memory_space<vmem>> -> memref<80x64xf32, #tpu.memory_space<vmem>>
    tpu.enqueue_dma source(%dma_start3A_627 : memref<80x64xf32, #tpu.memory_space<vmem>>) target(%dma_start3A_624 : memref<80x64xf32, #tpu.memory_space<hbm>>) target_semaphore(%arg27 : memref<!tpu.dma_semaphore, #tpu.memory_space<semaphore_mem>>)
    %add3A_628 = arith.constant 320 : i32
    %add3A_629 = arith.addi %mul3A_6, %add3A_628 : i32
    %dma_wait3A_630 = arith.constant 0 : i32
    %dma_wait3A_631 = arith.constant 0 : i32
    %dma_wait3A_632 = tpu.memref_slice %arg11[%dma_wait3A_630, %dma_wait3A_631] : memref<125x64xf32, #tpu.memory_space<vmem>> -> memref<80x64xf32, #tpu.memory_space<vmem>>
    %dma_wait3A_633 = arith.constant 0 : i32
    %dma_wait3A_634 = tpu.memref_slice %arg15[%add3A_629, %dma_wait3A_633] : memref<10240x64xf32, #tpu.memory_space<vmem_shared>> -> memref<80x64xf32, #tpu.memory_space<vmem_shared>>
    %dma_wait3A_635 = arith.constant 0 : i32
    %dma_wait3A_636 = arith.constant 0 : i32
    %dma_wait3A_637 = tpu.memref_slice %arg11[%dma_wait3A_635, %dma_wait3A_636] : memref<125x64xf32, #tpu.memory_space<vmem>> -> memref<80x64xf32, #tpu.memory_space<vmem>>
    %dma_wait3A_638 = arith.constant 0 : i32
    %dma_wait3A_639 = tpu.memref_slice %arg15[%add3A_629, %dma_wait3A_638] : memref<10240x64xf32, #tpu.memory_space<vmem_shared>> -> memref<80x64xf32, #tpu.memory_space<vmem_shared>>
    tpu.wait_dma2 semaphore(%arg20 : memref<!tpu.dma_semaphore, #tpu.memory_space<semaphore_mem>>) src(%dma_wait3A_639 : memref<80x64xf32, #tpu.memory_space<vmem_shared>>) dst(%dma_wait3A_637 : memref<80x64xf32, #tpu.memory_space<vmem>>)
    %add3A_640 = arith.constant 320 : i32
    %add3A_641 = arith.addi %mul3A_6, %add3A_640 : i32
    %dma_start3A_642 = arith.constant 0 : i32
    %dma_start3A_643 = arith.constant 0 : i32
    %dma_start3A_644 = tpu.memref_slice %arg11[%dma_start3A_642, %dma_start3A_643] : memref<125x64xf32, #tpu.memory_space<vmem>> -> memref<80x64xf32, #tpu.memory_space<vmem>>
    %dma_start3A_645 = arith.constant 0 : i32
    %dma_start3A_646 = tpu.memref_slice %arg4[%arg0, %add3A_641, %dma_start3A_645] : memref<2x10240x64xf32, #tpu.memory_space<hbm>> -> memref<1x80x64xf32, #tpu.memory_space<hbm>>
    %dma_start3A_647 = tpu.memref_squeeze %dma_start3A_646 : memref<1x80x64xf32, #tpu.memory_space<hbm>> -> memref<80x64xf32, #tpu.memory_space<hbm>>
    %dma_start3A_648 = arith.constant 0 : i32
    %dma_start3A_649 = tpu.memref_slice %arg4[%arg0, %add3A_641, %dma_start3A_648] : memref<2x10240x64xf32, #tpu.memory_space<hbm>> -> memref<1x80x64xf32, #tpu.memory_space<hbm>>
    %dma_start3A_650 = tpu.memref_squeeze %dma_start3A_649 : memref<1x80x64xf32, #tpu.memory_space<hbm>> -> memref<80x64xf32, #tpu.memory_space<hbm>>
    %dma_start3A_651 = arith.constant 0 : i32
    %dma_start3A_652 = arith.constant 0 : i32
    %dma_start3A_653 = tpu.memref_slice %arg11[%dma_start3A_651, %dma_start3A_652] : memref<125x64xf32, #tpu.memory_space<vmem>> -> memref<80x64xf32, #tpu.memory_space<vmem>>
    tpu.enqueue_dma source(%dma_start3A_653 : memref<80x64xf32, #tpu.memory_space<vmem>>) target(%dma_start3A_650 : memref<80x64xf32, #tpu.memory_space<hbm>>) target_semaphore(%arg28 : memref<!tpu.dma_semaphore, #tpu.memory_space<semaphore_mem>>)
    %add3A_654 = arith.constant 400 : i32
    %add3A_655 = arith.addi %mul3A_6, %add3A_654 : i32
    %dma_wait3A_656 = arith.constant 0 : i32
    %dma_wait3A_657 = arith.constant 0 : i32
    %dma_wait3A_658 = tpu.memref_slice %arg12[%dma_wait3A_656, %dma_wait3A_657] : memref<125x64xf32, #tpu.memory_space<vmem>> -> memref<80x64xf32, #tpu.memory_space<vmem>>
    %dma_wait3A_659 = arith.constant 0 : i32
    %dma_wait3A_660 = tpu.memref_slice %arg15[%add3A_655, %dma_wait3A_659] : memref<10240x64xf32, #tpu.memory_space<vmem_shared>> -> memref<80x64xf32, #tpu.memory_space<vmem_shared>>
    %dma_wait3A_661 = arith.constant 0 : i32
    %dma_wait3A_662 = arith.constant 0 : i32
    %dma_wait3A_663 = tpu.memref_slice %arg12[%dma_wait3A_661, %dma_wait3A_662] : memref<125x64xf32, #tpu.memory_space<vmem>> -> memref<80x64xf32, #tpu.memory_space<vmem>>
    %dma_wait3A_664 = arith.constant 0 : i32
    %dma_wait3A_665 = tpu.memref_slice %arg15[%add3A_655, %dma_wait3A_664] : memref<10240x64xf32, #tpu.memory_space<vmem_shared>> -> memref<80x64xf32, #tpu.memory_space<vmem_shared>>
    tpu.wait_dma2 semaphore(%arg21 : memref<!tpu.dma_semaphore, #tpu.memory_space<semaphore_mem>>) src(%dma_wait3A_665 : memref<80x64xf32, #tpu.memory_space<vmem_shared>>) dst(%dma_wait3A_663 : memref<80x64xf32, #tpu.memory_space<vmem>>)
    %add3A_666 = arith.constant 400 : i32
    %add3A_667 = arith.addi %mul3A_6, %add3A_666 : i32
    %dma_start3A_668 = arith.constant 0 : i32
    %dma_start3A_669 = arith.constant 0 : i32
    %dma_start3A_670 = tpu.memref_slice %arg12[%dma_start3A_668, %dma_start3A_669] : memref<125x64xf32, #tpu.memory_space<vmem>> -> memref<80x64xf32, #tpu.memory_space<vmem>>
    %dma_start3A_671 = arith.constant 0 : i32
    %dma_start3A_672 = tpu.memref_slice %arg4[%arg0, %add3A_667, %dma_start3A_671] : memref<2x10240x64xf32, #tpu.memory_space<hbm>> -> memref<1x80x64xf32, #tpu.memory_space<hbm>>
    %dma_start3A_673 = tpu.memref_squeeze %dma_start3A_672 : memref<1x80x64xf32, #tpu.memory_space<hbm>> -> memref<80x64xf32, #tpu.memory_space<hbm>>
    %dma_start3A_674 = arith.constant 0 : i32
    %dma_start3A_675 = tpu.memref_slice %arg4[%arg0, %add3A_667, %dma_start3A_674] : memref<2x10240x64xf32, #tpu.memory_space<hbm>> -> memref<1x80x64xf32, #tpu.memory_space<hbm>>
    %dma_start3A_676 = tpu.memref_squeeze %dma_start3A_675 : memref<1x80x64xf32, #tpu.memory_space<hbm>> -> memref<80x64xf32, #tpu.memory_space<hbm>>
    %dma_start3A_677 = arith.constant 0 : i32
    %dma_start3A_678 = arith.constant 0 : i32
    %dma_start3A_679 = tpu.memref_slice %arg12[%dma_start3A_677, %dma_start3A_678] : memref<125x64xf32, #tpu.memory_space<vmem>> -> memref<80x64xf32, #tpu.memory_space<vmem>>
    tpu.enqueue_dma source(%dma_start3A_679 : memref<80x64xf32, #tpu.memory_space<vmem>>) target(%dma_start3A_676 : memref<80x64xf32, #tpu.memory_space<hbm>>) target_semaphore(%arg29 : memref<!tpu.dma_semaphore, #tpu.memory_space<semaphore_mem>>)
    %add3A_680 = arith.constant 480 : i32
    %add3A_681 = arith.addi %mul3A_6, %add3A_680 : i32
    %dma_wait3A_682 = arith.constant 0 : i32
    %dma_wait3A_683 = arith.constant 0 : i32
    %dma_wait3A_684 = tpu.memref_slice %arg13[%dma_wait3A_682, %dma_wait3A_683] : memref<125x64xf32, #tpu.memory_space<vmem>> -> memref<80x64xf32, #tpu.memory_space<vmem>>
    %dma_wait3A_685 = arith.constant 0 : i32
    %dma_wait3A_686 = tpu.memref_slice %arg15[%add3A_681, %dma_wait3A_685] : memref<10240x64xf32, #tpu.memory_space<vmem_shared>> -> memref<80x64xf32, #tpu.memory_space<vmem_shared>>
    %dma_wait3A_687 = arith.constant 0 : i32
    %dma_wait3A_688 = arith.constant 0 : i32
    %dma_wait3A_689 = tpu.memref_slice %arg13[%dma_wait3A_687, %dma_wait3A_688] : memref<125x64xf32, #tpu.memory_space<vmem>> -> memref<80x64xf32, #tpu.memory_space<vmem>>
    %dma_wait3A_690 = arith.constant 0 : i32
    %dma_wait3A_691 = tpu.memref_slice %arg15[%add3A_681, %dma_wait3A_690] : memref<10240x64xf32, #tpu.memory_space<vmem_shared>> -> memref<80x64xf32, #tpu.memory_space<vmem_shared>>
    tpu.wait_dma2 semaphore(%arg22 : memref<!tpu.dma_semaphore, #tpu.memory_space<semaphore_mem>>) src(%dma_wait3A_691 : memref<80x64xf32, #tpu.memory_space<vmem_shared>>) dst(%dma_wait3A_689 : memref<80x64xf32, #tpu.memory_space<vmem>>)
    %add3A_692 = arith.constant 480 : i32
    %add3A_693 = arith.addi %mul3A_6, %add3A_692 : i32
    %dma_start3A_694 = arith.constant 0 : i32
    %dma_start3A_695 = arith.constant 0 : i32
    %dma_start3A_696 = tpu.memref_slice %arg13[%dma_start3A_694, %dma_start3A_695] : memref<125x64xf32, #tpu.memory_space<vmem>> -> memref<80x64xf32, #tpu.memory_space<vmem>>
    %dma_start3A_697 = arith.constant 0 : i32
    %dma_start3A_698 = tpu.memref_slice %arg4[%arg0, %add3A_693, %dma_start3A_697] : memref<2x10240x64xf32, #tpu.memory_space<hbm>> -> memref<1x80x64xf32, #tpu.memory_space<hbm>>
    %dma_start3A_699 = tpu.memref_squeeze %dma_start3A_698 : memref<1x80x64xf32, #tpu.memory_space<hbm>> -> memref<80x64xf32, #tpu.memory_space<hbm>>
    %dma_start3A_700 = arith.constant 0 : i32
    %dma_start3A_701 = tpu.memref_slice %arg4[%arg0, %add3A_693, %dma_start3A_700] : memref<2x10240x64xf32, #tpu.memory_space<hbm>> -> memref<1x80x64xf32, #tpu.memory_space<hbm>>
    %dma_start3A_702 = tpu.memref_squeeze %dma_start3A_701 : memref<1x80x64xf32, #tpu.memory_space<hbm>> -> memref<80x64xf32, #tpu.memory_space<hbm>>
    %dma_start3A_703 = arith.constant 0 : i32
    %dma_start3A_704 = arith.constant 0 : i32
    %dma_start3A_705 = tpu.memref_slice %arg13[%dma_start3A_703, %dma_start3A_704] : memref<125x64xf32, #tpu.memory_space<vmem>> -> memref<80x64xf32, #tpu.memory_space<vmem>>
    tpu.enqueue_dma source(%dma_start3A_705 : memref<80x64xf32, #tpu.memory_space<vmem>>) target(%dma_start3A_702 : memref<80x64xf32, #tpu.memory_space<hbm>>) target_semaphore(%arg30 : memref<!tpu.dma_semaphore, #tpu.memory_space<semaphore_mem>>)
    %add3A_706 = arith.constant 560 : i32
    %add3A_707 = arith.addi %mul3A_6, %add3A_706 : i32
    %dma_wait3A_708 = arith.constant 0 : i32
    %dma_wait3A_709 = arith.constant 0 : i32
    %dma_wait3A_710 = tpu.memref_slice %arg14[%dma_wait3A_708, %dma_wait3A_709] : memref<125x64xf32, #tpu.memory_space<vmem>> -> memref<80x64xf32, #tpu.memory_space<vmem>>
    %dma_wait3A_711 = arith.constant 0 : i32
    %dma_wait3A_712 = tpu.memref_slice %arg15[%add3A_707, %dma_wait3A_711] : memref<10240x64xf32, #tpu.memory_space<vmem_shared>> -> memref<80x64xf32, #tpu.memory_space<vmem_shared>>
    %dma_wait3A_713 = arith.constant 0 : i32
    %dma_wait3A_714 = arith.constant 0 : i32
    %dma_wait3A_715 = tpu.memref_slice %arg14[%dma_wait3A_713, %dma_wait3A_714] : memref<125x64xf32, #tpu.memory_space<vmem>> -> memref<80x64xf32, #tpu.memory_space<vmem>>
    %dma_wait3A_716 = arith.constant 0 : i32
    %dma_wait3A_717 = tpu.memref_slice %arg15[%add3A_707, %dma_wait3A_716] : memref<10240x64xf32, #tpu.memory_space<vmem_shared>> -> memref<80x64xf32, #tpu.memory_space<vmem_shared>>
    tpu.wait_dma2 semaphore(%arg23 : memref<!tpu.dma_semaphore, #tpu.memory_space<semaphore_mem>>) src(%dma_wait3A_717 : memref<80x64xf32, #tpu.memory_space<vmem_shared>>) dst(%dma_wait3A_715 : memref<80x64xf32, #tpu.memory_space<vmem>>)
    %add3A_718 = arith.constant 560 : i32
    %add3A_719 = arith.addi %mul3A_6, %add3A_718 : i32
    %dma_start3A_720 = arith.constant 0 : i32
    %dma_start3A_721 = arith.constant 0 : i32
    %dma_start3A_722 = tpu.memref_slice %arg14[%dma_start3A_720, %dma_start3A_721] : memref<125x64xf32, #tpu.memory_space<vmem>> -> memref<80x64xf32, #tpu.memory_space<vmem>>
    %dma_start3A_723 = arith.constant 0 : i32
    %dma_start3A_724 = tpu.memref_slice %arg4[%arg0, %add3A_719, %dma_start3A_723] : memref<2x10240x64xf32, #tpu.memory_space<hbm>> -> memref<1x80x64xf32, #tpu.memory_space<hbm>>
    %dma_start3A_725 = tpu.memref_squeeze %dma_start3A_724 : memref<1x80x64xf32, #tpu.memory_space<hbm>> -> memref<80x64xf32, #tpu.memory_space<hbm>>
    %dma_start3A_726 = arith.constant 0 : i32
    %dma_start3A_727 = tpu.memref_slice %arg4[%arg0, %add3A_719, %dma_start3A_726] : memref<2x10240x64xf32, #tpu.memory_space<hbm>> -> memref<1x80x64xf32, #tpu.memory_space<hbm>>
    %dma_start3A_728 = tpu.memref_squeeze %dma_start3A_727 : memref<1x80x64xf32, #tpu.memory_space<hbm>> -> memref<80x64xf32, #tpu.memory_space<hbm>>
    %dma_start3A_729 = arith.constant 0 : i32
    %dma_start3A_730 = arith.constant 0 : i32
    %dma_start3A_731 = tpu.memref_slice %arg14[%dma_start3A_729, %dma_start3A_730] : memref<125x64xf32, #tpu.memory_space<vmem>> -> memref<80x64xf32, #tpu.memory_space<vmem>>
    tpu.enqueue_dma source(%dma_start3A_731 : memref<80x64xf32, #tpu.memory_space<vmem>>) target(%dma_start3A_728 : memref<80x64xf32, #tpu.memory_space<hbm>>) target_semaphore(%arg31 : memref<!tpu.dma_semaphore, #tpu.memory_space<semaphore_mem>>)
    %add3A_732 = arith.constant 0 : i32
    %add3A_733 = arith.addi %mul3A_6, %add3A_732 : i32
    %dma_wait3A_734 = arith.constant 0 : i32
    %dma_wait3A_735 = arith.constant 0 : i32
    %dma_wait3A_736 = tpu.memref_slice %arg7[%dma_wait3A_734, %dma_wait3A_735] : memref<125x64xf32, #tpu.memory_space<vmem>> -> memref<80x64xf32, #tpu.memory_space<vmem>>
    %dma_wait3A_737 = arith.constant 0 : i32
    %dma_wait3A_738 = tpu.memref_slice %arg4[%arg0, %add3A_733, %dma_wait3A_737] : memref<2x10240x64xf32, #tpu.memory_space<hbm>> -> memref<1x80x64xf32, #tpu.memory_space<hbm>>
    %dma_wait3A_739 = tpu.memref_squeeze %dma_wait3A_738 : memref<1x80x64xf32, #tpu.memory_space<hbm>> -> memref<80x64xf32, #tpu.memory_space<hbm>>
    %dma_wait3A_740 = arith.constant 0 : i32
    %dma_wait3A_741 = tpu.memref_slice %arg4[%arg0, %add3A_733, %dma_wait3A_740] : memref<2x10240x64xf32, #tpu.memory_space<hbm>> -> memref<1x80x64xf32, #tpu.memory_space<hbm>>
    %dma_wait3A_742 = tpu.memref_squeeze %dma_wait3A_741 : memref<1x80x64xf32, #tpu.memory_space<hbm>> -> memref<80x64xf32, #tpu.memory_space<hbm>>
    %dma_wait3A_743 = arith.constant 0 : i32
    %dma_wait3A_744 = arith.constant 0 : i32
    %dma_wait3A_745 = tpu.memref_slice %arg7[%dma_wait3A_743, %dma_wait3A_744] : memref<125x64xf32, #tpu.memory_space<vmem>> -> memref<80x64xf32, #tpu.memory_space<vmem>>
    tpu.wait_dma2 semaphore(%arg24 : memref<!tpu.dma_semaphore, #tpu.memory_space<semaphore_mem>>) src(%dma_wait3A_745 : memref<80x64xf32, #tpu.memory_space<vmem>>) dst(%dma_wait3A_742 : memref<80x64xf32, #tpu.memory_space<hbm>>)
    %add3A_746 = arith.constant 80 : i32
    %add3A_747 = arith.addi %mul3A_6, %add3A_746 : i32
    %dma_wait3A_748 = arith.constant 0 : i32
    %dma_wait3A_749 = arith.constant 0 : i32
    %dma_wait3A_750 = tpu.memref_slice %arg8[%dma_wait3A_748, %dma_wait3A_749] : memref<125x64xf32, #tpu.memory_space<vmem>> -> memref<80x64xf32, #tpu.memory_space<vmem>>
    %dma_wait3A_751 = arith.constant 0 : i32
    %dma_wait3A_752 = tpu.memref_slice %arg4[%arg0, %add3A_747, %dma_wait3A_751] : memref<2x10240x64xf32, #tpu.memory_space<hbm>> -> memref<1x80x64xf32, #tpu.memory_space<hbm>>
    %dma_wait3A_753 = tpu.memref_squeeze %dma_wait3A_752 : memref<1x80x64xf32, #tpu.memory_space<hbm>> -> memref<80x64xf32, #tpu.memory_space<hbm>>
    %dma_wait3A_754 = arith.constant 0 : i32
    %dma_wait3A_755 = tpu.memref_slice %arg4[%arg0, %add3A_747, %dma_wait3A_754] : memref<2x10240x64xf32, #tpu.memory_space<hbm>> -> memref<1x80x64xf32, #tpu.memory_space<hbm>>
    %dma_wait3A_756 = tpu.memref_squeeze %dma_wait3A_755 : memref<1x80x64xf32, #tpu.memory_space<hbm>> -> memref<80x64xf32, #tpu.memory_space<hbm>>
    %dma_wait3A_757 = arith.constant 0 : i32
    %dma_wait3A_758 = arith.constant 0 : i32
    %dma_wait3A_759 = tpu.memref_slice %arg8[%dma_wait3A_757, %dma_wait3A_758] : memref<125x64xf32, #tpu.memory_space<vmem>> -> memref<80x64xf32, #tpu.memory_space<vmem>>
    tpu.wait_dma2 semaphore(%arg25 : memref<!tpu.dma_semaphore, #tpu.memory_space<semaphore_mem>>) src(%dma_wait3A_759 : memref<80x64xf32, #tpu.memory_space<vmem>>) dst(%dma_wait3A_756 : memref<80x64xf32, #tpu.memory_space<hbm>>)
    %add3A_760 = arith.constant 160 : i32
    %add3A_761 = arith.addi %mul3A_6, %add3A_760 : i32
    %dma_wait3A_762 = arith.constant 0 : i32
    %dma_wait3A_763 = arith.constant 0 : i32
    %dma_wait3A_764 = tpu.memref_slice %arg9[%dma_wait3A_762, %dma_wait3A_763] : memref<125x64xf32, #tpu.memory_space<vmem>> -> memref<80x64xf32, #tpu.memory_space<vmem>>
    %dma_wait3A_765 = arith.constant 0 : i32
    %dma_wait3A_766 = tpu.memref_slice %arg4[%arg0, %add3A_761, %dma_wait3A_765] : memref<2x10240x64xf32, #tpu.memory_space<hbm>> -> memref<1x80x64xf32, #tpu.memory_space<hbm>>
    %dma_wait3A_767 = tpu.memref_squeeze %dma_wait3A_766 : memref<1x80x64xf32, #tpu.memory_space<hbm>> -> memref<80x64xf32, #tpu.memory_space<hbm>>
    %dma_wait3A_768 = arith.constant 0 : i32
    %dma_wait3A_769 = tpu.memref_slice %arg4[%arg0, %add3A_761, %dma_wait3A_768] : memref<2x10240x64xf32, #tpu.memory_space<hbm>> -> memref<1x80x64xf32, #tpu.memory_space<hbm>>
    %dma_wait3A_770 = tpu.memref_squeeze %dma_wait3A_769 : memref<1x80x64xf32, #tpu.memory_space<hbm>> -> memref<80x64xf32, #tpu.memory_space<hbm>>
    %dma_wait3A_771 = arith.constant 0 : i32
    %dma_wait3A_772 = arith.constant 0 : i32
    %dma_wait3A_773 = tpu.memref_slice %arg9[%dma_wait3A_771, %dma_wait3A_772] : memref<125x64xf32, #tpu.memory_space<vmem>> -> memref<80x64xf32, #tpu.memory_space<vmem>>
    tpu.wait_dma2 semaphore(%arg26 : memref<!tpu.dma_semaphore, #tpu.memory_space<semaphore_mem>>) src(%dma_wait3A_773 : memref<80x64xf32, #tpu.memory_space<vmem>>) dst(%dma_wait3A_770 : memref<80x64xf32, #tpu.memory_space<hbm>>)
    %add3A_774 = arith.constant 240 : i32
    %add3A_775 = arith.addi %mul3A_6, %add3A_774 : i32
    %dma_wait3A_776 = arith.constant 0 : i32
    %dma_wait3A_777 = arith.constant 0 : i32
    %dma_wait3A_778 = tpu.memref_slice %arg10[%dma_wait3A_776, %dma_wait3A_777] : memref<125x64xf32, #tpu.memory_space<vmem>> -> memref<80x64xf32, #tpu.memory_space<vmem>>
    %dma_wait3A_779 = arith.constant 0 : i32
    %dma_wait3A_780 = tpu.memref_slice %arg4[%arg0, %add3A_775, %dma_wait3A_779] : memref<2x10240x64xf32, #tpu.memory_space<hbm>> -> memref<1x80x64xf32, #tpu.memory_space<hbm>>
    %dma_wait3A_781 = tpu.memref_squeeze %dma_wait3A_780 : memref<1x80x64xf32, #tpu.memory_space<hbm>> -> memref<80x64xf32, #tpu.memory_space<hbm>>
    %dma_wait3A_782 = arith.constant 0 : i32
    %dma_wait3A_783 = tpu.memref_slice %arg4[%arg0, %add3A_775, %dma_wait3A_782] : memref<2x10240x64xf32, #tpu.memory_space<hbm>> -> memref<1x80x64xf32, #tpu.memory_space<hbm>>
    %dma_wait3A_784 = tpu.memref_squeeze %dma_wait3A_783 : memref<1x80x64xf32, #tpu.memory_space<hbm>> -> memref<80x64xf32, #tpu.memory_space<hbm>>
    %dma_wait3A_785 = arith.constant 0 : i32
    %dma_wait3A_786 = arith.constant 0 : i32
    %dma_wait3A_787 = tpu.memref_slice %arg10[%dma_wait3A_785, %dma_wait3A_786] : memref<125x64xf32, #tpu.memory_space<vmem>> -> memref<80x64xf32, #tpu.memory_space<vmem>>
    tpu.wait_dma2 semaphore(%arg27 : memref<!tpu.dma_semaphore, #tpu.memory_space<semaphore_mem>>) src(%dma_wait3A_787 : memref<80x64xf32, #tpu.memory_space<vmem>>) dst(%dma_wait3A_784 : memref<80x64xf32, #tpu.memory_space<hbm>>)
    %add3A_788 = arith.constant 320 : i32
    %add3A_789 = arith.addi %mul3A_6, %add3A_788 : i32
    %dma_wait3A_790 = arith.constant 0 : i32
    %dma_wait3A_791 = arith.constant 0 : i32
    %dma_wait3A_792 = tpu.memref_slice %arg11[%dma_wait3A_790, %dma_wait3A_791] : memref<125x64xf32, #tpu.memory_space<vmem>> -> memref<80x64xf32, #tpu.memory_space<vmem>>
    %dma_wait3A_793 = arith.constant 0 : i32
    %dma_wait3A_794 = tpu.memref_slice %arg4[%arg0, %add3A_789, %dma_wait3A_793] : memref<2x10240x64xf32, #tpu.memory_space<hbm>> -> memref<1x80x64xf32, #tpu.memory_space<hbm>>
    %dma_wait3A_795 = tpu.memref_squeeze %dma_wait3A_794 : memref<1x80x64xf32, #tpu.memory_space<hbm>> -> memref<80x64xf32, #tpu.memory_space<hbm>>
    %dma_wait3A_796 = arith.constant 0 : i32
    %dma_wait3A_797 = tpu.memref_slice %arg4[%arg0, %add3A_789, %dma_wait3A_796] : memref<2x10240x64xf32, #tpu.memory_space<hbm>> -> memref<1x80x64xf32, #tpu.memory_space<hbm>>
    %dma_wait3A_798 = tpu.memref_squeeze %dma_wait3A_797 : memref<1x80x64xf32, #tpu.memory_space<hbm>> -> memref<80x64xf32, #tpu.memory_space<hbm>>
    %dma_wait3A_799 = arith.constant 0 : i32
    %dma_wait3A_800 = arith.constant 0 : i32
    %dma_wait3A_801 = tpu.memref_slice %arg11[%dma_wait3A_799, %dma_wait3A_800] : memref<125x64xf32, #tpu.memory_space<vmem>> -> memref<80x64xf32, #tpu.memory_space<vmem>>
    tpu.wait_dma2 semaphore(%arg28 : memref<!tpu.dma_semaphore, #tpu.memory_space<semaphore_mem>>) src(%dma_wait3A_801 : memref<80x64xf32, #tpu.memory_space<vmem>>) dst(%dma_wait3A_798 : memref<80x64xf32, #tpu.memory_space<hbm>>)
    %add3A_802 = arith.constant 400 : i32
    %add3A_803 = arith.addi %mul3A_6, %add3A_802 : i32
    %dma_wait3A_804 = arith.constant 0 : i32
    %dma_wait3A_805 = arith.constant 0 : i32
    %dma_wait3A_806 = tpu.memref_slice %arg12[%dma_wait3A_804, %dma_wait3A_805] : memref<125x64xf32, #tpu.memory_space<vmem>> -> memref<80x64xf32, #tpu.memory_space<vmem>>
    %dma_wait3A_807 = arith.constant 0 : i32
    %dma_wait3A_808 = tpu.memref_slice %arg4[%arg0, %add3A_803, %dma_wait3A_807] : memref<2x10240x64xf32, #tpu.memory_space<hbm>> -> memref<1x80x64xf32, #tpu.memory_space<hbm>>
    %dma_wait3A_809 = tpu.memref_squeeze %dma_wait3A_808 : memref<1x80x64xf32, #tpu.memory_space<hbm>> -> memref<80x64xf32, #tpu.memory_space<hbm>>
    %dma_wait3A_810 = arith.constant 0 : i32
    %dma_wait3A_811 = tpu.memref_slice %arg4[%arg0, %add3A_803, %dma_wait3A_810] : memref<2x10240x64xf32, #tpu.memory_space<hbm>> -> memref<1x80x64xf32, #tpu.memory_space<hbm>>
    %dma_wait3A_812 = tpu.memref_squeeze %dma_wait3A_811 : memref<1x80x64xf32, #tpu.memory_space<hbm>> -> memref<80x64xf32, #tpu.memory_space<hbm>>
    %dma_wait3A_813 = arith.constant 0 : i32
    %dma_wait3A_814 = arith.constant 0 : i32
    %dma_wait3A_815 = tpu.memref_slice %arg12[%dma_wait3A_813, %dma_wait3A_814] : memref<125x64xf32, #tpu.memory_space<vmem>> -> memref<80x64xf32, #tpu.memory_space<vmem>>
    tpu.wait_dma2 semaphore(%arg29 : memref<!tpu.dma_semaphore, #tpu.memory_space<semaphore_mem>>) src(%dma_wait3A_815 : memref<80x64xf32, #tpu.memory_space<vmem>>) dst(%dma_wait3A_812 : memref<80x64xf32, #tpu.memory_space<hbm>>)
    %add3A_816 = arith.constant 480 : i32
    %add3A_817 = arith.addi %mul3A_6, %add3A_816 : i32
    %dma_wait3A_818 = arith.constant 0 : i32
    %dma_wait3A_819 = arith.constant 0 : i32
    %dma_wait3A_820 = tpu.memref_slice %arg13[%dma_wait3A_818, %dma_wait3A_819] : memref<125x64xf32, #tpu.memory_space<vmem>> -> memref<80x64xf32, #tpu.memory_space<vmem>>
    %dma_wait3A_821 = arith.constant 0 : i32
    %dma_wait3A_822 = tpu.memref_slice %arg4[%arg0, %add3A_817, %dma_wait3A_821] : memref<2x10240x64xf32, #tpu.memory_space<hbm>> -> memref<1x80x64xf32, #tpu.memory_space<hbm>>
    %dma_wait3A_823 = tpu.memref_squeeze %dma_wait3A_822 : memref<1x80x64xf32, #tpu.memory_space<hbm>> -> memref<80x64xf32, #tpu.memory_space<hbm>>
    %dma_wait3A_824 = arith.constant 0 : i32
    %dma_wait3A_825 = tpu.memref_slice %arg4[%arg0, %add3A_817, %dma_wait3A_824] : memref<2x10240x64xf32, #tpu.memory_space<hbm>> -> memref<1x80x64xf32, #tpu.memory_space<hbm>>
    %dma_wait3A_826 = tpu.memref_squeeze %dma_wait3A_825 : memref<1x80x64xf32, #tpu.memory_space<hbm>> -> memref<80x64xf32, #tpu.memory_space<hbm>>
    %dma_wait3A_827 = arith.constant 0 : i32
    %dma_wait3A_828 = arith.constant 0 : i32
    %dma_wait3A_829 = tpu.memref_slice %arg13[%dma_wait3A_827, %dma_wait3A_828] : memref<125x64xf32, #tpu.memory_space<vmem>> -> memref<80x64xf32, #tpu.memory_space<vmem>>
    tpu.wait_dma2 semaphore(%arg30 : memref<!tpu.dma_semaphore, #tpu.memory_space<semaphore_mem>>) src(%dma_wait3A_829 : memref<80x64xf32, #tpu.memory_space<vmem>>) dst(%dma_wait3A_826 : memref<80x64xf32, #tpu.memory_space<hbm>>)
    %add3A_830 = arith.constant 560 : i32
    %add3A_831 = arith.addi %mul3A_6, %add3A_830 : i32
    %dma_wait3A_832 = arith.constant 0 : i32
    %dma_wait3A_833 = arith.constant 0 : i32
    %dma_wait3A_834 = tpu.memref_slice %arg14[%dma_wait3A_832, %dma_wait3A_833] : memref<125x64xf32, #tpu.memory_space<vmem>> -> memref<80x64xf32, #tpu.memory_space<vmem>>
    %dma_wait3A_835 = arith.constant 0 : i32
    %dma_wait3A_836 = tpu.memref_slice %arg4[%arg0, %add3A_831, %dma_wait3A_835] : memref<2x10240x64xf32, #tpu.memory_space<hbm>> -> memref<1x80x64xf32, #tpu.memory_space<hbm>>
    %dma_wait3A_837 = tpu.memref_squeeze %dma_wait3A_836 : memref<1x80x64xf32, #tpu.memory_space<hbm>> -> memref<80x64xf32, #tpu.memory_space<hbm>>
    %dma_wait3A_838 = arith.constant 0 : i32
    %dma_wait3A_839 = tpu.memref_slice %arg4[%arg0, %add3A_831, %dma_wait3A_838] : memref<2x10240x64xf32, #tpu.memory_space<hbm>> -> memref<1x80x64xf32, #tpu.memory_space<hbm>>
    %dma_wait3A_840 = tpu.memref_squeeze %dma_wait3A_839 : memref<1x80x64xf32, #tpu.memory_space<hbm>> -> memref<80x64xf32, #tpu.memory_space<hbm>>
    %dma_wait3A_841 = arith.constant 0 : i32
    %dma_wait3A_842 = arith.constant 0 : i32
    %dma_wait3A_843 = tpu.memref_slice %arg14[%dma_wait3A_841, %dma_wait3A_842] : memref<125x64xf32, #tpu.memory_space<vmem>> -> memref<80x64xf32, #tpu.memory_space<vmem>>
    tpu.wait_dma2 semaphore(%arg31 : memref<!tpu.dma_semaphore, #tpu.memory_space<semaphore_mem>>) src(%dma_wait3A_843 : memref<80x64xf32, #tpu.memory_space<vmem>>) dst(%dma_wait3A_840 : memref<80x64xf32, #tpu.memory_space<hbm>>)
    return
  }
}

#map = affine_map<(d0, d1) -> (0, 0, 0, 0)>
#map1 = affine_map<(d0, d1) -> (0, 0)>
#map2 = affine_map<(d0, d1) -> (0, 0, 0)>
module attributes {stable_mosaic.version = 14 : i64} {
  func.func @_agg_body(%arg0: i32, %arg1: i32, %arg2: memref<2x32x80x125xi32, #tpu.memory_space<hbm>>, %arg3: memref<10000x64xf32, #tpu.memory_space<hbm>>, %arg4: memref<2x10240x64xf32, #tpu.memory_space<hbm>>, %arg5: memref<80x125xi32, #tpu.memory_space<vmem>>, %arg6: memref<80x125xi32, #tpu.memory_space<vmem>>, %arg7: memref<125x64xf32, #tpu.memory_space<vmem>>, %arg8: memref<125x64xf32, #tpu.memory_space<vmem>>, %arg9: memref<125x64xf32, #tpu.memory_space<vmem>>, %arg10: memref<125x64xf32, #tpu.memory_space<vmem>>, %arg11: memref<125x64xf32, #tpu.memory_space<vmem>>, %arg12: memref<125x64xf32, #tpu.memory_space<vmem>>, %arg13: memref<125x64xf32, #tpu.memory_space<vmem>>, %arg14: memref<125x64xf32, #tpu.memory_space<vmem>>, %arg15: memref<10240x64xf32, #tpu.memory_space<vmem_shared>>, %arg16: memref<!tpu.dma_semaphore, #tpu.memory_space<semaphore_mem>>, %arg17: memref<!tpu.dma_semaphore, #tpu.memory_space<semaphore_mem>>, %arg18: memref<!tpu.dma_semaphore, #tpu.memory_space<semaphore_mem>>, %arg19: memref<!tpu.dma_semaphore, #tpu.memory_space<semaphore_mem>>, %arg20: memref<!tpu.dma_semaphore, #tpu.memory_space<semaphore_mem>>, %arg21: memref<!tpu.dma_semaphore, #tpu.memory_space<semaphore_mem>>, %arg22: memref<!tpu.dma_semaphore, #tpu.memory_space<semaphore_mem>>, %arg23: memref<!tpu.dma_semaphore, #tpu.memory_space<semaphore_mem>>, %arg24: memref<!tpu.dma_semaphore, #tpu.memory_space<semaphore_mem>>, %arg25: memref<!tpu.dma_semaphore, #tpu.memory_space<semaphore_mem>>, %arg26: memref<!tpu.dma_semaphore, #tpu.memory_space<semaphore_mem>>, %arg27: memref<!tpu.dma_semaphore, #tpu.memory_space<semaphore_mem>>, %arg28: memref<!tpu.dma_semaphore, #tpu.memory_space<semaphore_mem>>, %arg29: memref<!tpu.dma_semaphore, #tpu.memory_space<semaphore_mem>>, %arg30: memref<!tpu.dma_semaphore, #tpu.memory_space<semaphore_mem>>, %arg31: memref<!tpu.dma_semaphore, #tpu.memory_space<semaphore_mem>>) attributes {dimension_semantics = [#tpu.dimension_semantics<core_parallel>, #tpu.dimension_semantics<subcore_parallel>], iteration_bounds = array<i64: 2, 16>, scalar_prefetch = 0 : i64, scratch_operands = 27 : i64, tpu.core_type = #tpu.core_type<sc_vector_subcore>, window_params = [{transform_indices = #map}, {transform_indices = #map1}, {transform_indices = #map2}]} {
    %mul3A = arith.constant 16 : i32
    %mul3A_0 = arith.muli %arg0, %mul3A : i32
    %add3A = arith.addi %mul3A_0, %arg1 : i32
    %scan3A = arith.constant 0 : i32
    %scan3A_1 = arith.constant 125 : i32
    %scan3A_2 = arith.addi %scan3A, %scan3A_1 : i32
    %scan3A_3 = arith.constant 1 : i32
    scf.for %scan3A_844 = %scan3A to %scan3A_2 step %scan3A_3  : i32 {
      %mul3A_845 = arith.constant 1 : i32
      %mul3A_846 = arith.muli %scan3A_844, %mul3A_845 : i32
      %add3A_847 = arith.constant 0 : i32
      %add3A_848 = arith.addi %add3A_847, %mul3A_846 : i32
      %broadcast_in_dim3A = arith.constant 0.000000e+00 : f32
      %broadcast_in_dim3A_849 = vector.broadcast %broadcast_in_dim3A : f32 to vector<16xf32>
      %swap3A = arith.index_cast %add3A_848 : i32 to index
      %swap3A_850 = arith.constant 0 : index
      %swap3A_851 = tpu.vector_load %arg7[%swap3A, %swap3A_850] {strides = array<i32>} : memref<125x64xf32, #tpu.memory_space<vmem>>, vector<1x16xf32>,
      %swap3A_852 = vector.shape_cast %swap3A_851 : vector<1x16xf32> to vector<16xf32>
      %swap3A_853 = vector.shape_cast %broadcast_in_dim3A_849 : vector<16xf32> to vector<1x16xf32>
      tpu.vector_store %arg7[%swap3A, %swap3A_850], %swap3A_853 {strides = array<i32>} : memref<125x64xf32, #tpu.memory_space<vmem>>, vector<1x16xf32>,
      %broadcast_in_dim3A_854 = arith.constant 0.000000e+00 : f32
      %broadcast_in_dim3A_855 = vector.broadcast %broadcast_in_dim3A_854 : f32 to vector<16xf32>
      %swap3A_856 = arith.index_cast %add3A_848 : i32 to index
      %swap3A_857 = arith.constant 16 : index
      %swap3A_858 = tpu.vector_load %arg7[%swap3A_856, %swap3A_857] {strides = array<i32>} : memref<125x64xf32, #tpu.memory_space<vmem>>, vector<1x16xf32>,
      %swap3A_859 = vector.shape_cast %swap3A_858 : vector<1x16xf32> to vector<16xf32>
      %swap3A_860 = vector.shape_cast %broadcast_in_dim3A_855 : vector<16xf32> to vector<1x16xf32>
      tpu.vector_store %arg7[%swap3A_856, %swap3A_857], %swap3A_860 {strides = array<i32>} : memref<125x64xf32, #tpu.memory_space<vmem>>, vector<1x16xf32>,
      %broadcast_in_dim3A_861 = arith.constant 0.000000e+00 : f32
      %broadcast_in_dim3A_862 = vector.broadcast %broadcast_in_dim3A_861 : f32 to vector<16xf32>
      %swap3A_863 = arith.index_cast %add3A_848 : i32 to index
      %swap3A_864 = arith.constant 32 : index
      %swap3A_865 = tpu.vector_load %arg7[%swap3A_863, %swap3A_864] {strides = array<i32>} : memref<125x64xf32, #tpu.memory_space<vmem>>, vector<1x16xf32>,
      %swap3A_866 = vector.shape_cast %swap3A_865 : vector<1x16xf32> to vector<16xf32>
      %swap3A_867 = vector.shape_cast %broadcast_in_dim3A_862 : vector<16xf32> to vector<1x16xf32>
      tpu.vector_store %arg7[%swap3A_863, %swap3A_864], %swap3A_867 {strides = array<i32>} : memref<125x64xf32, #tpu.memory_space<vmem>>, vector<1x16xf32>,
      %broadcast_in_dim3A_868 = arith.constant 0.000000e+00 : f32
      %broadcast_in_dim3A_869 = vector.broadcast %broadcast_in_dim3A_868 : f32 to vector<16xf32>
      %swap3A_870 = arith.index_cast %add3A_848 : i32 to index
      %swap3A_871 = arith.constant 48 : index
      %swap3A_872 = tpu.vector_load %arg7[%swap3A_870, %swap3A_871] {strides = array<i32>} : memref<125x64xf32, #tpu.memory_space<vmem>>, vector<1x16xf32>,
      %swap3A_873 = vector.shape_cast %swap3A_872 : vector<1x16xf32> to vector<16xf32>
      %swap3A_874 = vector.shape_cast %broadcast_in_dim3A_869 : vector<16xf32> to vector<1x16xf32>
      tpu.vector_store %arg7[%swap3A_870, %swap3A_871], %swap3A_874 {strides = array<i32>} : memref<125x64xf32, #tpu.memory_space<vmem>>, vector<1x16xf32>,
    }
    %scan3A_4 = arith.constant 125 : i32
    %mul3A_5 = arith.constant 640 : i32
    %mul3A_6 = arith.muli %arg1, %mul3A_5 : i32
    %add3A_7 = arith.constant 0 : i32
    %add3A_8 = arith.addi %mul3A_6, %add3A_7 : i32
    %dma_start3A = arith.constant 0 : i32
    %dma_start3A_9 = arith.constant 0 : i32
    %dma_start3A_10 = tpu.memref_slice %arg7[%dma_start3A, %dma_start3A_9] : memref<125x64xf32, #tpu.memory_space<vmem>> -> memref<80x64xf32, #tpu.memory_space<vmem>>
    %dma_start3A_11 = arith.constant 0 : i32
    %dma_start3A_12 = tpu.memref_slice %arg15[%add3A_8, %dma_start3A_11] : memref<10240x64xf32, #tpu.memory_space<vmem_shared>> -> memref<80x64xf32, #tpu.memory_space<vmem_shared>>
    %dma_start3A_13 = arith.constant 0 : i32
    %dma_start3A_14 = tpu.memref_slice %arg15[%add3A_8, %dma_start3A_13] : memref<10240x64xf32, #tpu.memory_space<vmem_shared>> -> memref<80x64xf32, #tpu.memory_space<vmem_shared>>
    %dma_start3A_15 = arith.constant 0 : i32
    %dma_start3A_16 = arith.constant 0 : i32
    %dma_start3A_17 = tpu.memref_slice %arg7[%dma_start3A_15, %dma_start3A_16] : memref<125x64xf32, #tpu.memory_space<vmem>> -> memref<80x64xf32, #tpu.memory_space<vmem>>
    tpu.enqueue_dma source(%dma_start3A_17 : memref<80x64xf32, #tpu.memory_space<vmem>>) target(%dma_start3A_14 : memref<80x64xf32, #tpu.memory_space<vmem_shared>>) target_semaphore(%arg16 : memref<!tpu.dma_semaphore, #tpu.memory_space<semaphore_mem>>)
    %add3A_18 = arith.constant 80 : i32
    %add3A_19 = arith.addi %mul3A_6, %add3A_18 : i32
    %dma_start3A_20 = arith.constant 0 : i32
    %dma_start3A_21 = arith.constant 0 : i32
    %dma_start3A_22 = tpu.memref_slice %arg7[%dma_start3A_20, %dma_start3A_21] : memref<125x64xf32, #tpu.memory_space<vmem>> -> memref<80x64xf32, #tpu.memory_space<vmem>>
    %dma_start3A_23 = arith.constant 0 : i32
    %dma_start3A_24 = tpu.memref_slice %arg15[%add3A_19, %dma_start3A_23] : memref<10240x64xf32, #tpu.memory_space<vmem_shared>> -> memref<80x64xf32, #tpu.memory_space<vmem_shared>>
    %dma_start3A_25 = arith.constant 0 : i32
    %dma_start3A_26 = tpu.memref_slice %arg15[%add3A_19, %dma_start3A_25] : memref<10240x64xf32, #tpu.memory_space<vmem_shared>> -> memref<80x64xf32, #tpu.memory_space<vmem_shared>>
    %dma_start3A_27 = arith.constant 0 : i32
    %dma_start3A_28 = arith.constant 0 : i32
    %dma_start3A_29 = tpu.memref_slice %arg7[%dma_start3A_27, %dma_start3A_28] : memref<125x64xf32, #tpu.memory_space<vmem>> -> memref<80x64xf32, #tpu.memory_space<vmem>>
    tpu.enqueue_dma source(%dma_start3A_29 : memref<80x64xf32, #tpu.memory_space<vmem>>) target(%dma_start3A_26 : memref<80x64xf32, #tpu.memory_space<vmem_shared>>) target_semaphore(%arg16 : memref<!tpu.dma_semaphore, #tpu.memory_space<semaphore_mem>>)
    %add3A_30 = arith.constant 160 : i32
    %add3A_31 = arith.addi %mul3A_6, %add3A_30 : i32
    %dma_start3A_32 = arith.constant 0 : i32
    %dma_start3A_33 = arith.constant 0 : i32
    %dma_start3A_34 = tpu.memref_slice %arg7[%dma_start3A_32, %dma_start3A_33] : memref<125x64xf32, #tpu.memory_space<vmem>> -> memref<80x64xf32, #tpu.memory_space<vmem>>
    %dma_start3A_35 = arith.constant 0 : i32
    %dma_start3A_36 = tpu.memref_slice %arg15[%add3A_31, %dma_start3A_35] : memref<10240x64xf32, #tpu.memory_space<vmem_shared>> -> memref<80x64xf32, #tpu.memory_space<vmem_shared>>
    %dma_start3A_37 = arith.constant 0 : i32
    %dma_start3A_38 = tpu.memref_slice %arg15[%add3A_31, %dma_start3A_37] : memref<10240x64xf32, #tpu.memory_space<vmem_shared>> -> memref<80x64xf32, #tpu.memory_space<vmem_shared>>
    %dma_start3A_39 = arith.constant 0 : i32
    %dma_start3A_40 = arith.constant 0 : i32
    %dma_start3A_41 = tpu.memref_slice %arg7[%dma_start3A_39, %dma_start3A_40] : memref<125x64xf32, #tpu.memory_space<vmem>> -> memref<80x64xf32, #tpu.memory_space<vmem>>
    tpu.enqueue_dma source(%dma_start3A_41 : memref<80x64xf32, #tpu.memory_space<vmem>>) target(%dma_start3A_38 : memref<80x64xf32, #tpu.memory_space<vmem_shared>>) target_semaphore(%arg16 : memref<!tpu.dma_semaphore, #tpu.memory_space<semaphore_mem>>)
    %add3A_42 = arith.constant 240 : i32
    %add3A_43 = arith.addi %mul3A_6, %add3A_42 : i32
    %dma_start3A_44 = arith.constant 0 : i32
    %dma_start3A_45 = arith.constant 0 : i32
    %dma_start3A_46 = tpu.memref_slice %arg7[%dma_start3A_44, %dma_start3A_45] : memref<125x64xf32, #tpu.memory_space<vmem>> -> memref<80x64xf32, #tpu.memory_space<vmem>>
    %dma_start3A_47 = arith.constant 0 : i32
    %dma_start3A_48 = tpu.memref_slice %arg15[%add3A_43, %dma_start3A_47] : memref<10240x64xf32, #tpu.memory_space<vmem_shared>> -> memref<80x64xf32, #tpu.memory_space<vmem_shared>>
    %dma_start3A_49 = arith.constant 0 : i32
    %dma_start3A_50 = tpu.memref_slice %arg15[%add3A_43, %dma_start3A_49] : memref<10240x64xf32, #tpu.memory_space<vmem_shared>> -> memref<80x64xf32, #tpu.memory_space<vmem_shared>>
    %dma_start3A_51 = arith.constant 0 : i32
    %dma_start3A_52 = arith.constant 0 : i32
    %dma_start3A_53 = tpu.memref_slice %arg7[%dma_start3A_51, %dma_start3A_52] : memref<125x64xf32, #tpu.memory_space<vmem>> -> memref<80x64xf32, #tpu.memory_space<vmem>>
    tpu.enqueue_dma source(%dma_start3A_53 : memref<80x64xf32, #tpu.memory_space<vmem>>) target(%dma_start3A_50 : memref<80x64xf32, #tpu.memory_space<vmem_shared>>) target_semaphore(%arg16 : memref<!tpu.dma_semaphore, #tpu.memory_space<semaphore_mem>>)
    %add3A_54 = arith.constant 320 : i32
    %add3A_55 = arith.addi %mul3A_6, %add3A_54 : i32
    %dma_start3A_56 = arith.constant 0 : i32
    %dma_start3A_57 = arith.constant 0 : i32
    %dma_start3A_58 = tpu.memref_slice %arg7[%dma_start3A_56, %dma_start3A_57] : memref<125x64xf32, #tpu.memory_space<vmem>> -> memref<80x64xf32, #tpu.memory_space<vmem>>
    %dma_start3A_59 = arith.constant 0 : i32
    %dma_start3A_60 = tpu.memref_slice %arg15[%add3A_55, %dma_start3A_59] : memref<10240x64xf32, #tpu.memory_space<vmem_shared>> -> memref<80x64xf32, #tpu.memory_space<vmem_shared>>
    %dma_start3A_61 = arith.constant 0 : i32
    %dma_start3A_62 = tpu.memref_slice %arg15[%add3A_55, %dma_start3A_61] : memref<10240x64xf32, #tpu.memory_space<vmem_shared>> -> memref<80x64xf32, #tpu.memory_space<vmem_shared>>
    %dma_start3A_63 = arith.constant 0 : i32
    %dma_start3A_64 = arith.constant 0 : i32
    %dma_start3A_65 = tpu.memref_slice %arg7[%dma_start3A_63, %dma_start3A_64] : memref<125x64xf32, #tpu.memory_space<vmem>> -> memref<80x64xf32, #tpu.memory_space<vmem>>
    tpu.enqueue_dma source(%dma_start3A_65 : memref<80x64xf32, #tpu.memory_space<vmem>>) target(%dma_start3A_62 : memref<80x64xf32, #tpu.memory_space<vmem_shared>>) target_semaphore(%arg16 : memref<!tpu.dma_semaphore, #tpu.memory_space<semaphore_mem>>)
    %add3A_66 = arith.constant 400 : i32
    %add3A_67 = arith.addi %mul3A_6, %add3A_66 : i32
    %dma_start3A_68 = arith.constant 0 : i32
    %dma_start3A_69 = arith.constant 0 : i32
    %dma_start3A_70 = tpu.memref_slice %arg7[%dma_start3A_68, %dma_start3A_69] : memref<125x64xf32, #tpu.memory_space<vmem>> -> memref<80x64xf32, #tpu.memory_space<vmem>>
    %dma_start3A_71 = arith.constant 0 : i32
    %dma_start3A_72 = tpu.memref_slice %arg15[%add3A_67, %dma_start3A_71] : memref<10240x64xf32, #tpu.memory_space<vmem_shared>> -> memref<80x64xf32, #tpu.memory_space<vmem_shared>>
    %dma_start3A_73 = arith.constant 0 : i32
    %dma_start3A_74 = tpu.memref_slice %arg15[%add3A_67, %dma_start3A_73] : memref<10240x64xf32, #tpu.memory_space<vmem_shared>> -> memref<80x64xf32, #tpu.memory_space<vmem_shared>>
    %dma_start3A_75 = arith.constant 0 : i32
    %dma_start3A_76 = arith.constant 0 : i32
    %dma_start3A_77 = tpu.memref_slice %arg7[%dma_start3A_75, %dma_start3A_76] : memref<125x64xf32, #tpu.memory_space<vmem>> -> memref<80x64xf32, #tpu.memory_space<vmem>>
    tpu.enqueue_dma source(%dma_start3A_77 : memref<80x64xf32, #tpu.memory_space<vmem>>) target(%dma_start3A_74 : memref<80x64xf32, #tpu.memory_space<vmem_shared>>) target_semaphore(%arg16 : memref<!tpu.dma_semaphore, #tpu.memory_space<semaphore_mem>>)
    %add3A_78 = arith.constant 480 : i32
    %add3A_79 = arith.addi %mul3A_6, %add3A_78 : i32
    %dma_start3A_80 = arith.constant 0 : i32
    %dma_start3A_81 = arith.constant 0 : i32
    %dma_start3A_82 = tpu.memref_slice %arg7[%dma_start3A_80, %dma_start3A_81] : memref<125x64xf32, #tpu.memory_space<vmem>> -> memref<80x64xf32, #tpu.memory_space<vmem>>
    %dma_start3A_83 = arith.constant 0 : i32
    %dma_start3A_84 = tpu.memref_slice %arg15[%add3A_79, %dma_start3A_83] : memref<10240x64xf32, #tpu.memory_space<vmem_shared>> -> memref<80x64xf32, #tpu.memory_space<vmem_shared>>
    %dma_start3A_85 = arith.constant 0 : i32
    %dma_start3A_86 = tpu.memref_slice %arg15[%add3A_79, %dma_start3A_85] : memref<10240x64xf32, #tpu.memory_space<vmem_shared>> -> memref<80x64xf32, #tpu.memory_space<vmem_shared>>
    %dma_start3A_87 = arith.constant 0 : i32
    %dma_start3A_88 = arith.constant 0 : i32
    %dma_start3A_89 = tpu.memref_slice %arg7[%dma_start3A_87, %dma_start3A_88] : memref<125x64xf32, #tpu.memory_space<vmem>> -> memref<80x64xf32, #tpu.memory_space<vmem>>
    tpu.enqueue_dma source(%dma_start3A_89 : memref<80x64xf32, #tpu.memory_space<vmem>>) target(%dma_start3A_86 : memref<80x64xf32, #tpu.memory_space<vmem_shared>>) target_semaphore(%arg16 : memref<!tpu.dma_semaphore, #tpu.memory_space<semaphore_mem>>)
    %add3A_90 = arith.constant 560 : i32
    %add3A_91 = arith.addi %mul3A_6, %add3A_90 : i32
    %dma_start3A_92 = arith.constant 0 : i32
    %dma_start3A_93 = arith.constant 0 : i32
    %dma_start3A_94 = tpu.memref_slice %arg7[%dma_start3A_92, %dma_start3A_93] : memref<125x64xf32, #tpu.memory_space<vmem>> -> memref<80x64xf32, #tpu.memory_space<vmem>>
    %dma_start3A_95 = arith.constant 0 : i32
    %dma_start3A_96 = tpu.memref_slice %arg15[%add3A_91, %dma_start3A_95] : memref<10240x64xf32, #tpu.memory_space<vmem_shared>> -> memref<80x64xf32, #tpu.memory_space<vmem_shared>>
    %dma_start3A_97 = arith.constant 0 : i32
    %dma_start3A_98 = tpu.memref_slice %arg15[%add3A_91, %dma_start3A_97] : memref<10240x64xf32, #tpu.memory_space<vmem_shared>> -> memref<80x64xf32, #tpu.memory_space<vmem_shared>>
    %dma_start3A_99 = arith.constant 0 : i32
    %dma_start3A_100 = arith.constant 0 : i32
    %dma_start3A_101 = tpu.memref_slice %arg7[%dma_start3A_99, %dma_start3A_100] : memref<125x64xf32, #tpu.memory_space<vmem>> -> memref<80x64xf32, #tpu.memory_space<vmem>>
    tpu.enqueue_dma source(%dma_start3A_101 : memref<80x64xf32, #tpu.memory_space<vmem>>) target(%dma_start3A_98 : memref<80x64xf32, #tpu.memory_space<vmem_shared>>) target_semaphore(%arg16 : memref<!tpu.dma_semaphore, #tpu.memory_space<semaphore_mem>>)
    %add3A_102 = arith.constant 0 : i32
    %add3A_103 = arith.addi %mul3A_6, %add3A_102 : i32
    %dma_wait3A = arith.constant 0 : i32
    %dma_wait3A_104 = arith.constant 0 : i32
    %dma_wait3A_105 = tpu.memref_slice %arg7[%dma_wait3A, %dma_wait3A_104] : memref<125x64xf32, #tpu.memory_space<vmem>> -> memref<80x64xf32, #tpu.memory_space<vmem>>
    %dma_wait3A_106 = arith.constant 0 : i32
    %dma_wait3A_107 = tpu.memref_slice %arg15[%add3A_103, %dma_wait3A_106] : memref<10240x64xf32, #tpu.memory_space<vmem_shared>> -> memref<80x64xf32, #tpu.memory_space<vmem_shared>>
    %dma_wait3A_108 = arith.constant 0 : i32
    %dma_wait3A_109 = tpu.memref_slice %arg15[%add3A_103, %dma_wait3A_108] : memref<10240x64xf32, #tpu.memory_space<vmem_shared>> -> memref<80x64xf32, #tpu.memory_space<vmem_shared>>
    %dma_wait3A_110 = arith.constant 0 : i32
    %dma_wait3A_111 = arith.constant 0 : i32
    %dma_wait3A_112 = tpu.memref_slice %arg7[%dma_wait3A_110, %dma_wait3A_111] : memref<125x64xf32, #tpu.memory_space<vmem>> -> memref<80x64xf32, #tpu.memory_space<vmem>>
    tpu.wait_dma2 semaphore(%arg16 : memref<!tpu.dma_semaphore, #tpu.memory_space<semaphore_mem>>) src(%dma_wait3A_112 : memref<80x64xf32, #tpu.memory_space<vmem>>) dst(%dma_wait3A_109 : memref<80x64xf32, #tpu.memory_space<vmem_shared>>)
    %add3A_113 = arith.constant 80 : i32
    %add3A_114 = arith.addi %mul3A_6, %add3A_113 : i32
    %dma_wait3A_115 = arith.constant 0 : i32
    %dma_wait3A_116 = arith.constant 0 : i32
    %dma_wait3A_117 = tpu.memref_slice %arg7[%dma_wait3A_115, %dma_wait3A_116] : memref<125x64xf32, #tpu.memory_space<vmem>> -> memref<80x64xf32, #tpu.memory_space<vmem>>
    %dma_wait3A_118 = arith.constant 0 : i32
    %dma_wait3A_119 = tpu.memref_slice %arg15[%add3A_114, %dma_wait3A_118] : memref<10240x64xf32, #tpu.memory_space<vmem_shared>> -> memref<80x64xf32, #tpu.memory_space<vmem_shared>>
    %dma_wait3A_120 = arith.constant 0 : i32
    %dma_wait3A_121 = tpu.memref_slice %arg15[%add3A_114, %dma_wait3A_120] : memref<10240x64xf32, #tpu.memory_space<vmem_shared>> -> memref<80x64xf32, #tpu.memory_space<vmem_shared>>
    %dma_wait3A_122 = arith.constant 0 : i32
    %dma_wait3A_123 = arith.constant 0 : i32
    %dma_wait3A_124 = tpu.memref_slice %arg7[%dma_wait3A_122, %dma_wait3A_123] : memref<125x64xf32, #tpu.memory_space<vmem>> -> memref<80x64xf32, #tpu.memory_space<vmem>>
    tpu.wait_dma2 semaphore(%arg16 : memref<!tpu.dma_semaphore, #tpu.memory_space<semaphore_mem>>) src(%dma_wait3A_124 : memref<80x64xf32, #tpu.memory_space<vmem>>) dst(%dma_wait3A_121 : memref<80x64xf32, #tpu.memory_space<vmem_shared>>)
    %add3A_125 = arith.constant 160 : i32
    %add3A_126 = arith.addi %mul3A_6, %add3A_125 : i32
    %dma_wait3A_127 = arith.constant 0 : i32
    %dma_wait3A_128 = arith.constant 0 : i32
    %dma_wait3A_129 = tpu.memref_slice %arg7[%dma_wait3A_127, %dma_wait3A_128] : memref<125x64xf32, #tpu.memory_space<vmem>> -> memref<80x64xf32, #tpu.memory_space<vmem>>
    %dma_wait3A_130 = arith.constant 0 : i32
    %dma_wait3A_131 = tpu.memref_slice %arg15[%add3A_126, %dma_wait3A_130] : memref<10240x64xf32, #tpu.memory_space<vmem_shared>> -> memref<80x64xf32, #tpu.memory_space<vmem_shared>>
    %dma_wait3A_132 = arith.constant 0 : i32
    %dma_wait3A_133 = tpu.memref_slice %arg15[%add3A_126, %dma_wait3A_132] : memref<10240x64xf32, #tpu.memory_space<vmem_shared>> -> memref<80x64xf32, #tpu.memory_space<vmem_shared>>
    %dma_wait3A_134 = arith.constant 0 : i32
    %dma_wait3A_135 = arith.constant 0 : i32
    %dma_wait3A_136 = tpu.memref_slice %arg7[%dma_wait3A_134, %dma_wait3A_135] : memref<125x64xf32, #tpu.memory_space<vmem>> -> memref<80x64xf32, #tpu.memory_space<vmem>>
    tpu.wait_dma2 semaphore(%arg16 : memref<!tpu.dma_semaphore, #tpu.memory_space<semaphore_mem>>) src(%dma_wait3A_136 : memref<80x64xf32, #tpu.memory_space<vmem>>) dst(%dma_wait3A_133 : memref<80x64xf32, #tpu.memory_space<vmem_shared>>)
    %add3A_137 = arith.constant 240 : i32
    %add3A_138 = arith.addi %mul3A_6, %add3A_137 : i32
    %dma_wait3A_139 = arith.constant 0 : i32
    %dma_wait3A_140 = arith.constant 0 : i32
    %dma_wait3A_141 = tpu.memref_slice %arg7[%dma_wait3A_139, %dma_wait3A_140] : memref<125x64xf32, #tpu.memory_space<vmem>> -> memref<80x64xf32, #tpu.memory_space<vmem>>
    %dma_wait3A_142 = arith.constant 0 : i32
    %dma_wait3A_143 = tpu.memref_slice %arg15[%add3A_138, %dma_wait3A_142] : memref<10240x64xf32, #tpu.memory_space<vmem_shared>> -> memref<80x64xf32, #tpu.memory_space<vmem_shared>>
    %dma_wait3A_144 = arith.constant 0 : i32
    %dma_wait3A_145 = tpu.memref_slice %arg15[%add3A_138, %dma_wait3A_144] : memref<10240x64xf32, #tpu.memory_space<vmem_shared>> -> memref<80x64xf32, #tpu.memory_space<vmem_shared>>
    %dma_wait3A_146 = arith.constant 0 : i32
    %dma_wait3A_147 = arith.constant 0 : i32
    %dma_wait3A_148 = tpu.memref_slice %arg7[%dma_wait3A_146, %dma_wait3A_147] : memref<125x64xf32, #tpu.memory_space<vmem>> -> memref<80x64xf32, #tpu.memory_space<vmem>>
    tpu.wait_dma2 semaphore(%arg16 : memref<!tpu.dma_semaphore, #tpu.memory_space<semaphore_mem>>) src(%dma_wait3A_148 : memref<80x64xf32, #tpu.memory_space<vmem>>) dst(%dma_wait3A_145 : memref<80x64xf32, #tpu.memory_space<vmem_shared>>)
    %add3A_149 = arith.constant 320 : i32
    %add3A_150 = arith.addi %mul3A_6, %add3A_149 : i32
    %dma_wait3A_151 = arith.constant 0 : i32
    %dma_wait3A_152 = arith.constant 0 : i32
    %dma_wait3A_153 = tpu.memref_slice %arg7[%dma_wait3A_151, %dma_wait3A_152] : memref<125x64xf32, #tpu.memory_space<vmem>> -> memref<80x64xf32, #tpu.memory_space<vmem>>
    %dma_wait3A_154 = arith.constant 0 : i32
    %dma_wait3A_155 = tpu.memref_slice %arg15[%add3A_150, %dma_wait3A_154] : memref<10240x64xf32, #tpu.memory_space<vmem_shared>> -> memref<80x64xf32, #tpu.memory_space<vmem_shared>>
    %dma_wait3A_156 = arith.constant 0 : i32
    %dma_wait3A_157 = tpu.memref_slice %arg15[%add3A_150, %dma_wait3A_156] : memref<10240x64xf32, #tpu.memory_space<vmem_shared>> -> memref<80x64xf32, #tpu.memory_space<vmem_shared>>
    %dma_wait3A_158 = arith.constant 0 : i32
    %dma_wait3A_159 = arith.constant 0 : i32
    %dma_wait3A_160 = tpu.memref_slice %arg7[%dma_wait3A_158, %dma_wait3A_159] : memref<125x64xf32, #tpu.memory_space<vmem>> -> memref<80x64xf32, #tpu.memory_space<vmem>>
    tpu.wait_dma2 semaphore(%arg16 : memref<!tpu.dma_semaphore, #tpu.memory_space<semaphore_mem>>) src(%dma_wait3A_160 : memref<80x64xf32, #tpu.memory_space<vmem>>) dst(%dma_wait3A_157 : memref<80x64xf32, #tpu.memory_space<vmem_shared>>)
    %add3A_161 = arith.constant 400 : i32
    %add3A_162 = arith.addi %mul3A_6, %add3A_161 : i32
    %dma_wait3A_163 = arith.constant 0 : i32
    %dma_wait3A_164 = arith.constant 0 : i32
    %dma_wait3A_165 = tpu.memref_slice %arg7[%dma_wait3A_163, %dma_wait3A_164] : memref<125x64xf32, #tpu.memory_space<vmem>> -> memref<80x64xf32, #tpu.memory_space<vmem>>
    %dma_wait3A_166 = arith.constant 0 : i32
    %dma_wait3A_167 = tpu.memref_slice %arg15[%add3A_162, %dma_wait3A_166] : memref<10240x64xf32, #tpu.memory_space<vmem_shared>> -> memref<80x64xf32, #tpu.memory_space<vmem_shared>>
    %dma_wait3A_168 = arith.constant 0 : i32
    %dma_wait3A_169 = tpu.memref_slice %arg15[%add3A_162, %dma_wait3A_168] : memref<10240x64xf32, #tpu.memory_space<vmem_shared>> -> memref<80x64xf32, #tpu.memory_space<vmem_shared>>
    %dma_wait3A_170 = arith.constant 0 : i32
    %dma_wait3A_171 = arith.constant 0 : i32
    %dma_wait3A_172 = tpu.memref_slice %arg7[%dma_wait3A_170, %dma_wait3A_171] : memref<125x64xf32, #tpu.memory_space<vmem>> -> memref<80x64xf32, #tpu.memory_space<vmem>>
    tpu.wait_dma2 semaphore(%arg16 : memref<!tpu.dma_semaphore, #tpu.memory_space<semaphore_mem>>) src(%dma_wait3A_172 : memref<80x64xf32, #tpu.memory_space<vmem>>) dst(%dma_wait3A_169 : memref<80x64xf32, #tpu.memory_space<vmem_shared>>)
    %add3A_173 = arith.constant 480 : i32
    %add3A_174 = arith.addi %mul3A_6, %add3A_173 : i32
    %dma_wait3A_175 = arith.constant 0 : i32
    %dma_wait3A_176 = arith.constant 0 : i32
    %dma_wait3A_177 = tpu.memref_slice %arg7[%dma_wait3A_175, %dma_wait3A_176] : memref<125x64xf32, #tpu.memory_space<vmem>> -> memref<80x64xf32, #tpu.memory_space<vmem>>
    %dma_wait3A_178 = arith.constant 0 : i32
    %dma_wait3A_179 = tpu.memref_slice %arg15[%add3A_174, %dma_wait3A_178] : memref<10240x64xf32, #tpu.memory_space<vmem_shared>> -> memref<80x64xf32, #tpu.memory_space<vmem_shared>>
    %dma_wait3A_180 = arith.constant 0 : i32
    %dma_wait3A_181 = tpu.memref_slice %arg15[%add3A_174, %dma_wait3A_180] : memref<10240x64xf32, #tpu.memory_space<vmem_shared>> -> memref<80x64xf32, #tpu.memory_space<vmem_shared>>
    %dma_wait3A_182 = arith.constant 0 : i32
    %dma_wait3A_183 = arith.constant 0 : i32
    %dma_wait3A_184 = tpu.memref_slice %arg7[%dma_wait3A_182, %dma_wait3A_183] : memref<125x64xf32, #tpu.memory_space<vmem>> -> memref<80x64xf32, #tpu.memory_space<vmem>>
    tpu.wait_dma2 semaphore(%arg16 : memref<!tpu.dma_semaphore, #tpu.memory_space<semaphore_mem>>) src(%dma_wait3A_184 : memref<80x64xf32, #tpu.memory_space<vmem>>) dst(%dma_wait3A_181 : memref<80x64xf32, #tpu.memory_space<vmem_shared>>)
    %add3A_185 = arith.constant 560 : i32
    %add3A_186 = arith.addi %mul3A_6, %add3A_185 : i32
    %dma_wait3A_187 = arith.constant 0 : i32
    %dma_wait3A_188 = arith.constant 0 : i32
    %dma_wait3A_189 = tpu.memref_slice %arg7[%dma_wait3A_187, %dma_wait3A_188] : memref<125x64xf32, #tpu.memory_space<vmem>> -> memref<80x64xf32, #tpu.memory_space<vmem>>
    %dma_wait3A_190 = arith.constant 0 : i32
    %dma_wait3A_191 = tpu.memref_slice %arg15[%add3A_186, %dma_wait3A_190] : memref<10240x64xf32, #tpu.memory_space<vmem_shared>> -> memref<80x64xf32, #tpu.memory_space<vmem_shared>>
    %dma_wait3A_192 = arith.constant 0 : i32
    %dma_wait3A_193 = tpu.memref_slice %arg15[%add3A_186, %dma_wait3A_192] : memref<10240x64xf32, #tpu.memory_space<vmem_shared>> -> memref<80x64xf32, #tpu.memory_space<vmem_shared>>
    %dma_wait3A_194 = arith.constant 0 : i32
    %dma_wait3A_195 = arith.constant 0 : i32
    %dma_wait3A_196 = tpu.memref_slice %arg7[%dma_wait3A_194, %dma_wait3A_195] : memref<125x64xf32, #tpu.memory_space<vmem>> -> memref<80x64xf32, #tpu.memory_space<vmem>>
    tpu.wait_dma2 semaphore(%arg16 : memref<!tpu.dma_semaphore, #tpu.memory_space<semaphore_mem>>) src(%dma_wait3A_196 : memref<80x64xf32, #tpu.memory_space<vmem>>) dst(%dma_wait3A_193 : memref<80x64xf32, #tpu.memory_space<vmem_shared>>)
    %barrier3A = arith.constant 0 : index
    tpu.barrier barrier_id(%barrier3A)
    %run_scoped3A = arith.constant 0 : i32
    "tpu.region"() ({
      %run_scoped3A_844 = tpu.sem_alloc : memref<!tpu.dma_semaphore, #tpu.memory_space<semaphore_mem>>
      %dma_start3A_845 = arith.constant 0 : i32
      %dma_start3A_846 = arith.constant 0 : i32
      %dma_start3A_847 = tpu.memref_slice %arg2[%run_scoped3A, %add3A, %dma_start3A_845, %dma_start3A_846] : memref<2x32x80x125xi32, #tpu.memory_space<hbm>> -> memref<1x1x80x125xi32, #tpu.memory_space<hbm>>
      %dma_start3A_848 = tpu.memref_squeeze %dma_start3A_847 : memref<1x1x80x125xi32, #tpu.memory_space<hbm>> -> memref<80x125xi32, #tpu.memory_space<hbm>>
      %dma_start3A_849 = arith.constant 0 : i32
      %dma_start3A_850 = arith.constant 0 : i32
      %dma_start3A_851 = tpu.memref_slice %arg2[%run_scoped3A, %add3A, %dma_start3A_849, %dma_start3A_850] : memref<2x32x80x125xi32, #tpu.memory_space<hbm>> -> memref<1x1x80x125xi32, #tpu.memory_space<hbm>>
      %dma_start3A_852 = tpu.memref_squeeze %dma_start3A_851 : memref<1x1x80x125xi32, #tpu.memory_space<hbm>> -> memref<80x125xi32, #tpu.memory_space<hbm>>
      tpu.enqueue_dma source(%dma_start3A_852 : memref<80x125xi32, #tpu.memory_space<hbm>>) target(%arg5 : memref<80x125xi32, #tpu.memory_space<vmem>>) target_semaphore(%run_scoped3A_844 : memref<!tpu.dma_semaphore, #tpu.memory_space<semaphore_mem>>)
      %dma_wait3A_853 = arith.constant 0 : i32
      %dma_wait3A_854 = arith.constant 0 : i32
      %dma_wait3A_855 = tpu.memref_slice %arg2[%run_scoped3A, %add3A, %dma_wait3A_853, %dma_wait3A_854] : memref<2x32x80x125xi32, #tpu.memory_space<hbm>> -> memref<1x1x80x125xi32, #tpu.memory_space<hbm>>
      %dma_wait3A_856 = tpu.memref_squeeze %dma_wait3A_855 : memref<1x1x80x125xi32, #tpu.memory_space<hbm>> -> memref<80x125xi32, #tpu.memory_space<hbm>>
      %dma_wait3A_857 = arith.constant 0 : i32
      %dma_wait3A_858 = arith.constant 0 : i32
      %dma_wait3A_859 = tpu.memref_slice %arg2[%run_scoped3A, %add3A, %dma_wait3A_857, %dma_wait3A_858] : memref<2x32x80x125xi32, #tpu.memory_space<hbm>> -> memref<1x1x80x125xi32, #tpu.memory_space<hbm>>
      %dma_wait3A_860 = tpu.memref_squeeze %dma_wait3A_859 : memref<1x1x80x125xi32, #tpu.memory_space<hbm>> -> memref<80x125xi32, #tpu.memory_space<hbm>>
      tpu.wait_dma2 semaphore(%run_scoped3A_844 : memref<!tpu.dma_semaphore, #tpu.memory_space<semaphore_mem>>) src(%dma_wait3A_860 : memref<80x125xi32, #tpu.memory_space<hbm>>) dst(%arg5 : memref<80x125xi32, #tpu.memory_space<vmem>>)
      tpu.yield
    }) : () -> ()
    %run_scoped3A_197 = arith.constant 1 : i32
    "tpu.region"() ({
      %run_scoped3A_844 = tpu.sem_alloc : memref<!tpu.dma_semaphore, #tpu.memory_space<semaphore_mem>>
      %dma_start3A_845 = arith.constant 0 : i32
      %dma_start3A_846 = arith.constant 0 : i32
      %dma_start3A_847 = tpu.memref_slice %arg2[%run_scoped3A_197, %add3A, %dma_start3A_845, %dma_start3A_846] : memref<2x32x80x125xi32, #tpu.memory_space<hbm>> -> memref<1x1x80x125xi32, #tpu.memory_space<hbm>>
      %dma_start3A_848 = tpu.memref_squeeze %dma_start3A_847 : memref<1x1x80x125xi32, #tpu.memory_space<hbm>> -> memref<80x125xi32, #tpu.memory_space<hbm>>
      %dma_start3A_849 = arith.constant 0 : i32
      %dma_start3A_850 = arith.constant 0 : i32
      %dma_start3A_851 = tpu.memref_slice %arg2[%run_scoped3A_197, %add3A, %dma_start3A_849, %dma_start3A_850] : memref<2x32x80x125xi32, #tpu.memory_space<hbm>> -> memref<1x1x80x125xi32, #tpu.memory_space<hbm>>
      %dma_start3A_852 = tpu.memref_squeeze %dma_start3A_851 : memref<1x1x80x125xi32, #tpu.memory_space<hbm>> -> memref<80x125xi32, #tpu.memory_space<hbm>>
      tpu.enqueue_dma source(%dma_start3A_852 : memref<80x125xi32, #tpu.memory_space<hbm>>) target(%arg6 : memref<80x125xi32, #tpu.memory_space<vmem>>) target_semaphore(%run_scoped3A_844 : memref<!tpu.dma_semaphore, #tpu.memory_space<semaphore_mem>>)
      %dma_wait3A_853 = arith.constant 0 : i32
      %dma_wait3A_854 = arith.constant 0 : i32
      %dma_wait3A_855 = tpu.memref_slice %arg2[%run_scoped3A_197, %add3A, %dma_wait3A_853, %dma_wait3A_854] : memref<2x32x80x125xi32, #tpu.memory_space<hbm>> -> memref<1x1x80x125xi32, #tpu.memory_space<hbm>>
      %dma_wait3A_856 = tpu.memref_squeeze %dma_wait3A_855 : memref<1x1x80x125xi32, #tpu.memory_space<hbm>> -> memref<80x125xi32, #tpu.memory_space<hbm>>
      %dma_wait3A_857 = arith.constant 0 : i32
      %dma_wait3A_858 = arith.constant 0 : i32
      %dma_wait3A_859 = tpu.memref_slice %arg2[%run_scoped3A_197, %add3A, %dma_wait3A_857, %dma_wait3A_858] : memref<2x32x80x125xi32, #tpu.memory_space<hbm>> -> memref<1x1x80x125xi32, #tpu.memory_space<hbm>>
      %dma_wait3A_860 = tpu.memref_squeeze %dma_wait3A_859 : memref<1x1x80x125xi32, #tpu.memory_space<hbm>> -> memref<80x125xi32, #tpu.memory_space<hbm>>
      tpu.wait_dma2 semaphore(%run_scoped3A_844 : memref<!tpu.dma_semaphore, #tpu.memory_space<semaphore_mem>>) src(%dma_wait3A_860 : memref<80x125xi32, #tpu.memory_space<hbm>>) dst(%arg6 : memref<80x125xi32, #tpu.memory_space<vmem>>)
      tpu.yield
    }) : () -> ()
    %dma_start3A_198 = arith.constant 0 : i32
    %dma_start3A_199 = arith.constant 0 : i32
    %dma_start3A_200 = tpu.memref_slice %arg5[%dma_start3A_198, %dma_start3A_199] : memref<80x125xi32, #tpu.memory_space<vmem>> -> memref<1x125xi32, #tpu.memory_space<vmem>>
    %dma_start3A_201 = tpu.memref_squeeze %dma_start3A_200 : memref<1x125xi32, #tpu.memory_space<vmem>> -> memref<125xi32, #tpu.memory_space<vmem>>
    %dma_start3A_202 = arith.constant 0 : i32
    %dma_start3A_203 = arith.constant 0 : i32
    %dma_start3A_204 = tpu.memref_slice %arg3[%dma_start3A_202, %dma_start3A_203] : memref<10000x64xf32, #tpu.memory_space<hbm>> -> memref<10000x64xf32, #tpu.memory_space<hbm>>
    tpu.enqueue_indirect_dma source(%dma_start3A_204 : memref<10000x64xf32, #tpu.memory_space<hbm>>) target(%arg7 : memref<125x64xf32, #tpu.memory_space<vmem>>) offsets(%dma_start3A_201 : memref<125xi32, #tpu.memory_space<vmem>>) semaphore(%arg16 : memref<!tpu.dma_semaphore, #tpu.memory_space<semaphore_mem>>)
    %dma_start3A_205 = arith.constant 1 : i32
    %dma_start3A_206 = arith.constant 0 : i32
    %dma_start3A_207 = tpu.memref_slice %arg5[%dma_start3A_205, %dma_start3A_206] : memref<80x125xi32, #tpu.memory_space<vmem>> -> memref<1x125xi32, #tpu.memory_space<vmem>>
    %dma_start3A_208 = tpu.memref_squeeze %dma_start3A_207 : memref<1x125xi32, #tpu.memory_space<vmem>> -> memref<125xi32, #tpu.memory_space<vmem>>
    %dma_start3A_209 = arith.constant 0 : i32
    %dma_start3A_210 = arith.constant 0 : i32
    %dma_start3A_211 = tpu.memref_slice %arg3[%dma_start3A_209, %dma_start3A_210] : memref<10000x64xf32, #tpu.memory_space<hbm>> -> memref<10000x64xf32, #tpu.memory_space<hbm>>
    tpu.enqueue_indirect_dma source(%dma_start3A_211 : memref<10000x64xf32, #tpu.memory_space<hbm>>) target(%arg8 : memref<125x64xf32, #tpu.memory_space<vmem>>) offsets(%dma_start3A_208 : memref<125xi32, #tpu.memory_space<vmem>>) semaphore(%arg17 : memref<!tpu.dma_semaphore, #tpu.memory_space<semaphore_mem>>)
    %dma_start3A_212 = arith.constant 2 : i32
    %dma_start3A_213 = arith.constant 0 : i32
    %dma_start3A_214 = tpu.memref_slice %arg5[%dma_start3A_212, %dma_start3A_213] : memref<80x125xi32, #tpu.memory_space<vmem>> -> memref<1x125xi32, #tpu.memory_space<vmem>>
    %dma_start3A_215 = tpu.memref_squeeze %dma_start3A_214 : memref<1x125xi32, #tpu.memory_space<vmem>> -> memref<125xi32, #tpu.memory_space<vmem>>
    %dma_start3A_216 = arith.constant 0 : i32
    %dma_start3A_217 = arith.constant 0 : i32
    %dma_start3A_218 = tpu.memref_slice %arg3[%dma_start3A_216, %dma_start3A_217] : memref<10000x64xf32, #tpu.memory_space<hbm>> -> memref<10000x64xf32, #tpu.memory_space<hbm>>
    tpu.enqueue_indirect_dma source(%dma_start3A_218 : memref<10000x64xf32, #tpu.memory_space<hbm>>) target(%arg9 : memref<125x64xf32, #tpu.memory_space<vmem>>) offsets(%dma_start3A_215 : memref<125xi32, #tpu.memory_space<vmem>>) semaphore(%arg18 : memref<!tpu.dma_semaphore, #tpu.memory_space<semaphore_mem>>)
    %dma_start3A_219 = arith.constant 3 : i32
    %dma_start3A_220 = arith.constant 0 : i32
    %dma_start3A_221 = tpu.memref_slice %arg5[%dma_start3A_219, %dma_start3A_220] : memref<80x125xi32, #tpu.memory_space<vmem>> -> memref<1x125xi32, #tpu.memory_space<vmem>>
    %dma_start3A_222 = tpu.memref_squeeze %dma_start3A_221 : memref<1x125xi32, #tpu.memory_space<vmem>> -> memref<125xi32, #tpu.memory_space<vmem>>
    %dma_start3A_223 = arith.constant 0 : i32
    %dma_start3A_224 = arith.constant 0 : i32
    %dma_start3A_225 = tpu.memref_slice %arg3[%dma_start3A_223, %dma_start3A_224] : memref<10000x64xf32, #tpu.memory_space<hbm>> -> memref<10000x64xf32, #tpu.memory_space<hbm>>
    tpu.enqueue_indirect_dma source(%dma_start3A_225 : memref<10000x64xf32, #tpu.memory_space<hbm>>) target(%arg10 : memref<125x64xf32, #tpu.memory_space<vmem>>) offsets(%dma_start3A_222 : memref<125xi32, #tpu.memory_space<vmem>>) semaphore(%arg19 : memref<!tpu.dma_semaphore, #tpu.memory_space<semaphore_mem>>)
    %dma_start3A_226 = arith.constant 4 : i32
    %dma_start3A_227 = arith.constant 0 : i32
    %dma_start3A_228 = tpu.memref_slice %arg5[%dma_start3A_226, %dma_start3A_227] : memref<80x125xi32, #tpu.memory_space<vmem>> -> memref<1x125xi32, #tpu.memory_space<vmem>>
    %dma_start3A_229 = tpu.memref_squeeze %dma_start3A_228 : memref<1x125xi32, #tpu.memory_space<vmem>> -> memref<125xi32, #tpu.memory_space<vmem>>
    %dma_start3A_230 = arith.constant 0 : i32
    %dma_start3A_231 = arith.constant 0 : i32
    %dma_start3A_232 = tpu.memref_slice %arg3[%dma_start3A_230, %dma_start3A_231] : memref<10000x64xf32, #tpu.memory_space<hbm>> -> memref<10000x64xf32, #tpu.memory_space<hbm>>
    tpu.enqueue_indirect_dma source(%dma_start3A_232 : memref<10000x64xf32, #tpu.memory_space<hbm>>) target(%arg11 : memref<125x64xf32, #tpu.memory_space<vmem>>) offsets(%dma_start3A_229 : memref<125xi32, #tpu.memory_space<vmem>>) semaphore(%arg20 : memref<!tpu.dma_semaphore, #tpu.memory_space<semaphore_mem>>)
    %dma_start3A_233 = arith.constant 5 : i32
    %dma_start3A_234 = arith.constant 0 : i32
    %dma_start3A_235 = tpu.memref_slice %arg5[%dma_start3A_233, %dma_start3A_234] : memref<80x125xi32, #tpu.memory_space<vmem>> -> memref<1x125xi32, #tpu.memory_space<vmem>>
    %dma_start3A_236 = tpu.memref_squeeze %dma_start3A_235 : memref<1x125xi32, #tpu.memory_space<vmem>> -> memref<125xi32, #tpu.memory_space<vmem>>
    %dma_start3A_237 = arith.constant 0 : i32
    %dma_start3A_238 = arith.constant 0 : i32
    %dma_start3A_239 = tpu.memref_slice %arg3[%dma_start3A_237, %dma_start3A_238] : memref<10000x64xf32, #tpu.memory_space<hbm>> -> memref<10000x64xf32, #tpu.memory_space<hbm>>
    tpu.enqueue_indirect_dma source(%dma_start3A_239 : memref<10000x64xf32, #tpu.memory_space<hbm>>) target(%arg12 : memref<125x64xf32, #tpu.memory_space<vmem>>) offsets(%dma_start3A_236 : memref<125xi32, #tpu.memory_space<vmem>>) semaphore(%arg21 : memref<!tpu.dma_semaphore, #tpu.memory_space<semaphore_mem>>)
    %dma_start3A_240 = arith.constant 6 : i32
    %dma_start3A_241 = arith.constant 0 : i32
    %dma_start3A_242 = tpu.memref_slice %arg5[%dma_start3A_240, %dma_start3A_241] : memref<80x125xi32, #tpu.memory_space<vmem>> -> memref<1x125xi32, #tpu.memory_space<vmem>>
    %dma_start3A_243 = tpu.memref_squeeze %dma_start3A_242 : memref<1x125xi32, #tpu.memory_space<vmem>> -> memref<125xi32, #tpu.memory_space<vmem>>
    %dma_start3A_244 = arith.constant 0 : i32
    %dma_start3A_245 = arith.constant 0 : i32
    %dma_start3A_246 = tpu.memref_slice %arg3[%dma_start3A_244, %dma_start3A_245] : memref<10000x64xf32, #tpu.memory_space<hbm>> -> memref<10000x64xf32, #tpu.memory_space<hbm>>
    tpu.enqueue_indirect_dma source(%dma_start3A_246 : memref<10000x64xf32, #tpu.memory_space<hbm>>) target(%arg13 : memref<125x64xf32, #tpu.memory_space<vmem>>) offsets(%dma_start3A_243 : memref<125xi32, #tpu.memory_space<vmem>>) semaphore(%arg22 : memref<!tpu.dma_semaphore, #tpu.memory_space<semaphore_mem>>)
    %dma_start3A_247 = arith.constant 7 : i32
    %dma_start3A_248 = arith.constant 0 : i32
    %dma_start3A_249 = tpu.memref_slice %arg5[%dma_start3A_247, %dma_start3A_248] : memref<80x125xi32, #tpu.memory_space<vmem>> -> memref<1x125xi32, #tpu.memory_space<vmem>>
    %dma_start3A_250 = tpu.memref_squeeze %dma_start3A_249 : memref<1x125xi32, #tpu.memory_space<vmem>> -> memref<125xi32, #tpu.memory_space<vmem>>
    %dma_start3A_251 = arith.constant 0 : i32
    %dma_start3A_252 = arith.constant 0 : i32
    %dma_start3A_253 = tpu.memref_slice %arg3[%dma_start3A_251, %dma_start3A_252] : memref<10000x64xf32, #tpu.memory_space<hbm>> -> memref<10000x64xf32, #tpu.memory_space<hbm>>
    tpu.enqueue_indirect_dma source(%dma_start3A_253 : memref<10000x64xf32, #tpu.memory_space<hbm>>) target(%arg14 : memref<125x64xf32, #tpu.memory_space<vmem>>) offsets(%dma_start3A_250 : memref<125xi32, #tpu.memory_space<vmem>>) semaphore(%arg23 : memref<!tpu.dma_semaphore, #tpu.memory_space<semaphore_mem>>)
    %scan3A_254 = arith.constant 0 : i32
    %scan3A_255 = arith.constant 9 : i32
    %scan3A_256 = arith.addi %scan3A_254, %scan3A_255 : i32
    %scan3A_257 = arith.constant 1 : i32
    scf.for %scan3A_844 = %scan3A_254 to %scan3A_256 step %scan3A_257  : i32 {
      %mul3A_845 = arith.constant 8 : i32
      %mul3A_846 = arith.muli %scan3A_844, %mul3A_845 : i32
      %add3A_847 = arith.constant 0 : i32
      %add3A_848 = arith.addi %add3A_847, %mul3A_846 : i32
      %add3A_849 = arith.constant 0 : i32
      %add3A_850 = arith.addi %add3A_848, %add3A_849 : i32
      %dma_wait3A_851 = arith.constant 0 : i32
      %dma_wait3A_852 = tpu.memref_slice %arg5[%add3A_850, %dma_wait3A_851] : memref<80x125xi32, #tpu.memory_space<vmem>> -> memref<1x125xi32, #tpu.memory_space<vmem>>
      %dma_wait3A_853 = tpu.memref_squeeze %dma_wait3A_852 : memref<1x125xi32, #tpu.memory_space<vmem>> -> memref<125xi32, #tpu.memory_space<vmem>>
      %dma_wait3A_854 = arith.constant 0 : i32
      %dma_wait3A_855 = arith.constant 0 : i32
      %dma_wait3A_856 = tpu.memref_slice %arg3[%dma_wait3A_854, %dma_wait3A_855] : memref<10000x64xf32, #tpu.memory_space<hbm>> -> memref<10000x64xf32, #tpu.memory_space<hbm>>
      tpu.wait_indirect_dma semaphore(%arg16 : memref<!tpu.dma_semaphore, #tpu.memory_space<semaphore_mem>>) src(%dma_wait3A_856 : memref<10000x64xf32, #tpu.memory_space<hbm>>) dst(%arg7 : memref<125x64xf32, #tpu.memory_space<vmem>>)
      %add3A_857 = arith.constant 0 : i32
      %add3A_858 = arith.addi %add3A_848, %add3A_857 : i32
      %dma_start3A_859 = arith.constant 0 : i32
      %dma_start3A_860 = tpu.memref_slice %arg6[%add3A_858, %dma_start3A_859] : memref<80x125xi32, #tpu.memory_space<vmem>> -> memref<1x125xi32, #tpu.memory_space<vmem>>
      %dma_start3A_861 = tpu.memref_squeeze %dma_start3A_860 : memref<1x125xi32, #tpu.memory_space<vmem>> -> memref<125xi32, #tpu.memory_space<vmem>>
      %dma_start3A_862 = arith.constant 0 : i32
      %dma_start3A_863 = arith.constant 0 : i32
      %dma_start3A_864 = tpu.memref_slice %arg15[%dma_start3A_862, %dma_start3A_863] : memref<10240x64xf32, #tpu.memory_space<vmem_shared>> -> memref<10240x64xf32, #tpu.memory_space<vmem_shared>>
      tpu.enqueue_indirect_dma source(%arg7 : memref<125x64xf32, #tpu.memory_space<vmem>>) target(%dma_start3A_864 : memref<10240x64xf32, #tpu.memory_space<vmem_shared>>) offsets(%dma_start3A_861 : memref<125xi32, #tpu.memory_space<vmem>>) semaphore(%arg24 : memref<!tpu.dma_semaphore, #tpu.memory_space<semaphore_mem>>) {add = true}
      %add3A_865 = arith.constant 1 : i32
      %add3A_866 = arith.addi %add3A_848, %add3A_865 : i32
      %dma_wait3A_867 = arith.constant 0 : i32
      %dma_wait3A_868 = tpu.memref_slice %arg5[%add3A_866, %dma_wait3A_867] : memref<80x125xi32, #tpu.memory_space<vmem>> -> memref<1x125xi32, #tpu.memory_space<vmem>>
      %dma_wait3A_869 = tpu.memref_squeeze %dma_wait3A_868 : memref<1x125xi32, #tpu.memory_space<vmem>> -> memref<125xi32, #tpu.memory_space<vmem>>
      %dma_wait3A_870 = arith.constant 0 : i32
      %dma_wait3A_871 = arith.constant 0 : i32
      %dma_wait3A_872 = tpu.memref_slice %arg3[%dma_wait3A_870, %dma_wait3A_871] : memref<10000x64xf32, #tpu.memory_space<hbm>> -> memref<10000x64xf32, #tpu.memory_space<hbm>>
      tpu.wait_indirect_dma semaphore(%arg17 : memref<!tpu.dma_semaphore, #tpu.memory_space<semaphore_mem>>) src(%dma_wait3A_872 : memref<10000x64xf32, #tpu.memory_space<hbm>>) dst(%arg8 : memref<125x64xf32, #tpu.memory_space<vmem>>)
      %add3A_873 = arith.constant 1 : i32
      %add3A_874 = arith.addi %add3A_848, %add3A_873 : i32
      %dma_start3A_875 = arith.constant 0 : i32
      %dma_start3A_876 = tpu.memref_slice %arg6[%add3A_874, %dma_start3A_875] : memref<80x125xi32, #tpu.memory_space<vmem>> -> memref<1x125xi32, #tpu.memory_space<vmem>>
      %dma_start3A_877 = tpu.memref_squeeze %dma_start3A_876 : memref<1x125xi32, #tpu.memory_space<vmem>> -> memref<125xi32, #tpu.memory_space<vmem>>
      %dma_start3A_878 = arith.constant 0 : i32
      %dma_start3A_879 = arith.constant 0 : i32
      %dma_start3A_880 = tpu.memref_slice %arg15[%dma_start3A_878, %dma_start3A_879] : memref<10240x64xf32, #tpu.memory_space<vmem_shared>> -> memref<10240x64xf32, #tpu.memory_space<vmem_shared>>
      tpu.enqueue_indirect_dma source(%arg8 : memref<125x64xf32, #tpu.memory_space<vmem>>) target(%dma_start3A_880 : memref<10240x64xf32, #tpu.memory_space<vmem_shared>>) offsets(%dma_start3A_877 : memref<125xi32, #tpu.memory_space<vmem>>) semaphore(%arg25 : memref<!tpu.dma_semaphore, #tpu.memory_space<semaphore_mem>>) {add = true}
      %add3A_881 = arith.constant 2 : i32
      %add3A_882 = arith.addi %add3A_848, %add3A_881 : i32
      %dma_wait3A_883 = arith.constant 0 : i32
      %dma_wait3A_884 = tpu.memref_slice %arg5[%add3A_882, %dma_wait3A_883] : memref<80x125xi32, #tpu.memory_space<vmem>> -> memref<1x125xi32, #tpu.memory_space<vmem>>
      %dma_wait3A_885 = tpu.memref_squeeze %dma_wait3A_884 : memref<1x125xi32, #tpu.memory_space<vmem>> -> memref<125xi32, #tpu.memory_space<vmem>>
      %dma_wait3A_886 = arith.constant 0 : i32
      %dma_wait3A_887 = arith.constant 0 : i32
      %dma_wait3A_888 = tpu.memref_slice %arg3[%dma_wait3A_886, %dma_wait3A_887] : memref<10000x64xf32, #tpu.memory_space<hbm>> -> memref<10000x64xf32, #tpu.memory_space<hbm>>
      tpu.wait_indirect_dma semaphore(%arg18 : memref<!tpu.dma_semaphore, #tpu.memory_space<semaphore_mem>>) src(%dma_wait3A_888 : memref<10000x64xf32, #tpu.memory_space<hbm>>) dst(%arg9 : memref<125x64xf32, #tpu.memory_space<vmem>>)
      %add3A_889 = arith.constant 2 : i32
      %add3A_890 = arith.addi %add3A_848, %add3A_889 : i32
      %dma_start3A_891 = arith.constant 0 : i32
      %dma_start3A_892 = tpu.memref_slice %arg6[%add3A_890, %dma_start3A_891] : memref<80x125xi32, #tpu.memory_space<vmem>> -> memref<1x125xi32, #tpu.memory_space<vmem>>
      %dma_start3A_893 = tpu.memref_squeeze %dma_start3A_892 : memref<1x125xi32, #tpu.memory_space<vmem>> -> memref<125xi32, #tpu.memory_space<vmem>>
      %dma_start3A_894 = arith.constant 0 : i32
      %dma_start3A_895 = arith.constant 0 : i32
      %dma_start3A_896 = tpu.memref_slice %arg15[%dma_start3A_894, %dma_start3A_895] : memref<10240x64xf32, #tpu.memory_space<vmem_shared>> -> memref<10240x64xf32, #tpu.memory_space<vmem_shared>>
      tpu.enqueue_indirect_dma source(%arg9 : memref<125x64xf32, #tpu.memory_space<vmem>>) target(%dma_start3A_896 : memref<10240x64xf32, #tpu.memory_space<vmem_shared>>) offsets(%dma_start3A_893 : memref<125xi32, #tpu.memory_space<vmem>>) semaphore(%arg26 : memref<!tpu.dma_semaphore, #tpu.memory_space<semaphore_mem>>) {add = true}
      %add3A_897 = arith.constant 3 : i32
      %add3A_898 = arith.addi %add3A_848, %add3A_897 : i32
      %dma_wait3A_899 = arith.constant 0 : i32
      %dma_wait3A_900 = tpu.memref_slice %arg5[%add3A_898, %dma_wait3A_899] : memref<80x125xi32, #tpu.memory_space<vmem>> -> memref<1x125xi32, #tpu.memory_space<vmem>>
      %dma_wait3A_901 = tpu.memref_squeeze %dma_wait3A_900 : memref<1x125xi32, #tpu.memory_space<vmem>> -> memref<125xi32, #tpu.memory_space<vmem>>
      %dma_wait3A_902 = arith.constant 0 : i32
      %dma_wait3A_903 = arith.constant 0 : i32
      %dma_wait3A_904 = tpu.memref_slice %arg3[%dma_wait3A_902, %dma_wait3A_903] : memref<10000x64xf32, #tpu.memory_space<hbm>> -> memref<10000x64xf32, #tpu.memory_space<hbm>>
      tpu.wait_indirect_dma semaphore(%arg19 : memref<!tpu.dma_semaphore, #tpu.memory_space<semaphore_mem>>) src(%dma_wait3A_904 : memref<10000x64xf32, #tpu.memory_space<hbm>>) dst(%arg10 : memref<125x64xf32, #tpu.memory_space<vmem>>)
      %add3A_905 = arith.constant 3 : i32
      %add3A_906 = arith.addi %add3A_848, %add3A_905 : i32
      %dma_start3A_907 = arith.constant 0 : i32
      %dma_start3A_908 = tpu.memref_slice %arg6[%add3A_906, %dma_start3A_907] : memref<80x125xi32, #tpu.memory_space<vmem>> -> memref<1x125xi32, #tpu.memory_space<vmem>>
      %dma_start3A_909 = tpu.memref_squeeze %dma_start3A_908 : memref<1x125xi32, #tpu.memory_space<vmem>> -> memref<125xi32, #tpu.memory_space<vmem>>
      %dma_start3A_910 = arith.constant 0 : i32
      %dma_start3A_911 = arith.constant 0 : i32
      %dma_start3A_912 = tpu.memref_slice %arg15[%dma_start3A_910, %dma_start3A_911] : memref<10240x64xf32, #tpu.memory_space<vmem_shared>> -> memref<10240x64xf32, #tpu.memory_space<vmem_shared>>
      tpu.enqueue_indirect_dma source(%arg10 : memref<125x64xf32, #tpu.memory_space<vmem>>) target(%dma_start3A_912 : memref<10240x64xf32, #tpu.memory_space<vmem_shared>>) offsets(%dma_start3A_909 : memref<125xi32, #tpu.memory_space<vmem>>) semaphore(%arg27 : memref<!tpu.dma_semaphore, #tpu.memory_space<semaphore_mem>>) {add = true}
      %add3A_913 = arith.constant 4 : i32
      %add3A_914 = arith.addi %add3A_848, %add3A_913 : i32
      %dma_wait3A_915 = arith.constant 0 : i32
      %dma_wait3A_916 = tpu.memref_slice %arg5[%add3A_914, %dma_wait3A_915] : memref<80x125xi32, #tpu.memory_space<vmem>> -> memref<1x125xi32, #tpu.memory_space<vmem>>
      %dma_wait3A_917 = tpu.memref_squeeze %dma_wait3A_916 : memref<1x125xi32, #tpu.memory_space<vmem>> -> memref<125xi32, #tpu.memory_space<vmem>>
      %dma_wait3A_918 = arith.constant 0 : i32
      %dma_wait3A_919 = arith.constant 0 : i32
      %dma_wait3A_920 = tpu.memref_slice %arg3[%dma_wait3A_918, %dma_wait3A_919] : memref<10000x64xf32, #tpu.memory_space<hbm>> -> memref<10000x64xf32, #tpu.memory_space<hbm>>
      tpu.wait_indirect_dma semaphore(%arg20 : memref<!tpu.dma_semaphore, #tpu.memory_space<semaphore_mem>>) src(%dma_wait3A_920 : memref<10000x64xf32, #tpu.memory_space<hbm>>) dst(%arg11 : memref<125x64xf32, #tpu.memory_space<vmem>>)
      %add3A_921 = arith.constant 4 : i32
      %add3A_922 = arith.addi %add3A_848, %add3A_921 : i32
      %dma_start3A_923 = arith.constant 0 : i32
      %dma_start3A_924 = tpu.memref_slice %arg6[%add3A_922, %dma_start3A_923] : memref<80x125xi32, #tpu.memory_space<vmem>> -> memref<1x125xi32, #tpu.memory_space<vmem>>
      %dma_start3A_925 = tpu.memref_squeeze %dma_start3A_924 : memref<1x125xi32, #tpu.memory_space<vmem>> -> memref<125xi32, #tpu.memory_space<vmem>>
      %dma_start3A_926 = arith.constant 0 : i32
      %dma_start3A_927 = arith.constant 0 : i32
      %dma_start3A_928 = tpu.memref_slice %arg15[%dma_start3A_926, %dma_start3A_927] : memref<10240x64xf32, #tpu.memory_space<vmem_shared>> -> memref<10240x64xf32, #tpu.memory_space<vmem_shared>>
      tpu.enqueue_indirect_dma source(%arg11 : memref<125x64xf32, #tpu.memory_space<vmem>>) target(%dma_start3A_928 : memref<10240x64xf32, #tpu.memory_space<vmem_shared>>) offsets(%dma_start3A_925 : memref<125xi32, #tpu.memory_space<vmem>>) semaphore(%arg28 : memref<!tpu.dma_semaphore, #tpu.memory_space<semaphore_mem>>) {add = true}
      %add3A_929 = arith.constant 5 : i32
      %add3A_930 = arith.addi %add3A_848, %add3A_929 : i32
      %dma_wait3A_931 = arith.constant 0 : i32
      %dma_wait3A_932 = tpu.memref_slice %arg5[%add3A_930, %dma_wait3A_931] : memref<80x125xi32, #tpu.memory_space<vmem>> -> memref<1x125xi32, #tpu.memory_space<vmem>>
      %dma_wait3A_933 = tpu.memref_squeeze %dma_wait3A_932 : memref<1x125xi32, #tpu.memory_space<vmem>> -> memref<125xi32, #tpu.memory_space<vmem>>
      %dma_wait3A_934 = arith.constant 0 : i32
      %dma_wait3A_935 = arith.constant 0 : i32
      %dma_wait3A_936 = tpu.memref_slice %arg3[%dma_wait3A_934, %dma_wait3A_935] : memref<10000x64xf32, #tpu.memory_space<hbm>> -> memref<10000x64xf32, #tpu.memory_space<hbm>>
      tpu.wait_indirect_dma semaphore(%arg21 : memref<!tpu.dma_semaphore, #tpu.memory_space<semaphore_mem>>) src(%dma_wait3A_936 : memref<10000x64xf32, #tpu.memory_space<hbm>>) dst(%arg12 : memref<125x64xf32, #tpu.memory_space<vmem>>)
      %add3A_937 = arith.constant 5 : i32
      %add3A_938 = arith.addi %add3A_848, %add3A_937 : i32
      %dma_start3A_939 = arith.constant 0 : i32
      %dma_start3A_940 = tpu.memref_slice %arg6[%add3A_938, %dma_start3A_939] : memref<80x125xi32, #tpu.memory_space<vmem>> -> memref<1x125xi32, #tpu.memory_space<vmem>>
      %dma_start3A_941 = tpu.memref_squeeze %dma_start3A_940 : memref<1x125xi32, #tpu.memory_space<vmem>> -> memref<125xi32, #tpu.memory_space<vmem>>
      %dma_start3A_942 = arith.constant 0 : i32
      %dma_start3A_943 = arith.constant 0 : i32
      %dma_start3A_944 = tpu.memref_slice %arg15[%dma_start3A_942, %dma_start3A_943] : memref<10240x64xf32, #tpu.memory_space<vmem_shared>> -> memref<10240x64xf32, #tpu.memory_space<vmem_shared>>
      tpu.enqueue_indirect_dma source(%arg12 : memref<125x64xf32, #tpu.memory_space<vmem>>) target(%dma_start3A_944 : memref<10240x64xf32, #tpu.memory_space<vmem_shared>>) offsets(%dma_start3A_941 : memref<125xi32, #tpu.memory_space<vmem>>) semaphore(%arg29 : memref<!tpu.dma_semaphore, #tpu.memory_space<semaphore_mem>>) {add = true}
      %add3A_945 = arith.constant 6 : i32
      %add3A_946 = arith.addi %add3A_848, %add3A_945 : i32
      %dma_wait3A_947 = arith.constant 0 : i32
      %dma_wait3A_948 = tpu.memref_slice %arg5[%add3A_946, %dma_wait3A_947] : memref<80x125xi32, #tpu.memory_space<vmem>> -> memref<1x125xi32, #tpu.memory_space<vmem>>
      %dma_wait3A_949 = tpu.memref_squeeze %dma_wait3A_948 : memref<1x125xi32, #tpu.memory_space<vmem>> -> memref<125xi32, #tpu.memory_space<vmem>>
      %dma_wait3A_950 = arith.constant 0 : i32
      %dma_wait3A_951 = arith.constant 0 : i32
      %dma_wait3A_952 = tpu.memref_slice %arg3[%dma_wait3A_950, %dma_wait3A_951] : memref<10000x64xf32, #tpu.memory_space<hbm>> -> memref<10000x64xf32, #tpu.memory_space<hbm>>
      tpu.wait_indirect_dma semaphore(%arg22 : memref<!tpu.dma_semaphore, #tpu.memory_space<semaphore_mem>>) src(%dma_wait3A_952 : memref<10000x64xf32, #tpu.memory_space<hbm>>) dst(%arg13 : memref<125x64xf32, #tpu.memory_space<vmem>>)
      %add3A_953 = arith.constant 6 : i32
      %add3A_954 = arith.addi %add3A_848, %add3A_953 : i32
      %dma_start3A_955 = arith.constant 0 : i32
      %dma_start3A_956 = tpu.memref_slice %arg6[%add3A_954, %dma_start3A_955] : memref<80x125xi32, #tpu.memory_space<vmem>> -> memref<1x125xi32, #tpu.memory_space<vmem>>
      %dma_start3A_957 = tpu.memref_squeeze %dma_start3A_956 : memref<1x125xi32, #tpu.memory_space<vmem>> -> memref<125xi32, #tpu.memory_space<vmem>>
      %dma_start3A_958 = arith.constant 0 : i32
      %dma_start3A_959 = arith.constant 0 : i32
      %dma_start3A_960 = tpu.memref_slice %arg15[%dma_start3A_958, %dma_start3A_959] : memref<10240x64xf32, #tpu.memory_space<vmem_shared>> -> memref<10240x64xf32, #tpu.memory_space<vmem_shared>>
      tpu.enqueue_indirect_dma source(%arg13 : memref<125x64xf32, #tpu.memory_space<vmem>>) target(%dma_start3A_960 : memref<10240x64xf32, #tpu.memory_space<vmem_shared>>) offsets(%dma_start3A_957 : memref<125xi32, #tpu.memory_space<vmem>>) semaphore(%arg30 : memref<!tpu.dma_semaphore, #tpu.memory_space<semaphore_mem>>) {add = true}
      %add3A_961 = arith.constant 7 : i32
      %add3A_962 = arith.addi %add3A_848, %add3A_961 : i32
      %dma_wait3A_963 = arith.constant 0 : i32
      %dma_wait3A_964 = tpu.memref_slice %arg5[%add3A_962, %dma_wait3A_963] : memref<80x125xi32, #tpu.memory_space<vmem>> -> memref<1x125xi32, #tpu.memory_space<vmem>>
      %dma_wait3A_965 = tpu.memref_squeeze %dma_wait3A_964 : memref<1x125xi32, #tpu.memory_space<vmem>> -> memref<125xi32, #tpu.memory_space<vmem>>
      %dma_wait3A_966 = arith.constant 0 : i32
      %dma_wait3A_967 = arith.constant 0 : i32
      %dma_wait3A_968 = tpu.memref_slice %arg3[%dma_wait3A_966, %dma_wait3A_967] : memref<10000x64xf32, #tpu.memory_space<hbm>> -> memref<10000x64xf32, #tpu.memory_space<hbm>>
      tpu.wait_indirect_dma semaphore(%arg23 : memref<!tpu.dma_semaphore, #tpu.memory_space<semaphore_mem>>) src(%dma_wait3A_968 : memref<10000x64xf32, #tpu.memory_space<hbm>>) dst(%arg14 : memref<125x64xf32, #tpu.memory_space<vmem>>)
      %add3A_969 = arith.constant 7 : i32
      %add3A_970 = arith.addi %add3A_848, %add3A_969 : i32
      %dma_start3A_971 = arith.constant 0 : i32
      %dma_start3A_972 = tpu.memref_slice %arg6[%add3A_970, %dma_start3A_971] : memref<80x125xi32, #tpu.memory_space<vmem>> -> memref<1x125xi32, #tpu.memory_space<vmem>>
      %dma_start3A_973 = tpu.memref_squeeze %dma_start3A_972 : memref<1x125xi32, #tpu.memory_space<vmem>> -> memref<125xi32, #tpu.memory_space<vmem>>
      %dma_start3A_974 = arith.constant 0 : i32
      %dma_start3A_975 = arith.constant 0 : i32
      %dma_start3A_976 = tpu.memref_slice %arg15[%dma_start3A_974, %dma_start3A_975] : memref<10240x64xf32, #tpu.memory_space<vmem_shared>> -> memref<10240x64xf32, #tpu.memory_space<vmem_shared>>
      tpu.enqueue_indirect_dma source(%arg14 : memref<125x64xf32, #tpu.memory_space<vmem>>) target(%dma_start3A_976 : memref<10240x64xf32, #tpu.memory_space<vmem_shared>>) offsets(%dma_start3A_973 : memref<125xi32, #tpu.memory_space<vmem>>) semaphore(%arg31 : memref<!tpu.dma_semaphore, #tpu.memory_space<semaphore_mem>>) {add = true}
      %add3A_977 = arith.constant 0 : i32
      %add3A_978 = arith.addi %add3A_848, %add3A_977 : i32
      %dma_wait3A_979 = arith.constant 0 : i32
      %dma_wait3A_980 = tpu.memref_slice %arg6[%add3A_978, %dma_wait3A_979] : memref<80x125xi32, #tpu.memory_space<vmem>> -> memref<1x125xi32, #tpu.memory_space<vmem>>
      %dma_wait3A_981 = tpu.memref_squeeze %dma_wait3A_980 : memref<1x125xi32, #tpu.memory_space<vmem>> -> memref<125xi32, #tpu.memory_space<vmem>>
      %dma_wait3A_982 = arith.constant 0 : i32
      %dma_wait3A_983 = arith.constant 0 : i32
      %dma_wait3A_984 = tpu.memref_slice %arg15[%dma_wait3A_982, %dma_wait3A_983] : memref<10240x64xf32, #tpu.memory_space<vmem_shared>> -> memref<10240x64xf32, #tpu.memory_space<vmem_shared>>
      tpu.wait_indirect_dma semaphore(%arg24 : memref<!tpu.dma_semaphore, #tpu.memory_space<semaphore_mem>>) src(%arg7 : memref<125x64xf32, #tpu.memory_space<vmem>>) dst(%dma_wait3A_984 : memref<10240x64xf32, #tpu.memory_space<vmem_shared>>)
      %add3A_985 = arith.constant 8 : i32
      %add3A_986 = arith.addi %add3A_848, %add3A_985 : i32
      %add3A_987 = arith.constant 0 : i32
      %add3A_988 = arith.addi %add3A_986, %add3A_987 : i32
      %dma_start3A_989 = arith.constant 0 : i32
      %dma_start3A_990 = tpu.memref_slice %arg5[%add3A_988, %dma_start3A_989] : memref<80x125xi32, #tpu.memory_space<vmem>> -> memref<1x125xi32, #tpu.memory_space<vmem>>
      %dma_start3A_991 = tpu.memref_squeeze %dma_start3A_990 : memref<1x125xi32, #tpu.memory_space<vmem>> -> memref<125xi32, #tpu.memory_space<vmem>>
      %dma_start3A_992 = arith.constant 0 : i32
      %dma_start3A_993 = arith.constant 0 : i32
      %dma_start3A_994 = tpu.memref_slice %arg3[%dma_start3A_992, %dma_start3A_993] : memref<10000x64xf32, #tpu.memory_space<hbm>> -> memref<10000x64xf32, #tpu.memory_space<hbm>>
      tpu.enqueue_indirect_dma source(%dma_start3A_994 : memref<10000x64xf32, #tpu.memory_space<hbm>>) target(%arg7 : memref<125x64xf32, #tpu.memory_space<vmem>>) offsets(%dma_start3A_991 : memref<125xi32, #tpu.memory_space<vmem>>) semaphore(%arg16 : memref<!tpu.dma_semaphore, #tpu.memory_space<semaphore_mem>>)
      %add3A_995 = arith.constant 1 : i32
      %add3A_996 = arith.addi %add3A_848, %add3A_995 : i32
      %dma_wait3A_997 = arith.constant 0 : i32
      %dma_wait3A_998 = tpu.memref_slice %arg6[%add3A_996, %dma_wait3A_997] : memref<80x125xi32, #tpu.memory_space<vmem>> -> memref<1x125xi32, #tpu.memory_space<vmem>>
      %dma_wait3A_999 = tpu.memref_squeeze %dma_wait3A_998 : memref<1x125xi32, #tpu.memory_space<vmem>> -> memref<125xi32, #tpu.memory_space<vmem>>
      %dma_wait3A_1000 = arith.constant 0 : i32
      %dma_wait3A_1001 = arith.constant 0 : i32
      %dma_wait3A_1002 = tpu.memref_slice %arg15[%dma_wait3A_1000, %dma_wait3A_1001] : memref<10240x64xf32, #tpu.memory_space<vmem_shared>> -> memref<10240x64xf32, #tpu.memory_space<vmem_shared>>
      tpu.wait_indirect_dma semaphore(%arg25 : memref<!tpu.dma_semaphore, #tpu.memory_space<semaphore_mem>>) src(%arg8 : memref<125x64xf32, #tpu.memory_space<vmem>>) dst(%dma_wait3A_1002 : memref<10240x64xf32, #tpu.memory_space<vmem_shared>>)
      %add3A_1003 = arith.constant 8 : i32
      %add3A_1004 = arith.addi %add3A_848, %add3A_1003 : i32
      %add3A_1005 = arith.constant 1 : i32
      %add3A_1006 = arith.addi %add3A_1004, %add3A_1005 : i32
      %dma_start3A_1007 = arith.constant 0 : i32
      %dma_start3A_1008 = tpu.memref_slice %arg5[%add3A_1006, %dma_start3A_1007] : memref<80x125xi32, #tpu.memory_space<vmem>> -> memref<1x125xi32, #tpu.memory_space<vmem>>
      %dma_start3A_1009 = tpu.memref_squeeze %dma_start3A_1008 : memref<1x125xi32, #tpu.memory_space<vmem>> -> memref<125xi32, #tpu.memory_space<vmem>>
      %dma_start3A_1010 = arith.constant 0 : i32
      %dma_start3A_1011 = arith.constant 0 : i32
      %dma_start3A_1012 = tpu.memref_slice %arg3[%dma_start3A_1010, %dma_start3A_1011] : memref<10000x64xf32, #tpu.memory_space<hbm>> -> memref<10000x64xf32, #tpu.memory_space<hbm>>
      tpu.enqueue_indirect_dma source(%dma_start3A_1012 : memref<10000x64xf32, #tpu.memory_space<hbm>>) target(%arg8 : memref<125x64xf32, #tpu.memory_space<vmem>>) offsets(%dma_start3A_1009 : memref<125xi32, #tpu.memory_space<vmem>>) semaphore(%arg17 : memref<!tpu.dma_semaphore, #tpu.memory_space<semaphore_mem>>)
      %add3A_1013 = arith.constant 2 : i32
      %add3A_1014 = arith.addi %add3A_848, %add3A_1013 : i32
      %dma_wait3A_1015 = arith.constant 0 : i32
      %dma_wait3A_1016 = tpu.memref_slice %arg6[%add3A_1014, %dma_wait3A_1015] : memref<80x125xi32, #tpu.memory_space<vmem>> -> memref<1x125xi32, #tpu.memory_space<vmem>>
      %dma_wait3A_1017 = tpu.memref_squeeze %dma_wait3A_1016 : memref<1x125xi32, #tpu.memory_space<vmem>> -> memref<125xi32, #tpu.memory_space<vmem>>
      %dma_wait3A_1018 = arith.constant 0 : i32
      %dma_wait3A_1019 = arith.constant 0 : i32
      %dma_wait3A_1020 = tpu.memref_slice %arg15[%dma_wait3A_1018, %dma_wait3A_1019] : memref<10240x64xf32, #tpu.memory_space<vmem_shared>> -> memref<10240x64xf32, #tpu.memory_space<vmem_shared>>
      tpu.wait_indirect_dma semaphore(%arg26 : memref<!tpu.dma_semaphore, #tpu.memory_space<semaphore_mem>>) src(%arg9 : memref<125x64xf32, #tpu.memory_space<vmem>>) dst(%dma_wait3A_1020 : memref<10240x64xf32, #tpu.memory_space<vmem_shared>>)
      %add3A_1021 = arith.constant 8 : i32
      %add3A_1022 = arith.addi %add3A_848, %add3A_1021 : i32
      %add3A_1023 = arith.constant 2 : i32
      %add3A_1024 = arith.addi %add3A_1022, %add3A_1023 : i32
      %dma_start3A_1025 = arith.constant 0 : i32
      %dma_start3A_1026 = tpu.memref_slice %arg5[%add3A_1024, %dma_start3A_1025] : memref<80x125xi32, #tpu.memory_space<vmem>> -> memref<1x125xi32, #tpu.memory_space<vmem>>
      %dma_start3A_1027 = tpu.memref_squeeze %dma_start3A_1026 : memref<1x125xi32, #tpu.memory_space<vmem>> -> memref<125xi32, #tpu.memory_space<vmem>>
      %dma_start3A_1028 = arith.constant 0 : i32
      %dma_start3A_1029 = arith.constant 0 : i32
      %dma_start3A_1030 = tpu.memref_slice %arg3[%dma_start3A_1028, %dma_start3A_1029] : memref<10000x64xf32, #tpu.memory_space<hbm>> -> memref<10000x64xf32, #tpu.memory_space<hbm>>
      tpu.enqueue_indirect_dma source(%dma_start3A_1030 : memref<10000x64xf32, #tpu.memory_space<hbm>>) target(%arg9 : memref<125x64xf32, #tpu.memory_space<vmem>>) offsets(%dma_start3A_1027 : memref<125xi32, #tpu.memory_space<vmem>>) semaphore(%arg18 : memref<!tpu.dma_semaphore, #tpu.memory_space<semaphore_mem>>)
      %add3A_1031 = arith.constant 3 : i32
      %add3A_1032 = arith.addi %add3A_848, %add3A_1031 : i32
      %dma_wait3A_1033 = arith.constant 0 : i32
      %dma_wait3A_1034 = tpu.memref_slice %arg6[%add3A_1032, %dma_wait3A_1033] : memref<80x125xi32, #tpu.memory_space<vmem>> -> memref<1x125xi32, #tpu.memory_space<vmem>>
      %dma_wait3A_1035 = tpu.memref_squeeze %dma_wait3A_1034 : memref<1x125xi32, #tpu.memory_space<vmem>> -> memref<125xi32, #tpu.memory_space<vmem>>
      %dma_wait3A_1036 = arith.constant 0 : i32
      %dma_wait3A_1037 = arith.constant 0 : i32
      %dma_wait3A_1038 = tpu.memref_slice %arg15[%dma_wait3A_1036, %dma_wait3A_1037] : memref<10240x64xf32, #tpu.memory_space<vmem_shared>> -> memref<10240x64xf32, #tpu.memory_space<vmem_shared>>
      tpu.wait_indirect_dma semaphore(%arg27 : memref<!tpu.dma_semaphore, #tpu.memory_space<semaphore_mem>>) src(%arg10 : memref<125x64xf32, #tpu.memory_space<vmem>>) dst(%dma_wait3A_1038 : memref<10240x64xf32, #tpu.memory_space<vmem_shared>>)
      %add3A_1039 = arith.constant 8 : i32
      %add3A_1040 = arith.addi %add3A_848, %add3A_1039 : i32
      %add3A_1041 = arith.constant 3 : i32
      %add3A_1042 = arith.addi %add3A_1040, %add3A_1041 : i32
      %dma_start3A_1043 = arith.constant 0 : i32
      %dma_start3A_1044 = tpu.memref_slice %arg5[%add3A_1042, %dma_start3A_1043] : memref<80x125xi32, #tpu.memory_space<vmem>> -> memref<1x125xi32, #tpu.memory_space<vmem>>
      %dma_start3A_1045 = tpu.memref_squeeze %dma_start3A_1044 : memref<1x125xi32, #tpu.memory_space<vmem>> -> memref<125xi32, #tpu.memory_space<vmem>>
      %dma_start3A_1046 = arith.constant 0 : i32
      %dma_start3A_1047 = arith.constant 0 : i32
      %dma_start3A_1048 = tpu.memref_slice %arg3[%dma_start3A_1046, %dma_start3A_1047] : memref<10000x64xf32, #tpu.memory_space<hbm>> -> memref<10000x64xf32, #tpu.memory_space<hbm>>
      tpu.enqueue_indirect_dma source(%dma_start3A_1048 : memref<10000x64xf32, #tpu.memory_space<hbm>>) target(%arg10 : memref<125x64xf32, #tpu.memory_space<vmem>>) offsets(%dma_start3A_1045 : memref<125xi32, #tpu.memory_space<vmem>>) semaphore(%arg19 : memref<!tpu.dma_semaphore, #tpu.memory_space<semaphore_mem>>)
      %add3A_1049 = arith.constant 4 : i32
      %add3A_1050 = arith.addi %add3A_848, %add3A_1049 : i32
      %dma_wait3A_1051 = arith.constant 0 : i32
      %dma_wait3A_1052 = tpu.memref_slice %arg6[%add3A_1050, %dma_wait3A_1051] : memref<80x125xi32, #tpu.memory_space<vmem>> -> memref<1x125xi32, #tpu.memory_space<vmem>>
      %dma_wait3A_1053 = tpu.memref_squeeze %dma_wait3A_1052 : memref<1x125xi32, #tpu.memory_space<vmem>> -> memref<125xi32, #tpu.memory_space<vmem>>
      %dma_wait3A_1054 = arith.constant 0 : i32
      %dma_wait3A_1055 = arith.constant 0 : i32
      %dma_wait3A_1056 = tpu.memref_slice %arg15[%dma_wait3A_1054, %dma_wait3A_1055] : memref<10240x64xf32, #tpu.memory_space<vmem_shared>> -> memref<10240x64xf32, #tpu.memory_space<vmem_shared>>
      tpu.wait_indirect_dma semaphore(%arg28 : memref<!tpu.dma_semaphore, #tpu.memory_space<semaphore_mem>>) src(%arg11 : memref<125x64xf32, #tpu.memory_space<vmem>>) dst(%dma_wait3A_1056 : memref<10240x64xf32, #tpu.memory_space<vmem_shared>>)
      %add3A_1057 = arith.constant 8 : i32
      %add3A_1058 = arith.addi %add3A_848, %add3A_1057 : i32
      %add3A_1059 = arith.constant 4 : i32
      %add3A_1060 = arith.addi %add3A_1058, %add3A_1059 : i32
      %dma_start3A_1061 = arith.constant 0 : i32
      %dma_start3A_1062 = tpu.memref_slice %arg5[%add3A_1060, %dma_start3A_1061] : memref<80x125xi32, #tpu.memory_space<vmem>> -> memref<1x125xi32, #tpu.memory_space<vmem>>
      %dma_start3A_1063 = tpu.memref_squeeze %dma_start3A_1062 : memref<1x125xi32, #tpu.memory_space<vmem>> -> memref<125xi32, #tpu.memory_space<vmem>>
      %dma_start3A_1064 = arith.constant 0 : i32
      %dma_start3A_1065 = arith.constant 0 : i32
      %dma_start3A_1066 = tpu.memref_slice %arg3[%dma_start3A_1064, %dma_start3A_1065] : memref<10000x64xf32, #tpu.memory_space<hbm>> -> memref<10000x64xf32, #tpu.memory_space<hbm>>
      tpu.enqueue_indirect_dma source(%dma_start3A_1066 : memref<10000x64xf32, #tpu.memory_space<hbm>>) target(%arg11 : memref<125x64xf32, #tpu.memory_space<vmem>>) offsets(%dma_start3A_1063 : memref<125xi32, #tpu.memory_space<vmem>>) semaphore(%arg20 : memref<!tpu.dma_semaphore, #tpu.memory_space<semaphore_mem>>)
      %add3A_1067 = arith.constant 5 : i32
      %add3A_1068 = arith.addi %add3A_848, %add3A_1067 : i32
      %dma_wait3A_1069 = arith.constant 0 : i32
      %dma_wait3A_1070 = tpu.memref_slice %arg6[%add3A_1068, %dma_wait3A_1069] : memref<80x125xi32, #tpu.memory_space<vmem>> -> memref<1x125xi32, #tpu.memory_space<vmem>>
      %dma_wait3A_1071 = tpu.memref_squeeze %dma_wait3A_1070 : memref<1x125xi32, #tpu.memory_space<vmem>> -> memref<125xi32, #tpu.memory_space<vmem>>
      %dma_wait3A_1072 = arith.constant 0 : i32
      %dma_wait3A_1073 = arith.constant 0 : i32
      %dma_wait3A_1074 = tpu.memref_slice %arg15[%dma_wait3A_1072, %dma_wait3A_1073] : memref<10240x64xf32, #tpu.memory_space<vmem_shared>> -> memref<10240x64xf32, #tpu.memory_space<vmem_shared>>
      tpu.wait_indirect_dma semaphore(%arg29 : memref<!tpu.dma_semaphore, #tpu.memory_space<semaphore_mem>>) src(%arg12 : memref<125x64xf32, #tpu.memory_space<vmem>>) dst(%dma_wait3A_1074 : memref<10240x64xf32, #tpu.memory_space<vmem_shared>>)
      %add3A_1075 = arith.constant 8 : i32
      %add3A_1076 = arith.addi %add3A_848, %add3A_1075 : i32
      %add3A_1077 = arith.constant 5 : i32
      %add3A_1078 = arith.addi %add3A_1076, %add3A_1077 : i32
      %dma_start3A_1079 = arith.constant 0 : i32
      %dma_start3A_1080 = tpu.memref_slice %arg5[%add3A_1078, %dma_start3A_1079] : memref<80x125xi32, #tpu.memory_space<vmem>> -> memref<1x125xi32, #tpu.memory_space<vmem>>
      %dma_start3A_1081 = tpu.memref_squeeze %dma_start3A_1080 : memref<1x125xi32, #tpu.memory_space<vmem>> -> memref<125xi32, #tpu.memory_space<vmem>>
      %dma_start3A_1082 = arith.constant 0 : i32
      %dma_start3A_1083 = arith.constant 0 : i32
      %dma_start3A_1084 = tpu.memref_slice %arg3[%dma_start3A_1082, %dma_start3A_1083] : memref<10000x64xf32, #tpu.memory_space<hbm>> -> memref<10000x64xf32, #tpu.memory_space<hbm>>
      tpu.enqueue_indirect_dma source(%dma_start3A_1084 : memref<10000x64xf32, #tpu.memory_space<hbm>>) target(%arg12 : memref<125x64xf32, #tpu.memory_space<vmem>>) offsets(%dma_start3A_1081 : memref<125xi32, #tpu.memory_space<vmem>>) semaphore(%arg21 : memref<!tpu.dma_semaphore, #tpu.memory_space<semaphore_mem>>)
      %add3A_1085 = arith.constant 6 : i32
      %add3A_1086 = arith.addi %add3A_848, %add3A_1085 : i32
      %dma_wait3A_1087 = arith.constant 0 : i32
      %dma_wait3A_1088 = tpu.memref_slice %arg6[%add3A_1086, %dma_wait3A_1087] : memref<80x125xi32, #tpu.memory_space<vmem>> -> memref<1x125xi32, #tpu.memory_space<vmem>>
      %dma_wait3A_1089 = tpu.memref_squeeze %dma_wait3A_1088 : memref<1x125xi32, #tpu.memory_space<vmem>> -> memref<125xi32, #tpu.memory_space<vmem>>
      %dma_wait3A_1090 = arith.constant 0 : i32
      %dma_wait3A_1091 = arith.constant 0 : i32
      %dma_wait3A_1092 = tpu.memref_slice %arg15[%dma_wait3A_1090, %dma_wait3A_1091] : memref<10240x64xf32, #tpu.memory_space<vmem_shared>> -> memref<10240x64xf32, #tpu.memory_space<vmem_shared>>
      tpu.wait_indirect_dma semaphore(%arg30 : memref<!tpu.dma_semaphore, #tpu.memory_space<semaphore_mem>>) src(%arg13 : memref<125x64xf32, #tpu.memory_space<vmem>>) dst(%dma_wait3A_1092 : memref<10240x64xf32, #tpu.memory_space<vmem_shared>>)
      %add3A_1093 = arith.constant 8 : i32
      %add3A_1094 = arith.addi %add3A_848, %add3A_1093 : i32
      %add3A_1095 = arith.constant 6 : i32
      %add3A_1096 = arith.addi %add3A_1094, %add3A_1095 : i32
      %dma_start3A_1097 = arith.constant 0 : i32
      %dma_start3A_1098 = tpu.memref_slice %arg5[%add3A_1096, %dma_start3A_1097] : memref<80x125xi32, #tpu.memory_space<vmem>> -> memref<1x125xi32, #tpu.memory_space<vmem>>
      %dma_start3A_1099 = tpu.memref_squeeze %dma_start3A_1098 : memref<1x125xi32, #tpu.memory_space<vmem>> -> memref<125xi32, #tpu.memory_space<vmem>>
      %dma_start3A_1100 = arith.constant 0 : i32
      %dma_start3A_1101 = arith.constant 0 : i32
      %dma_start3A_1102 = tpu.memref_slice %arg3[%dma_start3A_1100, %dma_start3A_1101] : memref<10000x64xf32, #tpu.memory_space<hbm>> -> memref<10000x64xf32, #tpu.memory_space<hbm>>
      tpu.enqueue_indirect_dma source(%dma_start3A_1102 : memref<10000x64xf32, #tpu.memory_space<hbm>>) target(%arg13 : memref<125x64xf32, #tpu.memory_space<vmem>>) offsets(%dma_start3A_1099 : memref<125xi32, #tpu.memory_space<vmem>>) semaphore(%arg22 : memref<!tpu.dma_semaphore, #tpu.memory_space<semaphore_mem>>)
      %add3A_1103 = arith.constant 7 : i32
      %add3A_1104 = arith.addi %add3A_848, %add3A_1103 : i32
      %dma_wait3A_1105 = arith.constant 0 : i32
      %dma_wait3A_1106 = tpu.memref_slice %arg6[%add3A_1104, %dma_wait3A_1105] : memref<80x125xi32, #tpu.memory_space<vmem>> -> memref<1x125xi32, #tpu.memory_space<vmem>>
      %dma_wait3A_1107 = tpu.memref_squeeze %dma_wait3A_1106 : memref<1x125xi32, #tpu.memory_space<vmem>> -> memref<125xi32, #tpu.memory_space<vmem>>
      %dma_wait3A_1108 = arith.constant 0 : i32
      %dma_wait3A_1109 = arith.constant 0 : i32
      %dma_wait3A_1110 = tpu.memref_slice %arg15[%dma_wait3A_1108, %dma_wait3A_1109] : memref<10240x64xf32, #tpu.memory_space<vmem_shared>> -> memref<10240x64xf32, #tpu.memory_space<vmem_shared>>
      tpu.wait_indirect_dma semaphore(%arg31 : memref<!tpu.dma_semaphore, #tpu.memory_space<semaphore_mem>>) src(%arg14 : memref<125x64xf32, #tpu.memory_space<vmem>>) dst(%dma_wait3A_1110 : memref<10240x64xf32, #tpu.memory_space<vmem_shared>>)
      %add3A_1111 = arith.constant 8 : i32
      %add3A_1112 = arith.addi %add3A_848, %add3A_1111 : i32
      %add3A_1113 = arith.constant 7 : i32
      %add3A_1114 = arith.addi %add3A_1112, %add3A_1113 : i32
      %dma_start3A_1115 = arith.constant 0 : i32
      %dma_start3A_1116 = tpu.memref_slice %arg5[%add3A_1114, %dma_start3A_1115] : memref<80x125xi32, #tpu.memory_space<vmem>> -> memref<1x125xi32, #tpu.memory_space<vmem>>
      %dma_start3A_1117 = tpu.memref_squeeze %dma_start3A_1116 : memref<1x125xi32, #tpu.memory_space<vmem>> -> memref<125xi32, #tpu.memory_space<vmem>>
      %dma_start3A_1118 = arith.constant 0 : i32
      %dma_start3A_1119 = arith.constant 0 : i32
      %dma_start3A_1120 = tpu.memref_slice %arg3[%dma_start3A_1118, %dma_start3A_1119] : memref<10000x64xf32, #tpu.memory_space<hbm>> -> memref<10000x64xf32, #tpu.memory_space<hbm>>
      tpu.enqueue_indirect_dma source(%dma_start3A_1120 : memref<10000x64xf32, #tpu.memory_space<hbm>>) target(%arg14 : memref<125x64xf32, #tpu.memory_space<vmem>>) offsets(%dma_start3A_1117 : memref<125xi32, #tpu.memory_space<vmem>>) semaphore(%arg23 : memref<!tpu.dma_semaphore, #tpu.memory_space<semaphore_mem>>)
    }
    %scan3A_258 = arith.constant 9 : i32
    %dma_wait3A_259 = arith.constant 72 : i32
    %dma_wait3A_260 = arith.constant 0 : i32
    %dma_wait3A_261 = tpu.memref_slice %arg5[%dma_wait3A_259, %dma_wait3A_260] : memref<80x125xi32, #tpu.memory_space<vmem>> -> memref<1x125xi32, #tpu.memory_space<vmem>>
    %dma_wait3A_262 = tpu.memref_squeeze %dma_wait3A_261 : memref<1x125xi32, #tpu.memory_space<vmem>> -> memref<125xi32, #tpu.memory_space<vmem>>
    %dma_wait3A_263 = arith.constant 0 : i32
    %dma_wait3A_264 = arith.constant 0 : i32
    %dma_wait3A_265 = tpu.memref_slice %arg3[%dma_wait3A_263, %dma_wait3A_264] : memref<10000x64xf32, #tpu.memory_space<hbm>> -> memref<10000x64xf32, #tpu.memory_space<hbm>>
    tpu.wait_indirect_dma semaphore(%arg16 : memref<!tpu.dma_semaphore, #tpu.memory_space<semaphore_mem>>) src(%dma_wait3A_265 : memref<10000x64xf32, #tpu.memory_space<hbm>>) dst(%arg7 : memref<125x64xf32, #tpu.memory_space<vmem>>)
    %dma_start3A_266 = arith.constant 72 : i32
    %dma_start3A_267 = arith.constant 0 : i32
    %dma_start3A_268 = tpu.memref_slice %arg6[%dma_start3A_266, %dma_start3A_267] : memref<80x125xi32, #tpu.memory_space<vmem>> -> memref<1x125xi32, #tpu.memory_space<vmem>>
    %dma_start3A_269 = tpu.memref_squeeze %dma_start3A_268 : memref<1x125xi32, #tpu.memory_space<vmem>> -> memref<125xi32, #tpu.memory_space<vmem>>
    %dma_start3A_270 = arith.constant 0 : i32
    %dma_start3A_271 = arith.constant 0 : i32
    %dma_start3A_272 = tpu.memref_slice %arg15[%dma_start3A_270, %dma_start3A_271] : memref<10240x64xf32, #tpu.memory_space<vmem_shared>> -> memref<10240x64xf32, #tpu.memory_space<vmem_shared>>
    tpu.enqueue_indirect_dma source(%arg7 : memref<125x64xf32, #tpu.memory_space<vmem>>) target(%dma_start3A_272 : memref<10240x64xf32, #tpu.memory_space<vmem_shared>>) offsets(%dma_start3A_269 : memref<125xi32, #tpu.memory_space<vmem>>) semaphore(%arg24 : memref<!tpu.dma_semaphore, #tpu.memory_space<semaphore_mem>>) {add = true}
    %dma_wait3A_273 = arith.constant 73 : i32
    %dma_wait3A_274 = arith.constant 0 : i32
    %dma_wait3A_275 = tpu.memref_slice %arg5[%dma_wait3A_273, %dma_wait3A_274] : memref<80x125xi32, #tpu.memory_space<vmem>> -> memref<1x125xi32, #tpu.memory_space<vmem>>
    %dma_wait3A_276 = tpu.memref_squeeze %dma_wait3A_275 : memref<1x125xi32, #tpu.memory_space<vmem>> -> memref<125xi32, #tpu.memory_space<vmem>>
    %dma_wait3A_277 = arith.constant 0 : i32
    %dma_wait3A_278 = arith.constant 0 : i32
    %dma_wait3A_279 = tpu.memref_slice %arg3[%dma_wait3A_277, %dma_wait3A_278] : memref<10000x64xf32, #tpu.memory_space<hbm>> -> memref<10000x64xf32, #tpu.memory_space<hbm>>
    tpu.wait_indirect_dma semaphore(%arg17 : memref<!tpu.dma_semaphore, #tpu.memory_space<semaphore_mem>>) src(%dma_wait3A_279 : memref<10000x64xf32, #tpu.memory_space<hbm>>) dst(%arg8 : memref<125x64xf32, #tpu.memory_space<vmem>>)
    %dma_start3A_280 = arith.constant 73 : i32
    %dma_start3A_281 = arith.constant 0 : i32
    %dma_start3A_282 = tpu.memref_slice %arg6[%dma_start3A_280, %dma_start3A_281] : memref<80x125xi32, #tpu.memory_space<vmem>> -> memref<1x125xi32, #tpu.memory_space<vmem>>
    %dma_start3A_283 = tpu.memref_squeeze %dma_start3A_282 : memref<1x125xi32, #tpu.memory_space<vmem>> -> memref<125xi32, #tpu.memory_space<vmem>>
    %dma_start3A_284 = arith.constant 0 : i32
    %dma_start3A_285 = arith.constant 0 : i32
    %dma_start3A_286 = tpu.memref_slice %arg15[%dma_start3A_284, %dma_start3A_285] : memref<10240x64xf32, #tpu.memory_space<vmem_shared>> -> memref<10240x64xf32, #tpu.memory_space<vmem_shared>>
    tpu.enqueue_indirect_dma source(%arg8 : memref<125x64xf32, #tpu.memory_space<vmem>>) target(%dma_start3A_286 : memref<10240x64xf32, #tpu.memory_space<vmem_shared>>) offsets(%dma_start3A_283 : memref<125xi32, #tpu.memory_space<vmem>>) semaphore(%arg25 : memref<!tpu.dma_semaphore, #tpu.memory_space<semaphore_mem>>) {add = true}
    %dma_wait3A_287 = arith.constant 74 : i32
    %dma_wait3A_288 = arith.constant 0 : i32
    %dma_wait3A_289 = tpu.memref_slice %arg5[%dma_wait3A_287, %dma_wait3A_288] : memref<80x125xi32, #tpu.memory_space<vmem>> -> memref<1x125xi32, #tpu.memory_space<vmem>>
    %dma_wait3A_290 = tpu.memref_squeeze %dma_wait3A_289 : memref<1x125xi32, #tpu.memory_space<vmem>> -> memref<125xi32, #tpu.memory_space<vmem>>
    %dma_wait3A_291 = arith.constant 0 : i32
    %dma_wait3A_292 = arith.constant 0 : i32
    %dma_wait3A_293 = tpu.memref_slice %arg3[%dma_wait3A_291, %dma_wait3A_292] : memref<10000x64xf32, #tpu.memory_space<hbm>> -> memref<10000x64xf32, #tpu.memory_space<hbm>>
    tpu.wait_indirect_dma semaphore(%arg18 : memref<!tpu.dma_semaphore, #tpu.memory_space<semaphore_mem>>) src(%dma_wait3A_293 : memref<10000x64xf32, #tpu.memory_space<hbm>>) dst(%arg9 : memref<125x64xf32, #tpu.memory_space<vmem>>)
    %dma_start3A_294 = arith.constant 74 : i32
    %dma_start3A_295 = arith.constant 0 : i32
    %dma_start3A_296 = tpu.memref_slice %arg6[%dma_start3A_294, %dma_start3A_295] : memref<80x125xi32, #tpu.memory_space<vmem>> -> memref<1x125xi32, #tpu.memory_space<vmem>>
    %dma_start3A_297 = tpu.memref_squeeze %dma_start3A_296 : memref<1x125xi32, #tpu.memory_space<vmem>> -> memref<125xi32, #tpu.memory_space<vmem>>
    %dma_start3A_298 = arith.constant 0 : i32
    %dma_start3A_299 = arith.constant 0 : i32
    %dma_start3A_300 = tpu.memref_slice %arg15[%dma_start3A_298, %dma_start3A_299] : memref<10240x64xf32, #tpu.memory_space<vmem_shared>> -> memref<10240x64xf32, #tpu.memory_space<vmem_shared>>
    tpu.enqueue_indirect_dma source(%arg9 : memref<125x64xf32, #tpu.memory_space<vmem>>) target(%dma_start3A_300 : memref<10240x64xf32, #tpu.memory_space<vmem_shared>>) offsets(%dma_start3A_297 : memref<125xi32, #tpu.memory_space<vmem>>) semaphore(%arg26 : memref<!tpu.dma_semaphore, #tpu.memory_space<semaphore_mem>>) {add = true}
    %dma_wait3A_301 = arith.constant 75 : i32
    %dma_wait3A_302 = arith.constant 0 : i32
    %dma_wait3A_303 = tpu.memref_slice %arg5[%dma_wait3A_301, %dma_wait3A_302] : memref<80x125xi32, #tpu.memory_space<vmem>> -> memref<1x125xi32, #tpu.memory_space<vmem>>
    %dma_wait3A_304 = tpu.memref_squeeze %dma_wait3A_303 : memref<1x125xi32, #tpu.memory_space<vmem>> -> memref<125xi32, #tpu.memory_space<vmem>>
    %dma_wait3A_305 = arith.constant 0 : i32
    %dma_wait3A_306 = arith.constant 0 : i32
    %dma_wait3A_307 = tpu.memref_slice %arg3[%dma_wait3A_305, %dma_wait3A_306] : memref<10000x64xf32, #tpu.memory_space<hbm>> -> memref<10000x64xf32, #tpu.memory_space<hbm>>
    tpu.wait_indirect_dma semaphore(%arg19 : memref<!tpu.dma_semaphore, #tpu.memory_space<semaphore_mem>>) src(%dma_wait3A_307 : memref<10000x64xf32, #tpu.memory_space<hbm>>) dst(%arg10 : memref<125x64xf32, #tpu.memory_space<vmem>>)
    %dma_start3A_308 = arith.constant 75 : i32
    %dma_start3A_309 = arith.constant 0 : i32
    %dma_start3A_310 = tpu.memref_slice %arg6[%dma_start3A_308, %dma_start3A_309] : memref<80x125xi32, #tpu.memory_space<vmem>> -> memref<1x125xi32, #tpu.memory_space<vmem>>
    %dma_start3A_311 = tpu.memref_squeeze %dma_start3A_310 : memref<1x125xi32, #tpu.memory_space<vmem>> -> memref<125xi32, #tpu.memory_space<vmem>>
    %dma_start3A_312 = arith.constant 0 : i32
    %dma_start3A_313 = arith.constant 0 : i32
    %dma_start3A_314 = tpu.memref_slice %arg15[%dma_start3A_312, %dma_start3A_313] : memref<10240x64xf32, #tpu.memory_space<vmem_shared>> -> memref<10240x64xf32, #tpu.memory_space<vmem_shared>>
    tpu.enqueue_indirect_dma source(%arg10 : memref<125x64xf32, #tpu.memory_space<vmem>>) target(%dma_start3A_314 : memref<10240x64xf32, #tpu.memory_space<vmem_shared>>) offsets(%dma_start3A_311 : memref<125xi32, #tpu.memory_space<vmem>>) semaphore(%arg27 : memref<!tpu.dma_semaphore, #tpu.memory_space<semaphore_mem>>) {add = true}
    %dma_wait3A_315 = arith.constant 76 : i32
    %dma_wait3A_316 = arith.constant 0 : i32
    %dma_wait3A_317 = tpu.memref_slice %arg5[%dma_wait3A_315, %dma_wait3A_316] : memref<80x125xi32, #tpu.memory_space<vmem>> -> memref<1x125xi32, #tpu.memory_space<vmem>>
    %dma_wait3A_318 = tpu.memref_squeeze %dma_wait3A_317 : memref<1x125xi32, #tpu.memory_space<vmem>> -> memref<125xi32, #tpu.memory_space<vmem>>
    %dma_wait3A_319 = arith.constant 0 : i32
    %dma_wait3A_320 = arith.constant 0 : i32
    %dma_wait3A_321 = tpu.memref_slice %arg3[%dma_wait3A_319, %dma_wait3A_320] : memref<10000x64xf32, #tpu.memory_space<hbm>> -> memref<10000x64xf32, #tpu.memory_space<hbm>>
    tpu.wait_indirect_dma semaphore(%arg20 : memref<!tpu.dma_semaphore, #tpu.memory_space<semaphore_mem>>) src(%dma_wait3A_321 : memref<10000x64xf32, #tpu.memory_space<hbm>>) dst(%arg11 : memref<125x64xf32, #tpu.memory_space<vmem>>)
    %dma_start3A_322 = arith.constant 76 : i32
    %dma_start3A_323 = arith.constant 0 : i32
    %dma_start3A_324 = tpu.memref_slice %arg6[%dma_start3A_322, %dma_start3A_323] : memref<80x125xi32, #tpu.memory_space<vmem>> -> memref<1x125xi32, #tpu.memory_space<vmem>>
    %dma_start3A_325 = tpu.memref_squeeze %dma_start3A_324 : memref<1x125xi32, #tpu.memory_space<vmem>> -> memref<125xi32, #tpu.memory_space<vmem>>
    %dma_start3A_326 = arith.constant 0 : i32
    %dma_start3A_327 = arith.constant 0 : i32
    %dma_start3A_328 = tpu.memref_slice %arg15[%dma_start3A_326, %dma_start3A_327] : memref<10240x64xf32, #tpu.memory_space<vmem_shared>> -> memref<10240x64xf32, #tpu.memory_space<vmem_shared>>
    tpu.enqueue_indirect_dma source(%arg11 : memref<125x64xf32, #tpu.memory_space<vmem>>) target(%dma_start3A_328 : memref<10240x64xf32, #tpu.memory_space<vmem_shared>>) offsets(%dma_start3A_325 : memref<125xi32, #tpu.memory_space<vmem>>) semaphore(%arg28 : memref<!tpu.dma_semaphore, #tpu.memory_space<semaphore_mem>>) {add = true}
    %dma_wait3A_329 = arith.constant 77 : i32
    %dma_wait3A_330 = arith.constant 0 : i32
    %dma_wait3A_331 = tpu.memref_slice %arg5[%dma_wait3A_329, %dma_wait3A_330] : memref<80x125xi32, #tpu.memory_space<vmem>> -> memref<1x125xi32, #tpu.memory_space<vmem>>
    %dma_wait3A_332 = tpu.memref_squeeze %dma_wait3A_331 : memref<1x125xi32, #tpu.memory_space<vmem>> -> memref<125xi32, #tpu.memory_space<vmem>>
    %dma_wait3A_333 = arith.constant 0 : i32
    %dma_wait3A_334 = arith.constant 0 : i32
    %dma_wait3A_335 = tpu.memref_slice %arg3[%dma_wait3A_333, %dma_wait3A_334] : memref<10000x64xf32, #tpu.memory_space<hbm>> -> memref<10000x64xf32, #tpu.memory_space<hbm>>
    tpu.wait_indirect_dma semaphore(%arg21 : memref<!tpu.dma_semaphore, #tpu.memory_space<semaphore_mem>>) src(%dma_wait3A_335 : memref<10000x64xf32, #tpu.memory_space<hbm>>) dst(%arg12 : memref<125x64xf32, #tpu.memory_space<vmem>>)
    %dma_start3A_336 = arith.constant 77 : i32
    %dma_start3A_337 = arith.constant 0 : i32
    %dma_start3A_338 = tpu.memref_slice %arg6[%dma_start3A_336, %dma_start3A_337] : memref<80x125xi32, #tpu.memory_space<vmem>> -> memref<1x125xi32, #tpu.memory_space<vmem>>
    %dma_start3A_339 = tpu.memref_squeeze %dma_start3A_338 : memref<1x125xi32, #tpu.memory_space<vmem>> -> memref<125xi32, #tpu.memory_space<vmem>>
    %dma_start3A_340 = arith.constant 0 : i32
    %dma_start3A_341 = arith.constant 0 : i32
    %dma_start3A_342 = tpu.memref_slice %arg15[%dma_start3A_340, %dma_start3A_341] : memref<10240x64xf32, #tpu.memory_space<vmem_shared>> -> memref<10240x64xf32, #tpu.memory_space<vmem_shared>>
    tpu.enqueue_indirect_dma source(%arg12 : memref<125x64xf32, #tpu.memory_space<vmem>>) target(%dma_start3A_342 : memref<10240x64xf32, #tpu.memory_space<vmem_shared>>) offsets(%dma_start3A_339 : memref<125xi32, #tpu.memory_space<vmem>>) semaphore(%arg29 : memref<!tpu.dma_semaphore, #tpu.memory_space<semaphore_mem>>) {add = true}
    %dma_wait3A_343 = arith.constant 78 : i32
    %dma_wait3A_344 = arith.constant 0 : i32
    %dma_wait3A_345 = tpu.memref_slice %arg5[%dma_wait3A_343, %dma_wait3A_344] : memref<80x125xi32, #tpu.memory_space<vmem>> -> memref<1x125xi32, #tpu.memory_space<vmem>>
    %dma_wait3A_346 = tpu.memref_squeeze %dma_wait3A_345 : memref<1x125xi32, #tpu.memory_space<vmem>> -> memref<125xi32, #tpu.memory_space<vmem>>
    %dma_wait3A_347 = arith.constant 0 : i32
    %dma_wait3A_348 = arith.constant 0 : i32
    %dma_wait3A_349 = tpu.memref_slice %arg3[%dma_wait3A_347, %dma_wait3A_348] : memref<10000x64xf32, #tpu.memory_space<hbm>> -> memref<10000x64xf32, #tpu.memory_space<hbm>>
    tpu.wait_indirect_dma semaphore(%arg22 : memref<!tpu.dma_semaphore, #tpu.memory_space<semaphore_mem>>) src(%dma_wait3A_349 : memref<10000x64xf32, #tpu.memory_space<hbm>>) dst(%arg13 : memref<125x64xf32, #tpu.memory_space<vmem>>)
    %dma_start3A_350 = arith.constant 78 : i32
    %dma_start3A_351 = arith.constant 0 : i32
    %dma_start3A_352 = tpu.memref_slice %arg6[%dma_start3A_350, %dma_start3A_351] : memref<80x125xi32, #tpu.memory_space<vmem>> -> memref<1x125xi32, #tpu.memory_space<vmem>>
    %dma_start3A_353 = tpu.memref_squeeze %dma_start3A_352 : memref<1x125xi32, #tpu.memory_space<vmem>> -> memref<125xi32, #tpu.memory_space<vmem>>
    %dma_start3A_354 = arith.constant 0 : i32
    %dma_start3A_355 = arith.constant 0 : i32
    %dma_start3A_356 = tpu.memref_slice %arg15[%dma_start3A_354, %dma_start3A_355] : memref<10240x64xf32, #tpu.memory_space<vmem_shared>> -> memref<10240x64xf32, #tpu.memory_space<vmem_shared>>
    tpu.enqueue_indirect_dma source(%arg13 : memref<125x64xf32, #tpu.memory_space<vmem>>) target(%dma_start3A_356 : memref<10240x64xf32, #tpu.memory_space<vmem_shared>>) offsets(%dma_start3A_353 : memref<125xi32, #tpu.memory_space<vmem>>) semaphore(%arg30 : memref<!tpu.dma_semaphore, #tpu.memory_space<semaphore_mem>>) {add = true}
    %dma_wait3A_357 = arith.constant 79 : i32
    %dma_wait3A_358 = arith.constant 0 : i32
    %dma_wait3A_359 = tpu.memref_slice %arg5[%dma_wait3A_357, %dma_wait3A_358] : memref<80x125xi32, #tpu.memory_space<vmem>> -> memref<1x125xi32, #tpu.memory_space<vmem>>
    %dma_wait3A_360 = tpu.memref_squeeze %dma_wait3A_359 : memref<1x125xi32, #tpu.memory_space<vmem>> -> memref<125xi32, #tpu.memory_space<vmem>>
    %dma_wait3A_361 = arith.constant 0 : i32
    %dma_wait3A_362 = arith.constant 0 : i32
    %dma_wait3A_363 = tpu.memref_slice %arg3[%dma_wait3A_361, %dma_wait3A_362] : memref<10000x64xf32, #tpu.memory_space<hbm>> -> memref<10000x64xf32, #tpu.memory_space<hbm>>
    tpu.wait_indirect_dma semaphore(%arg23 : memref<!tpu.dma_semaphore, #tpu.memory_space<semaphore_mem>>) src(%dma_wait3A_363 : memref<10000x64xf32, #tpu.memory_space<hbm>>) dst(%arg14 : memref<125x64xf32, #tpu.memory_space<vmem>>)
    %dma_start3A_364 = arith.constant 79 : i32
    %dma_start3A_365 = arith.constant 0 : i32
    %dma_start3A_366 = tpu.memref_slice %arg6[%dma_start3A_364, %dma_start3A_365] : memref<80x125xi32, #tpu.memory_space<vmem>> -> memref<1x125xi32, #tpu.memory_space<vmem>>
    %dma_start3A_367 = tpu.memref_squeeze %dma_start3A_366 : memref<1x125xi32, #tpu.memory_space<vmem>> -> memref<125xi32, #tpu.memory_space<vmem>>
    %dma_start3A_368 = arith.constant 0 : i32
    %dma_start3A_369 = arith.constant 0 : i32
    %dma_start3A_370 = tpu.memref_slice %arg15[%dma_start3A_368, %dma_start3A_369] : memref<10240x64xf32, #tpu.memory_space<vmem_shared>> -> memref<10240x64xf32, #tpu.memory_space<vmem_shared>>
    tpu.enqueue_indirect_dma source(%arg14 : memref<125x64xf32, #tpu.memory_space<vmem>>) target(%dma_start3A_370 : memref<10240x64xf32, #tpu.memory_space<vmem_shared>>) offsets(%dma_start3A_367 : memref<125xi32, #tpu.memory_space<vmem>>) semaphore(%arg31 : memref<!tpu.dma_semaphore, #tpu.memory_space<semaphore_mem>>) {add = true}
    %dma_wait3A_371 = arith.constant 72 : i32
    %dma_wait3A_372 = arith.constant 0 : i32
    %dma_wait3A_373 = tpu.memref_slice %arg6[%dma_wait3A_371, %dma_wait3A_372] : memref<80x125xi32, #tpu.memory_space<vmem>> -> memref<1x125xi32, #tpu.memory_space<vmem>>
    %dma_wait3A_374 = tpu.memref_squeeze %dma_wait3A_373 : memref<1x125xi32, #tpu.memory_space<vmem>> -> memref<125xi32, #tpu.memory_space<vmem>>
    %dma_wait3A_375 = arith.constant 0 : i32
    %dma_wait3A_376 = arith.constant 0 : i32
    %dma_wait3A_377 = tpu.memref_slice %arg15[%dma_wait3A_375, %dma_wait3A_376] : memref<10240x64xf32, #tpu.memory_space<vmem_shared>> -> memref<10240x64xf32, #tpu.memory_space<vmem_shared>>
    tpu.wait_indirect_dma semaphore(%arg24 : memref<!tpu.dma_semaphore, #tpu.memory_space<semaphore_mem>>) src(%arg7 : memref<125x64xf32, #tpu.memory_space<vmem>>) dst(%dma_wait3A_377 : memref<10240x64xf32, #tpu.memory_space<vmem_shared>>)
    %dma_wait3A_378 = arith.constant 73 : i32
    %dma_wait3A_379 = arith.constant 0 : i32
    %dma_wait3A_380 = tpu.memref_slice %arg6[%dma_wait3A_378, %dma_wait3A_379] : memref<80x125xi32, #tpu.memory_space<vmem>> -> memref<1x125xi32, #tpu.memory_space<vmem>>
    %dma_wait3A_381 = tpu.memref_squeeze %dma_wait3A_380 : memref<1x125xi32, #tpu.memory_space<vmem>> -> memref<125xi32, #tpu.memory_space<vmem>>
    %dma_wait3A_382 = arith.constant 0 : i32
    %dma_wait3A_383 = arith.constant 0 : i32
    %dma_wait3A_384 = tpu.memref_slice %arg15[%dma_wait3A_382, %dma_wait3A_383] : memref<10240x64xf32, #tpu.memory_space<vmem_shared>> -> memref<10240x64xf32, #tpu.memory_space<vmem_shared>>
    tpu.wait_indirect_dma semaphore(%arg25 : memref<!tpu.dma_semaphore, #tpu.memory_space<semaphore_mem>>) src(%arg8 : memref<125x64xf32, #tpu.memory_space<vmem>>) dst(%dma_wait3A_384 : memref<10240x64xf32, #tpu.memory_space<vmem_shared>>)
    %dma_wait3A_385 = arith.constant 74 : i32
    %dma_wait3A_386 = arith.constant 0 : i32
    %dma_wait3A_387 = tpu.memref_slice %arg6[%dma_wait3A_385, %dma_wait3A_386] : memref<80x125xi32, #tpu.memory_space<vmem>> -> memref<1x125xi32, #tpu.memory_space<vmem>>
    %dma_wait3A_388 = tpu.memref_squeeze %dma_wait3A_387 : memref<1x125xi32, #tpu.memory_space<vmem>> -> memref<125xi32, #tpu.memory_space<vmem>>
    %dma_wait3A_389 = arith.constant 0 : i32
    %dma_wait3A_390 = arith.constant 0 : i32
    %dma_wait3A_391 = tpu.memref_slice %arg15[%dma_wait3A_389, %dma_wait3A_390] : memref<10240x64xf32, #tpu.memory_space<vmem_shared>> -> memref<10240x64xf32, #tpu.memory_space<vmem_shared>>
    tpu.wait_indirect_dma semaphore(%arg26 : memref<!tpu.dma_semaphore, #tpu.memory_space<semaphore_mem>>) src(%arg9 : memref<125x64xf32, #tpu.memory_space<vmem>>) dst(%dma_wait3A_391 : memref<10240x64xf32, #tpu.memory_space<vmem_shared>>)
    %dma_wait3A_392 = arith.constant 75 : i32
    %dma_wait3A_393 = arith.constant 0 : i32
    %dma_wait3A_394 = tpu.memref_slice %arg6[%dma_wait3A_392, %dma_wait3A_393] : memref<80x125xi32, #tpu.memory_space<vmem>> -> memref<1x125xi32, #tpu.memory_space<vmem>>
    %dma_wait3A_395 = tpu.memref_squeeze %dma_wait3A_394 : memref<1x125xi32, #tpu.memory_space<vmem>> -> memref<125xi32, #tpu.memory_space<vmem>>
    %dma_wait3A_396 = arith.constant 0 : i32
    %dma_wait3A_397 = arith.constant 0 : i32
    %dma_wait3A_398 = tpu.memref_slice %arg15[%dma_wait3A_396, %dma_wait3A_397] : memref<10240x64xf32, #tpu.memory_space<vmem_shared>> -> memref<10240x64xf32, #tpu.memory_space<vmem_shared>>
    tpu.wait_indirect_dma semaphore(%arg27 : memref<!tpu.dma_semaphore, #tpu.memory_space<semaphore_mem>>) src(%arg10 : memref<125x64xf32, #tpu.memory_space<vmem>>) dst(%dma_wait3A_398 : memref<10240x64xf32, #tpu.memory_space<vmem_shared>>)
    %dma_wait3A_399 = arith.constant 76 : i32
    %dma_wait3A_400 = arith.constant 0 : i32
    %dma_wait3A_401 = tpu.memref_slice %arg6[%dma_wait3A_399, %dma_wait3A_400] : memref<80x125xi32, #tpu.memory_space<vmem>> -> memref<1x125xi32, #tpu.memory_space<vmem>>
    %dma_wait3A_402 = tpu.memref_squeeze %dma_wait3A_401 : memref<1x125xi32, #tpu.memory_space<vmem>> -> memref<125xi32, #tpu.memory_space<vmem>>
    %dma_wait3A_403 = arith.constant 0 : i32
    %dma_wait3A_404 = arith.constant 0 : i32
    %dma_wait3A_405 = tpu.memref_slice %arg15[%dma_wait3A_403, %dma_wait3A_404] : memref<10240x64xf32, #tpu.memory_space<vmem_shared>> -> memref<10240x64xf32, #tpu.memory_space<vmem_shared>>
    tpu.wait_indirect_dma semaphore(%arg28 : memref<!tpu.dma_semaphore, #tpu.memory_space<semaphore_mem>>) src(%arg11 : memref<125x64xf32, #tpu.memory_space<vmem>>) dst(%dma_wait3A_405 : memref<10240x64xf32, #tpu.memory_space<vmem_shared>>)
    %dma_wait3A_406 = arith.constant 77 : i32
    %dma_wait3A_407 = arith.constant 0 : i32
    %dma_wait3A_408 = tpu.memref_slice %arg6[%dma_wait3A_406, %dma_wait3A_407] : memref<80x125xi32, #tpu.memory_space<vmem>> -> memref<1x125xi32, #tpu.memory_space<vmem>>
    %dma_wait3A_409 = tpu.memref_squeeze %dma_wait3A_408 : memref<1x125xi32, #tpu.memory_space<vmem>> -> memref<125xi32, #tpu.memory_space<vmem>>
    %dma_wait3A_410 = arith.constant 0 : i32
    %dma_wait3A_411 = arith.constant 0 : i32
    %dma_wait3A_412 = tpu.memref_slice %arg15[%dma_wait3A_410, %dma_wait3A_411] : memref<10240x64xf32, #tpu.memory_space<vmem_shared>> -> memref<10240x64xf32, #tpu.memory_space<vmem_shared>>
    tpu.wait_indirect_dma semaphore(%arg29 : memref<!tpu.dma_semaphore, #tpu.memory_space<semaphore_mem>>) src(%arg12 : memref<125x64xf32, #tpu.memory_space<vmem>>) dst(%dma_wait3A_412 : memref<10240x64xf32, #tpu.memory_space<vmem_shared>>)
    %dma_wait3A_413 = arith.constant 78 : i32
    %dma_wait3A_414 = arith.constant 0 : i32
    %dma_wait3A_415 = tpu.memref_slice %arg6[%dma_wait3A_413, %dma_wait3A_414] : memref<80x125xi32, #tpu.memory_space<vmem>> -> memref<1x125xi32, #tpu.memory_space<vmem>>
    %dma_wait3A_416 = tpu.memref_squeeze %dma_wait3A_415 : memref<1x125xi32, #tpu.memory_space<vmem>> -> memref<125xi32, #tpu.memory_space<vmem>>
    %dma_wait3A_417 = arith.constant 0 : i32
    %dma_wait3A_418 = arith.constant 0 : i32
    %dma_wait3A_419 = tpu.memref_slice %arg15[%dma_wait3A_417, %dma_wait3A_418] : memref<10240x64xf32, #tpu.memory_space<vmem_shared>> -> memref<10240x64xf32, #tpu.memory_space<vmem_shared>>
    tpu.wait_indirect_dma semaphore(%arg30 : memref<!tpu.dma_semaphore, #tpu.memory_space<semaphore_mem>>) src(%arg13 : memref<125x64xf32, #tpu.memory_space<vmem>>) dst(%dma_wait3A_419 : memref<10240x64xf32, #tpu.memory_space<vmem_shared>>)
    %dma_wait3A_420 = arith.constant 79 : i32
    %dma_wait3A_421 = arith.constant 0 : i32
    %dma_wait3A_422 = tpu.memref_slice %arg6[%dma_wait3A_420, %dma_wait3A_421] : memref<80x125xi32, #tpu.memory_space<vmem>> -> memref<1x125xi32, #tpu.memory_space<vmem>>
    %dma_wait3A_423 = tpu.memref_squeeze %dma_wait3A_422 : memref<1x125xi32, #tpu.memory_space<vmem>> -> memref<125xi32, #tpu.memory_space<vmem>>
    %dma_wait3A_424 = arith.constant 0 : i32
    %dma_wait3A_425 = arith.constant 0 : i32
    %dma_wait3A_426 = tpu.memref_slice %arg15[%dma_wait3A_424, %dma_wait3A_425] : memref<10240x64xf32, #tpu.memory_space<vmem_shared>> -> memref<10240x64xf32, #tpu.memory_space<vmem_shared>>
    tpu.wait_indirect_dma semaphore(%arg31 : memref<!tpu.dma_semaphore, #tpu.memory_space<semaphore_mem>>) src(%arg14 : memref<125x64xf32, #tpu.memory_space<vmem>>) dst(%dma_wait3A_426 : memref<10240x64xf32, #tpu.memory_space<vmem_shared>>)
    %barrier3A_427 = arith.constant 0 : index
    tpu.barrier barrier_id(%barrier3A_427)
    %add3A_428 = arith.constant 0 : i32
    %add3A_429 = arith.addi %mul3A_6, %add3A_428 : i32
    %dma_start3A_430 = arith.constant 0 : i32
    %dma_start3A_431 = arith.constant 0 : i32
    %dma_start3A_432 = tpu.memref_slice %arg7[%dma_start3A_430, %dma_start3A_431] : memref<125x64xf32, #tpu.memory_space<vmem>> -> memref<80x64xf32, #tpu.memory_space<vmem>>
    %dma_start3A_433 = arith.constant 0 : i32
    %dma_start3A_434 = tpu.memref_slice %arg15[%add3A_429, %dma_start3A_433] : memref<10240x64xf32, #tpu.memory_space<vmem_shared>> -> memref<80x64xf32, #tpu.memory_space<vmem_shared>>
    %dma_start3A_435 = arith.constant 0 : i32
    %dma_start3A_436 = arith.constant 0 : i32
    %dma_start3A_437 = tpu.memref_slice %arg7[%dma_start3A_435, %dma_start3A_436] : memref<125x64xf32, #tpu.memory_space<vmem>> -> memref<80x64xf32, #tpu.memory_space<vmem>>
    %dma_start3A_438 = arith.constant 0 : i32
    %dma_start3A_439 = tpu.memref_slice %arg15[%add3A_429, %dma_start3A_438] : memref<10240x64xf32, #tpu.memory_space<vmem_shared>> -> memref<80x64xf32, #tpu.memory_space<vmem_shared>>
    tpu.enqueue_dma source(%dma_start3A_439 : memref<80x64xf32, #tpu.memory_space<vmem_shared>>) target(%dma_start3A_437 : memref<80x64xf32, #tpu.memory_space<vmem>>) target_semaphore(%arg16 : memref<!tpu.dma_semaphore, #tpu.memory_space<semaphore_mem>>)
    %add3A_440 = arith.constant 80 : i32
    %add3A_441 = arith.addi %mul3A_6, %add3A_440 : i32
    %dma_start3A_442 = arith.constant 0 : i32
    %dma_start3A_443 = arith.constant 0 : i32
    %dma_start3A_444 = tpu.memref_slice %arg8[%dma_start3A_442, %dma_start3A_443] : memref<125x64xf32, #tpu.memory_space<vmem>> -> memref<80x64xf32, #tpu.memory_space<vmem>>
    %dma_start3A_445 = arith.constant 0 : i32
    %dma_start3A_446 = tpu.memref_slice %arg15[%add3A_441, %dma_start3A_445] : memref<10240x64xf32, #tpu.memory_space<vmem_shared>> -> memref<80x64xf32, #tpu.memory_space<vmem_shared>>
    %dma_start3A_447 = arith.constant 0 : i32
    %dma_start3A_448 = arith.constant 0 : i32
    %dma_start3A_449 = tpu.memref_slice %arg8[%dma_start3A_447, %dma_start3A_448] : memref<125x64xf32, #tpu.memory_space<vmem>> -> memref<80x64xf32, #tpu.memory_space<vmem>>
    %dma_start3A_450 = arith.constant 0 : i32
    %dma_start3A_451 = tpu.memref_slice %arg15[%add3A_441, %dma_start3A_450] : memref<10240x64xf32, #tpu.memory_space<vmem_shared>> -> memref<80x64xf32, #tpu.memory_space<vmem_shared>>
    tpu.enqueue_dma source(%dma_start3A_451 : memref<80x64xf32, #tpu.memory_space<vmem_shared>>) target(%dma_start3A_449 : memref<80x64xf32, #tpu.memory_space<vmem>>) target_semaphore(%arg17 : memref<!tpu.dma_semaphore, #tpu.memory_space<semaphore_mem>>)
    %add3A_452 = arith.constant 160 : i32
    %add3A_453 = arith.addi %mul3A_6, %add3A_452 : i32
    %dma_start3A_454 = arith.constant 0 : i32
    %dma_start3A_455 = arith.constant 0 : i32
    %dma_start3A_456 = tpu.memref_slice %arg9[%dma_start3A_454, %dma_start3A_455] : memref<125x64xf32, #tpu.memory_space<vmem>> -> memref<80x64xf32, #tpu.memory_space<vmem>>
    %dma_start3A_457 = arith.constant 0 : i32
    %dma_start3A_458 = tpu.memref_slice %arg15[%add3A_453, %dma_start3A_457] : memref<10240x64xf32, #tpu.memory_space<vmem_shared>> -> memref<80x64xf32, #tpu.memory_space<vmem_shared>>
    %dma_start3A_459 = arith.constant 0 : i32
    %dma_start3A_460 = arith.constant 0 : i32
    %dma_start3A_461 = tpu.memref_slice %arg9[%dma_start3A_459, %dma_start3A_460] : memref<125x64xf32, #tpu.memory_space<vmem>> -> memref<80x64xf32, #tpu.memory_space<vmem>>
    %dma_start3A_462 = arith.constant 0 : i32
    %dma_start3A_463 = tpu.memref_slice %arg15[%add3A_453, %dma_start3A_462] : memref<10240x64xf32, #tpu.memory_space<vmem_shared>> -> memref<80x64xf32, #tpu.memory_space<vmem_shared>>
    tpu.enqueue_dma source(%dma_start3A_463 : memref<80x64xf32, #tpu.memory_space<vmem_shared>>) target(%dma_start3A_461 : memref<80x64xf32, #tpu.memory_space<vmem>>) target_semaphore(%arg18 : memref<!tpu.dma_semaphore, #tpu.memory_space<semaphore_mem>>)
    %add3A_464 = arith.constant 240 : i32
    %add3A_465 = arith.addi %mul3A_6, %add3A_464 : i32
    %dma_start3A_466 = arith.constant 0 : i32
    %dma_start3A_467 = arith.constant 0 : i32
    %dma_start3A_468 = tpu.memref_slice %arg10[%dma_start3A_466, %dma_start3A_467] : memref<125x64xf32, #tpu.memory_space<vmem>> -> memref<80x64xf32, #tpu.memory_space<vmem>>
    %dma_start3A_469 = arith.constant 0 : i32
    %dma_start3A_470 = tpu.memref_slice %arg15[%add3A_465, %dma_start3A_469] : memref<10240x64xf32, #tpu.memory_space<vmem_shared>> -> memref<80x64xf32, #tpu.memory_space<vmem_shared>>
    %dma_start3A_471 = arith.constant 0 : i32
    %dma_start3A_472 = arith.constant 0 : i32
    %dma_start3A_473 = tpu.memref_slice %arg10[%dma_start3A_471, %dma_start3A_472] : memref<125x64xf32, #tpu.memory_space<vmem>> -> memref<80x64xf32, #tpu.memory_space<vmem>>
    %dma_start3A_474 = arith.constant 0 : i32
    %dma_start3A_475 = tpu.memref_slice %arg15[%add3A_465, %dma_start3A_474] : memref<10240x64xf32, #tpu.memory_space<vmem_shared>> -> memref<80x64xf32, #tpu.memory_space<vmem_shared>>
    tpu.enqueue_dma source(%dma_start3A_475 : memref<80x64xf32, #tpu.memory_space<vmem_shared>>) target(%dma_start3A_473 : memref<80x64xf32, #tpu.memory_space<vmem>>) target_semaphore(%arg19 : memref<!tpu.dma_semaphore, #tpu.memory_space<semaphore_mem>>)
    %add3A_476 = arith.constant 320 : i32
    %add3A_477 = arith.addi %mul3A_6, %add3A_476 : i32
    %dma_start3A_478 = arith.constant 0 : i32
    %dma_start3A_479 = arith.constant 0 : i32
    %dma_start3A_480 = tpu.memref_slice %arg11[%dma_start3A_478, %dma_start3A_479] : memref<125x64xf32, #tpu.memory_space<vmem>> -> memref<80x64xf32, #tpu.memory_space<vmem>>
    %dma_start3A_481 = arith.constant 0 : i32
    %dma_start3A_482 = tpu.memref_slice %arg15[%add3A_477, %dma_start3A_481] : memref<10240x64xf32, #tpu.memory_space<vmem_shared>> -> memref<80x64xf32, #tpu.memory_space<vmem_shared>>
    %dma_start3A_483 = arith.constant 0 : i32
    %dma_start3A_484 = arith.constant 0 : i32
    %dma_start3A_485 = tpu.memref_slice %arg11[%dma_start3A_483, %dma_start3A_484] : memref<125x64xf32, #tpu.memory_space<vmem>> -> memref<80x64xf32, #tpu.memory_space<vmem>>
    %dma_start3A_486 = arith.constant 0 : i32
    %dma_start3A_487 = tpu.memref_slice %arg15[%add3A_477, %dma_start3A_486] : memref<10240x64xf32, #tpu.memory_space<vmem_shared>> -> memref<80x64xf32, #tpu.memory_space<vmem_shared>>
    tpu.enqueue_dma source(%dma_start3A_487 : memref<80x64xf32, #tpu.memory_space<vmem_shared>>) target(%dma_start3A_485 : memref<80x64xf32, #tpu.memory_space<vmem>>) target_semaphore(%arg20 : memref<!tpu.dma_semaphore, #tpu.memory_space<semaphore_mem>>)
    %add3A_488 = arith.constant 400 : i32
    %add3A_489 = arith.addi %mul3A_6, %add3A_488 : i32
    %dma_start3A_490 = arith.constant 0 : i32
    %dma_start3A_491 = arith.constant 0 : i32
    %dma_start3A_492 = tpu.memref_slice %arg12[%dma_start3A_490, %dma_start3A_491] : memref<125x64xf32, #tpu.memory_space<vmem>> -> memref<80x64xf32, #tpu.memory_space<vmem>>
    %dma_start3A_493 = arith.constant 0 : i32
    %dma_start3A_494 = tpu.memref_slice %arg15[%add3A_489, %dma_start3A_493] : memref<10240x64xf32, #tpu.memory_space<vmem_shared>> -> memref<80x64xf32, #tpu.memory_space<vmem_shared>>
    %dma_start3A_495 = arith.constant 0 : i32
    %dma_start3A_496 = arith.constant 0 : i32
    %dma_start3A_497 = tpu.memref_slice %arg12[%dma_start3A_495, %dma_start3A_496] : memref<125x64xf32, #tpu.memory_space<vmem>> -> memref<80x64xf32, #tpu.memory_space<vmem>>
    %dma_start3A_498 = arith.constant 0 : i32
    %dma_start3A_499 = tpu.memref_slice %arg15[%add3A_489, %dma_start3A_498] : memref<10240x64xf32, #tpu.memory_space<vmem_shared>> -> memref<80x64xf32, #tpu.memory_space<vmem_shared>>
    tpu.enqueue_dma source(%dma_start3A_499 : memref<80x64xf32, #tpu.memory_space<vmem_shared>>) target(%dma_start3A_497 : memref<80x64xf32, #tpu.memory_space<vmem>>) target_semaphore(%arg21 : memref<!tpu.dma_semaphore, #tpu.memory_space<semaphore_mem>>)
    %add3A_500 = arith.constant 480 : i32
    %add3A_501 = arith.addi %mul3A_6, %add3A_500 : i32
    %dma_start3A_502 = arith.constant 0 : i32
    %dma_start3A_503 = arith.constant 0 : i32
    %dma_start3A_504 = tpu.memref_slice %arg13[%dma_start3A_502, %dma_start3A_503] : memref<125x64xf32, #tpu.memory_space<vmem>> -> memref<80x64xf32, #tpu.memory_space<vmem>>
    %dma_start3A_505 = arith.constant 0 : i32
    %dma_start3A_506 = tpu.memref_slice %arg15[%add3A_501, %dma_start3A_505] : memref<10240x64xf32, #tpu.memory_space<vmem_shared>> -> memref<80x64xf32, #tpu.memory_space<vmem_shared>>
    %dma_start3A_507 = arith.constant 0 : i32
    %dma_start3A_508 = arith.constant 0 : i32
    %dma_start3A_509 = tpu.memref_slice %arg13[%dma_start3A_507, %dma_start3A_508] : memref<125x64xf32, #tpu.memory_space<vmem>> -> memref<80x64xf32, #tpu.memory_space<vmem>>
    %dma_start3A_510 = arith.constant 0 : i32
    %dma_start3A_511 = tpu.memref_slice %arg15[%add3A_501, %dma_start3A_510] : memref<10240x64xf32, #tpu.memory_space<vmem_shared>> -> memref<80x64xf32, #tpu.memory_space<vmem_shared>>
    tpu.enqueue_dma source(%dma_start3A_511 : memref<80x64xf32, #tpu.memory_space<vmem_shared>>) target(%dma_start3A_509 : memref<80x64xf32, #tpu.memory_space<vmem>>) target_semaphore(%arg22 : memref<!tpu.dma_semaphore, #tpu.memory_space<semaphore_mem>>)
    %add3A_512 = arith.constant 560 : i32
    %add3A_513 = arith.addi %mul3A_6, %add3A_512 : i32
    %dma_start3A_514 = arith.constant 0 : i32
    %dma_start3A_515 = arith.constant 0 : i32
    %dma_start3A_516 = tpu.memref_slice %arg14[%dma_start3A_514, %dma_start3A_515] : memref<125x64xf32, #tpu.memory_space<vmem>> -> memref<80x64xf32, #tpu.memory_space<vmem>>
    %dma_start3A_517 = arith.constant 0 : i32
    %dma_start3A_518 = tpu.memref_slice %arg15[%add3A_513, %dma_start3A_517] : memref<10240x64xf32, #tpu.memory_space<vmem_shared>> -> memref<80x64xf32, #tpu.memory_space<vmem_shared>>
    %dma_start3A_519 = arith.constant 0 : i32
    %dma_start3A_520 = arith.constant 0 : i32
    %dma_start3A_521 = tpu.memref_slice %arg14[%dma_start3A_519, %dma_start3A_520] : memref<125x64xf32, #tpu.memory_space<vmem>> -> memref<80x64xf32, #tpu.memory_space<vmem>>
    %dma_start3A_522 = arith.constant 0 : i32
    %dma_start3A_523 = tpu.memref_slice %arg15[%add3A_513, %dma_start3A_522] : memref<10240x64xf32, #tpu.memory_space<vmem_shared>> -> memref<80x64xf32, #tpu.memory_space<vmem_shared>>
    tpu.enqueue_dma source(%dma_start3A_523 : memref<80x64xf32, #tpu.memory_space<vmem_shared>>) target(%dma_start3A_521 : memref<80x64xf32, #tpu.memory_space<vmem>>) target_semaphore(%arg23 : memref<!tpu.dma_semaphore, #tpu.memory_space<semaphore_mem>>)
    %add3A_524 = arith.constant 0 : i32
    %add3A_525 = arith.addi %mul3A_6, %add3A_524 : i32
    %dma_wait3A_526 = arith.constant 0 : i32
    %dma_wait3A_527 = arith.constant 0 : i32
    %dma_wait3A_528 = tpu.memref_slice %arg7[%dma_wait3A_526, %dma_wait3A_527] : memref<125x64xf32, #tpu.memory_space<vmem>> -> memref<80x64xf32, #tpu.memory_space<vmem>>
    %dma_wait3A_529 = arith.constant 0 : i32
    %dma_wait3A_530 = tpu.memref_slice %arg15[%add3A_525, %dma_wait3A_529] : memref<10240x64xf32, #tpu.memory_space<vmem_shared>> -> memref<80x64xf32, #tpu.memory_space<vmem_shared>>
    %dma_wait3A_531 = arith.constant 0 : i32
    %dma_wait3A_532 = arith.constant 0 : i32
    %dma_wait3A_533 = tpu.memref_slice %arg7[%dma_wait3A_531, %dma_wait3A_532] : memref<125x64xf32, #tpu.memory_space<vmem>> -> memref<80x64xf32, #tpu.memory_space<vmem>>
    %dma_wait3A_534 = arith.constant 0 : i32
    %dma_wait3A_535 = tpu.memref_slice %arg15[%add3A_525, %dma_wait3A_534] : memref<10240x64xf32, #tpu.memory_space<vmem_shared>> -> memref<80x64xf32, #tpu.memory_space<vmem_shared>>
    tpu.wait_dma2 semaphore(%arg16 : memref<!tpu.dma_semaphore, #tpu.memory_space<semaphore_mem>>) src(%dma_wait3A_535 : memref<80x64xf32, #tpu.memory_space<vmem_shared>>) dst(%dma_wait3A_533 : memref<80x64xf32, #tpu.memory_space<vmem>>)
    %add3A_536 = arith.constant 0 : i32
    %add3A_537 = arith.addi %mul3A_6, %add3A_536 : i32
    %dma_start3A_538 = arith.constant 0 : i32
    %dma_start3A_539 = arith.constant 0 : i32
    %dma_start3A_540 = tpu.memref_slice %arg7[%dma_start3A_538, %dma_start3A_539] : memref<125x64xf32, #tpu.memory_space<vmem>> -> memref<80x64xf32, #tpu.memory_space<vmem>>
    %dma_start3A_541 = arith.constant 0 : i32
    %dma_start3A_542 = tpu.memref_slice %arg4[%arg0, %add3A_537, %dma_start3A_541] : memref<2x10240x64xf32, #tpu.memory_space<hbm>> -> memref<1x80x64xf32, #tpu.memory_space<hbm>>
    %dma_start3A_543 = tpu.memref_squeeze %dma_start3A_542 : memref<1x80x64xf32, #tpu.memory_space<hbm>> -> memref<80x64xf32, #tpu.memory_space<hbm>>
    %dma_start3A_544 = arith.constant 0 : i32
    %dma_start3A_545 = tpu.memref_slice %arg4[%arg0, %add3A_537, %dma_start3A_544] : memref<2x10240x64xf32, #tpu.memory_space<hbm>> -> memref<1x80x64xf32, #tpu.memory_space<hbm>>
    %dma_start3A_546 = tpu.memref_squeeze %dma_start3A_545 : memref<1x80x64xf32, #tpu.memory_space<hbm>> -> memref<80x64xf32, #tpu.memory_space<hbm>>
    %dma_start3A_547 = arith.constant 0 : i32
    %dma_start3A_548 = arith.constant 0 : i32
    %dma_start3A_549 = tpu.memref_slice %arg7[%dma_start3A_547, %dma_start3A_548] : memref<125x64xf32, #tpu.memory_space<vmem>> -> memref<80x64xf32, #tpu.memory_space<vmem>>
    tpu.enqueue_dma source(%dma_start3A_549 : memref<80x64xf32, #tpu.memory_space<vmem>>) target(%dma_start3A_546 : memref<80x64xf32, #tpu.memory_space<hbm>>) target_semaphore(%arg24 : memref<!tpu.dma_semaphore, #tpu.memory_space<semaphore_mem>>)
    %add3A_550 = arith.constant 80 : i32
    %add3A_551 = arith.addi %mul3A_6, %add3A_550 : i32
    %dma_wait3A_552 = arith.constant 0 : i32
    %dma_wait3A_553 = arith.constant 0 : i32
    %dma_wait3A_554 = tpu.memref_slice %arg8[%dma_wait3A_552, %dma_wait3A_553] : memref<125x64xf32, #tpu.memory_space<vmem>> -> memref<80x64xf32, #tpu.memory_space<vmem>>
    %dma_wait3A_555 = arith.constant 0 : i32
    %dma_wait3A_556 = tpu.memref_slice %arg15[%add3A_551, %dma_wait3A_555] : memref<10240x64xf32, #tpu.memory_space<vmem_shared>> -> memref<80x64xf32, #tpu.memory_space<vmem_shared>>
    %dma_wait3A_557 = arith.constant 0 : i32
    %dma_wait3A_558 = arith.constant 0 : i32
    %dma_wait3A_559 = tpu.memref_slice %arg8[%dma_wait3A_557, %dma_wait3A_558] : memref<125x64xf32, #tpu.memory_space<vmem>> -> memref<80x64xf32, #tpu.memory_space<vmem>>
    %dma_wait3A_560 = arith.constant 0 : i32
    %dma_wait3A_561 = tpu.memref_slice %arg15[%add3A_551, %dma_wait3A_560] : memref<10240x64xf32, #tpu.memory_space<vmem_shared>> -> memref<80x64xf32, #tpu.memory_space<vmem_shared>>
    tpu.wait_dma2 semaphore(%arg17 : memref<!tpu.dma_semaphore, #tpu.memory_space<semaphore_mem>>) src(%dma_wait3A_561 : memref<80x64xf32, #tpu.memory_space<vmem_shared>>) dst(%dma_wait3A_559 : memref<80x64xf32, #tpu.memory_space<vmem>>)
    %add3A_562 = arith.constant 80 : i32
    %add3A_563 = arith.addi %mul3A_6, %add3A_562 : i32
    %dma_start3A_564 = arith.constant 0 : i32
    %dma_start3A_565 = arith.constant 0 : i32
    %dma_start3A_566 = tpu.memref_slice %arg8[%dma_start3A_564, %dma_start3A_565] : memref<125x64xf32, #tpu.memory_space<vmem>> -> memref<80x64xf32, #tpu.memory_space<vmem>>
    %dma_start3A_567 = arith.constant 0 : i32
    %dma_start3A_568 = tpu.memref_slice %arg4[%arg0, %add3A_563, %dma_start3A_567] : memref<2x10240x64xf32, #tpu.memory_space<hbm>> -> memref<1x80x64xf32, #tpu.memory_space<hbm>>
    %dma_start3A_569 = tpu.memref_squeeze %dma_start3A_568 : memref<1x80x64xf32, #tpu.memory_space<hbm>> -> memref<80x64xf32, #tpu.memory_space<hbm>>
    %dma_start3A_570 = arith.constant 0 : i32
    %dma_start3A_571 = tpu.memref_slice %arg4[%arg0, %add3A_563, %dma_start3A_570] : memref<2x10240x64xf32, #tpu.memory_space<hbm>> -> memref<1x80x64xf32, #tpu.memory_space<hbm>>
    %dma_start3A_572 = tpu.memref_squeeze %dma_start3A_571 : memref<1x80x64xf32, #tpu.memory_space<hbm>> -> memref<80x64xf32, #tpu.memory_space<hbm>>
    %dma_start3A_573 = arith.constant 0 : i32
    %dma_start3A_574 = arith.constant 0 : i32
    %dma_start3A_575 = tpu.memref_slice %arg8[%dma_start3A_573, %dma_start3A_574] : memref<125x64xf32, #tpu.memory_space<vmem>> -> memref<80x64xf32, #tpu.memory_space<vmem>>
    tpu.enqueue_dma source(%dma_start3A_575 : memref<80x64xf32, #tpu.memory_space<vmem>>) target(%dma_start3A_572 : memref<80x64xf32, #tpu.memory_space<hbm>>) target_semaphore(%arg25 : memref<!tpu.dma_semaphore, #tpu.memory_space<semaphore_mem>>)
    %add3A_576 = arith.constant 160 : i32
    %add3A_577 = arith.addi %mul3A_6, %add3A_576 : i32
    %dma_wait3A_578 = arith.constant 0 : i32
    %dma_wait3A_579 = arith.constant 0 : i32
    %dma_wait3A_580 = tpu.memref_slice %arg9[%dma_wait3A_578, %dma_wait3A_579] : memref<125x64xf32, #tpu.memory_space<vmem>> -> memref<80x64xf32, #tpu.memory_space<vmem>>
    %dma_wait3A_581 = arith.constant 0 : i32
    %dma_wait3A_582 = tpu.memref_slice %arg15[%add3A_577, %dma_wait3A_581] : memref<10240x64xf32, #tpu.memory_space<vmem_shared>> -> memref<80x64xf32, #tpu.memory_space<vmem_shared>>
    %dma_wait3A_583 = arith.constant 0 : i32
    %dma_wait3A_584 = arith.constant 0 : i32
    %dma_wait3A_585 = tpu.memref_slice %arg9[%dma_wait3A_583, %dma_wait3A_584] : memref<125x64xf32, #tpu.memory_space<vmem>> -> memref<80x64xf32, #tpu.memory_space<vmem>>
    %dma_wait3A_586 = arith.constant 0 : i32
    %dma_wait3A_587 = tpu.memref_slice %arg15[%add3A_577, %dma_wait3A_586] : memref<10240x64xf32, #tpu.memory_space<vmem_shared>> -> memref<80x64xf32, #tpu.memory_space<vmem_shared>>
    tpu.wait_dma2 semaphore(%arg18 : memref<!tpu.dma_semaphore, #tpu.memory_space<semaphore_mem>>) src(%dma_wait3A_587 : memref<80x64xf32, #tpu.memory_space<vmem_shared>>) dst(%dma_wait3A_585 : memref<80x64xf32, #tpu.memory_space<vmem>>)
    %add3A_588 = arith.constant 160 : i32
    %add3A_589 = arith.addi %mul3A_6, %add3A_588 : i32
    %dma_start3A_590 = arith.constant 0 : i32
    %dma_start3A_591 = arith.constant 0 : i32
    %dma_start3A_592 = tpu.memref_slice %arg9[%dma_start3A_590, %dma_start3A_591] : memref<125x64xf32, #tpu.memory_space<vmem>> -> memref<80x64xf32, #tpu.memory_space<vmem>>
    %dma_start3A_593 = arith.constant 0 : i32
    %dma_start3A_594 = tpu.memref_slice %arg4[%arg0, %add3A_589, %dma_start3A_593] : memref<2x10240x64xf32, #tpu.memory_space<hbm>> -> memref<1x80x64xf32, #tpu.memory_space<hbm>>
    %dma_start3A_595 = tpu.memref_squeeze %dma_start3A_594 : memref<1x80x64xf32, #tpu.memory_space<hbm>> -> memref<80x64xf32, #tpu.memory_space<hbm>>
    %dma_start3A_596 = arith.constant 0 : i32
    %dma_start3A_597 = tpu.memref_slice %arg4[%arg0, %add3A_589, %dma_start3A_596] : memref<2x10240x64xf32, #tpu.memory_space<hbm>> -> memref<1x80x64xf32, #tpu.memory_space<hbm>>
    %dma_start3A_598 = tpu.memref_squeeze %dma_start3A_597 : memref<1x80x64xf32, #tpu.memory_space<hbm>> -> memref<80x64xf32, #tpu.memory_space<hbm>>
    %dma_start3A_599 = arith.constant 0 : i32
    %dma_start3A_600 = arith.constant 0 : i32
    %dma_start3A_601 = tpu.memref_slice %arg9[%dma_start3A_599, %dma_start3A_600] : memref<125x64xf32, #tpu.memory_space<vmem>> -> memref<80x64xf32, #tpu.memory_space<vmem>>
    tpu.enqueue_dma source(%dma_start3A_601 : memref<80x64xf32, #tpu.memory_space<vmem>>) target(%dma_start3A_598 : memref<80x64xf32, #tpu.memory_space<hbm>>) target_semaphore(%arg26 : memref<!tpu.dma_semaphore, #tpu.memory_space<semaphore_mem>>)
    %add3A_602 = arith.constant 240 : i32
    %add3A_603 = arith.addi %mul3A_6, %add3A_602 : i32
    %dma_wait3A_604 = arith.constant 0 : i32
    %dma_wait3A_605 = arith.constant 0 : i32
    %dma_wait3A_606 = tpu.memref_slice %arg10[%dma_wait3A_604, %dma_wait3A_605] : memref<125x64xf32, #tpu.memory_space<vmem>> -> memref<80x64xf32, #tpu.memory_space<vmem>>
    %dma_wait3A_607 = arith.constant 0 : i32
    %dma_wait3A_608 = tpu.memref_slice %arg15[%add3A_603, %dma_wait3A_607] : memref<10240x64xf32, #tpu.memory_space<vmem_shared>> -> memref<80x64xf32, #tpu.memory_space<vmem_shared>>
    %dma_wait3A_609 = arith.constant 0 : i32
    %dma_wait3A_610 = arith.constant 0 : i32
    %dma_wait3A_611 = tpu.memref_slice %arg10[%dma_wait3A_609, %dma_wait3A_610] : memref<125x64xf32, #tpu.memory_space<vmem>> -> memref<80x64xf32, #tpu.memory_space<vmem>>
    %dma_wait3A_612 = arith.constant 0 : i32
    %dma_wait3A_613 = tpu.memref_slice %arg15[%add3A_603, %dma_wait3A_612] : memref<10240x64xf32, #tpu.memory_space<vmem_shared>> -> memref<80x64xf32, #tpu.memory_space<vmem_shared>>
    tpu.wait_dma2 semaphore(%arg19 : memref<!tpu.dma_semaphore, #tpu.memory_space<semaphore_mem>>) src(%dma_wait3A_613 : memref<80x64xf32, #tpu.memory_space<vmem_shared>>) dst(%dma_wait3A_611 : memref<80x64xf32, #tpu.memory_space<vmem>>)
    %add3A_614 = arith.constant 240 : i32
    %add3A_615 = arith.addi %mul3A_6, %add3A_614 : i32
    %dma_start3A_616 = arith.constant 0 : i32
    %dma_start3A_617 = arith.constant 0 : i32
    %dma_start3A_618 = tpu.memref_slice %arg10[%dma_start3A_616, %dma_start3A_617] : memref<125x64xf32, #tpu.memory_space<vmem>> -> memref<80x64xf32, #tpu.memory_space<vmem>>
    %dma_start3A_619 = arith.constant 0 : i32
    %dma_start3A_620 = tpu.memref_slice %arg4[%arg0, %add3A_615, %dma_start3A_619] : memref<2x10240x64xf32, #tpu.memory_space<hbm>> -> memref<1x80x64xf32, #tpu.memory_space<hbm>>
    %dma_start3A_621 = tpu.memref_squeeze %dma_start3A_620 : memref<1x80x64xf32, #tpu.memory_space<hbm>> -> memref<80x64xf32, #tpu.memory_space<hbm>>
    %dma_start3A_622 = arith.constant 0 : i32
    %dma_start3A_623 = tpu.memref_slice %arg4[%arg0, %add3A_615, %dma_start3A_622] : memref<2x10240x64xf32, #tpu.memory_space<hbm>> -> memref<1x80x64xf32, #tpu.memory_space<hbm>>
    %dma_start3A_624 = tpu.memref_squeeze %dma_start3A_623 : memref<1x80x64xf32, #tpu.memory_space<hbm>> -> memref<80x64xf32, #tpu.memory_space<hbm>>
    %dma_start3A_625 = arith.constant 0 : i32
    %dma_start3A_626 = arith.constant 0 : i32
    %dma_start3A_627 = tpu.memref_slice %arg10[%dma_start3A_625, %dma_start3A_626] : memref<125x64xf32, #tpu.memory_space<vmem>> -> memref<80x64xf32, #tpu.memory_space<vmem>>
    tpu.enqueue_dma source(%dma_start3A_627 : memref<80x64xf32, #tpu.memory_space<vmem>>) target(%dma_start3A_624 : memref<80x64xf32, #tpu.memory_space<hbm>>) target_semaphore(%arg27 : memref<!tpu.dma_semaphore, #tpu.memory_space<semaphore_mem>>)
    %add3A_628 = arith.constant 320 : i32
    %add3A_629 = arith.addi %mul3A_6, %add3A_628 : i32
    %dma_wait3A_630 = arith.constant 0 : i32
    %dma_wait3A_631 = arith.constant 0 : i32
    %dma_wait3A_632 = tpu.memref_slice %arg11[%dma_wait3A_630, %dma_wait3A_631] : memref<125x64xf32, #tpu.memory_space<vmem>> -> memref<80x64xf32, #tpu.memory_space<vmem>>
    %dma_wait3A_633 = arith.constant 0 : i32
    %dma_wait3A_634 = tpu.memref_slice %arg15[%add3A_629, %dma_wait3A_633] : memref<10240x64xf32, #tpu.memory_space<vmem_shared>> -> memref<80x64xf32, #tpu.memory_space<vmem_shared>>
    %dma_wait3A_635 = arith.constant 0 : i32
    %dma_wait3A_636 = arith.constant 0 : i32
    %dma_wait3A_637 = tpu.memref_slice %arg11[%dma_wait3A_635, %dma_wait3A_636] : memref<125x64xf32, #tpu.memory_space<vmem>> -> memref<80x64xf32, #tpu.memory_space<vmem>>
    %dma_wait3A_638 = arith.constant 0 : i32
    %dma_wait3A_639 = tpu.memref_slice %arg15[%add3A_629, %dma_wait3A_638] : memref<10240x64xf32, #tpu.memory_space<vmem_shared>> -> memref<80x64xf32, #tpu.memory_space<vmem_shared>>
    tpu.wait_dma2 semaphore(%arg20 : memref<!tpu.dma_semaphore, #tpu.memory_space<semaphore_mem>>) src(%dma_wait3A_639 : memref<80x64xf32, #tpu.memory_space<vmem_shared>>) dst(%dma_wait3A_637 : memref<80x64xf32, #tpu.memory_space<vmem>>)
    %add3A_640 = arith.constant 320 : i32
    %add3A_641 = arith.addi %mul3A_6, %add3A_640 : i32
    %dma_start3A_642 = arith.constant 0 : i32
    %dma_start3A_643 = arith.constant 0 : i32
    %dma_start3A_644 = tpu.memref_slice %arg11[%dma_start3A_642, %dma_start3A_643] : memref<125x64xf32, #tpu.memory_space<vmem>> -> memref<80x64xf32, #tpu.memory_space<vmem>>
    %dma_start3A_645 = arith.constant 0 : i32
    %dma_start3A_646 = tpu.memref_slice %arg4[%arg0, %add3A_641, %dma_start3A_645] : memref<2x10240x64xf32, #tpu.memory_space<hbm>> -> memref<1x80x64xf32, #tpu.memory_space<hbm>>
    %dma_start3A_647 = tpu.memref_squeeze %dma_start3A_646 : memref<1x80x64xf32, #tpu.memory_space<hbm>> -> memref<80x64xf32, #tpu.memory_space<hbm>>
    %dma_start3A_648 = arith.constant 0 : i32
    %dma_start3A_649 = tpu.memref_slice %arg4[%arg0, %add3A_641, %dma_start3A_648] : memref<2x10240x64xf32, #tpu.memory_space<hbm>> -> memref<1x80x64xf32, #tpu.memory_space<hbm>>
    %dma_start3A_650 = tpu.memref_squeeze %dma_start3A_649 : memref<1x80x64xf32, #tpu.memory_space<hbm>> -> memref<80x64xf32, #tpu.memory_space<hbm>>
    %dma_start3A_651 = arith.constant 0 : i32
    %dma_start3A_652 = arith.constant 0 : i32
    %dma_start3A_653 = tpu.memref_slice %arg11[%dma_start3A_651, %dma_start3A_652] : memref<125x64xf32, #tpu.memory_space<vmem>> -> memref<80x64xf32, #tpu.memory_space<vmem>>
    tpu.enqueue_dma source(%dma_start3A_653 : memref<80x64xf32, #tpu.memory_space<vmem>>) target(%dma_start3A_650 : memref<80x64xf32, #tpu.memory_space<hbm>>) target_semaphore(%arg28 : memref<!tpu.dma_semaphore, #tpu.memory_space<semaphore_mem>>)
    %add3A_654 = arith.constant 400 : i32
    %add3A_655 = arith.addi %mul3A_6, %add3A_654 : i32
    %dma_wait3A_656 = arith.constant 0 : i32
    %dma_wait3A_657 = arith.constant 0 : i32
    %dma_wait3A_658 = tpu.memref_slice %arg12[%dma_wait3A_656, %dma_wait3A_657] : memref<125x64xf32, #tpu.memory_space<vmem>> -> memref<80x64xf32, #tpu.memory_space<vmem>>
    %dma_wait3A_659 = arith.constant 0 : i32
    %dma_wait3A_660 = tpu.memref_slice %arg15[%add3A_655, %dma_wait3A_659] : memref<10240x64xf32, #tpu.memory_space<vmem_shared>> -> memref<80x64xf32, #tpu.memory_space<vmem_shared>>
    %dma_wait3A_661 = arith.constant 0 : i32
    %dma_wait3A_662 = arith.constant 0 : i32
    %dma_wait3A_663 = tpu.memref_slice %arg12[%dma_wait3A_661, %dma_wait3A_662] : memref<125x64xf32, #tpu.memory_space<vmem>> -> memref<80x64xf32, #tpu.memory_space<vmem>>
    %dma_wait3A_664 = arith.constant 0 : i32
    %dma_wait3A_665 = tpu.memref_slice %arg15[%add3A_655, %dma_wait3A_664] : memref<10240x64xf32, #tpu.memory_space<vmem_shared>> -> memref<80x64xf32, #tpu.memory_space<vmem_shared>>
    tpu.wait_dma2 semaphore(%arg21 : memref<!tpu.dma_semaphore, #tpu.memory_space<semaphore_mem>>) src(%dma_wait3A_665 : memref<80x64xf32, #tpu.memory_space<vmem_shared>>) dst(%dma_wait3A_663 : memref<80x64xf32, #tpu.memory_space<vmem>>)
    %add3A_666 = arith.constant 400 : i32
    %add3A_667 = arith.addi %mul3A_6, %add3A_666 : i32
    %dma_start3A_668 = arith.constant 0 : i32
    %dma_start3A_669 = arith.constant 0 : i32
    %dma_start3A_670 = tpu.memref_slice %arg12[%dma_start3A_668, %dma_start3A_669] : memref<125x64xf32, #tpu.memory_space<vmem>> -> memref<80x64xf32, #tpu.memory_space<vmem>>
    %dma_start3A_671 = arith.constant 0 : i32
    %dma_start3A_672 = tpu.memref_slice %arg4[%arg0, %add3A_667, %dma_start3A_671] : memref<2x10240x64xf32, #tpu.memory_space<hbm>> -> memref<1x80x64xf32, #tpu.memory_space<hbm>>
    %dma_start3A_673 = tpu.memref_squeeze %dma_start3A_672 : memref<1x80x64xf32, #tpu.memory_space<hbm>> -> memref<80x64xf32, #tpu.memory_space<hbm>>
    %dma_start3A_674 = arith.constant 0 : i32
    %dma_start3A_675 = tpu.memref_slice %arg4[%arg0, %add3A_667, %dma_start3A_674] : memref<2x10240x64xf32, #tpu.memory_space<hbm>> -> memref<1x80x64xf32, #tpu.memory_space<hbm>>
    %dma_start3A_676 = tpu.memref_squeeze %dma_start3A_675 : memref<1x80x64xf32, #tpu.memory_space<hbm>> -> memref<80x64xf32, #tpu.memory_space<hbm>>
    %dma_start3A_677 = arith.constant 0 : i32
    %dma_start3A_678 = arith.constant 0 : i32
    %dma_start3A_679 = tpu.memref_slice %arg12[%dma_start3A_677, %dma_start3A_678] : memref<125x64xf32, #tpu.memory_space<vmem>> -> memref<80x64xf32, #tpu.memory_space<vmem>>
    tpu.enqueue_dma source(%dma_start3A_679 : memref<80x64xf32, #tpu.memory_space<vmem>>) target(%dma_start3A_676 : memref<80x64xf32, #tpu.memory_space<hbm>>) target_semaphore(%arg29 : memref<!tpu.dma_semaphore, #tpu.memory_space<semaphore_mem>>)
    %add3A_680 = arith.constant 480 : i32
    %add3A_681 = arith.addi %mul3A_6, %add3A_680 : i32
    %dma_wait3A_682 = arith.constant 0 : i32
    %dma_wait3A_683 = arith.constant 0 : i32
    %dma_wait3A_684 = tpu.memref_slice %arg13[%dma_wait3A_682, %dma_wait3A_683] : memref<125x64xf32, #tpu.memory_space<vmem>> -> memref<80x64xf32, #tpu.memory_space<vmem>>
    %dma_wait3A_685 = arith.constant 0 : i32
    %dma_wait3A_686 = tpu.memref_slice %arg15[%add3A_681, %dma_wait3A_685] : memref<10240x64xf32, #tpu.memory_space<vmem_shared>> -> memref<80x64xf32, #tpu.memory_space<vmem_shared>>
    %dma_wait3A_687 = arith.constant 0 : i32
    %dma_wait3A_688 = arith.constant 0 : i32
    %dma_wait3A_689 = tpu.memref_slice %arg13[%dma_wait3A_687, %dma_wait3A_688] : memref<125x64xf32, #tpu.memory_space<vmem>> -> memref<80x64xf32, #tpu.memory_space<vmem>>
    %dma_wait3A_690 = arith.constant 0 : i32
    %dma_wait3A_691 = tpu.memref_slice %arg15[%add3A_681, %dma_wait3A_690] : memref<10240x64xf32, #tpu.memory_space<vmem_shared>> -> memref<80x64xf32, #tpu.memory_space<vmem_shared>>
    tpu.wait_dma2 semaphore(%arg22 : memref<!tpu.dma_semaphore, #tpu.memory_space<semaphore_mem>>) src(%dma_wait3A_691 : memref<80x64xf32, #tpu.memory_space<vmem_shared>>) dst(%dma_wait3A_689 : memref<80x64xf32, #tpu.memory_space<vmem>>)
    %add3A_692 = arith.constant 480 : i32
    %add3A_693 = arith.addi %mul3A_6, %add3A_692 : i32
    %dma_start3A_694 = arith.constant 0 : i32
    %dma_start3A_695 = arith.constant 0 : i32
    %dma_start3A_696 = tpu.memref_slice %arg13[%dma_start3A_694, %dma_start3A_695] : memref<125x64xf32, #tpu.memory_space<vmem>> -> memref<80x64xf32, #tpu.memory_space<vmem>>
    %dma_start3A_697 = arith.constant 0 : i32
    %dma_start3A_698 = tpu.memref_slice %arg4[%arg0, %add3A_693, %dma_start3A_697] : memref<2x10240x64xf32, #tpu.memory_space<hbm>> -> memref<1x80x64xf32, #tpu.memory_space<hbm>>
    %dma_start3A_699 = tpu.memref_squeeze %dma_start3A_698 : memref<1x80x64xf32, #tpu.memory_space<hbm>> -> memref<80x64xf32, #tpu.memory_space<hbm>>
    %dma_start3A_700 = arith.constant 0 : i32
    %dma_start3A_701 = tpu.memref_slice %arg4[%arg0, %add3A_693, %dma_start3A_700] : memref<2x10240x64xf32, #tpu.memory_space<hbm>> -> memref<1x80x64xf32, #tpu.memory_space<hbm>>
    %dma_start3A_702 = tpu.memref_squeeze %dma_start3A_701 : memref<1x80x64xf32, #tpu.memory_space<hbm>> -> memref<80x64xf32, #tpu.memory_space<hbm>>
    %dma_start3A_703 = arith.constant 0 : i32
    %dma_start3A_704 = arith.constant 0 : i32
    %dma_start3A_705 = tpu.memref_slice %arg13[%dma_start3A_703, %dma_start3A_704] : memref<125x64xf32, #tpu.memory_space<vmem>> -> memref<80x64xf32, #tpu.memory_space<vmem>>
    tpu.enqueue_dma source(%dma_start3A_705 : memref<80x64xf32, #tpu.memory_space<vmem>>) target(%dma_start3A_702 : memref<80x64xf32, #tpu.memory_space<hbm>>) target_semaphore(%arg30 : memref<!tpu.dma_semaphore, #tpu.memory_space<semaphore_mem>>)
    %add3A_706 = arith.constant 560 : i32
    %add3A_707 = arith.addi %mul3A_6, %add3A_706 : i32
    %dma_wait3A_708 = arith.constant 0 : i32
    %dma_wait3A_709 = arith.constant 0 : i32
    %dma_wait3A_710 = tpu.memref_slice %arg14[%dma_wait3A_708, %dma_wait3A_709] : memref<125x64xf32, #tpu.memory_space<vmem>> -> memref<80x64xf32, #tpu.memory_space<vmem>>
    %dma_wait3A_711 = arith.constant 0 : i32
    %dma_wait3A_712 = tpu.memref_slice %arg15[%add3A_707, %dma_wait3A_711] : memref<10240x64xf32, #tpu.memory_space<vmem_shared>> -> memref<80x64xf32, #tpu.memory_space<vmem_shared>>
    %dma_wait3A_713 = arith.constant 0 : i32
    %dma_wait3A_714 = arith.constant 0 : i32
    %dma_wait3A_715 = tpu.memref_slice %arg14[%dma_wait3A_713, %dma_wait3A_714] : memref<125x64xf32, #tpu.memory_space<vmem>> -> memref<80x64xf32, #tpu.memory_space<vmem>>
    %dma_wait3A_716 = arith.constant 0 : i32
    %dma_wait3A_717 = tpu.memref_slice %arg15[%add3A_707, %dma_wait3A_716] : memref<10240x64xf32, #tpu.memory_space<vmem_shared>> -> memref<80x64xf32, #tpu.memory_space<vmem_shared>>
    tpu.wait_dma2 semaphore(%arg23 : memref<!tpu.dma_semaphore, #tpu.memory_space<semaphore_mem>>) src(%dma_wait3A_717 : memref<80x64xf32, #tpu.memory_space<vmem_shared>>) dst(%dma_wait3A_715 : memref<80x64xf32, #tpu.memory_space<vmem>>)
    %add3A_718 = arith.constant 560 : i32
    %add3A_719 = arith.addi %mul3A_6, %add3A_718 : i32
    %dma_start3A_720 = arith.constant 0 : i32
    %dma_start3A_721 = arith.constant 0 : i32
    %dma_start3A_722 = tpu.memref_slice %arg14[%dma_start3A_720, %dma_start3A_721] : memref<125x64xf32, #tpu.memory_space<vmem>> -> memref<80x64xf32, #tpu.memory_space<vmem>>
    %dma_start3A_723 = arith.constant 0 : i32
    %dma_start3A_724 = tpu.memref_slice %arg4[%arg0, %add3A_719, %dma_start3A_723] : memref<2x10240x64xf32, #tpu.memory_space<hbm>> -> memref<1x80x64xf32, #tpu.memory_space<hbm>>
    %dma_start3A_725 = tpu.memref_squeeze %dma_start3A_724 : memref<1x80x64xf32, #tpu.memory_space<hbm>> -> memref<80x64xf32, #tpu.memory_space<hbm>>
    %dma_start3A_726 = arith.constant 0 : i32
    %dma_start3A_727 = tpu.memref_slice %arg4[%arg0, %add3A_719, %dma_start3A_726] : memref<2x10240x64xf32, #tpu.memory_space<hbm>> -> memref<1x80x64xf32, #tpu.memory_space<hbm>>
    %dma_start3A_728 = tpu.memref_squeeze %dma_start3A_727 : memref<1x80x64xf32, #tpu.memory_space<hbm>> -> memref<80x64xf32, #tpu.memory_space<hbm>>
    %dma_start3A_729 = arith.constant 0 : i32
    %dma_start3A_730 = arith.constant 0 : i32
    %dma_start3A_731 = tpu.memref_slice %arg14[%dma_start3A_729, %dma_start3A_730] : memref<125x64xf32, #tpu.memory_space<vmem>> -> memref<80x64xf32, #tpu.memory_space<vmem>>
    tpu.enqueue_dma source(%dma_start3A_731 : memref<80x64xf32, #tpu.memory_space<vmem>>) target(%dma_start3A_728 : memref<80x64xf32, #tpu.memory_space<hbm>>) target_semaphore(%arg31 : memref<!tpu.dma_semaphore, #tpu.memory_space<semaphore_mem>>)
    %add3A_732 = arith.constant 0 : i32
    %add3A_733 = arith.addi %mul3A_6, %add3A_732 : i32
    %dma_wait3A_734 = arith.constant 0 : i32
    %dma_wait3A_735 = arith.constant 0 : i32
    %dma_wait3A_736 = tpu.memref_slice %arg7[%dma_wait3A_734, %dma_wait3A_735] : memref<125x64xf32, #tpu.memory_space<vmem>> -> memref<80x64xf32, #tpu.memory_space<vmem>>
    %dma_wait3A_737 = arith.constant 0 : i32
    %dma_wait3A_738 = tpu.memref_slice %arg4[%arg0, %add3A_733, %dma_wait3A_737] : memref<2x10240x64xf32, #tpu.memory_space<hbm>> -> memref<1x80x64xf32, #tpu.memory_space<hbm>>
    %dma_wait3A_739 = tpu.memref_squeeze %dma_wait3A_738 : memref<1x80x64xf32, #tpu.memory_space<hbm>> -> memref<80x64xf32, #tpu.memory_space<hbm>>
    %dma_wait3A_740 = arith.constant 0 : i32
    %dma_wait3A_741 = tpu.memref_slice %arg4[%arg0, %add3A_733, %dma_wait3A_740] : memref<2x10240x64xf32, #tpu.memory_space<hbm>> -> memref<1x80x64xf32, #tpu.memory_space<hbm>>
    %dma_wait3A_742 = tpu.memref_squeeze %dma_wait3A_741 : memref<1x80x64xf32, #tpu.memory_space<hbm>> -> memref<80x64xf32, #tpu.memory_space<hbm>>
    %dma_wait3A_743 = arith.constant 0 : i32
    %dma_wait3A_744 = arith.constant 0 : i32
    %dma_wait3A_745 = tpu.memref_slice %arg7[%dma_wait3A_743, %dma_wait3A_744] : memref<125x64xf32, #tpu.memory_space<vmem>> -> memref<80x64xf32, #tpu.memory_space<vmem>>
    tpu.wait_dma2 semaphore(%arg24 : memref<!tpu.dma_semaphore, #tpu.memory_space<semaphore_mem>>) src(%dma_wait3A_745 : memref<80x64xf32, #tpu.memory_space<vmem>>) dst(%dma_wait3A_742 : memref<80x64xf32, #tpu.memory_space<hbm>>)
    %add3A_746 = arith.constant 80 : i32
    %add3A_747 = arith.addi %mul3A_6, %add3A_746 : i32
    %dma_wait3A_748 = arith.constant 0 : i32
    %dma_wait3A_749 = arith.constant 0 : i32
    %dma_wait3A_750 = tpu.memref_slice %arg8[%dma_wait3A_748, %dma_wait3A_749] : memref<125x64xf32, #tpu.memory_space<vmem>> -> memref<80x64xf32, #tpu.memory_space<vmem>>
    %dma_wait3A_751 = arith.constant 0 : i32
    %dma_wait3A_752 = tpu.memref_slice %arg4[%arg0, %add3A_747, %dma_wait3A_751] : memref<2x10240x64xf32, #tpu.memory_space<hbm>> -> memref<1x80x64xf32, #tpu.memory_space<hbm>>
    %dma_wait3A_753 = tpu.memref_squeeze %dma_wait3A_752 : memref<1x80x64xf32, #tpu.memory_space<hbm>> -> memref<80x64xf32, #tpu.memory_space<hbm>>
    %dma_wait3A_754 = arith.constant 0 : i32
    %dma_wait3A_755 = tpu.memref_slice %arg4[%arg0, %add3A_747, %dma_wait3A_754] : memref<2x10240x64xf32, #tpu.memory_space<hbm>> -> memref<1x80x64xf32, #tpu.memory_space<hbm>>
    %dma_wait3A_756 = tpu.memref_squeeze %dma_wait3A_755 : memref<1x80x64xf32, #tpu.memory_space<hbm>> -> memref<80x64xf32, #tpu.memory_space<hbm>>
    %dma_wait3A_757 = arith.constant 0 : i32
    %dma_wait3A_758 = arith.constant 0 : i32
    %dma_wait3A_759 = tpu.memref_slice %arg8[%dma_wait3A_757, %dma_wait3A_758] : memref<125x64xf32, #tpu.memory_space<vmem>> -> memref<80x64xf32, #tpu.memory_space<vmem>>
    tpu.wait_dma2 semaphore(%arg25 : memref<!tpu.dma_semaphore, #tpu.memory_space<semaphore_mem>>) src(%dma_wait3A_759 : memref<80x64xf32, #tpu.memory_space<vmem>>) dst(%dma_wait3A_756 : memref<80x64xf32, #tpu.memory_space<hbm>>)
    %add3A_760 = arith.constant 160 : i32
    %add3A_761 = arith.addi %mul3A_6, %add3A_760 : i32
    %dma_wait3A_762 = arith.constant 0 : i32
    %dma_wait3A_763 = arith.constant 0 : i32
    %dma_wait3A_764 = tpu.memref_slice %arg9[%dma_wait3A_762, %dma_wait3A_763] : memref<125x64xf32, #tpu.memory_space<vmem>> -> memref<80x64xf32, #tpu.memory_space<vmem>>
    %dma_wait3A_765 = arith.constant 0 : i32
    %dma_wait3A_766 = tpu.memref_slice %arg4[%arg0, %add3A_761, %dma_wait3A_765] : memref<2x10240x64xf32, #tpu.memory_space<hbm>> -> memref<1x80x64xf32, #tpu.memory_space<hbm>>
    %dma_wait3A_767 = tpu.memref_squeeze %dma_wait3A_766 : memref<1x80x64xf32, #tpu.memory_space<hbm>> -> memref<80x64xf32, #tpu.memory_space<hbm>>
    %dma_wait3A_768 = arith.constant 0 : i32
    %dma_wait3A_769 = tpu.memref_slice %arg4[%arg0, %add3A_761, %dma_wait3A_768] : memref<2x10240x64xf32, #tpu.memory_space<hbm>> -> memref<1x80x64xf32, #tpu.memory_space<hbm>>
    %dma_wait3A_770 = tpu.memref_squeeze %dma_wait3A_769 : memref<1x80x64xf32, #tpu.memory_space<hbm>> -> memref<80x64xf32, #tpu.memory_space<hbm>>
    %dma_wait3A_771 = arith.constant 0 : i32
    %dma_wait3A_772 = arith.constant 0 : i32
    %dma_wait3A_773 = tpu.memref_slice %arg9[%dma_wait3A_771, %dma_wait3A_772] : memref<125x64xf32, #tpu.memory_space<vmem>> -> memref<80x64xf32, #tpu.memory_space<vmem>>
    tpu.wait_dma2 semaphore(%arg26 : memref<!tpu.dma_semaphore, #tpu.memory_space<semaphore_mem>>) src(%dma_wait3A_773 : memref<80x64xf32, #tpu.memory_space<vmem>>) dst(%dma_wait3A_770 : memref<80x64xf32, #tpu.memory_space<hbm>>)
    %add3A_774 = arith.constant 240 : i32
    %add3A_775 = arith.addi %mul3A_6, %add3A_774 : i32
    %dma_wait3A_776 = arith.constant 0 : i32
    %dma_wait3A_777 = arith.constant 0 : i32
    %dma_wait3A_778 = tpu.memref_slice %arg10[%dma_wait3A_776, %dma_wait3A_777] : memref<125x64xf32, #tpu.memory_space<vmem>> -> memref<80x64xf32, #tpu.memory_space<vmem>>
    %dma_wait3A_779 = arith.constant 0 : i32
    %dma_wait3A_780 = tpu.memref_slice %arg4[%arg0, %add3A_775, %dma_wait3A_779] : memref<2x10240x64xf32, #tpu.memory_space<hbm>> -> memref<1x80x64xf32, #tpu.memory_space<hbm>>
    %dma_wait3A_781 = tpu.memref_squeeze %dma_wait3A_780 : memref<1x80x64xf32, #tpu.memory_space<hbm>> -> memref<80x64xf32, #tpu.memory_space<hbm>>
    %dma_wait3A_782 = arith.constant 0 : i32
    %dma_wait3A_783 = tpu.memref_slice %arg4[%arg0, %add3A_775, %dma_wait3A_782] : memref<2x10240x64xf32, #tpu.memory_space<hbm>> -> memref<1x80x64xf32, #tpu.memory_space<hbm>>
    %dma_wait3A_784 = tpu.memref_squeeze %dma_wait3A_783 : memref<1x80x64xf32, #tpu.memory_space<hbm>> -> memref<80x64xf32, #tpu.memory_space<hbm>>
    %dma_wait3A_785 = arith.constant 0 : i32
    %dma_wait3A_786 = arith.constant 0 : i32
    %dma_wait3A_787 = tpu.memref_slice %arg10[%dma_wait3A_785, %dma_wait3A_786] : memref<125x64xf32, #tpu.memory_space<vmem>> -> memref<80x64xf32, #tpu.memory_space<vmem>>
    tpu.wait_dma2 semaphore(%arg27 : memref<!tpu.dma_semaphore, #tpu.memory_space<semaphore_mem>>) src(%dma_wait3A_787 : memref<80x64xf32, #tpu.memory_space<vmem>>) dst(%dma_wait3A_784 : memref<80x64xf32, #tpu.memory_space<hbm>>)
    %add3A_788 = arith.constant 320 : i32
    %add3A_789 = arith.addi %mul3A_6, %add3A_788 : i32
    %dma_wait3A_790 = arith.constant 0 : i32
    %dma_wait3A_791 = arith.constant 0 : i32
    %dma_wait3A_792 = tpu.memref_slice %arg11[%dma_wait3A_790, %dma_wait3A_791] : memref<125x64xf32, #tpu.memory_space<vmem>> -> memref<80x64xf32, #tpu.memory_space<vmem>>
    %dma_wait3A_793 = arith.constant 0 : i32
    %dma_wait3A_794 = tpu.memref_slice %arg4[%arg0, %add3A_789, %dma_wait3A_793] : memref<2x10240x64xf32, #tpu.memory_space<hbm>> -> memref<1x80x64xf32, #tpu.memory_space<hbm>>
    %dma_wait3A_795 = tpu.memref_squeeze %dma_wait3A_794 : memref<1x80x64xf32, #tpu.memory_space<hbm>> -> memref<80x64xf32, #tpu.memory_space<hbm>>
    %dma_wait3A_796 = arith.constant 0 : i32
    %dma_wait3A_797 = tpu.memref_slice %arg4[%arg0, %add3A_789, %dma_wait3A_796] : memref<2x10240x64xf32, #tpu.memory_space<hbm>> -> memref<1x80x64xf32, #tpu.memory_space<hbm>>
    %dma_wait3A_798 = tpu.memref_squeeze %dma_wait3A_797 : memref<1x80x64xf32, #tpu.memory_space<hbm>> -> memref<80x64xf32, #tpu.memory_space<hbm>>
    %dma_wait3A_799 = arith.constant 0 : i32
    %dma_wait3A_800 = arith.constant 0 : i32
    %dma_wait3A_801 = tpu.memref_slice %arg11[%dma_wait3A_799, %dma_wait3A_800] : memref<125x64xf32, #tpu.memory_space<vmem>> -> memref<80x64xf32, #tpu.memory_space<vmem>>
    tpu.wait_dma2 semaphore(%arg28 : memref<!tpu.dma_semaphore, #tpu.memory_space<semaphore_mem>>) src(%dma_wait3A_801 : memref<80x64xf32, #tpu.memory_space<vmem>>) dst(%dma_wait3A_798 : memref<80x64xf32, #tpu.memory_space<hbm>>)
    %add3A_802 = arith.constant 400 : i32
    %add3A_803 = arith.addi %mul3A_6, %add3A_802 : i32
    %dma_wait3A_804 = arith.constant 0 : i32
    %dma_wait3A_805 = arith.constant 0 : i32
    %dma_wait3A_806 = tpu.memref_slice %arg12[%dma_wait3A_804, %dma_wait3A_805] : memref<125x64xf32, #tpu.memory_space<vmem>> -> memref<80x64xf32, #tpu.memory_space<vmem>>
    %dma_wait3A_807 = arith.constant 0 : i32
    %dma_wait3A_808 = tpu.memref_slice %arg4[%arg0, %add3A_803, %dma_wait3A_807] : memref<2x10240x64xf32, #tpu.memory_space<hbm>> -> memref<1x80x64xf32, #tpu.memory_space<hbm>>
    %dma_wait3A_809 = tpu.memref_squeeze %dma_wait3A_808 : memref<1x80x64xf32, #tpu.memory_space<hbm>> -> memref<80x64xf32, #tpu.memory_space<hbm>>
    %dma_wait3A_810 = arith.constant 0 : i32
    %dma_wait3A_811 = tpu.memref_slice %arg4[%arg0, %add3A_803, %dma_wait3A_810] : memref<2x10240x64xf32, #tpu.memory_space<hbm>> -> memref<1x80x64xf32, #tpu.memory_space<hbm>>
    %dma_wait3A_812 = tpu.memref_squeeze %dma_wait3A_811 : memref<1x80x64xf32, #tpu.memory_space<hbm>> -> memref<80x64xf32, #tpu.memory_space<hbm>>
    %dma_wait3A_813 = arith.constant 0 : i32
    %dma_wait3A_814 = arith.constant 0 : i32
    %dma_wait3A_815 = tpu.memref_slice %arg12[%dma_wait3A_813, %dma_wait3A_814] : memref<125x64xf32, #tpu.memory_space<vmem>> -> memref<80x64xf32, #tpu.memory_space<vmem>>
    tpu.wait_dma2 semaphore(%arg29 : memref<!tpu.dma_semaphore, #tpu.memory_space<semaphore_mem>>) src(%dma_wait3A_815 : memref<80x64xf32, #tpu.memory_space<vmem>>) dst(%dma_wait3A_812 : memref<80x64xf32, #tpu.memory_space<hbm>>)
    %add3A_816 = arith.constant 480 : i32
    %add3A_817 = arith.addi %mul3A_6, %add3A_816 : i32
    %dma_wait3A_818 = arith.constant 0 : i32
    %dma_wait3A_819 = arith.constant 0 : i32
    %dma_wait3A_820 = tpu.memref_slice %arg13[%dma_wait3A_818, %dma_wait3A_819] : memref<125x64xf32, #tpu.memory_space<vmem>> -> memref<80x64xf32, #tpu.memory_space<vmem>>
    %dma_wait3A_821 = arith.constant 0 : i32
    %dma_wait3A_822 = tpu.memref_slice %arg4[%arg0, %add3A_817, %dma_wait3A_821] : memref<2x10240x64xf32, #tpu.memory_space<hbm>> -> memref<1x80x64xf32, #tpu.memory_space<hbm>>
    %dma_wait3A_823 = tpu.memref_squeeze %dma_wait3A_822 : memref<1x80x64xf32, #tpu.memory_space<hbm>> -> memref<80x64xf32, #tpu.memory_space<hbm>>
    %dma_wait3A_824 = arith.constant 0 : i32
    %dma_wait3A_825 = tpu.memref_slice %arg4[%arg0, %add3A_817, %dma_wait3A_824] : memref<2x10240x64xf32, #tpu.memory_space<hbm>> -> memref<1x80x64xf32, #tpu.memory_space<hbm>>
    %dma_wait3A_826 = tpu.memref_squeeze %dma_wait3A_825 : memref<1x80x64xf32, #tpu.memory_space<hbm>> -> memref<80x64xf32, #tpu.memory_space<hbm>>
    %dma_wait3A_827 = arith.constant 0 : i32
    %dma_wait3A_828 = arith.constant 0 : i32
    %dma_wait3A_829 = tpu.memref_slice %arg13[%dma_wait3A_827, %dma_wait3A_828] : memref<125x64xf32, #tpu.memory_space<vmem>> -> memref<80x64xf32, #tpu.memory_space<vmem>>
    tpu.wait_dma2 semaphore(%arg30 : memref<!tpu.dma_semaphore, #tpu.memory_space<semaphore_mem>>) src(%dma_wait3A_829 : memref<80x64xf32, #tpu.memory_space<vmem>>) dst(%dma_wait3A_826 : memref<80x64xf32, #tpu.memory_space<hbm>>)
    %add3A_830 = arith.constant 560 : i32
    %add3A_831 = arith.addi %mul3A_6, %add3A_830 : i32
    %dma_wait3A_832 = arith.constant 0 : i32
    %dma_wait3A_833 = arith.constant 0 : i32
    %dma_wait3A_834 = tpu.memref_slice %arg14[%dma_wait3A_832, %dma_wait3A_833] : memref<125x64xf32, #tpu.memory_space<vmem>> -> memref<80x64xf32, #tpu.memory_space<vmem>>
    %dma_wait3A_835 = arith.constant 0 : i32
    %dma_wait3A_836 = tpu.memref_slice %arg4[%arg0, %add3A_831, %dma_wait3A_835] : memref<2x10240x64xf32, #tpu.memory_space<hbm>> -> memref<1x80x64xf32, #tpu.memory_space<hbm>>
    %dma_wait3A_837 = tpu.memref_squeeze %dma_wait3A_836 : memref<1x80x64xf32, #tpu.memory_space<hbm>> -> memref<80x64xf32, #tpu.memory_space<hbm>>
    %dma_wait3A_838 = arith.constant 0 : i32
    %dma_wait3A_839 = tpu.memref_slice %arg4[%arg0, %add3A_831, %dma_wait3A_838] : memref<2x10240x64xf32, #tpu.memory_space<hbm>> -> memref<1x80x64xf32, #tpu.memory_space<hbm>>
    %dma_wait3A_840 = tpu.memref_squeeze %dma_wait3A_839 : memref<1x80x64xf32, #tpu.memory_space<hbm>> -> memref<80x64xf32, #tpu.memory_space<hbm>>
    %dma_wait3A_841 = arith.constant 0 : i32
    %dma_wait3A_842 = arith.constant 0 : i32
    %dma_wait3A_843 = tpu.memref_slice %arg14[%dma_wait3A_841, %dma_wait3A_842] : memref<125x64xf32, #tpu.memory_space<vmem>> -> memref<80x64xf32, #tpu.memory_space<vmem>>
    tpu.wait_dma2 semaphore(%arg31 : memref<!tpu.dma_semaphore, #tpu.memory_space<semaphore_mem>>) src(%dma_wait3A_843 : memref<80x64xf32, #tpu.memory_space<vmem>>) dst(%dma_wait3A_840 : memref<80x64xf32, #tpu.memory_space<hbm>>)
    return
  }
}

module attributes {stable_mosaic.version = 14 : i64} {
  func.func @_scale_body(%arg0: memref<10000x128xf32, #tpu.memory_space<vmem>>, %arg1: memref<128x64xf32, #tpu.memory_space<vmem>>, %arg2: memref<2x10240x1xf32, #tpu.memory_space<vmem>>, %arg3: memref<10000x64xf32, #tpu.memory_space<vmem>>, %arg4: memref<10000x1xf32, #tpu.memory_space<vmem>>) attributes {dimension_semantics = [], scalar_prefetch = 0 : i64, scratch_operands = 0 : i64, tpu.core_type = #tpu.core_type<tc>} {
    %get3A = arith.constant 0 : index
    %get3A_0 = arith.constant 0 : index
    %get3A_1 = arith.constant 0 : index
    %get3A_2 = vector.load %arg2[%get3A, %get3A_0, %get3A_1] : memref<2x10240x1xf32, #tpu.memory_space<vmem>>, vector<1x10000x1xf32>
    %get3A_3 = vector.shape_cast %get3A_2 : vector<1x10000x1xf32> to vector<10000x1xf32>
    %get3A_4 = arith.constant 1 : index
    %get3A_5 = arith.constant 0 : index
    %get3A_6 = arith.constant 0 : index
    %get3A_7 = vector.load %arg2[%get3A_4, %get3A_5, %get3A_6] : memref<2x10240x1xf32, #tpu.memory_space<vmem>>, vector<1x10000x1xf32>
    %get3A_8 = vector.shape_cast %get3A_7 : vector<1x10000x1xf32> to vector<10000x1xf32>
    %add3A = arith.addf %get3A_3, %get3A_8 : vector<10000x1xf32>
    %add3A_9 = arith.constant 1.000000e+00 : f32
    %add3A_10 = vector.broadcast %add3A_9 : f32 to vector<10000x1xf32>
    %add3A_11 = arith.addf %add3A, %add3A_10 : vector<10000x1xf32>
    %rsqrt3A = math.rsqrt %add3A_11 : vector<10000x1xf32>
    %swap3A = arith.constant 0 : index
    %swap3A_12 = arith.constant 0 : index
    %swap3A_13 = vector.load %arg4[%swap3A, %swap3A_12] : memref<10000x1xf32, #tpu.memory_space<vmem>>, vector<10000x1xf32>
    tpu.vector_store %arg4[%swap3A, %swap3A_12], %rsqrt3A {strides = array<i32>} : memref<10000x1xf32, #tpu.memory_space<vmem>>, vector<10000x1xf32>,
    %get3A_14 = arith.constant 0 : index
    %get3A_15 = arith.constant 0 : index
    %get3A_16 = vector.load %arg0[%get3A_14, %get3A_15] : memref<10000x128xf32, #tpu.memory_space<vmem>>, vector<10000x128xf32>
    %get3A_17 = arith.constant 0 : index
    %get3A_18 = arith.constant 0 : index
    %get3A_19 = vector.load %arg1[%get3A_17, %get3A_18] : memref<128x64xf32, #tpu.memory_space<vmem>>, vector<128x64xf32>
    %dot_general3A = arith.constant dense<0.000000e+00> : vector<10000x64xf32>
    %dot_general3A_20 = tpu.matmul %get3A_16, %get3A_19, %dot_general3A {dimension_numbers = #tpu.dot_dimension_numbers<[1], [0], [0], [1], [0, 0, 1, 1], [], []>, transpose_lhs_hint = false} : vector<10000x128xf32>, vector<128x64xf32>, vector<10000x64xf32> -> vector<10000x64xf32>
    %mul3A = vector.broadcast %rsqrt3A : vector<10000x1xf32> to vector<10000x64xf32>
    %mul3A_21 = arith.mulf %dot_general3A_20, %mul3A : vector<10000x64xf32>
    %swap3A_22 = arith.constant 0 : index
    %swap3A_23 = arith.constant 0 : index
    %swap3A_24 = vector.load %arg3[%swap3A_22, %swap3A_23] : memref<10000x64xf32, #tpu.memory_space<vmem>>, vector<10000x64xf32>
    tpu.vector_store %arg3[%swap3A_22, %swap3A_23], %mul3A_21 {strides = array<i32>} : memref<10000x64xf32, #tpu.memory_space<vmem>>, vector<10000x64xf32>,
    return
  }
}

module attributes {stable_mosaic.version = 14 : i64} {
  func.func @_mid_body(%arg0: memref<2x10240x64xf32, #tpu.memory_space<vmem>>, %arg1: memref<10000x64xf32, #tpu.memory_space<vmem>>, %arg2: memref<10000x1xf32, #tpu.memory_space<vmem>>, %arg3: memref<1x64xf32, #tpu.memory_space<vmem>>, %arg4: memref<64x64xf32, #tpu.memory_space<vmem>>, %arg5: memref<10000x64xf32, #tpu.memory_space<vmem>>) attributes {dimension_semantics = [], scalar_prefetch = 0 : i64, scratch_operands = 0 : i64, tpu.core_type = #tpu.core_type<tc>} {
    %get3A = arith.constant 0 : index
    %get3A_0 = arith.constant 0 : index
    %get3A_1 = arith.constant 0 : index
    %get3A_2 = vector.load %arg0[%get3A, %get3A_0, %get3A_1] : memref<2x10240x64xf32, #tpu.memory_space<vmem>>, vector<1x10000x64xf32>
    %get3A_3 = vector.shape_cast %get3A_2 : vector<1x10000x64xf32> to vector<10000x64xf32>
    %get3A_4 = arith.constant 1 : index
    %get3A_5 = arith.constant 0 : index
    %get3A_6 = arith.constant 0 : index
    %get3A_7 = vector.load %arg0[%get3A_4, %get3A_5, %get3A_6] : memref<2x10240x64xf32, #tpu.memory_space<vmem>>, vector<1x10000x64xf32>
    %get3A_8 = vector.shape_cast %get3A_7 : vector<1x10000x64xf32> to vector<10000x64xf32>
    %add3A = arith.addf %get3A_3, %get3A_8 : vector<10000x64xf32>
    %get3A_9 = arith.constant 0 : index
    %get3A_10 = arith.constant 0 : index
    %get3A_11 = vector.load %arg1[%get3A_9, %get3A_10] : memref<10000x64xf32, #tpu.memory_space<vmem>>, vector<10000x64xf32>
    %add3A_12 = arith.addf %add3A, %get3A_11 : vector<10000x64xf32>
    %get3A_13 = arith.constant 0 : index
    %get3A_14 = arith.constant 0 : index
    %get3A_15 = vector.load %arg2[%get3A_13, %get3A_14] : memref<10000x1xf32, #tpu.memory_space<vmem>>, vector<10000x1xf32>
    %mul3A = vector.broadcast %get3A_15 : vector<10000x1xf32> to vector<10000x64xf32>
    %mul3A_16 = arith.mulf %add3A_12, %mul3A : vector<10000x64xf32>
    %get3A_17 = arith.constant 0 : index
    %get3A_18 = arith.constant 0 : index
    %get3A_19 = vector.load %arg3[%get3A_17, %get3A_18] : memref<1x64xf32, #tpu.memory_space<vmem>>, vector<1x64xf32>
    %add3A_20 = vector.broadcast %get3A_19 : vector<1x64xf32> to vector<10000x64xf32>
    %add3A_21 = arith.addf %mul3A_16, %add3A_20 : vector<10000x64xf32>
    %max3A = arith.constant 0.000000e+00 : f32
    %max3A_22 = vector.broadcast %max3A : f32 to vector<10000x64xf32>
    %max3A_23 = arith.maximumf %add3A_21, %max3A_22 : vector<10000x64xf32>
    %get3A_24 = arith.constant 0 : index
    %get3A_25 = arith.constant 0 : index
    %get3A_26 = vector.load %arg4[%get3A_24, %get3A_25] : memref<64x64xf32, #tpu.memory_space<vmem>>, vector<64x64xf32>
    %dot_general3A = arith.constant dense<0.000000e+00> : vector<10000x64xf32>
    %dot_general3A_27 = tpu.matmul %max3A_23, %get3A_26, %dot_general3A {dimension_numbers = #tpu.dot_dimension_numbers<[1], [0], [0], [1], [0, 0, 1, 1], [], []>, transpose_lhs_hint = false} : vector<10000x64xf32>, vector<64x64xf32>, vector<10000x64xf32> -> vector<10000x64xf32>
    %get3A_28 = arith.constant 0 : index
    %get3A_29 = arith.constant 0 : index
    %get3A_30 = vector.load %arg2[%get3A_28, %get3A_29] : memref<10000x1xf32, #tpu.memory_space<vmem>>, vector<10000x1xf32>
    %mul3A_31 = vector.broadcast %get3A_30 : vector<10000x1xf32> to vector<10000x64xf32>
    %mul3A_32 = arith.mulf %dot_general3A_27, %mul3A_31 : vector<10000x64xf32>
    %swap3A = arith.constant 0 : index
    %swap3A_33 = arith.constant 0 : index
    %swap3A_34 = vector.load %arg5[%swap3A, %swap3A_33] : memref<10000x64xf32, #tpu.memory_space<vmem>>, vector<10000x64xf32>
    tpu.vector_store %arg5[%swap3A, %swap3A_33], %mul3A_32 {strides = array<i32>} : memref<10000x64xf32, #tpu.memory_space<vmem>>, vector<10000x64xf32>,
    return
  }
}

module attributes {stable_mosaic.version = 14 : i64} {
  func.func @_final_body(%arg0: memref<2x10240x64xf32, #tpu.memory_space<vmem>>, %arg1: memref<10000x64xf32, #tpu.memory_space<vmem>>, %arg2: memref<10000x1xf32, #tpu.memory_space<vmem>>, %arg3: memref<1x64xf32, #tpu.memory_space<vmem>>, %arg4: memref<10000x1xi32, #tpu.memory_space<vmem>>, %arg5: memref<64x10xf32, #tpu.memory_space<vmem>>, %arg6: memref<1x10xf32, #tpu.memory_space<vmem>>, %arg7: memref<64x10xf32, #tpu.memory_space<vmem>>) attributes {dimension_semantics = [], scalar_prefetch = 0 : i64, scratch_operands = 0 : i64, tpu.core_type = #tpu.core_type<tc>} {
    %get3A = arith.constant 0 : index
    %get3A_0 = arith.constant 0 : index
    %get3A_1 = arith.constant 0 : index
    %get3A_2 = vector.load %arg0[%get3A, %get3A_0, %get3A_1] : memref<2x10240x64xf32, #tpu.memory_space<vmem>>, vector<1x10000x64xf32>
    %get3A_3 = vector.shape_cast %get3A_2 : vector<1x10000x64xf32> to vector<10000x64xf32>
    %get3A_4 = arith.constant 1 : index
    %get3A_5 = arith.constant 0 : index
    %get3A_6 = arith.constant 0 : index
    %get3A_7 = vector.load %arg0[%get3A_4, %get3A_5, %get3A_6] : memref<2x10240x64xf32, #tpu.memory_space<vmem>>, vector<1x10000x64xf32>
    %get3A_8 = vector.shape_cast %get3A_7 : vector<1x10000x64xf32> to vector<10000x64xf32>
    %add3A = arith.addf %get3A_3, %get3A_8 : vector<10000x64xf32>
    %get3A_9 = arith.constant 0 : index
    %get3A_10 = arith.constant 0 : index
    %get3A_11 = vector.load %arg1[%get3A_9, %get3A_10] : memref<10000x64xf32, #tpu.memory_space<vmem>>, vector<10000x64xf32>
    %add3A_12 = arith.addf %add3A, %get3A_11 : vector<10000x64xf32>
    %get3A_13 = arith.constant 0 : index
    %get3A_14 = arith.constant 0 : index
    %get3A_15 = vector.load %arg2[%get3A_13, %get3A_14] : memref<10000x1xf32, #tpu.memory_space<vmem>>, vector<10000x1xf32>
    %mul3A = vector.broadcast %get3A_15 : vector<10000x1xf32> to vector<10000x64xf32>
    %mul3A_16 = arith.mulf %add3A_12, %mul3A : vector<10000x64xf32>
    %get3A_17 = arith.constant 0 : index
    %get3A_18 = arith.constant 0 : index
    %get3A_19 = vector.load %arg3[%get3A_17, %get3A_18] : memref<1x64xf32, #tpu.memory_space<vmem>>, vector<1x64xf32>
    %add3A_20 = vector.broadcast %get3A_19 : vector<1x64xf32> to vector<10000x64xf32>
    %add3A_21 = arith.addf %mul3A_16, %add3A_20 : vector<10000x64xf32>
    %get3A_22 = arith.constant 0 : index
    %get3A_23 = arith.constant 0 : index
    %get3A_24 = vector.load %arg4[%get3A_22, %get3A_23] : memref<10000x1xi32, #tpu.memory_space<vmem>>, vector<10000x1xi32>
    %iota3A = tpu.iota {dimensions = array<i32: 1>} : vector<1x64xi32>
    %eq3A = vector.broadcast %get3A_24 : vector<10000x1xi32> to vector<10000x64xi32>
    %eq3A_25 = vector.broadcast %iota3A : vector<1x64xi32> to vector<10000x64xi32>
    %eq3A_26 = arith.cmpi eq, %eq3A, %eq3A_25 : vector<10000x64xi32>
    %convert_element_type3A = arith.extui %eq3A_26 : vector<10000x64xi1> to vector<10000x64xi32>
    %convert_element_type3A_27 = arith.sitofp %convert_element_type3A : vector<10000x64xi32> to vector<10000x64xf32>
    %dot_general3A = arith.constant dense<0.000000e+00> : vector<64x64xf32>
    %dot_general3A_28 = tpu.matmul %convert_element_type3A_27, %add3A_21, %dot_general3A {dimension_numbers = #tpu.dot_dimension_numbers<[0], [0], [1], [1], [0, 1, 1, 1], [], []>, transpose_lhs_hint = false} : vector<10000x64xf32>, vector<10000x64xf32>, vector<64x64xf32> -> vector<64x64xf32>
    %broadcast_in_dim3A = arith.constant 1.000000e+00 : f32
    %broadcast_in_dim3A_29 = vector.broadcast %broadcast_in_dim3A : f32 to vector<10000x1xf32>
    %dot_general3A_30 = arith.constant dense<0.000000e+00> : vector<64x1xf32>
    %dot_general3A_31 = tpu.matmul %convert_element_type3A_27, %broadcast_in_dim3A_29, %dot_general3A_30 {dimension_numbers = #tpu.dot_dimension_numbers<[0], [0], [1], [1], [0, 1, 1, 1], [], []>, transpose_lhs_hint = false} : vector<10000x64xf32>, vector<10000x1xf32>, vector<64x1xf32> -> vector<64x1xf32>
    %max3A = arith.constant 1.000000e+00 : f32
    %max3A_32 = vector.broadcast %max3A : f32 to vector<64x1xf32>
    %max3A_33 = arith.maximumf %dot_general3A_31, %max3A_32 : vector<64x1xf32>
    %div3A = vector.broadcast %max3A_33 : vector<64x1xf32> to vector<64x64xf32>
    %div3A_34 = arith.divf %dot_general3A_28, %div3A : vector<64x64xf32>
    %get3A_35 = arith.constant 0 : index
    %get3A_36 = arith.constant 0 : index
    %get3A_37 = vector.load %arg5[%get3A_35, %get3A_36] : memref<64x10xf32, #tpu.memory_space<vmem>>, vector<64x10xf32>
    %dot_general3A_38 = arith.constant dense<0.000000e+00> : vector<64x10xf32>
    %dot_general3A_39 = tpu.matmul %div3A_34, %get3A_37, %dot_general3A_38 {dimension_numbers = #tpu.dot_dimension_numbers<[1], [0], [0], [1], [0, 0, 1, 1], [], []>, transpose_lhs_hint = false} : vector<64x64xf32>, vector<64x10xf32>, vector<64x10xf32> -> vector<64x10xf32>
    %get3A_40 = arith.constant 0 : index
    %get3A_41 = arith.constant 0 : index
    %get3A_42 = vector.load %arg6[%get3A_40, %get3A_41] : memref<1x10xf32, #tpu.memory_space<vmem>>, vector<1x10xf32>
    %add3A_43 = vector.broadcast %get3A_42 : vector<1x10xf32> to vector<64x10xf32>
    %add3A_44 = arith.addf %dot_general3A_39, %add3A_43 : vector<64x10xf32>
    %reduce_max3A = arith.constant dense<0xFF800000> : vector<64xf32>
    %reduce_max3A_45 = vector.multi_reduction <maximumf>, %add3A_44, %reduce_max3A [1] : vector<64x10xf32> to vector<64xf32>
    %broadcast_in_dim3A_46 = vector.shape_cast %reduce_max3A_45 : vector<64xf32> to vector<64x1xf32>
    %sub3A = vector.broadcast %broadcast_in_dim3A_46 : vector<64x1xf32> to vector<64x10xf32>
    %sub3A_47 = arith.subf %add3A_44, %sub3A : vector<64x10xf32>
    %exp3A = math.exp %sub3A_47 : vector<64x10xf32>
    %reduce_sum3A = arith.constant dense<0.000000e+00> : vector<64xf32>
    %reduce_sum3A_48 = vector.multi_reduction <add>, %exp3A, %reduce_sum3A [1] : vector<64x10xf32> to vector<64xf32>
    %broadcast_in_dim3A_49 = vector.shape_cast %reduce_sum3A_48 : vector<64xf32> to vector<64x1xf32>
    %log3A = math.log %broadcast_in_dim3A_49 : vector<64x1xf32>
    %sub3A_50 = vector.broadcast %log3A : vector<64x1xf32> to vector<64x10xf32>
    %sub3A_51 = arith.subf %sub3A_47, %sub3A_50 : vector<64x10xf32>
    %swap3A = arith.constant 0 : index
    %swap3A_52 = arith.constant 0 : index
    %swap3A_53 = vector.load %arg7[%swap3A, %swap3A_52] : memref<64x10xf32, #tpu.memory_space<vmem>>, vector<64x10xf32>
    tpu.vector_store %arg7[%swap3A, %swap3A_52], %sub3A_51 {strides = array<i32>} : memref<64x10xf32, #tpu.memory_space<vmem>>, vector<64x10xf32>,
    return
  }
}

</mosaic_0001>

<sc_bundles>
// kernel: kernel.11.cloned.1.call-start
scs
__scs_entry_jumppad:
0x0: {  	(pc) =	sbr.rel $0x88, $3  }
0x1: {  	(tag) =	ssettag $0x0;
	lr =	simm.s32 $0x1  }
0x2: {  	[smem:$0x3F98] =	sst lr;
	_ =	strace $0xD0000000  }
0x3: {  	_ = 	snop  }
0x4: {  	_ = 	snop  }
0x5: {  	_ = 	snop  }
0x6: {  	_ = 	snop  }
0x7: {  	_ = 	snop  }
__scs_overlays_trampoline_lowered:
0x8: {  	[smem:$0x3FA7] =	sst s0  }
0x9: {  	[smem:$0x3FA8] =	sst s1  }
0xa: {  	[smem:$0x3FA9] =	sst s2  }
0xb: {  	[smem:$0x3FAA] =	sst s3  }
0xc: {  	[smem:$0x3FAB] =	sst s4  }
0xd: {  	[smem:$0x3FAC] =	sst s5  }
0xe: {  	[smem:$0x3FAD] =	sst s6  }
0xf: {  	[smem:$0x3FAE] =	sst s7  }
0x10: {  	[smem:$0x3FAF] =	sst s8  }
0x11: {  	[smem:$0x3FB0] =	sst s9;
	s0 =	simm.s32 @!p0 $0x0  }
0x12: {  	s1 =	sld [smem:$0x3F96];
	s0 =	simm.s32 @p0 $0x1  }
0x13: {  	[smem:$0x3FB1] =	sst s0;
	s0 =	simm.s32 @!p1 $0x0  }
0x14: {  	s2 =	sld [smem:$0x3F95];
	s0 =	simm.s32 @p1 $0x1  }
0x15: {  	[smem:$0x3FB2] =	sst s0;
	s0 =	simm.s32 @!p2 $0x0  }
0x16: {  	s3 =	sld [smem:$0x3FDB];
	s0 =	simm.s32 @p2 $0x1  }
0x17: {  	s4 =	simm.s32 $0x1BF5;
	[smem:$0x3FB4] =	sst s0  }
0x18: {  	s0 =	sld [smem:$0x3F97];
	_ =	swait.ge [sflag:s4], $0x0  }
0x19: {  	s7 =	sld [smem:$0x3F98]  }
0x1a: {  	s8 =	sadd.s32 $0xFFFFE003, lr  }
0x1b: {  	s9 =	sadd.s32 $0xFFFFFEF7, lr;
	s5 =	simm.s32 $0xFFFFFFFF;
	p2 =	slt.u32 s8, $0xFFFFF086  }
0x1c: {  	p1 =	slt.u32 s9, $0xF7A;
	s5 =	simm.s32 @!p2 $0x0  }
0x1d: {  	s5 =	simm.s32 @p1 $0x1;
	p0 =	seq.s32 s7, s2  }
0x1e: {  	s7 =	smul.u32 @!p0 $0xF7A, s2;
	p2 =	seq.s32 @!p0 s5, $0x0  }
0x1f: {  	s9 =	smul.u32 $0xF7A, s1;
	s8 =	simm.s32 @!p0 $0x1BF5;
	p2 =	por !p2, p0  }
0x20: {  	[sflag:s8] =	ssyncset.s32 @!p0 $0xFFFFF086;
	s6 =	sadd.s32 @!p0 s3, s7;
	s7 =	simm.s32 @!p0 $0x108  }
0x21: {  	s3 =	sadd.s32 s3, s9;
	s6 =	sadd.s32 @!p0 $0x88, s6;
	s7 =	simm.s32 @p2 $0x1082  }
0x22: {  	[simem:s7], [sflag:s8] =	dma.local @!p0 [hbm:s6], $0xF7A  }
0x23: {  	s9 =	sor.u32 $0xD0000000, s2;
	s6 =	simm.s32 $0x108;
	_ =	swait.ge @!p0 [sflag:s8], $0x0  }
0x24: {  	s3 =	sadd.s32 $0x88, s3;
	s6 =	simm.s32 @!p1 $0x1082;
	[sflag:s4] =	ssyncset.s32 $0xFFFFF086  }
0x25: {  	[simem:s6], [sflag:s4] =	dma.local [hbm:s3], $0xF7A  }
0x26: {  	[smem:$0x3F98] =	sst s1;
	(tag) =	ssettag s2;
	_ =	strace s9  }
0x27: {  	s1 =	sld [smem:$0x3FA8]  }
0x28: {  	s2 =	sld [smem:$0x3FA9]  }
0x29: {  	s4 =	sld [smem:$0x3FAB]  }
0x2a: {  	p0 =	seq.s32 s5, $0x0;
	s5 =	sld [smem:$0x3FAC]  }
0x2b: {  	s6 =	sld [smem:$0x3FAD]  }
0x2c: {  	s7 =	sld [smem:$0x3FAE]  }
0x2d: {  	s3 =	simm.s32 $0x108;
	s8 =	sld [smem:$0x3FAF]  }
0x2e: {  	s3 =	simm.s32 @!p0 $0x1082;
	s9 =	sld [smem:$0x3FB0]  }
0x2f: {  	lr =	sadd.s32 s0, s3;
	s0 =	sld [smem:$0x3FA7]  }
0x30: {  	s3 =	sld [smem:$0x3FAA]  }
0x31: {  	[smem:$0x3FB3] =	sst s10  }
0x32: {  	s10 =	sld [smem:$0x3FB1];
	_ =	sdelay $0x3  }
0x33: {  	p0 =	seq.s32 s10, $0x1;
	s10 =	sld [smem:$0x3FB3];
	_ =	sdelay $0x3  }
0x34: {  	[smem:$0x3FB3] =	sst s10  }
0x35: {  	s10 =	sld [smem:$0x3FB2];
	_ =	sdelay $0x3  }
0x36: {  	p1 =	seq.s32 s10, $0x1;
	s10 =	sld [smem:$0x3FB3];
	_ =	sdelay $0x3  }
0x37: {  	[smem:$0x3FB3] =	sst s10  }
0x38: {  	s10 =	sld [smem:$0x3FB4]  }
0x39: {  	_ = 	snop;
	(pc) =	sbr.ind lr, $3  }
0x3a: {  	_ = 	snop  }
0x3b: {  	_ = 	snop  }
0x3c: {  	p2 =	seq.s32 s10, $0x1;
	s10 =	sld [smem:$0x3FB3]  }
0x3d: {  	_ =	shalt  }
0x3e: {  	_ =	shalt  }
0x3f: {  	_ =	shalt  }
0x40: {  	_ =	shalt  }
0x41: {  	_ =	shalt  }
0x42: {  	_ =	shalt  }
0x43: {  	_ =	shalt  }
0x44: {  	_ =	shalt  }
0x45: {  	_ =	shalt  }
0x46: {  	_ =	shalt  }
0x47: {  	_ =	shalt  }
0x48: {  	_ =	shalt  }
0x49: {  	_ =	shalt  }
0x4a: {  	_ =	shalt  }
0x4b: {  	_ =	shalt  }
0x4c: {  	_ =	shalt  }
0x4d: {  	_ =	shalt  }
0x4e: {  	_ =	shalt  }
0x4f: {  	_ =	shalt  }
0x50: {  	_ =	shalt  }
0x51: {  	_ =	shalt  }
0x52: {  	_ =	shalt  }
0x53: {  	_ =	shalt  }
0x54: {  	_ =	shalt  }
0x55: {  	_ =	shalt  }
0x56: {  	_ =	shalt  }
0x57: {  	_ =	shalt  }
0x58: {  	_ =	shalt  }
0x59: {  	_ =	shalt  }
0x5a: {  	_ =	shalt  }
0x5b: {  	_ =	shalt  }
0x5c: {  	_ =	shalt  }
0x5d: {  	_ =	shalt  }
0x5e: {  	_ =	shalt  }
0x5f: {  	_ =	shalt  }
0x60: {  	_ =	shalt  }
0x61: {  	_ =	shalt  }
0x62: {  	_ =	shalt  }
0x63: {  	_ =	shalt  }
0x64: {  	_ =	shalt  }
0x65: {  	_ =	shalt  }
0x66: {  	_ =	shalt  }
0x67: {  	_ =	shalt  }
0x68: {  	_ =	shalt  }
0x69: {  	_ =	shalt  }
0x6a: {  	_ =	shalt  }
0x6b: {  	_ =	shalt  }
0x6c: {  	_ =	shalt  }
0x6d: {  	_ =	shalt  }
0x6e: {  	_ =	shalt  }
0x6f: {  	_ =	shalt  }
0x70: {  	_ =	shalt  }
0x71: {  	_ =	shalt  }
0x72: {  	_ =	shalt  }
0x73: {  	_ =	shalt  }
0x74: {  	_ =	shalt  }
0x75: {  	_ =	shalt  }
0x76: {  	_ =	shalt  }
0x77: {  	_ =	shalt  }
0x78: {  	_ =	shalt  }
0x79: {  	_ =	shalt  }
0x7a: {  	_ =	shalt  }
0x7b: {  	_ =	shalt  }
0x7c: {  	_ =	shalt  }
0x7d: {  	_ =	shalt  }
0x7e: {  	_ =	shalt  }
0x7f: {  	_ =	shalt  }
0x80: {  	_ =	shalt  }
0x81: {  	_ =	shalt  }
0x82: {  	_ =	shalt  }
0x83: {  	_ =	shalt  }
0x84: {  	_ =	shalt  }
0x85: {  	_ =	shalt  }
0x86: {  	_ =	shalt  }
0x87: {  	_ =	shalt  }
.Lfunc_end0:
.L_simem_size_0:
called_computation.1_lowered:
.L_overlay_start_0:
0x88: {  	s2 =	sld [smem:$0x3FD9]  }
0x89: {  	s3 =	sld [smem:$0x3FFE];
	_ =	sdelay $0x1  }
0x8a: {  	s1 =	srdreg.scid  }
0x8b: {  	s0 =	sand.u32 $0x1, s1  }
0x8c: {  	s16 =	sshll.u32 s0, $0xA;
	s2 =	sadd.s32 s3, s2  }
0x8d: {  	s2 =	sadd.s32 s2, s16  }
0x8e: {  	[smem:$0x3FBF] =	sst s2  }
0x8f: {  	_ = 	snop  }
0x90: {  	(tm) =	ssettm $0x1  }
0x91: {  	s17 =	sld [smem:$0x3FFB];
	_ =	sdelay $0x3  }
0x92: {  	_ =	strace s17  }
0x93: {  	s2 =	sld [smem:$0x3FFC];
	_ =	sdelay $0x3  }
0x94: {  	_ =	strace s2  }
0x95: {  	s2 =	sld [smem:$0x3FFD];
	_ =	sdelay $0x3  }
0x96: {  	_ =	strace s2  }
0x97: {  	_ =	strace $0x8FFFFFFF  }
0x98: {  	s18 =	sld [smem:$0x3FDB];
	_ =	sdelay $0x1  }
0x99: {  	s19 =	simm.s32 $_scs_section_size  }
0x9a: {  	s4 =	simm.s32 $_size__tile_overlayer_lowered;
	s5 =	simm.s32 $_tile_overlayer_lowered  }
0x9b: {  	s22 =	simm.s32 $0x1BFF;
	s21 =	sshll.u32 s5, $0x1;
	s2 =	sadd.s32 s19, s18  }
0x9c: {  	s6 =	simm.s32 $0x0;
	s20 =	sshll.u32 s4, $0x1;
	s4 =	sadd.s32 s21, s2  }
0x9d: {  	[timem:s6], [sflag:s22] =	dma.local [hbm:s4], s20  }
0x9e: {  	_ =	swait.ge [sflag:s22], s20  }
0x9f: {  	s3 =	ssub.s32 $0x0, s20;
	[sflag:s22] =	ssyncset.done $0x0  }
0xa0: {  	[sflag:s22] =	ssyncadd.s32 s3;
	_ =	sdelay $0x1  }
0xa1: {  	s23 =	simm.s32 $0x1B8B  }
0xa2: {  	_ =	swait.ge [sflag:s23], $0x1  }
0xa3: {  	[sflag:s23] =	ssyncset.done $0x0  }
0xa4: {  	s25 =	simm.s32 $0x1B8E;
	s24 =	sld [smem:$0x3FFE];
	[sflag:s23] =	ssyncadd.s32 $0xFFFFFFFF  }
0xa5: {  	s26 =	simm.s32 $execute0_lowered;
	[smem:$0x3FD2] =	sst s25  }
0xa6: {  	s4 =	sshll.u32 s26, $0x1;
	_ =	strace $0x80000049;
	[dreg:$0x1] =	wrdreg $0xFFFFFFFF  }
0xa7: {  	s28 =	simm.s32 $_size_execute0_lowered;
	s2 =	sadd.s32 s2, s4;
	[dreg:$0x0] =	wrdreg $0x0  }
0xa8: {  	s4 =	sshll.u32 s28, $0x1;
	[dreg:$0x2] =	wrdreg s2  }
0xa9: {  	[dreg:$0x3] =	wrdreg s4  }
0xaa: {  	[dreg:$0x4] =	wrdreg $0xC0  }
0xab: {  	_ =	task [dreg:s6], $0x5FFFF  }
0xac: {  	[dreg:$0x1] =	wrdreg $0xFFFFFFFF  }
0xad: {  	[dreg:$0x0] =	wrdreg $0x60  }
0xae: {  	[dreg:$0x2] =	wrdreg s24  }
0xaf: {  	[dreg:$0x3] =	wrdreg $0x14A000  }
0xb0: {  	[dreg:$0x4] =	wrdreg $0x9  }
0xb1: {  	_ =	task.clear_ibuf [dreg:s6], $0x5FFFF;
	_ =	strace $0x90000049  }
0xb2: {  	s29 =	simm.s32 $0x9;
	_ =	strace $0x8000004B  }
0xb3: {  	_ =	swait.ge [sflag:s29], $0x1  }
0xb4: {  	[sflag:s29] =	ssyncadd.s32 $0xFFFFFFFF  }
0xb5: {  	_ =	strace $0x9000004B  }
0xb6: {  	_ =	sfence  }
0xb7: {  	s30 =	sld [smem:$0x0];
	_ =	sdelay $0x2  }
0xb8: {  	s31 =	sshll.u32 s1, $0xD;
	s1 =	sshrl.u32 s1, $0x2  }
0xb9: {  	s3 =	sand.u32 $0x4000, s31;
	s1 =	sadd.s32 s1, s30  }
0xba: {  	s0 =	sor.u32 s3, s0;
	s1 =	sshll.u32 s1, $0x11  }
0xbb: {  	s0 =	sor.u32 s1, s0  }
0xbc: {  	s0 =	sadd.s32 $0x8F2B, s0  }
0xbd: {  	[sflag:s0] =	ssyncadd.remote.s32 $0x1  }
0xbe: {  	_ =	sfence.sel $0xFFFF  }
0xbf: {  	[dreg:$0x0] =	wrdreg $0xFFFFFFFF;
	(pc) =	sbr.abs _section_cstart, $3  }
0xc0: {  	[dreg:$0x1] =	wrdreg $0xFFFFFFFF  }
0xc1: {  	_ =	task.clear_ibuf [dreg:s6], $0x2FFFF;
	_ =	strace $0x9FFFFFFF  }
0xc2: {  	(tm) =	ssettm $0x7FFFFFFF  }
0xc3: {  	_ =	shalt  }
tec
execute0_lowered:
.L_overlay_start_1:
0x0: {  	(tag) =	ssettag $0x1  }
0x1: {  	s0 =	srdreg.scid;
	s1 =	rddreg [dreg:$0x0]  }
0x2: {  	s7 =	stileid.u32;
	s2 =	rddreg [dreg:$0x1];
	s15 =	simm.s32 $0x0  }
0x3: {  	s29 =	simm.s32 $0x7D;
	s31 =	simm.s32 $0x6F40;
	s30 =	simm.s32 $0xADC0  }
0x4: {  	s28 =	simm.s32 $0xCD00;
	s0 =	sand.u32 $0x1, s0;
	[smem:$0x7FF] =	sst s15  }
0x5: {  	s3 =	sshll.u32 s0, $0x4;
	s6 =	ssub.s32 $0x2, s0;
	s0 =	smul.u32 $0xA0000, s0  }
0x6: {  	s4 =	sor.u32 s7, s3;
	s7 =	smul.u32 $0xA000, s7;
	s8 =	sshrl.u32 s6, $0x1  }
0x7: {  	_ =	strace $0x8000004A;
	s4 =	smul.u32 $0x2800, s4;
	s6 =	ssub.s32 s6, s8  }
0x8: {  	s16 =	sadd.s32 s7, s2;
	s17 =	sor.u32 $0x1400, s7;
	s9 =	sadd.s32 $0x2800, s7  }
0x9: {  	s10 =	sadd.s32 $0x3C00, s7;
	s11 =	sadd.s32 $0x5000, s7;
	s12 =	sadd.s32 $0x6400, s7  }
0xa: {  	s13 =	sadd.s32 $0x7800, s7;
	s14 =	sadd.s32 $0x8C00, s7;
	s7 =	sadd.s32 s7, s0  }
0xb: {  	s4 =	sshrl.u32 s4, $0x3;
	[dreg:$0x3] =	wrdreg s16;
	s18 =	sadd.s32 s17, s2  }
0xc: {  	s19 =	sadd.s32 s9, s2;
	s20 =	sadd.s32 s10, s2;
	s21 =	sadd.s32 s11, s2  }
0xd: {  	s22 =	sadd.s32 s12, s2;
	s23 =	sadd.s32 s13, s2;
	[dreg:$0x4] =	wrdreg s18  }
0xe: {  	s24 =	sadd.s32 s14, s2;
	s7 =	sshrl.u32 s7, $0x3;
	[dreg:$0x5] =	wrdreg s19  }
0xf: {  	s8 =	sadd.s32 s0, s17;
	s15 =	sadd.s32 s0, s9;
	[dreg:$0x6] =	wrdreg s20  }
0x10: {  	s16 =	sadd.s32 s0, s10;
	s17 =	sadd.s32 s0, s11;
	[dreg:$0x7] =	wrdreg s21  }
0x11: {  	s9 =	simm.s32 $0xF;
	s10 =	simm.s32 $0x10;
	[dreg:$0x8] =	wrdreg s22  }
0x12: {  	s11 =	simm.s32 $0x0;
	s5 =	sadd.s32 s4, s1;
	[dreg:$0x9] =	wrdreg s23  }
0x13: {  	s4 =	sadd.s32 $0x2600, s1;
	s1 =	sadd.s32 $0x2B000, s1;
	[dreg:$0xa] =	wrdreg s24  }
0x14: {  	s20 =	sshrl.u32 s17, $0x3;
	s22 =	sadd.s32 s0, s12;
	s23 =	sadd.s32 s0, s13  }
0x15: {  	s0 =	sadd.s32 s0, s14;
	s13 =	simm.s32 $0x10B80;
	s14 =	simm.s32 $0x12AC0  }
0x16: {  	s17 =	simm.s32 $0x4;
	s25 =	sadd.s32 $0x17000, s5;
	s26 =	sadd.s32 $0x21000, s5  }
0x17: {  	s5 =	sadd.s32 s1, s7;
	s7 =	sshrl.u32 s8, $0x3;
	[dreg:$0xb] =	wrdreg s25  }
0x18: {  	s21 =	sadd.s32 s1, s20;
	s0 =	sshrl.u32 s0, $0x3;
	[dreg:$0xc] =	wrdreg s26  }
0x19: {  	s20 =	simm.s32 $0x7;
	[dreg:$0xd] =	wrdreg s5;
	s8 =	sadd.s32 s1, s7  }
0x1a: {  	s5 =	sshrl.u32 s15, $0x3;
	s7 =	sshrl.u32 s16, $0x3;
	[dreg:$0x11] =	wrdreg s21  }
0x1b: {  	s0 =	sadd.s32 s1, s0;
	s26 =	smax.u32 s6, $0x1;
	s15 =	simm.s32 $0x2  }
0x1c: {  	s16 =	simm.s32 $0x3;
	s21 =	simm.s32 $0x8;
	s6 =	simm.s32 $0xC  }
0x1d: {  	[dreg:$0xe] =	wrdreg s8;
	s18 =	sadd.s32 s1, s5;
	s19 =	sadd.s32 s1, s7  }
0x1e: {  	s5 =	sshrl.u32 s22, $0x3;
	s7 =	sshrl.u32 s23, $0x3;
	[dreg:$0x14] =	wrdreg s0  }
0x1f: {  	[dreg:$0x15] =	wrdreg s26;
	s0 =	simm.s32 $0x8E80;
	s22 =	simm.s32 $0x9  }
0x20: {  	s23 =	simm.s32 $0xA;
	s8 =	simm.s32 $0xE;
	[dreg:$0xf] =	wrdreg s18  }
0x21: {  	[dreg:$0x10] =	wrdreg s19;
	s24 =	sadd.s32 s1, s5;
	s25 =	sadd.s32 s1, s7  }
0x22: {  	s1 =	simm.s32 $0xEC40;
	s18 =	simm.s32 $0x5;
	s19 =	simm.s32 $0x6  }
0x23: {  	s5 =	simm.s32 $0xB;
	s7 =	simm.s32 $0xD;
	[dreg:$0x12] =	wrdreg s24  }
0x24: {  	v0 =	vimm.f32 $0.0e+00;
	[dreg:$0x13] =	wrdreg s25;
	s24 =	simm.s32 $0x5000;
	s25 =	simm.s32 $0x1  }
.LBB2_1:
0x25: {  	[dreg:$0x16] =	wrdreg s11;
	s26 =	simm.s32 $0x100;
	s12 =	simm.s32 $0x0  }
.LBB2_2:
0x26: {  	p0 =	sne.s32 s26, $0x7C00;
	[tilespmem:s12+$0x5030] =	vst v0;
	s3 =	smov.u32 s26;
	s26 =	sadd.s32 $0x100, s26  }
.Ltmp0:
0x27: {  	[tilespmem:s12+$0x5020] =	vst v0;
	(pc) =	sbr.rel @p0 .LBB2_2-.Ltmp0, $3  }
0x28: {  	[tilespmem:s12+$0x5000] =	vst v0  }
0x29: {  	[tilespmem:s12+$0x5010] =	vst v0;
	_ =	sdelay $0x1  }
0x2a: {  	s12 =	sshra.s32 s3, $0x2  }
0x2b: {  	[tilespmem:s12+$0x5030] =	vst v0  }
0x2c: {  	[tilespmem:s12+$0x5020] =	vst v0  }
0x2d: {  	[tilespmem:s12+$0x5000] =	vst v0  }
0x2e: {  	[tilespmem:s12+$0x5010] =	vst v0;
	s3 =	rddreg [dreg:$0x3]  }
0x2f: {  	[spmem:s3] =	stream.linear.scatter [tilespmem:s24], [sflag:$0x1], $0x1400, $0x38;
	[tilespmem:$0x1EA00] =	vst v63  }
0x30: {  	s26 =	rddreg [dreg:$0x4]  }
0x31: {  	[spmem:s26] =	stream.linear.scatter [tilespmem:s24], [sflag:$0x1], $0x1400, $0x38;
	[tilespmem:$0x1EA00] =	vst v63  }
0x32: {  	s11 =	rddreg [dreg:$0x5]  }
0x33: {  	[spmem:s11] =	stream.linear.scatter [tilespmem:s24], [sflag:$0x1], $0x1400, $0x38;
	[tilespmem:$0x1EA00] =	vst v63  }
0x34: {  	s12 =	rddreg [dreg:$0x6]  }
0x35: {  	[spmem:s12] =	stream.linear.scatter [tilespmem:s24], [sflag:$0x1], $0x1400, $0x38;
	[tilespmem:$0x1EA00] =	vst v63  }
0x36: {  	s26 =	rddreg [dreg:$0x7]  }
0x37: {  	[spmem:s26] =	stream.linear.scatter [tilespmem:s24], [sflag:$0x1], $0x1400, $0x38;
	[tilespmem:$0x1EA00] =	vst v63  }
0x38: {  	s11 =	rddreg [dreg:$0x8]  }
0x39: {  	[spmem:s11] =	stream.linear.scatter [tilespmem:s24], [sflag:$0x1], $0x1400, $0x38;
	[tilespmem:$0x1EA00] =	vst v63  }
0x3a: {  	s12 =	rddreg [dreg:$0x9]  }
0x3b: {  	[spmem:s12] =	stream.linear.scatter [tilespmem:s24], [sflag:$0x1], $0x1400, $0x38;
	[tilespmem:$0x1EA00] =	vst v63  }
0x3c: {  	s26 =	rddreg [dreg:$0xa]  }
0x3d: {  	[spmem:s26] =	stream.linear.scatter [tilespmem:s24], [sflag:$0x1], $0x1400, $0x38;
	[tilespmem:$0x1EA00] =	vst v63  }
0x3e: {  	_ =	swait.ge [sflag:s25], $0x1400  }
0x3f: {  	[sflag:s25] =	ssyncset.done $0x0  }
0x40: {  	[sflag:s25] =	ssyncadd.s32 $0xFFFFEC00  }
0x41: {  	_ =	swait.ge [sflag:s25], $0x1400  }
0x42: {  	[sflag:s25] =	ssyncset.done $0x0  }
0x43: {  	[sflag:s25] =	ssyncadd.s32 $0xFFFFEC00  }
0x44: {  	_ =	swait.ge [sflag:s25], $0x1400  }
0x45: {  	[sflag:s25] =	ssyncset.done $0x0  }
0x46: {  	[sflag:s25] =	ssyncadd.s32 $0xFFFFEC00  }
0x47: {  	_ =	swait.ge [sflag:s25], $0x1400  }
0x48: {  	[sflag:s25] =	ssyncset.done $0x0  }
0x49: {  	[sflag:s25] =	ssyncadd.s32 $0xFFFFEC00  }
0x4a: {  	_ =	swait.ge [sflag:s25], $0x1400  }
0x4b: {  	[sflag:s25] =	ssyncset.done $0x0  }
0x4c: {  	[sflag:s25] =	ssyncadd.s32 $0xFFFFEC00  }
0x4d: {  	_ =	swait.ge [sflag:s25], $0x1400  }
0x4e: {  	[sflag:s25] =	ssyncset.done $0x0  }
0x4f: {  	[sflag:s25] =	ssyncadd.s32 $0xFFFFEC00  }
0x50: {  	_ =	swait.ge [sflag:s25], $0x1400  }
0x51: {  	[sflag:s25] =	ssyncset.done $0x0  }
0x52: {  	[sflag:s25] =	ssyncadd.s32 $0xFFFFEC00  }
0x53: {  	_ =	swait.ge [sflag:s25], $0x1400  }
0x54: {  	[sflag:s25] =	ssyncset.done $0x0  }
0x55: {  	[sflag:s25] =	ssyncadd.s32 $0xFFFFEC00  }
0x56: {  	[bflag:$0x0] =	sbarrier.arrive $0xFFFF  }
0x57: {  	s3 =	simm.s32 $0x0;
	s26 =	simm.s32 $0x11;
	s11 =	rddreg [dreg:$0xb]  }
0x58: {  	[tilespmem:s3], [sflag:$0x11] =	stream.linear.gather [hbm4b:s11+s3], $0x2800, $0x38;
	[tilespmem:$0x1EA00] =	vst v63  }
0x59: {  	_ =	swait.ge [sflag:s26], $0x2800  }
0x5a: {  	[sflag:s26] =	ssyncset.done $0x0  }
0x5b: {  	s11 =	simm.s32 $0x2800;
	s12 =	rddreg [dreg:$0xc];
	[sflag:s26] =	ssyncadd.s32 $0xFFFFD800  }
0x5c: {  	[tilespmem:s11], [sflag:$0x11] =	stream.linear.gather [hbm4b:s12+s3], $0x2800, $0x38;
	[tilespmem:$0x1EA00] =	vst v63  }
0x5d: {  	_ =	swait.ge [sflag:s26], $0x2800  }
0x5e: {  	[sflag:s26] =	ssyncset.done $0x0  }
0x5f: {  	[sflag:s26] =	ssyncadd.s32 $0xFFFFD800  }
0x60: {  	[tilespmem:s24], [sflag:$0x1] =	stream.indirect.gather [hbm4b:s4+s29], $0x40, s3, s29, $0xb8;
	[tilespmem:$0x1EA00] =	vst v63  }
0x61: {  	s26 =	simm.s32 $0x80  }
0x62: {  	[tilespmem:s31], [sflag:$0x2] =	stream.indirect.gather [hbm4b:s4+s29], $0x40, s26, s29, $0xb8;
	[tilespmem:$0x1EA00] =	vst v63  }
0x63: {  	s11 =	simm.s32 $0x100  }
0x64: {  	[tilespmem:s0], [sflag:$0x3] =	stream.indirect.gather [hbm4b:s4+s29], $0x40, s11, s29, $0xb8;
	[tilespmem:$0x1EA00] =	vst v63  }
0x65: {  	s12 =	simm.s32 $0x180  }
0x66: {  	[tilespmem:s30], [sflag:$0x4] =	stream.indirect.gather [hbm4b:s4+s29], $0x40, s12, s29, $0xb8;
	[tilespmem:$0x1EA00] =	vst v63  }
0x67: {  	s26 =	simm.s32 $0x200  }
0x68: {  	[tilespmem:s28], [sflag:$0x5] =	stream.indirect.gather [hbm4b:s4+s29], $0x40, s26, s29, $0xb8;
	[tilespmem:$0x1EA00] =	vst v63  }
0x69: {  	s11 =	simm.s32 $0x280  }
0x6a: {  	[tilespmem:s1], [sflag:$0x6] =	stream.indirect.gather [hbm4b:s4+s29], $0x40, s11, s29, $0xb8;
	[tilespmem:$0x1EA00] =	vst v63  }
0x6b: {  	s12 =	simm.s32 $0x300  }
0x6c: {  	[tilespmem:s13], [sflag:$0x7] =	stream.indirect.gather [hbm4b:s4+s29], $0x40, s12, s29, $0xb8;
	[tilespmem:$0x1EA00] =	vst v63  }
0x6d: {  	s26 =	simm.s32 $0x380  }
0x6e: {  	[tilespmem:s14], [sflag:$0x8] =	stream.indirect.gather [hbm4b:s4+s29], $0x40, s26, s29, $0xb8;
	[tilespmem:$0x1EA00] =	vst v63  }
0x6f: {  	_ =	swait.ge [sflag:s25], $0x1F40  }
0x70: {  	[sflag:s25] =	ssyncset.done $0x0  }
0x71: {  	s11 =	simm.s32 $0x2800;
	[sflag:s25] =	ssyncadd.s32 $0xFFFFE0C0  }
0x72: {  	[spmem:s2] =	stream.indirect.scatter.add.f32 [tilespmem:s24], [sflag:$0x9], $0x40, s11, s29, $0xb8;
	[tilespmem:$0x1EA00] =	vst v63  }
0x73: {  	_ =	swait.ge [sflag:s15], $0x1F40  }
0x74: {  	[sflag:s15] =	ssyncset.done $0x0  }
0x75: {  	s12 =	simm.s32 $0x2880;
	[sflag:s15] =	ssyncadd.s32 $0xFFFFE0C0  }
0x76: {  	[spmem:s2] =	stream.indirect.scatter.add.f32 [tilespmem:s31], [sflag:$0xA], $0x40, s12, s29, $0xb8;
	[tilespmem:$0x1EA00] =	vst v63  }
0x77: {  	_ =	swait.ge [sflag:s16], $0x1F40  }
0x78: {  	[sflag:s16] =	ssyncset.done $0x0  }
0x79: {  	s26 =	simm.s32 $0x2900;
	[sflag:s16] =	ssyncadd.s32 $0xFFFFE0C0  }
0x7a: {  	[spmem:s2] =	stream.indirect.scatter.add.f32 [tilespmem:s0], [sflag:$0xB], $0x40, s26, s29, $0xb8;
	[tilespmem:$0x1EA00] =	vst v63  }
0x7b: {  	_ =	swait.ge [sflag:s17], $0x1F40  }
0x7c: {  	[sflag:s17] =	ssyncset.done $0x0  }
0x7d: {  	s11 =	simm.s32 $0x2980;
	[sflag:s17] =	ssyncadd.s32 $0xFFFFE0C0  }
0x7e: {  	[spmem:s2] =	stream.indirect.scatter.add.f32 [tilespmem:s30], [sflag:$0xC], $0x40, s11, s29, $0xb8;
	[tilespmem:$0x1EA00] =	vst v63  }
0x7f: {  	_ =	swait.ge [sflag:s18], $0x1F40  }
0x80: {  	[sflag:s18] =	ssyncset.done $0x0  }
0x81: {  	s12 =	simm.s32 $0x2A00;
	[sflag:s18] =	ssyncadd.s32 $0xFFFFE0C0  }
0x82: {  	[spmem:s2] =	stream.indirect.scatter.add.f32 [tilespmem:s28], [sflag:$0xD], $0x40, s12, s29, $0xb8;
	[tilespmem:$0x1EA00] =	vst v63  }
0x83: {  	_ =	swait.ge [sflag:s19], $0x1F40  }
0x84: {  	[sflag:s19] =	ssyncset.done $0x0  }
0x85: {  	s26 =	simm.s32 $0x2A80;
	[sflag:s19] =	ssyncadd.s32 $0xFFFFE0C0  }
0x86: {  	[spmem:s2] =	stream.indirect.scatter.add.f32 [tilespmem:s1], [sflag:$0xE], $0x40, s26, s29, $0xb8;
	[tilespmem:$0x1EA00] =	vst v63  }
0x87: {  	_ =	swait.ge [sflag:s20], $0x1F40  }
0x88: {  	[sflag:s20] =	ssyncset.done $0x0  }
0x89: {  	s11 =	simm.s32 $0x2B00;
	[sflag:s20] =	ssyncadd.s32 $0xFFFFE0C0  }
0x8a: {  	[spmem:s2] =	stream.indirect.scatter.add.f32 [tilespmem:s13], [sflag:$0xF], $0x40, s11, s29, $0xb8;
	[tilespmem:$0x1EA00] =	vst v63  }
0x8b: {  	_ =	swait.ge [sflag:s21], $0x1F40  }
0x8c: {  	[sflag:s21] =	ssyncset.done $0x0  }
0x8d: {  	s12 =	simm.s32 $0x2B80;
	[sflag:s21] =	ssyncadd.s32 $0xFFFFE0C0  }
0x8e: {  	[spmem:s2] =	stream.indirect.scatter.add.f32 [tilespmem:s14], [sflag:$0x10], $0x40, s12, s29, $0xb8;
	[tilespmem:$0x1EA00] =	vst v63  }
0x8f: {  	_ =	swait.ge [sflag:s22], $0x1F40  }
0x90: {  	[sflag:s22] =	ssyncset.done $0x0  }
0x91: {  	s26 =	simm.s32 $0x400;
	[sflag:s22] =	ssyncadd.s32 $0xFFFFE0C0  }
0x92: {  	[tilespmem:s24], [sflag:$0x1] =	stream.indirect.gather [hbm4b:s4+s29], $0x40, s26, s29, $0xb8;
	[tilespmem:$0x1EA00] =	vst v63  }
0x93: {  	_ =	swait.ge [sflag:s23], $0x1F40  }
0x94: {  	[sflag:s23] =	ssyncset.done $0x0  }
0x95: {  	s11 =	simm.s32 $0x480;
	[sflag:s23] =	ssyncadd.s32 $0xFFFFE0C0  }
0x96: {  	[tilespmem:s31], [sflag:$0x2] =	stream.indirect.gather [hbm4b:s4+s29], $0x40, s11, s29, $0xb8;
	[tilespmem:$0x1EA00] =	vst v63  }
0x97: {  	_ =	swait.ge [sflag:s5], $0x1F40  }
0x98: {  	[sflag:s5] =	ssyncset.done $0x0  }
0x99: {  	s12 =	simm.s32 $0x500;
	[sflag:s5] =	ssyncadd.s32 $0xFFFFE0C0  }
0x9a: {  	[tilespmem:s0], [sflag:$0x3] =	stream.indirect.gather [hbm4b:s4+s29], $0x40, s12, s29, $0xb8;
	[tilespmem:$0x1EA00] =	vst v63  }
0x9b: {  	_ =	swait.ge [sflag:s6], $0x1F40  }
0x9c: {  	[sflag:s6] =	ssyncset.done $0x0  }
0x9d: {  	s26 =	simm.s32 $0x580;
	[sflag:s6] =	ssyncadd.s32 $0xFFFFE0C0  }
0x9e: {  	[tilespmem:s30], [sflag:$0x4] =	stream.indirect.gather [hbm4b:s4+s29], $0x40, s26, s29, $0xb8;
	[tilespmem:$0x1EA00] =	vst v63  }
0x9f: {  	_ =	swait.ge [sflag:s7], $0x1F40  }
0xa0: {  	[sflag:s7] =	ssyncset.done $0x0  }
0xa1: {  	s11 =	simm.s32 $0x600;
	[sflag:s7] =	ssyncadd.s32 $0xFFFFE0C0  }
0xa2: {  	[tilespmem:s28], [sflag:$0x5] =	stream.indirect.gather [hbm4b:s4+s29], $0x40, s11, s29, $0xb8;
	[tilespmem:$0x1EA00] =	vst v63  }
0xa3: {  	_ =	swait.ge [sflag:s8], $0x1F40  }
0xa4: {  	[sflag:s8] =	ssyncset.done $0x0  }
0xa5: {  	s12 =	simm.s32 $0x680;
	[sflag:s8] =	ssyncadd.s32 $0xFFFFE0C0  }
0xa6: {  	[tilespmem:s1], [sflag:$0x6] =	stream.indirect.gather [hbm4b:s4+s29], $0x40, s12, s29, $0xb8;
	[tilespmem:$0x1EA00] =	vst v63  }
0xa7: {  	_ =	swait.ge [sflag:s9], $0x1F40  }
0xa8: {  	[sflag:s9] =	ssyncset.done $0x0  }
0xa9: {  	s26 =	simm.s32 $0x700;
	[sflag:s9] =	ssyncadd.s32 $0xFFFFE0C0  }
0xaa: {  	[tilespmem:s13], [sflag:$0x7] =	stream.indirect.gather [hbm4b:s4+s29], $0x40, s26, s29, $0xb8;
	[tilespmem:$0x1EA00] =	vst v63  }
0xab: {  	_ =	swait.ge [sflag:s10], $0x1F40  }
0xac: {  	[sflag:s10] =	ssyncset.done $0x0  }
0xad: {  	s12 =	simm.s32 $0x1000;
	s26 =	simm.s32 $0x780;
	[sflag:s10] =	ssyncadd.s32 $0xFFFFE0C0  }
.LBB2_4:
0xae: {  	[tilespmem:s14], [sflag:$0x8] =	stream.indirect.gather [hbm4b:s4+s29], $0x40, s26, s29, $0xb8;
	[tilespmem:$0x1EA00] =	vst v63  }
0xaf: {  	s3 =	smov.u32 s12  }
0xb0: {  	p0 =	sne.s32 s12, $0x8000;
	s12 =	sadd.s32 $0x1000, s12;
	_ =	swait.ge [sflag:s25], $0x1F40  }
0xb1: {  	s26 =	sshra.s32 s3, $0x2;
	[sflag:s25] =	ssyncset.done $0x0  }
0xb2: {  	s3 =	sadd.s32 $0x2800, s26;
	[sflag:s25] =	ssyncadd.s32 $0xFFFFE0C0  }
0xb3: {  	[spmem:s2] =	stream.indirect.scatter.add.f32 [tilespmem:s24], [sflag:$0x9], $0x40, s3, s29, $0xb8;
	[tilespmem:$0x1EA00] =	vst v63  }
0xb4: {  	_ =	swait.ge [sflag:s15], $0x1F40  }
0xb5: {  	[sflag:s15] =	ssyncset.done $0x0  }
0xb6: {  	s3 =	sadd.s32 $0x2880, s26;
	[sflag:s15] =	ssyncadd.s32 $0xFFFFE0C0  }
0xb7: {  	[spmem:s2] =	stream.indirect.scatter.add.f32 [tilespmem:s31], [sflag:$0xA], $0x40, s3, s29, $0xb8;
	[tilespmem:$0x1EA00] =	vst v63  }
0xb8: {  	_ =	swait.ge [sflag:s16], $0x1F40  }
0xb9: {  	[sflag:s16] =	ssyncset.done $0x0  }
0xba: {  	s3 =	sadd.s32 $0x2900, s26;
	[sflag:s16] =	ssyncadd.s32 $0xFFFFE0C0  }
0xbb: {  	[spmem:s2] =	stream.indirect.scatter.add.f32 [tilespmem:s0], [sflag:$0xB], $0x40, s3, s29, $0xb8;
	[tilespmem:$0x1EA00] =	vst v63  }
0xbc: {  	_ =	swait.ge [sflag:s17], $0x1F40  }
0xbd: {  	[sflag:s17] =	ssyncset.done $0x0  }
0xbe: {  	s3 =	sadd.s32 $0x2980, s26;
	[sflag:s17] =	ssyncadd.s32 $0xFFFFE0C0  }
0xbf: {  	[spmem:s2] =	stream.indirect.scatter.add.f32 [tilespmem:s30], [sflag:$0xC], $0x40, s3, s29, $0xb8;
	[tilespmem:$0x1EA00] =	vst v63  }
0xc0: {  	_ =	swait.ge [sflag:s18], $0x1F40  }
0xc1: {  	[sflag:s18] =	ssyncset.done $0x0  }
0xc2: {  	s3 =	sadd.s32 $0x2A00, s26;
	[sflag:s18] =	ssyncadd.s32 $0xFFFFE0C0  }
0xc3: {  	[spmem:s2] =	stream.indirect.scatter.add.f32 [tilespmem:s28], [sflag:$0xD], $0x40, s3, s29, $0xb8;
	[tilespmem:$0x1EA00] =	vst v63  }
0xc4: {  	_ =	swait.ge [sflag:s19], $0x1F40  }
0xc5: {  	[sflag:s19] =	ssyncset.done $0x0  }
0xc6: {  	s3 =	sadd.s32 $0x2A80, s26;
	[sflag:s19] =	ssyncadd.s32 $0xFFFFE0C0  }
0xc7: {  	[spmem:s2] =	stream.indirect.scatter.add.f32 [tilespmem:s1], [sflag:$0xE], $0x40, s3, s29, $0xb8;
	[tilespmem:$0x1EA00] =	vst v63  }
0xc8: {  	_ =	swait.ge [sflag:s20], $0x1F40  }
0xc9: {  	[sflag:s20] =	ssyncset.done $0x0  }
0xca: {  	s3 =	sadd.s32 $0x2B00, s26;
	[sflag:s20] =	ssyncadd.s32 $0xFFFFE0C0  }
0xcb: {  	[spmem:s2] =	stream.indirect.scatter.add.f32 [tilespmem:s13], [sflag:$0xF], $0x40, s3, s29, $0xb8;
	[tilespmem:$0x1EA00] =	vst v63  }
0xcc: {  	_ =	swait.ge [sflag:s21], $0x1F40  }
0xcd: {  	[sflag:s21] =	ssyncset.done $0x0  }
0xce: {  	s3 =	sadd.s32 $0x2B80, s26;
	[sflag:s21] =	ssyncadd.s32 $0xFFFFE0C0  }
0xcf: {  	[spmem:s2] =	stream.indirect.scatter.add.f32 [tilespmem:s14], [sflag:$0x10], $0x40, s3, s29, $0xb8;
	[tilespmem:$0x1EA00] =	vst v63  }
0xd0: {  	_ =	swait.ge [sflag:s22], $0x1F40  }
0xd1: {  	[sflag:s22] =	ssyncset.done $0x0  }
0xd2: {  	s3 =	sadd.s32 $0x400, s26;
	[sflag:s22] =	ssyncadd.s32 $0xFFFFE0C0  }
0xd3: {  	[tilespmem:s24], [sflag:$0x1] =	stream.indirect.gather [hbm4b:s4+s29], $0x40, s3, s29, $0xb8;
	[tilespmem:$0x1EA00] =	vst v63  }
0xd4: {  	_ =	swait.ge [sflag:s23], $0x1F40  }
0xd5: {  	[sflag:s23] =	ssyncset.done $0x0  }
0xd6: {  	s3 =	sadd.s32 $0x480, s26;
	[sflag:s23] =	ssyncadd.s32 $0xFFFFE0C0  }
0xd7: {  	[tilespmem:s31], [sflag:$0x2] =	stream.indirect.gather [hbm4b:s4+s29], $0x40, s3, s29, $0xb8;
	[tilespmem:$0x1EA00] =	vst v63  }
0xd8: {  	_ =	swait.ge [sflag:s5], $0x1F40  }
0xd9: {  	[sflag:s5] =	ssyncset.done $0x0  }
0xda: {  	s3 =	sadd.s32 $0x500, s26;
	[sflag:s5] =	ssyncadd.s32 $0xFFFFE0C0  }
0xdb: {  	[tilespmem:s0], [sflag:$0x3] =	stream.indirect.gather [hbm4b:s4+s29], $0x40, s3, s29, $0xb8;
	[tilespmem:$0x1EA00] =	vst v63  }
0xdc: {  	_ =	swait.ge [sflag:s6], $0x1F40  }
0xdd: {  	[sflag:s6] =	ssyncset.done $0x0  }
0xde: {  	s3 =	sadd.s32 $0x580, s26;
	[sflag:s6] =	ssyncadd.s32 $0xFFFFE0C0  }
0xdf: {  	[tilespmem:s30], [sflag:$0x4] =	stream.indirect.gather [hbm4b:s4+s29], $0x40, s3, s29, $0xb8;
	[tilespmem:$0x1EA00] =	vst v63  }
0xe0: {  	_ =	swait.ge [sflag:s7], $0x1F40  }
0xe1: {  	[sflag:s7] =	ssyncset.done $0x0  }
0xe2: {  	s3 =	sadd.s32 $0x600, s26;
	[sflag:s7] =	ssyncadd.s32 $0xFFFFE0C0  }
0xe3: {  	[tilespmem:s28], [sflag:$0x5] =	stream.indirect.gather [hbm4b:s4+s29], $0x40, s3, s29, $0xb8;
	[tilespmem:$0x1EA00] =	vst v63  }
0xe4: {  	_ =	swait.ge [sflag:s8], $0x1F40  }
0xe5: {  	[sflag:s8] =	ssyncset.done $0x0  }
0xe6: {  	s3 =	sadd.s32 $0x680, s26;
	[sflag:s8] =	ssyncadd.s32 $0xFFFFE0C0  }
0xe7: {  	[tilespmem:s1], [sflag:$0x6] =	stream.indirect.gather [hbm4b:s4+s29], $0x40, s3, s29, $0xb8;
	[tilespmem:$0x1EA00] =	vst v63  }
0xe8: {  	_ =	swait.ge [sflag:s9], $0x1F40  }
0xe9: {  	[sflag:s9] =	ssyncset.done $0x0  }
.Ltmp1:
0xea: {  	s3 =	sadd.s32 $0x700, s26;
	[sflag:s9] =	ssyncadd.s32 $0xFFFFE0C0;
	(pc) =	sbr.rel @p0 .LBB2_4-.Ltmp1, $4  }
0xeb: {  	[tilespmem:s13], [sflag:$0x7] =	stream.indirect.gather [hbm4b:s4+s29], $0x40, s3, s29, $0xb8;
	[tilespmem:$0x1EA00] =	vst v63  }
0xec: {  	_ =	swait.ge [sflag:s10], $0x1F40  }
0xed: {  	[sflag:s10] =	ssyncset.done $0x0  }
0xee: {  	s26 =	sadd.s32 $0x780, s26;
	[sflag:s10] =	ssyncadd.s32 $0xFFFFE0C0  }
0xef: {  	[tilespmem:s14], [sflag:$0x8] =	stream.indirect.gather [hbm4b:s4+s29], $0x40, s26, s29, $0xb8;
	[tilespmem:$0x1EA00] =	vst v63  }
0xf0: {  	_ =	swait.ge [sflag:s25], $0x1F40  }
0xf1: {  	[sflag:s25] =	ssyncset.done $0x0  }
0xf2: {  	s3 =	simm.s32 $0x4C00;
	[sflag:s25] =	ssyncadd.s32 $0xFFFFE0C0  }
0xf3: {  	[spmem:s2] =	stream.indirect.scatter.add.f32 [tilespmem:s24], [sflag:$0x9], $0x40, s3, s29, $0xb8;
	[tilespmem:$0x1EA00] =	vst v63  }
0xf4: {  	_ =	swait.ge [sflag:s15], $0x1F40  }
0xf5: {  	[sflag:s15] =	ssyncset.done $0x0  }
0xf6: {  	s11 =	simm.s32 $0x4C80;
	[sflag:s15] =	ssyncadd.s32 $0xFFFFE0C0  }
0xf7: {  	[spmem:s2] =	stream.indirect.scatter.add.f32 [tilespmem:s31], [sflag:$0xA], $0x40, s11, s29, $0xb8;
	[tilespmem:$0x1EA00] =	vst v63  }
0xf8: {  	_ =	swait.ge [sflag:s16], $0x1F40  }
0xf9: {  	[sflag:s16] =	ssyncset.done $0x0  }
0xfa: {  	s12 =	simm.s32 $0x4D00;
	[sflag:s16] =	ssyncadd.s32 $0xFFFFE0C0  }
0xfb: {  	[spmem:s2] =	stream.indirect.scatter.add.f32 [tilespmem:s0], [sflag:$0xB], $0x40, s12, s29, $0xb8;
	[tilespmem:$0x1EA00] =	vst v63  }
0xfc: {  	_ =	swait.ge [sflag:s17], $0x1F40  }
0xfd: {  	[sflag:s17] =	ssyncset.done $0x0  }
0xfe: {  	s26 =	simm.s32 $0x4D80;
	[sflag:s17] =	ssyncadd.s32 $0xFFFFE0C0  }
0xff: {  	[spmem:s2] =	stream.indirect.scatter.add.f32 [tilespmem:s30], [sflag:$0xC], $0x40, s26, s29, $0xb8;
	[tilespmem:$0x1EA00] =	vst v63  }
0x100: {  	_ =	swait.ge [sflag:s18], $0x1F40  }
0x101: {  	[sflag:s18] =	ssyncset.done $0x0  }
0x102: {  	s11 =	simm.s32 $0x4E00;
	[sflag:s18] =	ssyncadd.s32 $0xFFFFE0C0  }
0x103: {  	[spmem:s2] =	stream.indirect.scatter.add.f32 [tilespmem:s28], [sflag:$0xD], $0x40, s11, s29, $0xb8;
	[tilespmem:$0x1EA00] =	vst v63  }
0x104: {  	_ =	swait.ge [sflag:s19], $0x1F40  }
0x105: {  	[sflag:s19] =	ssyncset.done $0x0  }
0x106: {  	s12 =	simm.s32 $0x4E80;
	[sflag:s19] =	ssyncadd.s32 $0xFFFFE0C0  }
0x107: {  	[spmem:s2] =	stream.indirect.scatter.add.f32 [tilespmem:s1], [sflag:$0xE], $0x40, s12, s29, $0xb8;
	[tilespmem:$0x1EA00] =	vst v63  }
0x108: {  	_ =	swait.ge [sflag:s20], $0x1F40  }
0x109: {  	[sflag:s20] =	ssyncset.done $0x0  }
0x10a: {  	s26 =	simm.s32 $0x4F00;
	[sflag:s20] =	ssyncadd.s32 $0xFFFFE0C0  }
0x10b: {  	[spmem:s2] =	stream.indirect.scatter.add.f32 [tilespmem:s13], [sflag:$0xF], $0x40, s26, s29, $0xb8;
	[tilespmem:$0x1EA00] =	vst v63  }
0x10c: {  	_ =	swait.ge [sflag:s21], $0x1F40  }
0x10d: {  	[sflag:s21] =	ssyncset.done $0x0  }
0x10e: {  	s11 =	simm.s32 $0x4F80;
	[sflag:s21] =	ssyncadd.s32 $0xFFFFE0C0  }
0x10f: {  	[spmem:s2] =	stream.indirect.scatter.add.f32 [tilespmem:s14], [sflag:$0x10], $0x40, s11, s29, $0xb8;
	[tilespmem:$0x1EA00] =	vst v63  }
0x110: {  	_ =	swait.ge [sflag:s22], $0x1F40  }
0x111: {  	[sflag:s22] =	ssyncset.done $0x0  }
0x112: {  	[sflag:s22] =	ssyncadd.s32 $0xFFFFE0C0  }
0x113: {  	_ =	swait.ge [sflag:s23], $0x1F40  }
0x114: {  	[sflag:s23] =	ssyncset.done $0x0  }
0x115: {  	[sflag:s23] =	ssyncadd.s32 $0xFFFFE0C0  }
0x116: {  	_ =	swait.ge [sflag:s5], $0x1F40  }
0x117: {  	[sflag:s5] =	ssyncset.done $0x0  }
0x118: {  	[sflag:s5] =	ssyncadd.s32 $0xFFFFE0C0  }
0x119: {  	_ =	swait.ge [sflag:s6], $0x1F40  }
0x11a: {  	[sflag:s6] =	ssyncset.done $0x0  }
0x11b: {  	[sflag:s6] =	ssyncadd.s32 $0xFFFFE0C0  }
0x11c: {  	_ =	swait.ge [sflag:s7], $0x1F40  }
0x11d: {  	[sflag:s7] =	ssyncset.done $0x0  }
0x11e: {  	[sflag:s7] =	ssyncadd.s32 $0xFFFFE0C0  }
0x11f: {  	_ =	swait.ge [sflag:s8], $0x1F40  }
0x120: {  	[sflag:s8] =	ssyncset.done $0x0  }
0x121: {  	[sflag:s8] =	ssyncadd.s32 $0xFFFFE0C0  }
0x122: {  	_ =	swait.ge [sflag:s9], $0x1F40  }
0x123: {  	[sflag:s9] =	ssyncset.done $0x0  }
0x124: {  	[sflag:s9] =	ssyncadd.s32 $0xFFFFE0C0  }
0x125: {  	_ =	swait.ge [sflag:s10], $0x1F40  }
0x126: {  	[sflag:s10] =	ssyncset.done $0x0  }
0x127: {  	[sflag:s10] =	ssyncadd.s32 $0xFFFFE0C0  }
0x128: {  	[bflag:$0x0] =	sbarrier.arrive $0xFFFF  }
0x129: {  	s12 =	rddreg [dreg:$0x3]  }
0x12a: {  	[tilespmem:s24], [sflag:$0x1] =	stream.linear.gather [spmem:s12], $0x1400, $0x38;
	[tilespmem:$0x1EA00] =	vst v63  }
0x12b: {  	s26 =	rddreg [dreg:$0x4]  }
0x12c: {  	[tilespmem:s31], [sflag:$0x2] =	stream.linear.gather [spmem:s26], $0x1400, $0x38;
	[tilespmem:$0x1EA00] =	vst v63  }
0x12d: {  	s11 =	rddreg [dreg:$0x5]  }
0x12e: {  	[tilespmem:s0], [sflag:$0x3] =	stream.linear.gather [spmem:s11], $0x1400, $0x38;
	[tilespmem:$0x1EA00] =	vst v63  }
0x12f: {  	s12 =	rddreg [dreg:$0x6]  }
0x130: {  	[tilespmem:s30], [sflag:$0x4] =	stream.linear.gather [spmem:s12], $0x1400, $0x38;
	[tilespmem:$0x1EA00] =	vst v63  }
0x131: {  	s26 =	rddreg [dreg:$0x7]  }
0x132: {  	[tilespmem:s28], [sflag:$0x5] =	stream.linear.gather [spmem:s26], $0x1400, $0x38;
	[tilespmem:$0x1EA00] =	vst v63  }
0x133: {  	s11 =	rddreg [dreg:$0x8]  }
0x134: {  	[tilespmem:s1], [sflag:$0x6] =	stream.linear.gather [spmem:s11], $0x1400, $0x38;
	[tilespmem:$0x1EA00] =	vst v63  }
0x135: {  	s12 =	rddreg [dreg:$0x9]  }
0x136: {  	[tilespmem:s13], [sflag:$0x7] =	stream.linear.gather [spmem:s12], $0x1400, $0x38;
	[tilespmem:$0x1EA00] =	vst v63  }
0x137: {  	s26 =	rddreg [dreg:$0xa]  }
0x138: {  	[tilespmem:s14], [sflag:$0x8] =	stream.linear.gather [spmem:s26], $0x1400, $0x38;
	[tilespmem:$0x1EA00] =	vst v63  }
0x139: {  	_ =	swait.ge [sflag:s25], $0x1400  }
0x13a: {  	[sflag:s25] =	ssyncset.done $0x0  }
0x13b: {  	s3 =	simm.s32 $0x0;
	s12 =	rddreg [dreg:$0xd];
	[sflag:s25] =	ssyncadd.s32 $0xFFFFEC00  }
0x13c: {  	[hbm4b:s12+s3] =	stream.linear.scatter [tilespmem:s24], [sflag:$0x9], $0x1400, $0x38;
	[tilespmem:$0x1EA00] =	vst v63  }
0x13d: {  	_ =	swait.ge [sflag:s15], $0x1400  }
0x13e: {  	[sflag:s15] =	ssyncset.done $0x0  }
0x13f: {  	s11 =	rddreg [dreg:$0xe];
	[sflag:s15] =	ssyncadd.s32 $0xFFFFEC00  }
0x140: {  	[hbm4b:s11+s3] =	stream.linear.scatter [tilespmem:s31], [sflag:$0xA], $0x1400, $0x38;
	[tilespmem:$0x1EA00] =	vst v63  }
0x141: {  	_ =	swait.ge [sflag:s16], $0x1400  }
0x142: {  	[sflag:s16] =	ssyncset.done $0x0  }
0x143: {  	s26 =	rddreg [dreg:$0xf];
	[sflag:s16] =	ssyncadd.s32 $0xFFFFEC00  }
0x144: {  	[hbm4b:s26+s3] =	stream.linear.scatter [tilespmem:s0], [sflag:$0xB], $0x1400, $0x38;
	[tilespmem:$0x1EA00] =	vst v63  }
0x145: {  	_ =	swait.ge [sflag:s17], $0x1400  }
0x146: {  	[sflag:s17] =	ssyncset.done $0x0  }
0x147: {  	s11 =	rddreg [dreg:$0x10];
	[sflag:s17] =	ssyncadd.s32 $0xFFFFEC00  }
0x148: {  	[hbm4b:s11+s3] =	stream.linear.scatter [tilespmem:s30], [sflag:$0xC], $0x1400, $0x38;
	[tilespmem:$0x1EA00] =	vst v63  }
0x149: {  	_ =	swait.ge [sflag:s18], $0x1400  }
0x14a: {  	[sflag:s18] =	ssyncset.done $0x0  }
0x14b: {  	s26 =	rddreg [dreg:$0x11];
	[sflag:s18] =	ssyncadd.s32 $0xFFFFEC00  }
0x14c: {  	[hbm4b:s26+s3] =	stream.linear.scatter [tilespmem:s28], [sflag:$0xD], $0x1400, $0x38;
	[tilespmem:$0x1EA00] =	vst v63  }
0x14d: {  	_ =	swait.ge [sflag:s19], $0x1400  }
0x14e: {  	[sflag:s19] =	ssyncset.done $0x0  }
0x14f: {  	s11 =	rddreg [dreg:$0x12];
	[sflag:s19] =	ssyncadd.s32 $0xFFFFEC00  }
0x150: {  	[hbm4b:s11+s3] =	stream.linear.scatter [tilespmem:s1], [sflag:$0xE], $0x1400, $0x38;
	[tilespmem:$0x1EA00] =	vst v63  }
0x151: {  	_ =	swait.ge [sflag:s20], $0x1400  }
0x152: {  	[sflag:s20] =	ssyncset.done $0x0  }
0x153: {  	s26 =	rddreg [dreg:$0x13];
	[sflag:s20] =	ssyncadd.s32 $0xFFFFEC00  }
0x154: {  	[hbm4b:s26+s3] =	stream.linear.scatter [tilespmem:s13], [sflag:$0xF], $0x1400, $0x38;
	[tilespmem:$0x1EA00] =	vst v63  }
0x155: {  	_ =	swait.ge [sflag:s21], $0x1400  }
0x156: {  	[sflag:s21] =	ssyncset.done $0x0  }
0x157: {  	s11 =	rddreg [dreg:$0x14];
	[sflag:s21] =	ssyncadd.s32 $0xFFFFEC00  }
0x158: {  	[hbm4b:s11+s3] =	stream.linear.scatter [tilespmem:s14], [sflag:$0x10], $0x1400, $0x38;
	[tilespmem:$0x1EA00] =	vst v63  }
0x159: {  	_ =	swait.ge [sflag:s22], $0x1400  }
0x15a: {  	[sflag:s22] =	ssyncset.done $0x0  }
0x15b: {  	[sflag:s22] =	ssyncadd.s32 $0xFFFFEC00  }
0x15c: {  	_ =	swait.ge [sflag:s23], $0x1400  }
0x15d: {  	[sflag:s23] =	ssyncset.done $0x0  }
0x15e: {  	[sflag:s23] =	ssyncadd.s32 $0xFFFFEC00  }
0x15f: {  	_ =	swait.ge [sflag:s5], $0x1400  }
0x160: {  	[sflag:s5] =	ssyncset.done $0x0  }
0x161: {  	[sflag:s5] =	ssyncadd.s32 $0xFFFFEC00  }
0x162: {  	_ =	swait.ge [sflag:s6], $0x1400  }
0x163: {  	[sflag:s6] =	ssyncset.done $0x0  }
0x164: {  	[sflag:s6] =	ssyncadd.s32 $0xFFFFEC00  }
0x165: {  	_ =	swait.ge [sflag:s7], $0x1400  }
0x166: {  	[sflag:s7] =	ssyncset.done $0x0  }
0x167: {  	[sflag:s7] =	ssyncadd.s32 $0xFFFFEC00  }
0x168: {  	_ =	swait.ge [sflag:s8], $0x1400  }
0x169: {  	[sflag:s8] =	ssyncset.done $0x0  }
0x16a: {  	[sflag:s8] =	ssyncadd.s32 $0xFFFFEC00  }
0x16b: {  	_ =	swait.ge [sflag:s9], $0x1400  }
0x16c: {  	[sflag:s9] =	ssyncset.done $0x0  }
0x16d: {  	[sflag:s9] =	ssyncadd.s32 $0xFFFFEC00  }
0x16e: {  	_ =	swait.ge [sflag:s10], $0x1400  }
0x16f: {  	s11 =	rddreg [dreg:$0x16]  }
0x170: {  	s26 =	rddreg [dreg:$0x15];
	s11 =	sadd.s32 $0x1, s11  }
0x171: {  	p0 =	sne.s32 s11, s26  }
.Ltmp2:
0x172: {  	_ = 	snop;
	(pc) =	sbr.rel @p0 .LBB2_1-.Ltmp2, $3  }
0x173: {  	_ =	sdelay $0x1  }
0x174: {  	[sflag:s10] =	ssyncset.done $0x0  }
0x175: {  	[sflag:s10] =	ssyncadd.s32 $0xFFFFEC00  }
0x176: {  	_ =	sfence.sel $0x180000  }
0x177: {  	[bflag:$0x0] =	sbarrier.arrive $0xFFFF  }
0x178: {  	_ =	strace $0x9000004A  }
0x179: {  	s0 =	stileid.u32;
	[bflag:$0x2] =	sbarrier.arrive $0xFFFF  }
0x17a: {  	p0 =	sne.s32 s0, $0x0;
	s0 =	rddreg [dreg:$0x2]  }
0x17b: {  	s0 =	sadd.s32 @!p0 $0x100000, s0  }
0x17c: {  	[sflag:s0] =	ssyncadd.tile.s32 @!p0 $0x1;
	_ =	shalt  }
.Lfunc_end2:
_tile_overlayer_lowered:
.L_overlay_start_2:
0x17d: {  	(tag) =	ssettag $0x2  }
0x17e: {  	s0 =	rddreg [dreg:$0x0];
	s2 =	stileid.u32  }
0x17f: {  	s1 =	rddreg [dreg:$0x1];
	p0 =	sne.s32 s2, $0x0  }
0x180: {  	s3 =	rddreg [dreg:$0x2];
	[bflag:$0x3] =	sbarrier.arrive $0xFFFF;
	s2 =	simm.s32 @!p0 $0x1C11  }
0x181: {  	[timem:s3], [sflag:s2] =	dma.local @!p0 [hbm:s0], s1  }
0x182: {  	s0 =	simm.s32 @!p0 $0x11  }
0x183: {  	_ =	swait.ge @!p0 [sflag:s0], s1  }
0x184: {  	s1 =	ssub.s32 @!p0 $0x0, s1;
	[sflag:s0] =	ssyncset.done @!p0 $0x0  }
0x185: {  	[sflag:s0] =	ssyncadd.s32 @!p0 s1  }
0x186: {  	[bflag:$0x3] =	sbarrier.arrive $0xFFFF  }
0x187: {  	_ =	shalt  }

// kernel: kernel.14.cloned.1.call-start
scs
__scs_entry_jumppad:
0x0: {  	(pc) =	sbr.rel $0x88, $3  }
0x1: {  	(tag) =	ssettag $0x0;
	lr =	simm.s32 $0x1  }
0x2: {  	[smem:$0x3F98] =	sst lr;
	_ =	strace $0xD0000000  }
0x3: {  	_ = 	snop  }
0x4: {  	_ = 	snop  }
0x5: {  	_ = 	snop  }
0x6: {  	_ = 	snop  }
0x7: {  	_ = 	snop  }
__scs_overlays_trampoline_lowered:
0x8: {  	[smem:$0x3FA7] =	sst s0  }
0x9: {  	[smem:$0x3FA8] =	sst s1  }
0xa: {  	[smem:$0x3FA9] =	sst s2  }
0xb: {  	[smem:$0x3FAA] =	sst s3  }
0xc: {  	[smem:$0x3FAB] =	sst s4  }
0xd: {  	[smem:$0x3FAC] =	sst s5  }
0xe: {  	[smem:$0x3FAD] =	sst s6  }
0xf: {  	[smem:$0x3FAE] =	sst s7  }
0x10: {  	[smem:$0x3FAF] =	sst s8  }
0x11: {  	[smem:$0x3FB0] =	sst s9;
	s0 =	simm.s32 @!p0 $0x0  }
0x12: {  	s1 =	sld [smem:$0x3F96];
	s0 =	simm.s32 @p0 $0x1  }
0x13: {  	[smem:$0x3FB1] =	sst s0;
	s0 =	simm.s32 @!p1 $0x0  }
0x14: {  	s2 =	sld [smem:$0x3F95];
	s0 =	simm.s32 @p1 $0x1  }
0x15: {  	[smem:$0x3FB2] =	sst s0;
	s0 =	simm.s32 @!p2 $0x0  }
0x16: {  	s3 =	sld [smem:$0x3FDB];
	s0 =	simm.s32 @p2 $0x1  }
0x17: {  	s4 =	simm.s32 $0x1BF5;
	[smem:$0x3FB4] =	sst s0  }
0x18: {  	s0 =	sld [smem:$0x3F97];
	_ =	swait.ge [sflag:s4], $0x0  }
0x19: {  	s7 =	sld [smem:$0x3F98]  }
0x1a: {  	s8 =	sadd.s32 $0xFFFFE003, lr  }
0x1b: {  	s9 =	sadd.s32 $0xFFFFFEF7, lr;
	s5 =	simm.s32 $0xFFFFFFFF;
	p2 =	slt.u32 s8, $0xFFFFF086  }
0x1c: {  	p1 =	slt.u32 s9, $0xF7A;
	s5 =	simm.s32 @!p2 $0x0  }
0x1d: {  	s5 =	simm.s32 @p1 $0x1;
	p0 =	seq.s32 s7, s2  }
0x1e: {  	s7 =	smul.u32 @!p0 $0xF7A, s2;
	p2 =	seq.s32 @!p0 s5, $0x0  }
0x1f: {  	s9 =	smul.u32 $0xF7A, s1;
	s8 =	simm.s32 @!p0 $0x1BF5;
	p2 =	por !p2, p0  }
0x20: {  	[sflag:s8] =	ssyncset.s32 @!p0 $0xFFFFF086;
	s6 =	sadd.s32 @!p0 s3, s7;
	s7 =	simm.s32 @!p0 $0x108  }
0x21: {  	s3 =	sadd.s32 s3, s9;
	s6 =	sadd.s32 @!p0 $0x88, s6;
	s7 =	simm.s32 @p2 $0x1082  }
0x22: {  	[simem:s7], [sflag:s8] =	dma.local @!p0 [hbm:s6], $0xF7A  }
0x23: {  	s9 =	sor.u32 $0xD0000000, s2;
	s6 =	simm.s32 $0x108;
	_ =	swait.ge @!p0 [sflag:s8], $0x0  }
0x24: {  	s3 =	sadd.s32 $0x88, s3;
	s6 =	simm.s32 @!p1 $0x1082;
	[sflag:s4] =	ssyncset.s32 $0xFFFFF086  }
0x25: {  	[simem:s6], [sflag:s4] =	dma.local [hbm:s3], $0xF7A  }
0x26: {  	[smem:$0x3F98] =	sst s1;
	(tag) =	ssettag s2;
	_ =	strace s9  }
0x27: {  	s1 =	sld [smem:$0x3FA8]  }
0x28: {  	s2 =	sld [smem:$0x3FA9]  }
0x29: {  	s4 =	sld [smem:$0x3FAB]  }
0x2a: {  	p0 =	seq.s32 s5, $0x0;
	s5 =	sld [smem:$0x3FAC]  }
0x2b: {  	s6 =	sld [smem:$0x3FAD]  }
0x2c: {  	s7 =	sld [smem:$0x3FAE]  }
0x2d: {  	s3 =	simm.s32 $0x108;
	s8 =	sld [smem:$0x3FAF]  }
0x2e: {  	s3 =	simm.s32 @!p0 $0x1082;
	s9 =	sld [smem:$0x3FB0]  }
0x2f: {  	lr =	sadd.s32 s0, s3;
	s0 =	sld [smem:$0x3FA7]  }
0x30: {  	s3 =	sld [smem:$0x3FAA]  }
0x31: {  	[smem:$0x3FB3] =	sst s10  }
0x32: {  	s10 =	sld [smem:$0x3FB1];
	_ =	sdelay $0x3  }
0x33: {  	p0 =	seq.s32 s10, $0x1;
	s10 =	sld [smem:$0x3FB3];
	_ =	sdelay $0x3  }
0x34: {  	[smem:$0x3FB3] =	sst s10  }
0x35: {  	s10 =	sld [smem:$0x3FB2];
	_ =	sdelay $0x3  }
0x36: {  	p1 =	seq.s32 s10, $0x1;
	s10 =	sld [smem:$0x3FB3];
	_ =	sdelay $0x3  }
0x37: {  	[smem:$0x3FB3] =	sst s10  }
0x38: {  	s10 =	sld [smem:$0x3FB4]  }
0x39: {  	_ = 	snop;
	(pc) =	sbr.ind lr, $3  }
0x3a: {  	_ = 	snop  }
0x3b: {  	_ = 	snop  }
0x3c: {  	p2 =	seq.s32 s10, $0x1;
	s10 =	sld [smem:$0x3FB3]  }
0x3d: {  	_ =	shalt  }
0x3e: {  	_ =	shalt  }
0x3f: {  	_ =	shalt  }
0x40: {  	_ =	shalt  }
0x41: {  	_ =	shalt  }
0x42: {  	_ =	shalt  }
0x43: {  	_ =	shalt  }
0x44: {  	_ =	shalt  }
0x45: {  	_ =	shalt  }
0x46: {  	_ =	shalt  }
0x47: {  	_ =	shalt  }
0x48: {  	_ =	shalt  }
0x49: {  	_ =	shalt  }
0x4a: {  	_ =	shalt  }
0x4b: {  	_ =	shalt  }
0x4c: {  	_ =	shalt  }
0x4d: {  	_ =	shalt  }
0x4e: {  	_ =	shalt  }
0x4f: {  	_ =	shalt  }
0x50: {  	_ =	shalt  }
0x51: {  	_ =	shalt  }
0x52: {  	_ =	shalt  }
0x53: {  	_ =	shalt  }
0x54: {  	_ =	shalt  }
0x55: {  	_ =	shalt  }
0x56: {  	_ =	shalt  }
0x57: {  	_ =	shalt  }
0x58: {  	_ =	shalt  }
0x59: {  	_ =	shalt  }
0x5a: {  	_ =	shalt  }
0x5b: {  	_ =	shalt  }
0x5c: {  	_ =	shalt  }
0x5d: {  	_ =	shalt  }
0x5e: {  	_ =	shalt  }
0x5f: {  	_ =	shalt  }
0x60: {  	_ =	shalt  }
0x61: {  	_ =	shalt  }
0x62: {  	_ =	shalt  }
0x63: {  	_ =	shalt  }
0x64: {  	_ =	shalt  }
0x65: {  	_ =	shalt  }
0x66: {  	_ =	shalt  }
0x67: {  	_ =	shalt  }
0x68: {  	_ =	shalt  }
0x69: {  	_ =	shalt  }
0x6a: {  	_ =	shalt  }
0x6b: {  	_ =	shalt  }
0x6c: {  	_ =	shalt  }
0x6d: {  	_ =	shalt  }
0x6e: {  	_ =	shalt  }
0x6f: {  	_ =	shalt  }
0x70: {  	_ =	shalt  }
0x71: {  	_ =	shalt  }
0x72: {  	_ =	shalt  }
0x73: {  	_ =	shalt  }
0x74: {  	_ =	shalt  }
0x75: {  	_ =	shalt  }
0x76: {  	_ =	shalt  }
0x77: {  	_ =	shalt  }
0x78: {  	_ =	shalt  }
0x79: {  	_ =	shalt  }
0x7a: {  	_ =	shalt  }
0x7b: {  	_ =	shalt  }
0x7c: {  	_ =	shalt  }
0x7d: {  	_ =	shalt  }
0x7e: {  	_ =	shalt  }
0x7f: {  	_ =	shalt  }
0x80: {  	_ =	shalt  }
0x81: {  	_ =	shalt  }
0x82: {  	_ =	shalt  }
0x83: {  	_ =	shalt  }
0x84: {  	_ =	shalt  }
0x85: {  	_ =	shalt  }
0x86: {  	_ =	shalt  }
0x87: {  	_ =	shalt  }
.Lfunc_end0:
.L_simem_size_0:
called_computation.2_lowered:
.L_overlay_start_0:
0x88: {  	s2 =	sld [smem:$0x3FD9]  }
0x89: {  	s3 =	sld [smem:$0x3FFE];
	_ =	sdelay $0x1  }
0x8a: {  	s1 =	srdreg.scid  }
0x8b: {  	s0 =	sand.u32 $0x1, s1  }
0x8c: {  	s16 =	sshll.u32 s0, $0xA;
	s2 =	sadd.s32 s3, s2  }
0x8d: {  	s2 =	sadd.s32 s2, s16  }
0x8e: {  	[smem:$0x3FBF] =	sst s2  }
0x8f: {  	_ = 	snop  }
0x90: {  	(tm) =	ssettm $0x1  }
0x91: {  	s17 =	sld [smem:$0x3FFB];
	_ =	sdelay $0x3  }
0x92: {  	_ =	strace s17  }
0x93: {  	s2 =	sld [smem:$0x3FFC];
	_ =	sdelay $0x3  }
0x94: {  	_ =	strace s2  }
0x95: {  	s2 =	sld [smem:$0x3FFD];
	_ =	sdelay $0x3  }
0x96: {  	_ =	strace s2  }
0x97: {  	_ =	strace $0x8FFFFFFF  }
0x98: {  	s18 =	sld [smem:$0x3FDB];
	_ =	sdelay $0x1  }
0x99: {  	s19 =	simm.s32 $_scs_section_size  }
0x9a: {  	s4 =	simm.s32 $_size__tile_overlayer_lowered;
	s5 =	simm.s32 $_tile_overlayer_lowered  }
0x9b: {  	s22 =	simm.s32 $0x1BFF;
	s21 =	sshll.u32 s5, $0x1;
	s2 =	sadd.s32 s19, s18  }
0x9c: {  	s6 =	simm.s32 $0x0;
	s20 =	sshll.u32 s4, $0x1;
	s4 =	sadd.s32 s21, s2  }
0x9d: {  	[timem:s6], [sflag:s22] =	dma.local [hbm:s4], s20  }
0x9e: {  	_ =	swait.ge [sflag:s22], s20  }
0x9f: {  	s3 =	ssub.s32 $0x0, s20;
	[sflag:s22] =	ssyncset.done $0x0  }
0xa0: {  	[sflag:s22] =	ssyncadd.s32 s3;
	_ =	sdelay $0x1  }
0xa1: {  	s23 =	simm.s32 $0x1B8B  }
0xa2: {  	_ =	swait.ge [sflag:s23], $0x1  }
0xa3: {  	[sflag:s23] =	ssyncset.done $0x0  }
0xa4: {  	s25 =	simm.s32 $0x1B8E;
	s24 =	sld [smem:$0x3FFE];
	[sflag:s23] =	ssyncadd.s32 $0xFFFFFFFF  }
0xa5: {  	s26 =	simm.s32 $execute0_lowered;
	[smem:$0x3FD2] =	sst s25  }
0xa6: {  	s4 =	sshll.u32 s26, $0x1;
	_ =	strace $0x8000004C;
	[dreg:$0x1] =	wrdreg $0xFFFFFFFF  }
0xa7: {  	s28 =	simm.s32 $_size_execute0_lowered;
	s2 =	sadd.s32 s2, s4;
	[dreg:$0x0] =	wrdreg $0x0  }
0xa8: {  	s4 =	sshll.u32 s28, $0x1;
	[dreg:$0x2] =	wrdreg s2  }
0xa9: {  	[dreg:$0x3] =	wrdreg s4  }
0xaa: {  	[dreg:$0x4] =	wrdreg $0xC0  }
0xab: {  	_ =	task [dreg:s6], $0x5FFFF  }
0xac: {  	[dreg:$0x1] =	wrdreg $0xFFFFFFFF  }
0xad: {  	[dreg:$0x0] =	wrdreg $0x60  }
0xae: {  	[dreg:$0x2] =	wrdreg s24  }
0xaf: {  	[dreg:$0x3] =	wrdreg $0x14A000  }
0xb0: {  	[dreg:$0x4] =	wrdreg $0x9  }
0xb1: {  	_ =	task.clear_ibuf [dreg:s6], $0x5FFFF;
	_ =	strace $0x9000004C  }
0xb2: {  	s29 =	simm.s32 $0x9;
	_ =	strace $0x8000004E  }
0xb3: {  	_ =	swait.ge [sflag:s29], $0x1  }
0xb4: {  	[sflag:s29] =	ssyncadd.s32 $0xFFFFFFFF  }
0xb5: {  	_ =	strace $0x9000004E  }
0xb6: {  	_ =	sfence  }
0xb7: {  	s30 =	sld [smem:$0x0];
	_ =	sdelay $0x2  }
0xb8: {  	s31 =	sshll.u32 s1, $0xD;
	s1 =	sshrl.u32 s1, $0x2  }
0xb9: {  	s3 =	sand.u32 $0x4000, s31;
	s1 =	sadd.s32 s1, s30  }
0xba: {  	s0 =	sor.u32 s3, s0;
	s1 =	sshll.u32 s1, $0x11  }
0xbb: {  	s0 =	sor.u32 s1, s0  }
0xbc: {  	s0 =	sadd.s32 $0x8F2B, s0  }
0xbd: {  	[sflag:s0] =	ssyncadd.remote.s32 $0x1  }
0xbe: {  	_ =	sfence.sel $0xFFFF  }
0xbf: {  	[dreg:$0x0] =	wrdreg $0xFFFFFFFF;
	(pc) =	sbr.abs _section_cstart, $3  }
0xc0: {  	[dreg:$0x1] =	wrdreg $0xFFFFFFFF  }
0xc1: {  	_ =	task.clear_ibuf [dreg:s6], $0x2FFFF;
	_ =	strace $0x9FFFFFFF  }
0xc2: {  	(tm) =	ssettm $0x7FFFFFFF  }
0xc3: {  	_ =	shalt  }
tec
execute0_lowered:
.L_overlay_start_1:
0x0: {  	(tag) =	ssettag $0x1  }
0x1: {  	s0 =	srdreg.scid;
	s1 =	rddreg [dreg:$0x0]  }
0x2: {  	s7 =	stileid.u32;
	s2 =	rddreg [dreg:$0x1];
	s15 =	simm.s32 $0x0  }
0x3: {  	s29 =	simm.s32 $0x7D;
	s31 =	simm.s32 $0x6F40;
	s30 =	simm.s32 $0xADC0  }
0x4: {  	s28 =	simm.s32 $0xCD00;
	s0 =	sand.u32 $0x1, s0;
	[smem:$0x7FF] =	sst s15  }
0x5: {  	s3 =	sshll.u32 s0, $0x4;
	s6 =	ssub.s32 $0x2, s0;
	s0 =	smul.u32 $0xA0000, s0  }
0x6: {  	s4 =	sor.u32 s7, s3;
	s7 =	smul.u32 $0xA000, s7;
	s8 =	sshrl.u32 s6, $0x1  }
0x7: {  	_ =	strace $0x8000004D;
	s4 =	smul.u32 $0x2800, s4;
	s6 =	ssub.s32 s6, s8  }
0x8: {  	s16 =	sadd.s32 s7, s2;
	s17 =	sor.u32 $0x1400, s7;
	s9 =	sadd.s32 $0x2800, s7  }
0x9: {  	s10 =	sadd.s32 $0x3C00, s7;
	s11 =	sadd.s32 $0x5000, s7;
	s12 =	sadd.s32 $0x6400, s7  }
0xa: {  	s13 =	sadd.s32 $0x7800, s7;
	s14 =	sadd.s32 $0x8C00, s7;
	s7 =	sadd.s32 s7, s0  }
0xb: {  	s4 =	sshrl.u32 s4, $0x3;
	[dreg:$0x3] =	wrdreg s16;
	s18 =	sadd.s32 s17, s2  }
0xc: {  	s19 =	sadd.s32 s9, s2;
	s20 =	sadd.s32 s10, s2;
	s21 =	sadd.s32 s11, s2  }
0xd: {  	s22 =	sadd.s32 s12, s2;
	s23 =	sadd.s32 s13, s2;
	[dreg:$0x4] =	wrdreg s18  }
0xe: {  	s24 =	sadd.s32 s14, s2;
	s7 =	sshrl.u32 s7, $0x3;
	[dreg:$0x5] =	wrdreg s19  }
0xf: {  	s8 =	sadd.s32 s0, s17;
	s15 =	sadd.s32 s0, s9;
	[dreg:$0x6] =	wrdreg s20  }
0x10: {  	s16 =	sadd.s32 s0, s10;
	s17 =	sadd.s32 s0, s11;
	[dreg:$0x7] =	wrdreg s21  }
0x11: {  	s9 =	simm.s32 $0xF;
	s10 =	simm.s32 $0x10;
	[dreg:$0x8] =	wrdreg s22  }
0x12: {  	s11 =	simm.s32 $0x0;
	s5 =	sadd.s32 s4, s1;
	[dreg:$0x9] =	wrdreg s23  }
0x13: {  	s4 =	sadd.s32 $0x2600, s1;
	s1 =	sadd.s32 $0x2B000, s1;
	[dreg:$0xa] =	wrdreg s24  }
0x14: {  	s20 =	sshrl.u32 s17, $0x3;
	s22 =	sadd.s32 s0, s12;
	s23 =	sadd.s32 s0, s13  }
0x15: {  	s0 =	sadd.s32 s0, s14;
	s13 =	simm.s32 $0x10B80;
	s14 =	simm.s32 $0x12AC0  }
0x16: {  	s17 =	simm.s32 $0x4;
	s25 =	sadd.s32 $0x17000, s5;
	s26 =	sadd.s32 $0x21000, s5  }
0x17: {  	s5 =	sadd.s32 s1, s7;
	s7 =	sshrl.u32 s8, $0x3;
	[dreg:$0xb] =	wrdreg s25  }
0x18: {  	s21 =	sadd.s32 s1, s20;
	s0 =	sshrl.u32 s0, $0x3;
	[dreg:$0xc] =	wrdreg s26  }
0x19: {  	s20 =	simm.s32 $0x7;
	[dreg:$0xd] =	wrdreg s5;
	s8 =	sadd.s32 s1, s7  }
0x1a: {  	s5 =	sshrl.u32 s15, $0x3;
	s7 =	sshrl.u32 s16, $0x3;
	[dreg:$0x11] =	wrdreg s21  }
0x1b: {  	s0 =	sadd.s32 s1, s0;
	s26 =	smax.u32 s6, $0x1;
	s15 =	simm.s32 $0x2  }
0x1c: {  	s16 =	simm.s32 $0x3;
	s21 =	simm.s32 $0x8;
	s6 =	simm.s32 $0xC  }
0x1d: {  	[dreg:$0xe] =	wrdreg s8;
	s18 =	sadd.s32 s1, s5;
	s19 =	sadd.s32 s1, s7  }
0x1e: {  	s5 =	sshrl.u32 s22, $0x3;
	s7 =	sshrl.u32 s23, $0x3;
	[dreg:$0x14] =	wrdreg s0  }
0x1f: {  	[dreg:$0x15] =	wrdreg s26;
	s0 =	simm.s32 $0x8E80;
	s22 =	simm.s32 $0x9  }
0x20: {  	s23 =	simm.s32 $0xA;
	s8 =	simm.s32 $0xE;
	[dreg:$0xf] =	wrdreg s18  }
0x21: {  	[dreg:$0x10] =	wrdreg s19;
	s24 =	sadd.s32 s1, s5;
	s25 =	sadd.s32 s1, s7  }
0x22: {  	s1 =	simm.s32 $0xEC40;
	s18 =	simm.s32 $0x5;
	s19 =	simm.s32 $0x6  }
0x23: {  	s5 =	simm.s32 $0xB;
	s7 =	simm.s32 $0xD;
	[dreg:$0x12] =	wrdreg s24  }
0x24: {  	v0 =	vimm.f32 $0.0e+00;
	[dreg:$0x13] =	wrdreg s25;
	s24 =	simm.s32 $0x5000;
	s25 =	simm.s32 $0x1  }
.LBB2_1:
0x25: {  	[dreg:$0x16] =	wrdreg s11;
	s26 =	simm.s32 $0x100;
	s12 =	simm.s32 $0x0  }
.LBB2_2:
0x26: {  	p0 =	sne.s32 s26, $0x7C00;
	[tilespmem:s12+$0x5030] =	vst v0;
	s3 =	smov.u32 s26;
	s26 =	sadd.s32 $0x100, s26  }
.Ltmp0:
0x27: {  	[tilespmem:s12+$0x5020] =	vst v0;
	(pc) =	sbr.rel @p0 .LBB2_2-.Ltmp0, $3  }
0x28: {  	[tilespmem:s12+$0x5000] =	vst v0  }
0x29: {  	[tilespmem:s12+$0x5010] =	vst v0;
	_ =	sdelay $0x1  }
0x2a: {  	s12 =	sshra.s32 s3, $0x2  }
0x2b: {  	[tilespmem:s12+$0x5030] =	vst v0  }
0x2c: {  	[tilespmem:s12+$0x5020] =	vst v0  }
0x2d: {  	[tilespmem:s12+$0x5000] =	vst v0  }
0x2e: {  	[tilespmem:s12+$0x5010] =	vst v0;
	s3 =	rddreg [dreg:$0x3]  }
0x2f: {  	[spmem:s3] =	stream.linear.scatter [tilespmem:s24], [sflag:$0x1], $0x1400, $0x38;
	[tilespmem:$0x1EA00] =	vst v63  }
0x30: {  	s26 =	rddreg [dreg:$0x4]  }
0x31: {  	[spmem:s26] =	stream.linear.scatter [tilespmem:s24], [sflag:$0x1], $0x1400, $0x38;
	[tilespmem:$0x1EA00] =	vst v63  }
0x32: {  	s11 =	rddreg [dreg:$0x5]  }
0x33: {  	[spmem:s11] =	stream.linear.scatter [tilespmem:s24], [sflag:$0x1], $0x1400, $0x38;
	[tilespmem:$0x1EA00] =	vst v63  }
0x34: {  	s12 =	rddreg [dreg:$0x6]  }
0x35: {  	[spmem:s12] =	stream.linear.scatter [tilespmem:s24], [sflag:$0x1], $0x1400, $0x38;
	[tilespmem:$0x1EA00] =	vst v63  }
0x36: {  	s26 =	rddreg [dreg:$0x7]  }
0x37: {  	[spmem:s26] =	stream.linear.scatter [tilespmem:s24], [sflag:$0x1], $0x1400, $0x38;
	[tilespmem:$0x1EA00] =	vst v63  }
0x38: {  	s11 =	rddreg [dreg:$0x8]  }
0x39: {  	[spmem:s11] =	stream.linear.scatter [tilespmem:s24], [sflag:$0x1], $0x1400, $0x38;
	[tilespmem:$0x1EA00] =	vst v63  }
0x3a: {  	s12 =	rddreg [dreg:$0x9]  }
0x3b: {  	[spmem:s12] =	stream.linear.scatter [tilespmem:s24], [sflag:$0x1], $0x1400, $0x38;
	[tilespmem:$0x1EA00] =	vst v63  }
0x3c: {  	s26 =	rddreg [dreg:$0xa]  }
0x3d: {  	[spmem:s26] =	stream.linear.scatter [tilespmem:s24], [sflag:$0x1], $0x1400, $0x38;
	[tilespmem:$0x1EA00] =	vst v63  }
0x3e: {  	_ =	swait.ge [sflag:s25], $0x1400  }
0x3f: {  	[sflag:s25] =	ssyncset.done $0x0  }
0x40: {  	[sflag:s25] =	ssyncadd.s32 $0xFFFFEC00  }
0x41: {  	_ =	swait.ge [sflag:s25], $0x1400  }
0x42: {  	[sflag:s25] =	ssyncset.done $0x0  }
0x43: {  	[sflag:s25] =	ssyncadd.s32 $0xFFFFEC00  }
0x44: {  	_ =	swait.ge [sflag:s25], $0x1400  }
0x45: {  	[sflag:s25] =	ssyncset.done $0x0  }
0x46: {  	[sflag:s25] =	ssyncadd.s32 $0xFFFFEC00  }
0x47: {  	_ =	swait.ge [sflag:s25], $0x1400  }
0x48: {  	[sflag:s25] =	ssyncset.done $0x0  }
0x49: {  	[sflag:s25] =	ssyncadd.s32 $0xFFFFEC00  }
0x4a: {  	_ =	swait.ge [sflag:s25], $0x1400  }
0x4b: {  	[sflag:s25] =	ssyncset.done $0x0  }
0x4c: {  	[sflag:s25] =	ssyncadd.s32 $0xFFFFEC00  }
0x4d: {  	_ =	swait.ge [sflag:s25], $0x1400  }
0x4e: {  	[sflag:s25] =	ssyncset.done $0x0  }
0x4f: {  	[sflag:s25] =	ssyncadd.s32 $0xFFFFEC00  }
0x50: {  	_ =	swait.ge [sflag:s25], $0x1400  }
0x51: {  	[sflag:s25] =	ssyncset.done $0x0  }
0x52: {  	[sflag:s25] =	ssyncadd.s32 $0xFFFFEC00  }
0x53: {  	_ =	swait.ge [sflag:s25], $0x1400  }
0x54: {  	[sflag:s25] =	ssyncset.done $0x0  }
0x55: {  	[sflag:s25] =	ssyncadd.s32 $0xFFFFEC00  }
0x56: {  	[bflag:$0x0] =	sbarrier.arrive $0xFFFF  }
0x57: {  	s3 =	simm.s32 $0x0;
	s26 =	simm.s32 $0x11;
	s11 =	rddreg [dreg:$0xb]  }
0x58: {  	[tilespmem:s3], [sflag:$0x11] =	stream.linear.gather [hbm4b:s11+s3], $0x2800, $0x38;
	[tilespmem:$0x1EA00] =	vst v63  }
0x59: {  	_ =	swait.ge [sflag:s26], $0x2800  }
0x5a: {  	[sflag:s26] =	ssyncset.done $0x0  }
0x5b: {  	s11 =	simm.s32 $0x2800;
	s12 =	rddreg [dreg:$0xc];
	[sflag:s26] =	ssyncadd.s32 $0xFFFFD800  }
0x5c: {  	[tilespmem:s11], [sflag:$0x11] =	stream.linear.gather [hbm4b:s12+s3], $0x2800, $0x38;
	[tilespmem:$0x1EA00] =	vst v63  }
0x5d: {  	_ =	swait.ge [sflag:s26], $0x2800  }
0x5e: {  	[sflag:s26] =	ssyncset.done $0x0  }
0x5f: {  	[sflag:s26] =	ssyncadd.s32 $0xFFFFD800  }
0x60: {  	[tilespmem:s24], [sflag:$0x1] =	stream.indirect.gather [hbm4b:s4+s29], $0x40, s3, s29, $0xb8;
	[tilespmem:$0x1EA00] =	vst v63  }
0x61: {  	s26 =	simm.s32 $0x80  }
0x62: {  	[tilespmem:s31], [sflag:$0x2] =	stream.indirect.gather [hbm4b:s4+s29], $0x40, s26, s29, $0xb8;
	[tilespmem:$0x1EA00] =	vst v63  }
0x63: {  	s11 =	simm.s32 $0x100  }
0x64: {  	[tilespmem:s0], [sflag:$0x3] =	stream.indirect.gather [hbm4b:s4+s29], $0x40, s11, s29, $0xb8;
	[tilespmem:$0x1EA00] =	vst v63  }
0x65: {  	s12 =	simm.s32 $0x180  }
0x66: {  	[tilespmem:s30], [sflag:$0x4] =	stream.indirect.gather [hbm4b:s4+s29], $0x40, s12, s29, $0xb8;
	[tilespmem:$0x1EA00] =	vst v63  }
0x67: {  	s26 =	simm.s32 $0x200  }
0x68: {  	[tilespmem:s28], [sflag:$0x5] =	stream.indirect.gather [hbm4b:s4+s29], $0x40, s26, s29, $0xb8;
	[tilespmem:$0x1EA00] =	vst v63  }
0x69: {  	s11 =	simm.s32 $0x280  }
0x6a: {  	[tilespmem:s1], [sflag:$0x6] =	stream.indirect.gather [hbm4b:s4+s29], $0x40, s11, s29, $0xb8;
	[tilespmem:$0x1EA00] =	vst v63  }
0x6b: {  	s12 =	simm.s32 $0x300  }
0x6c: {  	[tilespmem:s13], [sflag:$0x7] =	stream.indirect.gather [hbm4b:s4+s29], $0x40, s12, s29, $0xb8;
	[tilespmem:$0x1EA00] =	vst v63  }
0x6d: {  	s26 =	simm.s32 $0x380  }
0x6e: {  	[tilespmem:s14], [sflag:$0x8] =	stream.indirect.gather [hbm4b:s4+s29], $0x40, s26, s29, $0xb8;
	[tilespmem:$0x1EA00] =	vst v63  }
0x6f: {  	_ =	swait.ge [sflag:s25], $0x1F40  }
0x70: {  	[sflag:s25] =	ssyncset.done $0x0  }
0x71: {  	s11 =	simm.s32 $0x2800;
	[sflag:s25] =	ssyncadd.s32 $0xFFFFE0C0  }
0x72: {  	[spmem:s2] =	stream.indirect.scatter.add.f32 [tilespmem:s24], [sflag:$0x9], $0x40, s11, s29, $0xb8;
	[tilespmem:$0x1EA00] =	vst v63  }
0x73: {  	_ =	swait.ge [sflag:s15], $0x1F40  }
0x74: {  	[sflag:s15] =	ssyncset.done $0x0  }
0x75: {  	s12 =	simm.s32 $0x2880;
	[sflag:s15] =	ssyncadd.s32 $0xFFFFE0C0  }
0x76: {  	[spmem:s2] =	stream.indirect.scatter.add.f32 [tilespmem:s31], [sflag:$0xA], $0x40, s12, s29, $0xb8;
	[tilespmem:$0x1EA00] =	vst v63  }
0x77: {  	_ =	swait.ge [sflag:s16], $0x1F40  }
0x78: {  	[sflag:s16] =	ssyncset.done $0x0  }
0x79: {  	s26 =	simm.s32 $0x2900;
	[sflag:s16] =	ssyncadd.s32 $0xFFFFE0C0  }
0x7a: {  	[spmem:s2] =	stream.indirect.scatter.add.f32 [tilespmem:s0], [sflag:$0xB], $0x40, s26, s29, $0xb8;
	[tilespmem:$0x1EA00] =	vst v63  }
0x7b: {  	_ =	swait.ge [sflag:s17], $0x1F40  }
0x7c: {  	[sflag:s17] =	ssyncset.done $0x0  }
0x7d: {  	s11 =	simm.s32 $0x2980;
	[sflag:s17] =	ssyncadd.s32 $0xFFFFE0C0  }
0x7e: {  	[spmem:s2] =	stream.indirect.scatter.add.f32 [tilespmem:s30], [sflag:$0xC], $0x40, s11, s29, $0xb8;
	[tilespmem:$0x1EA00] =	vst v63  }
0x7f: {  	_ =	swait.ge [sflag:s18], $0x1F40  }
0x80: {  	[sflag:s18] =	ssyncset.done $0x0  }
0x81: {  	s12 =	simm.s32 $0x2A00;
	[sflag:s18] =	ssyncadd.s32 $0xFFFFE0C0  }
0x82: {  	[spmem:s2] =	stream.indirect.scatter.add.f32 [tilespmem:s28], [sflag:$0xD], $0x40, s12, s29, $0xb8;
	[tilespmem:$0x1EA00] =	vst v63  }
0x83: {  	_ =	swait.ge [sflag:s19], $0x1F40  }
0x84: {  	[sflag:s19] =	ssyncset.done $0x0  }
0x85: {  	s26 =	simm.s32 $0x2A80;
	[sflag:s19] =	ssyncadd.s32 $0xFFFFE0C0  }
0x86: {  	[spmem:s2] =	stream.indirect.scatter.add.f32 [tilespmem:s1], [sflag:$0xE], $0x40, s26, s29, $0xb8;
	[tilespmem:$0x1EA00] =	vst v63  }
0x87: {  	_ =	swait.ge [sflag:s20], $0x1F40  }
0x88: {  	[sflag:s20] =	ssyncset.done $0x0  }
0x89: {  	s11 =	simm.s32 $0x2B00;
	[sflag:s20] =	ssyncadd.s32 $0xFFFFE0C0  }
0x8a: {  	[spmem:s2] =	stream.indirect.scatter.add.f32 [tilespmem:s13], [sflag:$0xF], $0x40, s11, s29, $0xb8;
	[tilespmem:$0x1EA00] =	vst v63  }
0x8b: {  	_ =	swait.ge [sflag:s21], $0x1F40  }
0x8c: {  	[sflag:s21] =	ssyncset.done $0x0  }
0x8d: {  	s12 =	simm.s32 $0x2B80;
	[sflag:s21] =	ssyncadd.s32 $0xFFFFE0C0  }
0x8e: {  	[spmem:s2] =	stream.indirect.scatter.add.f32 [tilespmem:s14], [sflag:$0x10], $0x40, s12, s29, $0xb8;
	[tilespmem:$0x1EA00] =	vst v63  }
0x8f: {  	_ =	swait.ge [sflag:s22], $0x1F40  }
0x90: {  	[sflag:s22] =	ssyncset.done $0x0  }
0x91: {  	s26 =	simm.s32 $0x400;
	[sflag:s22] =	ssyncadd.s32 $0xFFFFE0C0  }
0x92: {  	[tilespmem:s24], [sflag:$0x1] =	stream.indirect.gather [hbm4b:s4+s29], $0x40, s26, s29, $0xb8;
	[tilespmem:$0x1EA00] =	vst v63  }
0x93: {  	_ =	swait.ge [sflag:s23], $0x1F40  }
0x94: {  	[sflag:s23] =	ssyncset.done $0x0  }
0x95: {  	s11 =	simm.s32 $0x480;
	[sflag:s23] =	ssyncadd.s32 $0xFFFFE0C0  }
0x96: {  	[tilespmem:s31], [sflag:$0x2] =	stream.indirect.gather [hbm4b:s4+s29], $0x40, s11, s29, $0xb8;
	[tilespmem:$0x1EA00] =	vst v63  }
0x97: {  	_ =	swait.ge [sflag:s5], $0x1F40  }
0x98: {  	[sflag:s5] =	ssyncset.done $0x0  }
0x99: {  	s12 =	simm.s32 $0x500;
	[sflag:s5] =	ssyncadd.s32 $0xFFFFE0C0  }
0x9a: {  	[tilespmem:s0], [sflag:$0x3] =	stream.indirect.gather [hbm4b:s4+s29], $0x40, s12, s29, $0xb8;
	[tilespmem:$0x1EA00] =	vst v63  }
0x9b: {  	_ =	swait.ge [sflag:s6], $0x1F40  }
0x9c: {  	[sflag:s6] =	ssyncset.done $0x0  }
0x9d: {  	s26 =	simm.s32 $0x580;
	[sflag:s6] =	ssyncadd.s32 $0xFFFFE0C0  }
0x9e: {  	[tilespmem:s30], [sflag:$0x4] =	stream.indirect.gather [hbm4b:s4+s29], $0x40, s26, s29, $0xb8;
	[tilespmem:$0x1EA00] =	vst v63  }
0x9f: {  	_ =	swait.ge [sflag:s7], $0x1F40  }
0xa0: {  	[sflag:s7] =	ssyncset.done $0x0  }
0xa1: {  	s11 =	simm.s32 $0x600;
	[sflag:s7] =	ssyncadd.s32 $0xFFFFE0C0  }
0xa2: {  	[tilespmem:s28], [sflag:$0x5] =	stream.indirect.gather [hbm4b:s4+s29], $0x40, s11, s29, $0xb8;
	[tilespmem:$0x1EA00] =	vst v63  }
0xa3: {  	_ =	swait.ge [sflag:s8], $0x1F40  }
0xa4: {  	[sflag:s8] =	ssyncset.done $0x0  }
0xa5: {  	s12 =	simm.s32 $0x680;
	[sflag:s8] =	ssyncadd.s32 $0xFFFFE0C0  }
0xa6: {  	[tilespmem:s1], [sflag:$0x6] =	stream.indirect.gather [hbm4b:s4+s29], $0x40, s12, s29, $0xb8;
	[tilespmem:$0x1EA00] =	vst v63  }
0xa7: {  	_ =	swait.ge [sflag:s9], $0x1F40  }
0xa8: {  	[sflag:s9] =	ssyncset.done $0x0  }
0xa9: {  	s26 =	simm.s32 $0x700;
	[sflag:s9] =	ssyncadd.s32 $0xFFFFE0C0  }
0xaa: {  	[tilespmem:s13], [sflag:$0x7] =	stream.indirect.gather [hbm4b:s4+s29], $0x40, s26, s29, $0xb8;
	[tilespmem:$0x1EA00] =	vst v63  }
0xab: {  	_ =	swait.ge [sflag:s10], $0x1F40  }
0xac: {  	[sflag:s10] =	ssyncset.done $0x0  }
0xad: {  	s12 =	simm.s32 $0x1000;
	s26 =	simm.s32 $0x780;
	[sflag:s10] =	ssyncadd.s32 $0xFFFFE0C0  }
.LBB2_4:
0xae: {  	[tilespmem:s14], [sflag:$0x8] =	stream.indirect.gather [hbm4b:s4+s29], $0x40, s26, s29, $0xb8;
	[tilespmem:$0x1EA00] =	vst v63  }
0xaf: {  	s3 =	smov.u32 s12  }
0xb0: {  	p0 =	sne.s32 s12, $0x8000;
	s12 =	sadd.s32 $0x1000, s12;
	_ =	swait.ge [sflag:s25], $0x1F40  }
0xb1: {  	s26 =	sshra.s32 s3, $0x2;
	[sflag:s25] =	ssyncset.done $0x0  }
0xb2: {  	s3 =	sadd.s32 $0x2800, s26;
	[sflag:s25] =	ssyncadd.s32 $0xFFFFE0C0  }
0xb3: {  	[spmem:s2] =	stream.indirect.scatter.add.f32 [tilespmem:s24], [sflag:$0x9], $0x40, s3, s29, $0xb8;
	[tilespmem:$0x1EA00] =	vst v63  }
0xb4: {  	_ =	swait.ge [sflag:s15], $0x1F40  }
0xb5: {  	[sflag:s15] =	ssyncset.done $0x0  }
0xb6: {  	s3 =	sadd.s32 $0x2880, s26;
	[sflag:s15] =	ssyncadd.s32 $0xFFFFE0C0  }
0xb7: {  	[spmem:s2] =	stream.indirect.scatter.add.f32 [tilespmem:s31], [sflag:$0xA], $0x40, s3, s29, $0xb8;
	[tilespmem:$0x1EA00] =	vst v63  }
0xb8: {  	_ =	swait.ge [sflag:s16], $0x1F40  }
0xb9: {  	[sflag:s16] =	ssyncset.done $0x0  }
0xba: {  	s3 =	sadd.s32 $0x2900, s26;
	[sflag:s16] =	ssyncadd.s32 $0xFFFFE0C0  }
0xbb: {  	[spmem:s2] =	stream.indirect.scatter.add.f32 [tilespmem:s0], [sflag:$0xB], $0x40, s3, s29, $0xb8;
	[tilespmem:$0x1EA00] =	vst v63  }
0xbc: {  	_ =	swait.ge [sflag:s17], $0x1F40  }
0xbd: {  	[sflag:s17] =	ssyncset.done $0x0  }
0xbe: {  	s3 =	sadd.s32 $0x2980, s26;
	[sflag:s17] =	ssyncadd.s32 $0xFFFFE0C0  }
0xbf: {  	[spmem:s2] =	stream.indirect.scatter.add.f32 [tilespmem:s30], [sflag:$0xC], $0x40, s3, s29, $0xb8;
	[tilespmem:$0x1EA00] =	vst v63  }
0xc0: {  	_ =	swait.ge [sflag:s18], $0x1F40  }
0xc1: {  	[sflag:s18] =	ssyncset.done $0x0  }
0xc2: {  	s3 =	sadd.s32 $0x2A00, s26;
	[sflag:s18] =	ssyncadd.s32 $0xFFFFE0C0  }
0xc3: {  	[spmem:s2] =	stream.indirect.scatter.add.f32 [tilespmem:s28], [sflag:$0xD], $0x40, s3, s29, $0xb8;
	[tilespmem:$0x1EA00] =	vst v63  }
0xc4: {  	_ =	swait.ge [sflag:s19], $0x1F40  }
0xc5: {  	[sflag:s19] =	ssyncset.done $0x0  }
0xc6: {  	s3 =	sadd.s32 $0x2A80, s26;
	[sflag:s19] =	ssyncadd.s32 $0xFFFFE0C0  }
0xc7: {  	[spmem:s2] =	stream.indirect.scatter.add.f32 [tilespmem:s1], [sflag:$0xE], $0x40, s3, s29, $0xb8;
	[tilespmem:$0x1EA00] =	vst v63  }
0xc8: {  	_ =	swait.ge [sflag:s20], $0x1F40  }
0xc9: {  	[sflag:s20] =	ssyncset.done $0x0  }
0xca: {  	s3 =	sadd.s32 $0x2B00, s26;
	[sflag:s20] =	ssyncadd.s32 $0xFFFFE0C0  }
0xcb: {  	[spmem:s2] =	stream.indirect.scatter.add.f32 [tilespmem:s13], [sflag:$0xF], $0x40, s3, s29, $0xb8;
	[tilespmem:$0x1EA00] =	vst v63  }
0xcc: {  	_ =	swait.ge [sflag:s21], $0x1F40  }
0xcd: {  	[sflag:s21] =	ssyncset.done $0x0  }
0xce: {  	s3 =	sadd.s32 $0x2B80, s26;
	[sflag:s21] =	ssyncadd.s32 $0xFFFFE0C0  }
0xcf: {  	[spmem:s2] =	stream.indirect.scatter.add.f32 [tilespmem:s14], [sflag:$0x10], $0x40, s3, s29, $0xb8;
	[tilespmem:$0x1EA00] =	vst v63  }
0xd0: {  	_ =	swait.ge [sflag:s22], $0x1F40  }
0xd1: {  	[sflag:s22] =	ssyncset.done $0x0  }
0xd2: {  	s3 =	sadd.s32 $0x400, s26;
	[sflag:s22] =	ssyncadd.s32 $0xFFFFE0C0  }
0xd3: {  	[tilespmem:s24], [sflag:$0x1] =	stream.indirect.gather [hbm4b:s4+s29], $0x40, s3, s29, $0xb8;
	[tilespmem:$0x1EA00] =	vst v63  }
0xd4: {  	_ =	swait.ge [sflag:s23], $0x1F40  }
0xd5: {  	[sflag:s23] =	ssyncset.done $0x0  }
0xd6: {  	s3 =	sadd.s32 $0x480, s26;
	[sflag:s23] =	ssyncadd.s32 $0xFFFFE0C0  }
0xd7: {  	[tilespmem:s31], [sflag:$0x2] =	stream.indirect.gather [hbm4b:s4+s29], $0x40, s3, s29, $0xb8;
	[tilespmem:$0x1EA00] =	vst v63  }
0xd8: {  	_ =	swait.ge [sflag:s5], $0x1F40  }
0xd9: {  	[sflag:s5] =	ssyncset.done $0x0  }
0xda: {  	s3 =	sadd.s32 $0x500, s26;
	[sflag:s5] =	ssyncadd.s32 $0xFFFFE0C0  }
0xdb: {  	[tilespmem:s0], [sflag:$0x3] =	stream.indirect.gather [hbm4b:s4+s29], $0x40, s3, s29, $0xb8;
	[tilespmem:$0x1EA00] =	vst v63  }
0xdc: {  	_ =	swait.ge [sflag:s6], $0x1F40  }
0xdd: {  	[sflag:s6] =	ssyncset.done $0x0  }
0xde: {  	s3 =	sadd.s32 $0x580, s26;
	[sflag:s6] =	ssyncadd.s32 $0xFFFFE0C0  }
0xdf: {  	[tilespmem:s30], [sflag:$0x4] =	stream.indirect.gather [hbm4b:s4+s29], $0x40, s3, s29, $0xb8;
	[tilespmem:$0x1EA00] =	vst v63  }
0xe0: {  	_ =	swait.ge [sflag:s7], $0x1F40  }
0xe1: {  	[sflag:s7] =	ssyncset.done $0x0  }
0xe2: {  	s3 =	sadd.s32 $0x600, s26;
	[sflag:s7] =	ssyncadd.s32 $0xFFFFE0C0  }
0xe3: {  	[tilespmem:s28], [sflag:$0x5] =	stream.indirect.gather [hbm4b:s4+s29], $0x40, s3, s29, $0xb8;
	[tilespmem:$0x1EA00] =	vst v63  }
0xe4: {  	_ =	swait.ge [sflag:s8], $0x1F40  }
0xe5: {  	[sflag:s8] =	ssyncset.done $0x0  }
0xe6: {  	s3 =	sadd.s32 $0x680, s26;
	[sflag:s8] =	ssyncadd.s32 $0xFFFFE0C0  }
0xe7: {  	[tilespmem:s1], [sflag:$0x6] =	stream.indirect.gather [hbm4b:s4+s29], $0x40, s3, s29, $0xb8;
	[tilespmem:$0x1EA00] =	vst v63  }
0xe8: {  	_ =	swait.ge [sflag:s9], $0x1F40  }
0xe9: {  	[sflag:s9] =	ssyncset.done $0x0  }
.Ltmp1:
0xea: {  	s3 =	sadd.s32 $0x700, s26;
	[sflag:s9] =	ssyncadd.s32 $0xFFFFE0C0;
	(pc) =	sbr.rel @p0 .LBB2_4-.Ltmp1, $4  }
0xeb: {  	[tilespmem:s13], [sflag:$0x7] =	stream.indirect.gather [hbm4b:s4+s29], $0x40, s3, s29, $0xb8;
	[tilespmem:$0x1EA00] =	vst v63  }
0xec: {  	_ =	swait.ge [sflag:s10], $0x1F40  }
0xed: {  	[sflag:s10] =	ssyncset.done $0x0  }
0xee: {  	s26 =	sadd.s32 $0x780, s26;
	[sflag:s10] =	ssyncadd.s32 $0xFFFFE0C0  }
0xef: {  	[tilespmem:s14], [sflag:$0x8] =	stream.indirect.gather [hbm4b:s4+s29], $0x40, s26, s29, $0xb8;
	[tilespmem:$0x1EA00] =	vst v63  }
0xf0: {  	_ =	swait.ge [sflag:s25], $0x1F40  }
0xf1: {  	[sflag:s25] =	ssyncset.done $0x0  }
0xf2: {  	s3 =	simm.s32 $0x4C00;
	[sflag:s25] =	ssyncadd.s32 $0xFFFFE0C0  }
0xf3: {  	[spmem:s2] =	stream.indirect.scatter.add.f32 [tilespmem:s24], [sflag:$0x9], $0x40, s3, s29, $0xb8;
	[tilespmem:$0x1EA00] =	vst v63  }
0xf4: {  	_ =	swait.ge [sflag:s15], $0x1F40  }
0xf5: {  	[sflag:s15] =	ssyncset.done $0x0  }
0xf6: {  	s11 =	simm.s32 $0x4C80;
	[sflag:s15] =	ssyncadd.s32 $0xFFFFE0C0  }
0xf7: {  	[spmem:s2] =	stream.indirect.scatter.add.f32 [tilespmem:s31], [sflag:$0xA], $0x40, s11, s29, $0xb8;
	[tilespmem:$0x1EA00] =	vst v63  }
0xf8: {  	_ =	swait.ge [sflag:s16], $0x1F40  }
0xf9: {  	[sflag:s16] =	ssyncset.done $0x0  }
0xfa: {  	s12 =	simm.s32 $0x4D00;
	[sflag:s16] =	ssyncadd.s32 $0xFFFFE0C0  }
0xfb: {  	[spmem:s2] =	stream.indirect.scatter.add.f32 [tilespmem:s0], [sflag:$0xB], $0x40, s12, s29, $0xb8;
	[tilespmem:$0x1EA00] =	vst v63  }
0xfc: {  	_ =	swait.ge [sflag:s17], $0x1F40  }
0xfd: {  	[sflag:s17] =	ssyncset.done $0x0  }
0xfe: {  	s26 =	simm.s32 $0x4D80;
	[sflag:s17] =	ssyncadd.s32 $0xFFFFE0C0  }
0xff: {  	[spmem:s2] =	stream.indirect.scatter.add.f32 [tilespmem:s30], [sflag:$0xC], $0x40, s26, s29, $0xb8;
	[tilespmem:$0x1EA00] =	vst v63  }
0x100: {  	_ =	swait.ge [sflag:s18], $0x1F40  }
0x101: {  	[sflag:s18] =	ssyncset.done $0x0  }
0x102: {  	s11 =	simm.s32 $0x4E00;
	[sflag:s18] =	ssyncadd.s32 $0xFFFFE0C0  }
0x103: {  	[spmem:s2] =	stream.indirect.scatter.add.f32 [tilespmem:s28], [sflag:$0xD], $0x40, s11, s29, $0xb8;
	[tilespmem:$0x1EA00] =	vst v63  }
0x104: {  	_ =	swait.ge [sflag:s19], $0x1F40  }
0x105: {  	[sflag:s19] =	ssyncset.done $0x0  }
0x106: {  	s12 =	simm.s32 $0x4E80;
	[sflag:s19] =	ssyncadd.s32 $0xFFFFE0C0  }
0x107: {  	[spmem:s2] =	stream.indirect.scatter.add.f32 [tilespmem:s1], [sflag:$0xE], $0x40, s12, s29, $0xb8;
	[tilespmem:$0x1EA00] =	vst v63  }
0x108: {  	_ =	swait.ge [sflag:s20], $0x1F40  }
0x109: {  	[sflag:s20] =	ssyncset.done $0x0  }
0x10a: {  	s26 =	simm.s32 $0x4F00;
	[sflag:s20] =	ssyncadd.s32 $0xFFFFE0C0  }
0x10b: {  	[spmem:s2] =	stream.indirect.scatter.add.f32 [tilespmem:s13], [sflag:$0xF], $0x40, s26, s29, $0xb8;
	[tilespmem:$0x1EA00] =	vst v63  }
0x10c: {  	_ =	swait.ge [sflag:s21], $0x1F40  }
0x10d: {  	[sflag:s21] =	ssyncset.done $0x0  }
0x10e: {  	s11 =	simm.s32 $0x4F80;
	[sflag:s21] =	ssyncadd.s32 $0xFFFFE0C0  }
0x10f: {  	[spmem:s2] =	stream.indirect.scatter.add.f32 [tilespmem:s14], [sflag:$0x10], $0x40, s11, s29, $0xb8;
	[tilespmem:$0x1EA00] =	vst v63  }
0x110: {  	_ =	swait.ge [sflag:s22], $0x1F40  }
0x111: {  	[sflag:s22] =	ssyncset.done $0x0  }
0x112: {  	[sflag:s22] =	ssyncadd.s32 $0xFFFFE0C0  }
0x113: {  	_ =	swait.ge [sflag:s23], $0x1F40  }
0x114: {  	[sflag:s23] =	ssyncset.done $0x0  }
0x115: {  	[sflag:s23] =	ssyncadd.s32 $0xFFFFE0C0  }
0x116: {  	_ =	swait.ge [sflag:s5], $0x1F40  }
0x117: {  	[sflag:s5] =	ssyncset.done $0x0  }
0x118: {  	[sflag:s5] =	ssyncadd.s32 $0xFFFFE0C0  }
0x119: {  	_ =	swait.ge [sflag:s6], $0x1F40  }
0x11a: {  	[sflag:s6] =	ssyncset.done $0x0  }
0x11b: {  	[sflag:s6] =	ssyncadd.s32 $0xFFFFE0C0  }
0x11c: {  	_ =	swait.ge [sflag:s7], $0x1F40  }
0x11d: {  	[sflag:s7] =	ssyncset.done $0x0  }
0x11e: {  	[sflag:s7] =	ssyncadd.s32 $0xFFFFE0C0  }
0x11f: {  	_ =	swait.ge [sflag:s8], $0x1F40  }
0x120: {  	[sflag:s8] =	ssyncset.done $0x0  }
0x121: {  	[sflag:s8] =	ssyncadd.s32 $0xFFFFE0C0  }
0x122: {  	_ =	swait.ge [sflag:s9], $0x1F40  }
0x123: {  	[sflag:s9] =	ssyncset.done $0x0  }
0x124: {  	[sflag:s9] =	ssyncadd.s32 $0xFFFFE0C0  }
0x125: {  	_ =	swait.ge [sflag:s10], $0x1F40  }
0x126: {  	[sflag:s10] =	ssyncset.done $0x0  }
0x127: {  	[sflag:s10] =	ssyncadd.s32 $0xFFFFE0C0  }
0x128: {  	[bflag:$0x0] =	sbarrier.arrive $0xFFFF  }
0x129: {  	s12 =	rddreg [dreg:$0x3]  }
0x12a: {  	[tilespmem:s24], [sflag:$0x1] =	stream.linear.gather [spmem:s12], $0x1400, $0x38;
	[tilespmem:$0x1EA00] =	vst v63  }
0x12b: {  	s26 =	rddreg [dreg:$0x4]  }
0x12c: {  	[tilespmem:s31], [sflag:$0x2] =	stream.linear.gather [spmem:s26], $0x1400, $0x38;
	[tilespmem:$0x1EA00] =	vst v63  }
0x12d: {  	s11 =	rddreg [dreg:$0x5]  }
0x12e: {  	[tilespmem:s0], [sflag:$0x3] =	stream.linear.gather [spmem:s11], $0x1400, $0x38;
	[tilespmem:$0x1EA00] =	vst v63  }
0x12f: {  	s12 =	rddreg [dreg:$0x6]  }
0x130: {  	[tilespmem:s30], [sflag:$0x4] =	stream.linear.gather [spmem:s12], $0x1400, $0x38;
	[tilespmem:$0x1EA00] =	vst v63  }
0x131: {  	s26 =	rddreg [dreg:$0x7]  }
0x132: {  	[tilespmem:s28], [sflag:$0x5] =	stream.linear.gather [spmem:s26], $0x1400, $0x38;
	[tilespmem:$0x1EA00] =	vst v63  }
0x133: {  	s11 =	rddreg [dreg:$0x8]  }
0x134: {  	[tilespmem:s1], [sflag:$0x6] =	stream.linear.gather [spmem:s11], $0x1400, $0x38;
	[tilespmem:$0x1EA00] =	vst v63  }
0x135: {  	s12 =	rddreg [dreg:$0x9]  }
0x136: {  	[tilespmem:s13], [sflag:$0x7] =	stream.linear.gather [spmem:s12], $0x1400, $0x38;
	[tilespmem:$0x1EA00] =	vst v63  }
0x137: {  	s26 =	rddreg [dreg:$0xa]  }
0x138: {  	[tilespmem:s14], [sflag:$0x8] =	stream.linear.gather [spmem:s26], $0x1400, $0x38;
	[tilespmem:$0x1EA00] =	vst v63  }
0x139: {  	_ =	swait.ge [sflag:s25], $0x1400  }
0x13a: {  	[sflag:s25] =	ssyncset.done $0x0  }
0x13b: {  	s3 =	simm.s32 $0x0;
	s12 =	rddreg [dreg:$0xd];
	[sflag:s25] =	ssyncadd.s32 $0xFFFFEC00  }
0x13c: {  	[hbm4b:s12+s3] =	stream.linear.scatter [tilespmem:s24], [sflag:$0x9], $0x1400, $0x38;
	[tilespmem:$0x1EA00] =	vst v63  }
0x13d: {  	_ =	swait.ge [sflag:s15], $0x1400  }
0x13e: {  	[sflag:s15] =	ssyncset.done $0x0  }
0x13f: {  	s11 =	rddreg [dreg:$0xe];
	[sflag:s15] =	ssyncadd.s32 $0xFFFFEC00  }
0x140: {  	[hbm4b:s11+s3] =	stream.linear.scatter [tilespmem:s31], [sflag:$0xA], $0x1400, $0x38;
	[tilespmem:$0x1EA00] =	vst v63  }
0x141: {  	_ =	swait.ge [sflag:s16], $0x1400  }
0x142: {  	[sflag:s16] =	ssyncset.done $0x0  }
0x143: {  	s26 =	rddreg [dreg:$0xf];
	[sflag:s16] =	ssyncadd.s32 $0xFFFFEC00  }
0x144: {  	[hbm4b:s26+s3] =	stream.linear.scatter [tilespmem:s0], [sflag:$0xB], $0x1400, $0x38;
	[tilespmem:$0x1EA00] =	vst v63  }
0x145: {  	_ =	swait.ge [sflag:s17], $0x1400  }
0x146: {  	[sflag:s17] =	ssyncset.done $0x0  }
0x147: {  	s11 =	rddreg [dreg:$0x10];
	[sflag:s17] =	ssyncadd.s32 $0xFFFFEC00  }
0x148: {  	[hbm4b:s11+s3] =	stream.linear.scatter [tilespmem:s30], [sflag:$0xC], $0x1400, $0x38;
	[tilespmem:$0x1EA00] =	vst v63  }
0x149: {  	_ =	swait.ge [sflag:s18], $0x1400  }
0x14a: {  	[sflag:s18] =	ssyncset.done $0x0  }
0x14b: {  	s26 =	rddreg [dreg:$0x11];
	[sflag:s18] =	ssyncadd.s32 $0xFFFFEC00  }
0x14c: {  	[hbm4b:s26+s3] =	stream.linear.scatter [tilespmem:s28], [sflag:$0xD], $0x1400, $0x38;
	[tilespmem:$0x1EA00] =	vst v63  }
0x14d: {  	_ =	swait.ge [sflag:s19], $0x1400  }
0x14e: {  	[sflag:s19] =	ssyncset.done $0x0  }
0x14f: {  	s11 =	rddreg [dreg:$0x12];
	[sflag:s19] =	ssyncadd.s32 $0xFFFFEC00  }
0x150: {  	[hbm4b:s11+s3] =	stream.linear.scatter [tilespmem:s1], [sflag:$0xE], $0x1400, $0x38;
	[tilespmem:$0x1EA00] =	vst v63  }
0x151: {  	_ =	swait.ge [sflag:s20], $0x1400  }
0x152: {  	[sflag:s20] =	ssyncset.done $0x0  }
0x153: {  	s26 =	rddreg [dreg:$0x13];
	[sflag:s20] =	ssyncadd.s32 $0xFFFFEC00  }
0x154: {  	[hbm4b:s26+s3] =	stream.linear.scatter [tilespmem:s13], [sflag:$0xF], $0x1400, $0x38;
	[tilespmem:$0x1EA00] =	vst v63  }
0x155: {  	_ =	swait.ge [sflag:s21], $0x1400  }
0x156: {  	[sflag:s21] =	ssyncset.done $0x0  }
0x157: {  	s11 =	rddreg [dreg:$0x14];
	[sflag:s21] =	ssyncadd.s32 $0xFFFFEC00  }
0x158: {  	[hbm4b:s11+s3] =	stream.linear.scatter [tilespmem:s14], [sflag:$0x10], $0x1400, $0x38;
	[tilespmem:$0x1EA00] =	vst v63  }
0x159: {  	_ =	swait.ge [sflag:s22], $0x1400  }
0x15a: {  	[sflag:s22] =	ssyncset.done $0x0  }
0x15b: {  	[sflag:s22] =	ssyncadd.s32 $0xFFFFEC00  }
0x15c: {  	_ =	swait.ge [sflag:s23], $0x1400  }
0x15d: {  	[sflag:s23] =	ssyncset.done $0x0  }
0x15e: {  	[sflag:s23] =	ssyncadd.s32 $0xFFFFEC00  }
0x15f: {  	_ =	swait.ge [sflag:s5], $0x1400  }
0x160: {  	[sflag:s5] =	ssyncset.done $0x0  }
0x161: {  	[sflag:s5] =	ssyncadd.s32 $0xFFFFEC00  }
0x162: {  	_ =	swait.ge [sflag:s6], $0x1400  }
0x163: {  	[sflag:s6] =	ssyncset.done $0x0  }
0x164: {  	[sflag:s6] =	ssyncadd.s32 $0xFFFFEC00  }
0x165: {  	_ =	swait.ge [sflag:s7], $0x1400  }
0x166: {  	[sflag:s7] =	ssyncset.done $0x0  }
0x167: {  	[sflag:s7] =	ssyncadd.s32 $0xFFFFEC00  }
0x168: {  	_ =	swait.ge [sflag:s8], $0x1400  }
0x169: {  	[sflag:s8] =	ssyncset.done $0x0  }
0x16a: {  	[sflag:s8] =	ssyncadd.s32 $0xFFFFEC00  }
0x16b: {  	_ =	swait.ge [sflag:s9], $0x1400  }
0x16c: {  	[sflag:s9] =	ssyncset.done $0x0  }
0x16d: {  	[sflag:s9] =	ssyncadd.s32 $0xFFFFEC00  }
0x16e: {  	_ =	swait.ge [sflag:s10], $0x1400  }
0x16f: {  	s11 =	rddreg [dreg:$0x16]  }
0x170: {  	s26 =	rddreg [dreg:$0x15];
	s11 =	sadd.s32 $0x1, s11  }
0x171: {  	p0 =	sne.s32 s11, s26  }
.Ltmp2:
0x172: {  	_ = 	snop;
	(pc) =	sbr.rel @p0 .LBB2_1-.Ltmp2, $3  }
0x173: {  	_ =	sdelay $0x1  }
0x174: {  	[sflag:s10] =	ssyncset.done $0x0  }
0x175: {  	[sflag:s10] =	ssyncadd.s32 $0xFFFFEC00  }
0x176: {  	_ =	sfence.sel $0x180000  }
0x177: {  	[bflag:$0x0] =	sbarrier.arrive $0xFFFF  }
0x178: {  	_ =	strace $0x9000004D  }
0x179: {  	s0 =	stileid.u32;
	[bflag:$0x2] =	sbarrier.arrive $0xFFFF  }
0x17a: {  	p0 =	sne.s32 s0, $0x0;
	s0 =	rddreg [dreg:$0x2]  }
0x17b: {  	s0 =	sadd.s32 @!p0 $0x100000, s0  }
0x17c: {  	[sflag:s0] =	ssyncadd.tile.s32 @!p0 $0x1;
	_ =	shalt  }
.Lfunc_end2:
_tile_overlayer_lowered:
.L_overlay_start_2:
0x17d: {  	(tag) =	ssettag $0x2  }
0x17e: {  	s0 =	rddreg [dreg:$0x0];
	s2 =	stileid.u32  }
0x17f: {  	s1 =	rddreg [dreg:$0x1];
	p0 =	sne.s32 s2, $0x0  }
0x180: {  	s3 =	rddreg [dreg:$0x2];
	[bflag:$0x3] =	sbarrier.arrive $0xFFFF;
	s2 =	simm.s32 @!p0 $0x1C11  }
0x181: {  	[timem:s3], [sflag:s2] =	dma.local @!p0 [hbm:s0], s1  }
0x182: {  	s0 =	simm.s32 @!p0 $0x11  }
0x183: {  	_ =	swait.ge @!p0 [sflag:s0], s1  }
0x184: {  	s1 =	ssub.s32 @!p0 $0x0, s1;
	[sflag:s0] =	ssyncset.done @!p0 $0x0  }
0x185: {  	[sflag:s0] =	ssyncadd.s32 @!p0 s1  }
0x186: {  	[bflag:$0x3] =	sbarrier.arrive $0xFFFF  }
0x187: {  	_ =	shalt  }

// kernel: kernel.8.cloned.1.call-start
scs
__scs_entry_jumppad:
0x0: {  	(pc) =	sbr.rel $0x88, $3  }
0x1: {  	(tag) =	ssettag $0x0;
	lr =	simm.s32 $0x1  }
0x2: {  	[smem:$0x3F98] =	sst lr;
	_ =	strace $0xD0000000  }
0x3: {  	_ = 	snop  }
0x4: {  	_ = 	snop  }
0x5: {  	_ = 	snop  }
0x6: {  	_ = 	snop  }
0x7: {  	_ = 	snop  }
__scs_overlays_trampoline_lowered:
0x8: {  	[smem:$0x3FA7] =	sst s0  }
0x9: {  	[smem:$0x3FA8] =	sst s1  }
0xa: {  	[smem:$0x3FA9] =	sst s2  }
0xb: {  	[smem:$0x3FAA] =	sst s3  }
0xc: {  	[smem:$0x3FAB] =	sst s4  }
0xd: {  	[smem:$0x3FAC] =	sst s5  }
0xe: {  	[smem:$0x3FAD] =	sst s6  }
0xf: {  	[smem:$0x3FAE] =	sst s7  }
0x10: {  	[smem:$0x3FAF] =	sst s8  }
0x11: {  	[smem:$0x3FB0] =	sst s9;
	s0 =	simm.s32 @!p0 $0x0  }
0x12: {  	s1 =	sld [smem:$0x3F96];
	s0 =	simm.s32 @p0 $0x1  }
0x13: {  	[smem:$0x3FB1] =	sst s0;
	s0 =	simm.s32 @!p1 $0x0  }
0x14: {  	s2 =	sld [smem:$0x3F95];
	s0 =	simm.s32 @p1 $0x1  }
0x15: {  	[smem:$0x3FB2] =	sst s0;
	s0 =	simm.s32 @!p2 $0x0  }
0x16: {  	s3 =	sld [smem:$0x3FDB];
	s0 =	simm.s32 @p2 $0x1  }
0x17: {  	s4 =	simm.s32 $0x1BF5;
	[smem:$0x3FB4] =	sst s0  }
0x18: {  	s0 =	sld [smem:$0x3F97];
	_ =	swait.ge [sflag:s4], $0x0  }
0x19: {  	s7 =	sld [smem:$0x3F98]  }
0x1a: {  	s8 =	sadd.s32 $0xFFFFE003, lr  }
0x1b: {  	s9 =	sadd.s32 $0xFFFFFEF7, lr;
	s5 =	simm.s32 $0xFFFFFFFF;
	p2 =	slt.u32 s8, $0xFFFFF086  }
0x1c: {  	p1 =	slt.u32 s9, $0xF7A;
	s5 =	simm.s32 @!p2 $0x0  }
0x1d: {  	s5 =	simm.s32 @p1 $0x1;
	p0 =	seq.s32 s7, s2  }
0x1e: {  	s7 =	smul.u32 @!p0 $0xF7A, s2;
	p2 =	seq.s32 @!p0 s5, $0x0  }
0x1f: {  	s9 =	smul.u32 $0xF7A, s1;
	s8 =	simm.s32 @!p0 $0x1BF5;
	p2 =	por !p2, p0  }
0x20: {  	[sflag:s8] =	ssyncset.s32 @!p0 $0xFFFFF086;
	s6 =	sadd.s32 @!p0 s3, s7;
	s7 =	simm.s32 @!p0 $0x108  }
0x21: {  	s3 =	sadd.s32 s3, s9;
	s6 =	sadd.s32 @!p0 $0x88, s6;
	s7 =	simm.s32 @p2 $0x1082  }
0x22: {  	[simem:s7], [sflag:s8] =	dma.local @!p0 [hbm:s6], $0xF7A  }
0x23: {  	s9 =	sor.u32 $0xD0000000, s2;
	s6 =	simm.s32 $0x108;
	_ =	swait.ge @!p0 [sflag:s8], $0x0  }
0x24: {  	s3 =	sadd.s32 $0x88, s3;
	s6 =	simm.s32 @!p1 $0x1082;
	[sflag:s4] =	ssyncset.s32 $0xFFFFF086  }
0x25: {  	[simem:s6], [sflag:s4] =	dma.local [hbm:s3], $0xF7A  }
0x26: {  	[smem:$0x3F98] =	sst s1;
	(tag) =	ssettag s2;
	_ =	strace s9  }
0x27: {  	s1 =	sld [smem:$0x3FA8]  }
0x28: {  	s2 =	sld [smem:$0x3FA9]  }
0x29: {  	s4 =	sld [smem:$0x3FAB]  }
0x2a: {  	p0 =	seq.s32 s5, $0x0;
	s5 =	sld [smem:$0x3FAC]  }
0x2b: {  	s6 =	sld [smem:$0x3FAD]  }
0x2c: {  	s7 =	sld [smem:$0x3FAE]  }
0x2d: {  	s3 =	simm.s32 $0x108;
	s8 =	sld [smem:$0x3FAF]  }
0x2e: {  	s3 =	simm.s32 @!p0 $0x1082;
	s9 =	sld [smem:$0x3FB0]  }
0x2f: {  	lr =	sadd.s32 s0, s3;
	s0 =	sld [smem:$0x3FA7]  }
0x30: {  	s3 =	sld [smem:$0x3FAA]  }
0x31: {  	[smem:$0x3FB3] =	sst s10  }
0x32: {  	s10 =	sld [smem:$0x3FB1];
	_ =	sdelay $0x3  }
0x33: {  	p0 =	seq.s32 s10, $0x1;
	s10 =	sld [smem:$0x3FB3];
	_ =	sdelay $0x3  }
0x34: {  	[smem:$0x3FB3] =	sst s10  }
0x35: {  	s10 =	sld [smem:$0x3FB2];
	_ =	sdelay $0x3  }
0x36: {  	p1 =	seq.s32 s10, $0x1;
	s10 =	sld [smem:$0x3FB3];
	_ =	sdelay $0x3  }
0x37: {  	[smem:$0x3FB3] =	sst s10  }
0x38: {  	s10 =	sld [smem:$0x3FB4]  }
0x39: {  	_ = 	snop;
	(pc) =	sbr.ind lr, $3  }
0x3a: {  	_ = 	snop  }
0x3b: {  	_ = 	snop  }
0x3c: {  	p2 =	seq.s32 s10, $0x1;
	s10 =	sld [smem:$0x3FB3]  }
0x3d: {  	_ =	shalt  }
0x3e: {  	_ =	shalt  }
0x3f: {  	_ =	shalt  }
0x40: {  	_ =	shalt  }
0x41: {  	_ =	shalt  }
0x42: {  	_ =	shalt  }
0x43: {  	_ =	shalt  }
0x44: {  	_ =	shalt  }
0x45: {  	_ =	shalt  }
0x46: {  	_ =	shalt  }
0x47: {  	_ =	shalt  }
0x48: {  	_ =	shalt  }
0x49: {  	_ =	shalt  }
0x4a: {  	_ =	shalt  }
0x4b: {  	_ =	shalt  }
0x4c: {  	_ =	shalt  }
0x4d: {  	_ =	shalt  }
0x4e: {  	_ =	shalt  }
0x4f: {  	_ =	shalt  }
0x50: {  	_ =	shalt  }
0x51: {  	_ =	shalt  }
0x52: {  	_ =	shalt  }
0x53: {  	_ =	shalt  }
0x54: {  	_ =	shalt  }
0x55: {  	_ =	shalt  }
0x56: {  	_ =	shalt  }
0x57: {  	_ =	shalt  }
0x58: {  	_ =	shalt  }
0x59: {  	_ =	shalt  }
0x5a: {  	_ =	shalt  }
0x5b: {  	_ =	shalt  }
0x5c: {  	_ =	shalt  }
0x5d: {  	_ =	shalt  }
0x5e: {  	_ =	shalt  }
0x5f: {  	_ =	shalt  }
0x60: {  	_ =	shalt  }
0x61: {  	_ =	shalt  }
0x62: {  	_ =	shalt  }
0x63: {  	_ =	shalt  }
0x64: {  	_ =	shalt  }
0x65: {  	_ =	shalt  }
0x66: {  	_ =	shalt  }
0x67: {  	_ =	shalt  }
0x68: {  	_ =	shalt  }
0x69: {  	_ =	shalt  }
0x6a: {  	_ =	shalt  }
0x6b: {  	_ =	shalt  }
0x6c: {  	_ =	shalt  }
0x6d: {  	_ =	shalt  }
0x6e: {  	_ =	shalt  }
0x6f: {  	_ =	shalt  }
0x70: {  	_ =	shalt  }
0x71: {  	_ =	shalt  }
0x72: {  	_ =	shalt  }
0x73: {  	_ =	shalt  }
0x74: {  	_ =	shalt  }
0x75: {  	_ =	shalt  }
0x76: {  	_ =	shalt  }
0x77: {  	_ =	shalt  }
0x78: {  	_ =	shalt  }
0x79: {  	_ =	shalt  }
0x7a: {  	_ =	shalt  }
0x7b: {  	_ =	shalt  }
0x7c: {  	_ =	shalt  }
0x7d: {  	_ =	shalt  }
0x7e: {  	_ =	shalt  }
0x7f: {  	_ =	shalt  }
0x80: {  	_ =	shalt  }
0x81: {  	_ =	shalt  }
0x82: {  	_ =	shalt  }
0x83: {  	_ =	shalt  }
0x84: {  	_ =	shalt  }
0x85: {  	_ =	shalt  }
0x86: {  	_ =	shalt  }
0x87: {  	_ =	shalt  }
.Lfunc_end0:
.L_simem_size_0:
called_computation_lowered:
.L_overlay_start_0:
0x88: {  	s2 =	sld [smem:$0x3FD9]  }
0x89: {  	s3 =	sld [smem:$0x3FFE];
	_ =	sdelay $0x1  }
0x8a: {  	s1 =	srdreg.scid  }
0x8b: {  	s0 =	sand.u32 $0x1, s1  }
0x8c: {  	s16 =	sshll.u32 s0, $0xA;
	s2 =	sadd.s32 s3, s2  }
0x8d: {  	s2 =	sadd.s32 s2, s16  }
0x8e: {  	[smem:$0x3FBF] =	sst s2  }
0x8f: {  	_ = 	snop  }
0x90: {  	(tm) =	ssettm $0x1  }
0x91: {  	s17 =	sld [smem:$0x3FFB];
	_ =	sdelay $0x3  }
0x92: {  	_ =	strace s17  }
0x93: {  	s2 =	sld [smem:$0x3FFC];
	_ =	sdelay $0x3  }
0x94: {  	_ =	strace s2  }
0x95: {  	s2 =	sld [smem:$0x3FFD];
	_ =	sdelay $0x3  }
0x96: {  	_ =	strace s2  }
0x97: {  	_ =	strace $0x8FFFFFFF  }
0x98: {  	s18 =	sld [smem:$0x3FDB];
	_ =	sdelay $0x1  }
0x99: {  	s19 =	simm.s32 $_scs_section_size  }
0x9a: {  	s4 =	simm.s32 $_size__tile_overlayer_lowered;
	s5 =	simm.s32 $_tile_overlayer_lowered  }
0x9b: {  	s22 =	simm.s32 $0x1BFF;
	s21 =	sshll.u32 s5, $0x1;
	s2 =	sadd.s32 s19, s18  }
0x9c: {  	s6 =	simm.s32 $0x0;
	s20 =	sshll.u32 s4, $0x1;
	s4 =	sadd.s32 s21, s2  }
0x9d: {  	[timem:s6], [sflag:s22] =	dma.local [hbm:s4], s20  }
0x9e: {  	_ =	swait.ge [sflag:s22], s20  }
0x9f: {  	s3 =	ssub.s32 $0x0, s20;
	[sflag:s22] =	ssyncset.done $0x0  }
0xa0: {  	[sflag:s22] =	ssyncadd.s32 s3;
	_ =	sdelay $0x1  }
0xa1: {  	s23 =	simm.s32 $0x1B8B  }
0xa2: {  	_ =	swait.ge [sflag:s23], $0x1  }
0xa3: {  	[sflag:s23] =	ssyncset.done $0x0  }
0xa4: {  	s25 =	simm.s32 $0x1B8E;
	s24 =	sld [smem:$0x3FFE];
	[sflag:s23] =	ssyncadd.s32 $0xFFFFFFFF  }
0xa5: {  	s26 =	simm.s32 $execute0_lowered;
	[smem:$0x3FD2] =	sst s25  }
0xa6: {  	s4 =	sshll.u32 s26, $0x1;
	_ =	strace $0x80000046;
	[dreg:$0x1] =	wrdreg $0xFFFFFFFF  }
0xa7: {  	s28 =	simm.s32 $_size_execute0_lowered;
	s2 =	sadd.s32 s2, s4;
	[dreg:$0x0] =	wrdreg $0x0  }
0xa8: {  	s4 =	sshll.u32 s28, $0x1;
	[dreg:$0x2] =	wrdreg s2  }
0xa9: {  	[dreg:$0x3] =	wrdreg s4  }
0xaa: {  	[dreg:$0x4] =	wrdreg $0xC0  }
0xab: {  	_ =	task [dreg:s6], $0x5FFFF  }
0xac: {  	[dreg:$0x1] =	wrdreg $0xFFFFFFFF  }
0xad: {  	[dreg:$0x0] =	wrdreg $0x60  }
0xae: {  	[dreg:$0x2] =	wrdreg s24  }
0xaf: {  	[dreg:$0x3] =	wrdreg $0x2B000  }
0xb0: {  	[dreg:$0x4] =	wrdreg $0x9  }
0xb1: {  	_ =	task.clear_ibuf [dreg:s6], $0x5FFFF;
	_ =	strace $0x90000046  }
0xb2: {  	s29 =	simm.s32 $0x9;
	_ =	strace $0x80000048  }
0xb3: {  	_ =	swait.ge [sflag:s29], $0x1  }
0xb4: {  	[sflag:s29] =	ssyncadd.s32 $0xFFFFFFFF  }
0xb5: {  	_ =	strace $0x90000048  }
0xb6: {  	_ =	sfence  }
0xb7: {  	s30 =	sld [smem:$0x0];
	_ =	sdelay $0x2  }
0xb8: {  	s31 =	sshll.u32 s1, $0xD;
	s1 =	sshrl.u32 s1, $0x2  }
0xb9: {  	s3 =	sand.u32 $0x4000, s31;
	s1 =	sadd.s32 s1, s30  }
0xba: {  	s0 =	sor.u32 s3, s0;
	s1 =	sshll.u32 s1, $0x11  }
0xbb: {  	s0 =	sor.u32 s1, s0  }
0xbc: {  	s0 =	sadd.s32 $0x8F2B, s0  }
0xbd: {  	[sflag:s0] =	ssyncadd.remote.s32 $0x1  }
0xbe: {  	_ =	sfence.sel $0xFFFF  }
0xbf: {  	[dreg:$0x0] =	wrdreg $0xFFFFFFFF;
	(pc) =	sbr.abs _section_cstart, $3  }
0xc0: {  	[dreg:$0x1] =	wrdreg $0xFFFFFFFF  }
0xc1: {  	_ =	task.clear_ibuf [dreg:s6], $0x2FFFF;
	_ =	strace $0x9FFFFFFF  }
0xc2: {  	(tm) =	ssettm $0x7FFFFFFF  }
0xc3: {  	_ =	shalt  }
tec
execute0_lowered:
.L_overlay_start_1:
0x0: {  	(tag) =	ssettag $0x1  }
0x1: {  	s4 =	rddreg [dreg:$0x0]  }
0x2: {  	s2 =	rddreg [dreg:$0x1];
	s3 =	srdreg.scid  }
0x3: {  	s0 =	rddreg [dreg:$0x2];
	s1 =	stileid.u32;
	s10 =	simm.s32 $0x7D  }
0x4: {  	s11 =	simm.s32 $0x2800;
	s12 =	simm.s32 $0x1;
	s13 =	simm.s32 $0x80  }
0x5: {  	s14 =	simm.s32 $0x100;
	s15 =	simm.s32 $0x0;
	s6 =	smul.u32 $0x500, s1  }
0x6: {  	s5 =	sand.u32 $0x1, s3;
	s3 =	simm.s32 $0x0;
	s30 =	smul.u32 $0xA00, s1  }
0x7: {  	s7 =	sshll.u32 s5, $0x4;
	[smem:$0x7FF] =	sst s3;
	s8 =	sshll.u32 s5, $0x7  }
0x8: {  	s5 =	ssub.s32 $0x2, s5;
	s7 =	sor.u32 s1, s7;
	_ =	strace $0x80000047  }
0x9: {  	s6 =	sor.u32 s8, s6;
	s9 =	sshrl.u32 s5, $0x1;
	s7 =	smul.u32 $0x2800, s7  }
0xa: {  	s31 =	sshrl.u32 s30, $0x2;
	s8 =	simm.s32 $0x2880;
	s6 =	sshrl.u32 s6, $0x3  }
0xb: {  	s9 =	ssub.s32 s5, s9;
	s6 =	sadd.s32 s6, s4;
	s7 =	sshrl.u32 s7, $0x3  }
0xc: {  	s6 =	sadd.s32 $0x16600, s6;
	s7 =	sadd.s32 s4, s7;
	s4 =	sadd.s32 s31, s2  }
0xd: {  	v0 =	vimm.f32 $1.000000000e+00;
	v1 =	vimm.f32 $0.0e+00;
	s5 =	sadd.s32 $0xC600, s7;
	s7 =	smax.u32 s9, $0x1;
	s9 =	simm.s32 $0x2  }
.LBB2_1:
0xe: {  	[tilespmem:$0x2800] =	vst v0  }
0xf: {  	[tilespmem:$0x2810] =	vst v0  }
0x10: {  	[tilespmem:$0x2820] =	vst v0  }
0x11: {  	[tilespmem:$0x2830] =	vst v0  }
0x12: {  	[tilespmem:$0x2840] =	vst v0  }
0x13: {  	[tilespmem:$0x2850] =	vst v0  }
0x14: {  	[tilespmem:$0x2860] =	vst v0  }
0x15: {  	[tilespmem:$0x2870] =	vst v0  }
0x16: {  	[tilespmem:$0x2880] =	vst v1  }
0x17: {  	[tilespmem:$0x2890] =	vst v1  }
0x18: {  	[tilespmem:$0x28A0] =	vst v1  }
0x19: {  	[tilespmem:$0x28B0] =	vst v1  }
0x1a: {  	[tilespmem:$0x28C0] =	vst v1  }
0x1b: {  	[tilespmem:$0x28D0] =	vst v1  }
0x1c: {  	[tilespmem:$0x28E0] =	vst v1  }
0x1d: {  	[tilespmem:$0x28F0] =	vst v1  }
0x1e: {  	[tilespmem:$0x2900] =	vst v1  }
0x1f: {  	[tilespmem:$0x2910] =	vst v1  }
0x20: {  	[tilespmem:$0x2920] =	vst v1  }
0x21: {  	[tilespmem:$0x2930] =	vst v1  }
0x22: {  	[tilespmem:$0x2940] =	vst v1  }
0x23: {  	[tilespmem:$0x2950] =	vst v1  }
0x24: {  	[tilespmem:$0x2960] =	vst v1  }
0x25: {  	[tilespmem:$0x2970] =	vst v1  }
0x26: {  	[tilespmem:$0x2980] =	vst v1  }
0x27: {  	[tilespmem:$0x2990] =	vst v1  }
0x28: {  	[tilespmem:$0x29A0] =	vst v1  }
0x29: {  	[tilespmem:$0x29B0] =	vst v1  }
0x2a: {  	[tilespmem:$0x29C0] =	vst v1  }
0x2b: {  	[tilespmem:$0x29D0] =	vst v1  }
0x2c: {  	[tilespmem:$0x29E0] =	vst v1  }
0x2d: {  	[tilespmem:$0x29F0] =	vst v1  }
0x2e: {  	[tilespmem:$0x2A00] =	vst v1  }
0x2f: {  	[tilespmem:$0x2A10] =	vst v1  }
0x30: {  	[tilespmem:$0x2A20] =	vst v1  }
0x31: {  	[tilespmem:$0x2A30] =	vst v1  }
0x32: {  	[tilespmem:$0x2A40] =	vst v1  }
0x33: {  	[tilespmem:$0x2A50] =	vst v1  }
0x34: {  	[tilespmem:$0x2A60] =	vst v1  }
0x35: {  	[tilespmem:$0x2A70] =	vst v1  }
0x36: {  	[tilespmem:$0x2A80] =	vst v1  }
0x37: {  	[tilespmem:$0x2A90] =	vst v1  }
0x38: {  	[tilespmem:$0x2AA0] =	vst v1  }
0x39: {  	[tilespmem:$0x2AB0] =	vst v1  }
0x3a: {  	[tilespmem:$0x2AC0] =	vst v1  }
0x3b: {  	[tilespmem:$0x2AD0] =	vst v1  }
0x3c: {  	[tilespmem:$0x2AE0] =	vst v1  }
0x3d: {  	[tilespmem:$0x2AF0] =	vst v1  }
0x3e: {  	[spmem:s4] =	stream.linear.scatter [tilespmem:s8], [sflag:$0x2], $0x280, $0x38;
	[tilespmem:$0x2D80] =	vst v63  }
0x3f: {  	_ =	swait.ge [sflag:s9], $0x280  }
0x40: {  	[sflag:s9] =	ssyncset.done $0x0  }
0x41: {  	[sflag:s9] =	ssyncadd.s32 $0xFFFFFD80  }
0x42: {  	[bflag:$0x0] =	sbarrier.arrive $0xFFFF  }
0x43: {  	[tilespmem:s3], [sflag:$0x2] =	stream.linear.gather [hbm4b:s5+s3], $0x2800, $0x38;
	[tilespmem:$0x2D80] =	vst v63  }
0x44: {  	_ =	swait.ge [sflag:s9], $0x2800  }
0x45: {  	[sflag:s9] =	ssyncset.done $0x0  }
0x46: {  	s16 =	simm.s32 $0x0;
	[sflag:s9] =	ssyncadd.s32 $0xFFFFD800  }
.LBB2_2:
0x47: {  	p0 =	sne.s32 s16, $0x9E00  }
.Ltmp0:
0x48: {  	_ = 	snop;
	(pc) =	sbr.rel @p0 .LBB2_2-.Ltmp0, $3  }
0x49: {  	_ =	sdelay $0x1  }
0x4a: {  	s17 =	sshra.s32 s16, $0x2;
	s16 =	sadd.s32 $0x200, s16  }
0x4b: {  	[spmem:s2] =	stream.indirect.scatter.add.f32 [tilespmem:s11], [sflag:$0x1], $0x1, s17, s10, $0xb8;
	[tilespmem:$0x2D80] =	vst v63  }
0x4c: {  	_ =	swait.ge [sflag:s12], $0x7D  }
0x4d: {  	s16 =	simm.s32 $0x4F;
	[sflag:s12] =	ssyncset.done $0x0  }
.LBB2_4:
0x4e: {  	p0 =	sne.s32 s16, $0x1;
	s16 =	sadd.s32 $0xFFFFFFFF, s16;
	[sflag:s12] =	ssyncadd.s32 $0xFFFFFF83  }
.Ltmp1:
0x4f: {  	(pc) =	sbr.rel @p0 .LBB2_4-.Ltmp1, $3  }
0x50: {  	_ =	sdelay $0x1  }
0x51: {  	_ =	swait.ge [sflag:s12], $0x7D  }
0x52: {  	[sflag:s12] =	ssyncset.done $0x0  }
0x53: {  	[sflag:s12] =	ssyncadd.s32 $0xFFFFFF83  }
0x54: {  	[bflag:$0x0] =	sbarrier.arrive $0xFFFF  }
0x55: {  	[tilespmem:s8], [sflag:$0x2] =	stream.linear.gather [spmem:s4], $0x280, $0x38;
	[tilespmem:$0x2D80] =	vst v63  }
0x56: {  	s15 =	sadd.s32 $0x1, s15;
	_ =	swait.ge [sflag:s9], $0x280  }
0x57: {  	p0 =	sne.s32 s15, s7;
	[sflag:s9] =	ssyncset.done $0x0  }
.Ltmp2:
0x58: {  	[sflag:s9] =	ssyncadd.s32 $0xFFFFFD80;
	(pc) =	sbr.rel @p0 .LBB2_1-.Ltmp2, $4  }
0x59: {  	[hbm4b:s6+s13] =	stream.strided.scatter [tilespmem:s8], [sflag:$0x2], $0x280, s14, s13, $0x38;
	[tilespmem:$0x2D80] =	vst v63  }
0x5a: {  	_ =	swait.ge [sflag:s9], $0x280  }
0x5b: {  	[sflag:s9] =	ssyncset.done $0x0  }
0x5c: {  	[sflag:s9] =	ssyncadd.s32 $0xFFFFFD80  }
0x5d: {  	_ =	sfence.sel $0x180000  }
0x5e: {  	[bflag:$0x0] =	sbarrier.arrive $0xFFFF  }
0x5f: {  	p0 =	sne.s32 s1, $0x0;
	_ =	strace $0x90000047  }
0x60: {  	s0 =	sadd.s32 @!p0 $0x100000, s0;
	[bflag:$0x2] =	sbarrier.arrive $0xFFFF  }
0x61: {  	[sflag:s0] =	ssyncadd.tile.s32 @!p0 $0x1;
	_ =	shalt  }
.Lfunc_end2:
_tile_overlayer_lowered:
.L_overlay_start_2:
0x62: {  	(tag) =	ssettag $0x2  }
0x63: {  	s0 =	rddreg [dreg:$0x0];
	s2 =	stileid.u32  }
0x64: {  	s1 =	rddreg [dreg:$0x1];
	p0 =	sne.s32 s2, $0x0  }
0x65: {  	s3 =	rddreg [dreg:$0x2];
	[bflag:$0x3] =	sbarrier.arrive $0xFFFF;
	s2 =	simm.s32 @!p0 $0x1C02  }
0x66: {  	[timem:s3], [sflag:s2] =	dma.local @!p0 [hbm:s0], s1  }
0x67: {  	s0 =	simm.s32 @!p0 $0x2  }
0x68: {  	_ =	swait.ge @!p0 [sflag:s0], s1  }
0x69: {  	s1 =	ssub.s32 @!p0 $0x0, s1;
	[sflag:s0] =	ssyncset.done @!p0 $0x0  }
0x6a: {  	[sflag:s0] =	ssyncadd.s32 @!p0 s1  }
0x6b: {  	[bflag:$0x3] =	sbarrier.arrive $0xFFFF  }
0x6c: {  	_ =	shalt  }

</sc_bundles>
